<compile_context>
chip_gen: v7x
topology: tpu7x:2x2x1
jax: 0.10.2.dev20260603
libtpu: 0.0.44.dev20260713+nightly
codegen_flags: <defaults>
</compile_context>

<pallas_src>
import jax
import jax.numpy as jnp
from jax import lax
from jax.experimental import pallas as pl
from jax.experimental.pallas import tpu as pltpu
from jax.experimental.pallas import tpu_sc as plsc

N = 50000
D = 64
DH = 32
NC, NS = 2, 16
CH = 128
BB = 14
NB = 28
NCH = NB * BB
NCHP = 424
E = 800000
EPAD = NS * NCH * CH
NPAD = 51200
RPT = NPAD // NS
TRASH = N
RING = 4
V4 = NPAD * DH // 128

_SC_PARAMS = pltpu.CompilerParams(use_tc_tiling_on_sc=False)


def _drain(acc_sh, dst, c, s):
    pltpu.sync_copy(acc_sh.at[pl.ds(s * RPT, RPT)],
                    dst.at[c, pl.ds(s * RPT, RPT)])


def _deg_scatter(idxarr, s, si, ones_v, acc_sh, sem_set):
    pltpu.async_copy(idxarr.at[s, pl.ds(0, BB)], si[0], sem_set[0])
    pltpu.async_copy(idxarr.at[s, pl.ds(BB, BB)], si[1], sem_set[1])

    def pair(p, carry):
        for k in range(2):
            pltpu.make_async_copy(idxarr.at[s, pl.ds(0, BB)], si[k],
                                  sem_set[k]).wait()

            def step(j, cc):
                pltpu.sync_copy(ones_v, acc_sh.at[si[k].at[j]], add=True)
                return cc

            lax.fori_loop(0, BB, step, 0)
            pltpu.async_copy(idxarr.at[s, pl.ds((2 * p + 2 + k) * BB, BB)],
                             si[k], sem_set[k])
        return carry

    lax.fori_loop(0, NB // 2, pair, 0)
    for k in range(2):
        pltpu.make_async_copy(idxarr.at[s, pl.ds(0, BB)], si[k],
                              sem_set[k]).wait()


def _msg_pass(tbl, gidx, sidx, zeros_h, acc_out, c, s,
              gi, si, bufs, acc_sh, sem_g, sem_set):
    pltpu.sync_copy(zeros_h, acc_sh.at[pl.ds(s * RPT, RPT)])
    plsc.subcore_barrier()

    def prime_set(k, blk):
        pltpu.async_copy(gidx.at[c, s, pl.ds(blk * BB, BB)], gi[k],
                         sem_set[k])
        pltpu.async_copy(sidx.at[s, pl.ds(blk * BB, BB)], si[k], sem_set[k])

    def wait_set(k):
        pltpu.make_async_copy(gidx.at[c, s, pl.ds(0, BB)], gi[k],
                              sem_set[k]).wait()
        pltpu.make_async_copy(sidx.at[s, pl.ds(0, BB)], si[k],
                              sem_set[k]).wait()

    prime_set(0, 0)
    prime_set(1, 1)

    def idx_rows(k):
        if k < BB:
            return gi[0].at[k], si[0].at[k]
        return gi[1].at[k - BB], si[1].at[k - BB]

    def pair(p, carry):
        wait_set(0)
        descs = {}
        for r in range(RING):
            g, _ = idx_rows(r)
            descs[r] = pltpu.async_copy(tbl.at[g], bufs[r], sem_g[r])
        for j in range(2 * BB):
            m = j % RING
            descs[m].wait()
            _, srow = idx_rows(j)
            pltpu.sync_copy(bufs[m], acc_sh.at[srow], add=True)
            nj = j + RING
            if nj == BB:
                wait_set(1)
            if nj < 2 * BB:
                g, _ = idx_rows(nj)
                descs[m] = pltpu.async_copy(tbl.at[g], bufs[m], sem_g[m])
            if j == BB - 1:
                prime_set(0, 2 * p + 2)
            if j == 2 * BB - 1:
                prime_set(1, 2 * p + 3)
        return carry

    lax.fori_loop(0, NB // 2, pair, 0)
    wait_set(0)
    wait_set(1)
    plsc.subcore_barrier()
    _drain(acc_sh, acc_out, c, s)


def _fwd_body(*refs):
    (tbl, gidx, ed, es, ones_h, zeros_h, deg_out, acc_out,
     gi0, gi1, si0, si1, b0, b1, b2, b3,
     acc_sh, sr0, sr1, sr2, sr3, ss0, ss1) = refs
    c = lax.axis_index("c")
    s = lax.axis_index("s")
    gi, si = [gi0, gi1], [si0, si1]
    bufs = [b0, b1, b2, b3]
    sem_g, sem_set = [sr0, sr1, sr2, sr3], [ss0, ss1]

    pltpu.sync_copy(ones_h, b0)
    pltpu.sync_copy(zeros_h, acc_sh.at[pl.ds(s * RPT, RPT)])
    plsc.subcore_barrier()

    @pl.when(c == 0)
    def _():
        _deg_scatter(ed, s, si, b0, acc_sh, sem_set)

    @pl.when(c == 1)
    def _():
        _deg_scatter(es, s, si, b0, acc_sh, sem_set)

    plsc.subcore_barrier()
    _drain(acc_sh, deg_out, c, s)

    _msg_pass(tbl, gidx, ed, zeros_h, acc_out,
              c, s, gi, si, bufs, acc_sh, sem_g, sem_set)


def _bwd_body(*refs):
    (tbl, gidx, es, zeros_h, acc_out,
     gi0, gi1, si0, si1, b0, b1, b2, b3,
     acc_sh, sr0, sr1, sr2, sr3, ss0, ss1) = refs
    c = lax.axis_index("c")
    s = lax.axis_index("s")
    _msg_pass(tbl, gidx, es, zeros_h, acc_out,
              c, s, [gi0, gi1], [si0, si1], [b0, b1, b2, b3],
              acc_sh, [sr0, sr1, sr2, sr3], [ss0, ss1])


_SC_SCRATCH = [
    pltpu.VMEM((BB, CH), jnp.int32),
    pltpu.VMEM((BB, CH), jnp.int32),
    pltpu.VMEM((BB, CH), jnp.int32),
    pltpu.VMEM((BB, CH), jnp.int32),
    pltpu.VMEM((CH, DH), jnp.float32),
    pltpu.VMEM((CH, DH), jnp.float32),
    pltpu.VMEM((CH, DH), jnp.float32),
    pltpu.VMEM((CH, DH), jnp.float32),
    pltpu.VMEM_SHARED((NPAD, DH), jnp.float32),
    pltpu.SemaphoreType.DMA,
    pltpu.SemaphoreType.DMA,
    pltpu.SemaphoreType.DMA,
    pltpu.SemaphoreType.DMA,
    pltpu.SemaphoreType.DMA,
    pltpu.SemaphoreType.DMA,
]

_MESH = plsc.VectorSubcoreMesh(core_axis_name="c", subcore_axis_name="s")

_fwd_kernel = pl.kernel(
    _fwd_body,
    out_type=(jax.ShapeDtypeStruct((NC, NPAD, DH), jnp.float32),
              jax.ShapeDtypeStruct((NC, NPAD, DH), jnp.float32)),
    mesh=_MESH,
    compiler_params=_SC_PARAMS,
    scratch_types=_SC_SCRATCH,
)

_bwd_kernel = pl.kernel(
    _bwd_body,
    out_type=jax.ShapeDtypeStruct((NC, NPAD, DH), jnp.float32),
    mesh=_MESH,
    compiler_params=_SC_PARAMS,
    scratch_types=_SC_SCRATCH,
)


_BRN = 512


def _norm_body(x_ref, d_ref, o_ref):
    o_ref[...] = x_ref[...] * (1.0 / jnp.maximum(d_ref[...], 1.0))


_norm = pl.pallas_call(
    _norm_body,
    out_shape=jax.ShapeDtypeStruct((NC, V4, 128), jnp.float32),
    grid=(V4 // _BRN,),
    in_specs=[
        pl.BlockSpec((NC, _BRN, 128), lambda j: (0, j, 0)),
        pl.BlockSpec((_BRN, 128), lambda j: (j, 0)),
    ],
    out_specs=pl.BlockSpec((NC, _BRN, 128), lambda j: (0, j, 0)),
)


def _tile_idx(e, padval):
    pad = jnp.full((EPAD - E,), padval, jnp.int32)
    t = jnp.concatenate([e, pad]).reshape(NS, NCH, CH)
    return jnp.pad(t, ((0, 0), (0, NCHP - NCH), (0, 0)),
                   constant_values=padval)


def kernel(feat_src, feat_dst, edge_index):
    e_src = edge_index[0].astype(jnp.int32)
    e_dst = edge_index[1].astype(jnp.int32)
    es_t = _tile_idx(e_src, TRASH)
    ed_t = _tile_idx(e_dst, TRASH)
    es_0 = _tile_idx(e_src, 0)
    ed_0 = _tile_idx(e_dst, 0)
    gidx_f = jnp.stack([2 * es_0, 2 * es_0 + 1])
    gidx_b = jnp.stack([ed_0, ed_0 + NPAD])

    ones_h = jnp.ones((CH, DH), jnp.float32)
    zeros_h = jnp.zeros((RPT, DH), jnp.float32)

    tbl_f = feat_src.reshape(2 * N, DH)

    degs, acc_f = _fwd_kernel(tbl_f, gidx_f, ed_t, es_t, ones_h, zeros_h)

    rstn = _norm(acc_f.reshape(NC, V4, 128), degs[0].reshape(V4, 128))
    rst = (rstn.reshape(NC, NPAD, DH)[:, :N]
           .transpose(1, 0, 2).reshape(N, D))

    acc_b = _bwd_kernel(rstn.reshape(NC * NPAD, DH), gidx_b, es_t, zeros_h)
    bn = _norm(acc_b.reshape(NC, V4, 128), degs[1].reshape(V4, 128))
    bsrc = (bn.reshape(NC, NPAD, DH)[:, :N]
            .transpose(1, 0, 2).reshape(N, D))
    return (bsrc, rst)

# --- scband reference (transcript-rebuilt; emitter-appended) ---
"""Pipeline reference for scband-hgcnlayer-4252017623763 (READ-ONLY COPY).

The authoritative reference and input builder live on the scoring server;
editing this copy changes nothing except your own understanding.
"""

import jax, jax.numpy as jnp
import numpy as np

N_SRC = 50000
N_DST = 50000
N_EDGES = 800000
D = 64

def setup_inputs(seed: int = 0) -> dict:
    key = jax.random.key(seed)
    k1, k2, k3, k4 = jax.random.split(key, 4)
    feat_src = jax.random.normal(k1, (N_SRC, D), dtype=jnp.float32)
    feat_dst = jax.random.normal(k2, (N_DST, D), dtype=jnp.float32)
    e_src = jax.random.randint(k3, (N_EDGES,), 0, N_SRC, dtype=jnp.int64)
    e_dst = jax.random.randint(k4, (N_EDGES,), 0, N_DST, dtype=jnp.int64)
    edge_index = jnp.stack([e_src, e_dst], axis=0)
    return {"feat_src": feat_src, "feat_dst": feat_dst, "edge_index": edge_index}

def reference(feat_src, feat_dst, edge_index):
    # HGCNLayer.forward with defaults: norm_2=-1, alpha=0 (no pretrained feature / attention path)
    e_src = edge_index[0]
    e_dst = edge_index[1]
    n_src = feat_src.shape[0]
    n_dst = feat_dst.shape[0]
    # forward pass: copy_u + sum over forward etype (src -> dst)
    msgs = jnp.take(feat_src, e_src, axis=0)                      # gather [E, D]
    rst = jax.ops.segment_sum(msgs, e_dst, num_segments=n_dst)    # scatter-add [n_dst, D]
    # in-degree normalization of dst nodes: deg^-1, clamped at 1
    in_deg_dst = jax.ops.segment_sum(jnp.ones((e_dst.shape[0],), dtype=jnp.float32), e_dst, num_segments=n_dst)
    in_deg_dst = jnp.clip(in_deg_dst, 1.0, None)
    norm_dst = jnp.power(in_deg_dst, -1.0)
    rst = rst * norm_dst[:, None]
    # backward pass: copy_u + sum over back etype (dst -> src), i.e. reverse edges
    msgs_b = jnp.take(rst, e_dst, axis=0)                         # gather [E, D]
    bsrc = jax.ops.segment_sum(msgs_b, e_src, num_segments=n_src) # scatter-add [n_src, D]
    in_deg_src = jax.ops.segment_sum(jnp.ones((e_src.shape[0],), dtype=jnp.float32), e_src, num_segments=n_src)
    in_deg_src = jnp.clip(in_deg_src, 1.0, None)
    norm_src = jnp.power(in_deg_src, -1.0)  # norm_2 = -1
    bsrc = bsrc * norm_src[:, None]
    return (bsrc, rst)

if __name__ == "__main__":
    import jax
    _d = setup_inputs()
    print(jax.jit(kernel)(*tuple(_d.values())))

</pallas_src>

<mosaic_0001>
#map = affine_map<(d0, d1) -> (0, 0)>
#map1 = affine_map<(d0, d1) -> (0, 0, 0, 0)>
#map2 = affine_map<(d0, d1) -> (0, 0, 0)>
module attributes {stable_mosaic.version = 14 : i64} {
  func.func @_fwd_body(%arg0: i32, %arg1: i32, %arg2: memref<100000x32xf32, #tpu.memory_space<hbm>>, %arg3: memref<2x16x424x128xi32, #tpu.memory_space<hbm>>, %arg4: memref<16x424x128xi32, #tpu.memory_space<hbm>>, %arg5: memref<16x424x128xi32, #tpu.memory_space<hbm>>, %arg6: memref<128x32xf32, #tpu.memory_space<hbm>>, %arg7: memref<3200x32xf32, #tpu.memory_space<hbm>>, %arg8: memref<2x51200x32xf32, #tpu.memory_space<hbm>>, %arg9: memref<2x51200x32xf32, #tpu.memory_space<hbm>>, %arg10: memref<14x128xi32, #tpu.memory_space<vmem>>, %arg11: memref<14x128xi32, #tpu.memory_space<vmem>>, %arg12: memref<14x128xi32, #tpu.memory_space<vmem>>, %arg13: memref<14x128xi32, #tpu.memory_space<vmem>>, %arg14: memref<128x32xf32, #tpu.memory_space<vmem>>, %arg15: memref<128x32xf32, #tpu.memory_space<vmem>>, %arg16: memref<128x32xf32, #tpu.memory_space<vmem>>, %arg17: memref<128x32xf32, #tpu.memory_space<vmem>>, %arg18: memref<51200x32xf32, #tpu.memory_space<vmem_shared>>, %arg19: memref<!tpu.dma_semaphore, #tpu.memory_space<semaphore_mem>>, %arg20: memref<!tpu.dma_semaphore, #tpu.memory_space<semaphore_mem>>, %arg21: memref<!tpu.dma_semaphore, #tpu.memory_space<semaphore_mem>>, %arg22: memref<!tpu.dma_semaphore, #tpu.memory_space<semaphore_mem>>, %arg23: memref<!tpu.dma_semaphore, #tpu.memory_space<semaphore_mem>>, %arg24: memref<!tpu.dma_semaphore, #tpu.memory_space<semaphore_mem>>) attributes {dimension_semantics = [#tpu.dimension_semantics<core_parallel>, #tpu.dimension_semantics<subcore_parallel>], iteration_bounds = array<i64: 2, 16>, scalar_prefetch = 0 : i64, scratch_operands = 15 : i64, tpu.core_type = #tpu.core_type<sc_vector_subcore>, window_params = [{transform_indices = #map}, {transform_indices = #map1}, {transform_indices = #map2}, {transform_indices = #map2}, {transform_indices = #map}, {transform_indices = #map}, {transform_indices = #map2}, {transform_indices = #map2}]} {
    "tpu.region"() ({
      %run_scoped3A = tpu.sem_alloc : memref<!tpu.dma_semaphore, #tpu.memory_space<semaphore_mem>>
      tpu.enqueue_dma source(%arg6 : memref<128x32xf32, #tpu.memory_space<hbm>>) target(%arg14 : memref<128x32xf32, #tpu.memory_space<vmem>>) target_semaphore(%run_scoped3A : memref<!tpu.dma_semaphore, #tpu.memory_space<semaphore_mem>>)
      tpu.wait_dma2 semaphore(%run_scoped3A : memref<!tpu.dma_semaphore, #tpu.memory_space<semaphore_mem>>) src(%arg6 : memref<128x32xf32, #tpu.memory_space<hbm>>) dst(%arg14 : memref<128x32xf32, #tpu.memory_space<vmem>>)
      tpu.yield
    }) : () -> ()
    %mul3A = arith.constant 3200 : i32
    %mul3A_0 = arith.muli %arg1, %mul3A : i32
    "tpu.region"() ({
      %run_scoped3A = tpu.sem_alloc : memref<!tpu.dma_semaphore, #tpu.memory_space<semaphore_mem>>
      %dma_start3A_88 = arith.constant 0 : i32
      %dma_start3A_89 = tpu.memref_slice %arg18[%mul3A_0, %dma_start3A_88] : memref<51200x32xf32, #tpu.memory_space<vmem_shared>> -> memref<3200x32xf32, #tpu.memory_space<vmem_shared>>
      tpu.enqueue_dma source(%arg7 : memref<3200x32xf32, #tpu.memory_space<hbm>>) target(%dma_start3A_89 : memref<3200x32xf32, #tpu.memory_space<vmem_shared>>) target_semaphore(%run_scoped3A : memref<!tpu.dma_semaphore, #tpu.memory_space<semaphore_mem>>)
      %dma_wait3A_90 = arith.constant 0 : i32
      %dma_wait3A_91 = tpu.memref_slice %arg18[%mul3A_0, %dma_wait3A_90] : memref<51200x32xf32, #tpu.memory_space<vmem_shared>> -> memref<3200x32xf32, #tpu.memory_space<vmem_shared>>
      tpu.wait_dma2 semaphore(%run_scoped3A : memref<!tpu.dma_semaphore, #tpu.memory_space<semaphore_mem>>) src(%arg7 : memref<3200x32xf32, #tpu.memory_space<hbm>>) dst(%dma_wait3A_91 : memref<3200x32xf32, #tpu.memory_space<vmem_shared>>)
      tpu.yield
    }) : () -> ()
    %barrier3A = arith.constant 0 : index
    tpu.barrier barrier_id(%barrier3A)
    %eq3A = arith.constant 0 : i32
    %eq3A_1 = arith.cmpi eq, %arg0, %eq3A : i32
    %convert_element_type3A = arith.extui %eq3A_1 : i1 to i32
    %cond3A = arith.constant 0 : i32
    %cond3A_2 = arith.cmpi ne, %convert_element_type3A, %cond3A : i32
    scf.if %cond3A_2 {
      %dma_start3A_88 = arith.constant 0 : i32
      %dma_start3A_89 = arith.constant 0 : i32
      %dma_start3A_90 = tpu.memref_slice %arg4[%arg1, %dma_start3A_88, %dma_start3A_89] : memref<16x424x128xi32, #tpu.memory_space<hbm>> -> memref<1x14x128xi32, #tpu.memory_space<hbm>>
      %dma_start3A_91 = tpu.memref_squeeze %dma_start3A_90 : memref<1x14x128xi32, #tpu.memory_space<hbm>> -> memref<14x128xi32, #tpu.memory_space<hbm>>
      %dma_start3A_92 = arith.constant 0 : i32
      %dma_start3A_93 = arith.constant 0 : i32
      %dma_start3A_94 = tpu.memref_slice %arg4[%arg1, %dma_start3A_92, %dma_start3A_93] : memref<16x424x128xi32, #tpu.memory_space<hbm>> -> memref<1x14x128xi32, #tpu.memory_space<hbm>>
      %dma_start3A_95 = tpu.memref_squeeze %dma_start3A_94 : memref<1x14x128xi32, #tpu.memory_space<hbm>> -> memref<14x128xi32, #tpu.memory_space<hbm>>
      tpu.enqueue_dma source(%dma_start3A_95 : memref<14x128xi32, #tpu.memory_space<hbm>>) target(%arg12 : memref<14x128xi32, #tpu.memory_space<vmem>>) target_semaphore(%arg23 : memref<!tpu.dma_semaphore, #tpu.memory_space<semaphore_mem>>)
      %dma_start3A_96 = arith.constant 14 : i32
      %dma_start3A_97 = arith.constant 0 : i32
      %dma_start3A_98 = tpu.memref_slice %arg4[%arg1, %dma_start3A_96, %dma_start3A_97] : memref<16x424x128xi32, #tpu.memory_space<hbm>> -> memref<1x14x128xi32, #tpu.memory_space<hbm>>
      %dma_start3A_99 = tpu.memref_squeeze %dma_start3A_98 : memref<1x14x128xi32, #tpu.memory_space<hbm>> -> memref<14x128xi32, #tpu.memory_space<hbm>>
      %dma_start3A_100 = arith.constant 14 : i32
      %dma_start3A_101 = arith.constant 0 : i32
      %dma_start3A_102 = tpu.memref_slice %arg4[%arg1, %dma_start3A_100, %dma_start3A_101] : memref<16x424x128xi32, #tpu.memory_space<hbm>> -> memref<1x14x128xi32, #tpu.memory_space<hbm>>
      %dma_start3A_103 = tpu.memref_squeeze %dma_start3A_102 : memref<1x14x128xi32, #tpu.memory_space<hbm>> -> memref<14x128xi32, #tpu.memory_space<hbm>>
      tpu.enqueue_dma source(%dma_start3A_103 : memref<14x128xi32, #tpu.memory_space<hbm>>) target(%arg13 : memref<14x128xi32, #tpu.memory_space<vmem>>) target_semaphore(%arg24 : memref<!tpu.dma_semaphore, #tpu.memory_space<semaphore_mem>>)
      %scan3A_104 = arith.constant 0 : i32
      %scan3A_105 = arith.constant 0 : i32
      %scan3A_106 = arith.constant 14 : i32
      %scan3A_107 = arith.addi %scan3A_105, %scan3A_106 : i32
      %scan3A_108 = arith.constant 1 : i32
      scf.for %scan3A_126 = %scan3A_105 to %scan3A_107 step %scan3A_108  : i32 {
        %dma_wait3A_127 = arith.constant 0 : i32
        %dma_wait3A_128 = arith.constant 0 : i32
        %dma_wait3A_129 = tpu.memref_slice %arg4[%arg1, %dma_wait3A_127, %dma_wait3A_128] : memref<16x424x128xi32, #tpu.memory_space<hbm>> -> memref<1x14x128xi32, #tpu.memory_space<hbm>>
        %dma_wait3A_130 = tpu.memref_squeeze %dma_wait3A_129 : memref<1x14x128xi32, #tpu.memory_space<hbm>> -> memref<14x128xi32, #tpu.memory_space<hbm>>
        %dma_wait3A_131 = arith.constant 0 : i32
        %dma_wait3A_132 = arith.constant 0 : i32
        %dma_wait3A_133 = tpu.memref_slice %arg4[%arg1, %dma_wait3A_131, %dma_wait3A_132] : memref<16x424x128xi32, #tpu.memory_space<hbm>> -> memref<1x14x128xi32, #tpu.memory_space<hbm>>
        %dma_wait3A_134 = tpu.memref_squeeze %dma_wait3A_133 : memref<1x14x128xi32, #tpu.memory_space<hbm>> -> memref<14x128xi32, #tpu.memory_space<hbm>>
        tpu.wait_dma2 semaphore(%arg23 : memref<!tpu.dma_semaphore, #tpu.memory_space<semaphore_mem>>) src(%dma_wait3A_134 : memref<14x128xi32, #tpu.memory_space<hbm>>) dst(%arg12 : memref<14x128xi32, #tpu.memory_space<vmem>>)
        %scan3A_135 = arith.constant 0 : i32
        %scan3A_136 = arith.constant 0 : i32
        %scan3A_137 = arith.constant 14 : i32
        %scan3A_138 = arith.addi %scan3A_136, %scan3A_137 : i32
        %scan3A_139 = arith.constant 1 : i32
        scf.for %scan3A_182 = %scan3A_136 to %scan3A_138 step %scan3A_139  : i32 {
          "tpu.region"() ({
            %run_scoped3A = tpu.sem_alloc : memref<!tpu.dma_semaphore, #tpu.memory_space<semaphore_mem>>
            %dma_start3A_183 = arith.constant 0 : i32
            %dma_start3A_184 = tpu.memref_slice %arg12[%scan3A_182, %dma_start3A_183] : memref<14x128xi32, #tpu.memory_space<vmem>> -> memref<1x128xi32, #tpu.memory_space<vmem>>
            %dma_start3A_185 = tpu.memref_squeeze %dma_start3A_184 : memref<1x128xi32, #tpu.memory_space<vmem>> -> memref<128xi32, #tpu.memory_space<vmem>>
            %dma_start3A_186 = arith.constant 0 : i32
            %dma_start3A_187 = arith.constant 0 : i32
            %dma_start3A_188 = tpu.memref_slice %arg18[%dma_start3A_186, %dma_start3A_187] : memref<51200x32xf32, #tpu.memory_space<vmem_shared>> -> memref<51200x32xf32, #tpu.memory_space<vmem_shared>>
            tpu.enqueue_indirect_dma source(%arg14 : memref<128x32xf32, #tpu.memory_space<vmem>>) target(%dma_start3A_188 : memref<51200x32xf32, #tpu.memory_space<vmem_shared>>) offsets(%dma_start3A_185 : memref<128xi32, #tpu.memory_space<vmem>>) semaphore(%run_scoped3A : memref<!tpu.dma_semaphore, #tpu.memory_space<semaphore_mem>>) {add = true}
            %dma_wait3A_189 = arith.constant 0 : i32
            %dma_wait3A_190 = tpu.memref_slice %arg12[%scan3A_182, %dma_wait3A_189] : memref<14x128xi32, #tpu.memory_space<vmem>> -> memref<1x128xi32, #tpu.memory_space<vmem>>
            %dma_wait3A_191 = tpu.memref_squeeze %dma_wait3A_190 : memref<1x128xi32, #tpu.memory_space<vmem>> -> memref<128xi32, #tpu.memory_space<vmem>>
            %dma_wait3A_192 = arith.constant 0 : i32
            %dma_wait3A_193 = arith.constant 0 : i32
            %dma_wait3A_194 = tpu.memref_slice %arg18[%dma_wait3A_192, %dma_wait3A_193] : memref<51200x32xf32, #tpu.memory_space<vmem_shared>> -> memref<51200x32xf32, #tpu.memory_space<vmem_shared>>
            tpu.wait_indirect_dma semaphore(%run_scoped3A : memref<!tpu.dma_semaphore, #tpu.memory_space<semaphore_mem>>) src(%arg14 : memref<128x32xf32, #tpu.memory_space<vmem>>) dst(%dma_wait3A_194 : memref<51200x32xf32, #tpu.memory_space<vmem_shared>>)
            tpu.yield
          }) : () -> ()
        }
        %scan3A_140 = arith.constant 14 : i32
        %mul3A_141 = arith.constant 2 : i32
        %mul3A_142 = arith.muli %mul3A_141, %scan3A_126 : i32
        %add3A = arith.constant 2 : i32
        %add3A_143 = arith.addi %mul3A_142, %add3A : i32
        %add3A_144 = arith.constant 0 : i32
        %add3A_145 = arith.addi %add3A_143, %add3A_144 : i32
        %mul3A_146 = arith.constant 14 : i32
        %mul3A_147 = arith.muli %add3A_145, %mul3A_146 : i32
        %dma_start3A_148 = arith.constant 0 : i32
        %dma_start3A_149 = tpu.memref_slice %arg4[%arg1, %mul3A_147, %dma_start3A_148] : memref<16x424x128xi32, #tpu.memory_space<hbm>> -> memref<1x14x128xi32, #tpu.memory_space<hbm>>
        %dma_start3A_150 = tpu.memref_squeeze %dma_start3A_149 : memref<1x14x128xi32, #tpu.memory_space<hbm>> -> memref<14x128xi32, #tpu.memory_space<hbm>>
        %dma_start3A_151 = arith.constant 0 : i32
        %dma_start3A_152 = tpu.memref_slice %arg4[%arg1, %mul3A_147, %dma_start3A_151] : memref<16x424x128xi32, #tpu.memory_space<hbm>> -> memref<1x14x128xi32, #tpu.memory_space<hbm>>
        %dma_start3A_153 = tpu.memref_squeeze %dma_start3A_152 : memref<1x14x128xi32, #tpu.memory_space<hbm>> -> memref<14x128xi32, #tpu.memory_space<hbm>>
        tpu.enqueue_dma source(%dma_start3A_153 : memref<14x128xi32, #tpu.memory_space<hbm>>) target(%arg12 : memref<14x128xi32, #tpu.memory_space<vmem>>) target_semaphore(%arg23 : memref<!tpu.dma_semaphore, #tpu.memory_space<semaphore_mem>>)
        %dma_wait3A_154 = arith.constant 0 : i32
        %dma_wait3A_155 = arith.constant 0 : i32
        %dma_wait3A_156 = tpu.memref_slice %arg4[%arg1, %dma_wait3A_154, %dma_wait3A_155] : memref<16x424x128xi32, #tpu.memory_space<hbm>> -> memref<1x14x128xi32, #tpu.memory_space<hbm>>
        %dma_wait3A_157 = tpu.memref_squeeze %dma_wait3A_156 : memref<1x14x128xi32, #tpu.memory_space<hbm>> -> memref<14x128xi32, #tpu.memory_space<hbm>>
        %dma_wait3A_158 = arith.constant 0 : i32
        %dma_wait3A_159 = arith.constant 0 : i32
        %dma_wait3A_160 = tpu.memref_slice %arg4[%arg1, %dma_wait3A_158, %dma_wait3A_159] : memref<16x424x128xi32, #tpu.memory_space<hbm>> -> memref<1x14x128xi32, #tpu.memory_space<hbm>>
        %dma_wait3A_161 = tpu.memref_squeeze %dma_wait3A_160 : memref<1x14x128xi32, #tpu.memory_space<hbm>> -> memref<14x128xi32, #tpu.memory_space<hbm>>
        tpu.wait_dma2 semaphore(%arg24 : memref<!tpu.dma_semaphore, #tpu.memory_space<semaphore_mem>>) src(%dma_wait3A_161 : memref<14x128xi32, #tpu.memory_space<hbm>>) dst(%arg13 : memref<14x128xi32, #tpu.memory_space<vmem>>)
        %scan3A_162 = arith.constant 0 : i32
        %scan3A_163 = arith.constant 0 : i32
        %scan3A_164 = arith.constant 14 : i32
        %scan3A_165 = arith.addi %scan3A_163, %scan3A_164 : i32
        %scan3A_166 = arith.constant 1 : i32
        scf.for %scan3A_182 = %scan3A_163 to %scan3A_165 step %scan3A_166  : i32 {
          "tpu.region"() ({
            %run_scoped3A = tpu.sem_alloc : memref<!tpu.dma_semaphore, #tpu.memory_space<semaphore_mem>>
            %dma_start3A_183 = arith.constant 0 : i32
            %dma_start3A_184 = tpu.memref_slice %arg13[%scan3A_182, %dma_start3A_183] : memref<14x128xi32, #tpu.memory_space<vmem>> -> memref<1x128xi32, #tpu.memory_space<vmem>>
            %dma_start3A_185 = tpu.memref_squeeze %dma_start3A_184 : memref<1x128xi32, #tpu.memory_space<vmem>> -> memref<128xi32, #tpu.memory_space<vmem>>
            %dma_start3A_186 = arith.constant 0 : i32
            %dma_start3A_187 = arith.constant 0 : i32
            %dma_start3A_188 = tpu.memref_slice %arg18[%dma_start3A_186, %dma_start3A_187] : memref<51200x32xf32, #tpu.memory_space<vmem_shared>> -> memref<51200x32xf32, #tpu.memory_space<vmem_shared>>
            tpu.enqueue_indirect_dma source(%arg14 : memref<128x32xf32, #tpu.memory_space<vmem>>) target(%dma_start3A_188 : memref<51200x32xf32, #tpu.memory_space<vmem_shared>>) offsets(%dma_start3A_185 : memref<128xi32, #tpu.memory_space<vmem>>) semaphore(%run_scoped3A : memref<!tpu.dma_semaphore, #tpu.memory_space<semaphore_mem>>) {add = true}
            %dma_wait3A_189 = arith.constant 0 : i32
            %dma_wait3A_190 = tpu.memref_slice %arg13[%scan3A_182, %dma_wait3A_189] : memref<14x128xi32, #tpu.memory_space<vmem>> -> memref<1x128xi32, #tpu.memory_space<vmem>>
            %dma_wait3A_191 = tpu.memref_squeeze %dma_wait3A_190 : memref<1x128xi32, #tpu.memory_space<vmem>> -> memref<128xi32, #tpu.memory_space<vmem>>
            %dma_wait3A_192 = arith.constant 0 : i32
            %dma_wait3A_193 = arith.constant 0 : i32
            %dma_wait3A_194 = tpu.memref_slice %arg18[%dma_wait3A_192, %dma_wait3A_193] : memref<51200x32xf32, #tpu.memory_space<vmem_shared>> -> memref<51200x32xf32, #tpu.memory_space<vmem_shared>>
            tpu.wait_indirect_dma semaphore(%run_scoped3A : memref<!tpu.dma_semaphore, #tpu.memory_space<semaphore_mem>>) src(%arg14 : memref<128x32xf32, #tpu.memory_space<vmem>>) dst(%dma_wait3A_194 : memref<51200x32xf32, #tpu.memory_space<vmem_shared>>)
            tpu.yield
          }) : () -> ()
        }
        %scan3A_167 = arith.constant 14 : i32
        %mul3A_168 = arith.constant 2 : i32
        %mul3A_169 = arith.muli %mul3A_168, %scan3A_126 : i32
        %add3A_170 = arith.constant 2 : i32
        %add3A_171 = arith.addi %mul3A_169, %add3A_170 : i32
        %add3A_172 = arith.constant 1 : i32
        %add3A_173 = arith.addi %add3A_171, %add3A_172 : i32
        %mul3A_174 = arith.constant 14 : i32
        %mul3A_175 = arith.muli %add3A_173, %mul3A_174 : i32
        %dma_start3A_176 = arith.constant 0 : i32
        %dma_start3A_177 = tpu.memref_slice %arg4[%arg1, %mul3A_175, %dma_start3A_176] : memref<16x424x128xi32, #tpu.memory_space<hbm>> -> memref<1x14x128xi32, #tpu.memory_space<hbm>>
        %dma_start3A_178 = tpu.memref_squeeze %dma_start3A_177 : memref<1x14x128xi32, #tpu.memory_space<hbm>> -> memref<14x128xi32, #tpu.memory_space<hbm>>
        %dma_start3A_179 = arith.constant 0 : i32
        %dma_start3A_180 = tpu.memref_slice %arg4[%arg1, %mul3A_175, %dma_start3A_179] : memref<16x424x128xi32, #tpu.memory_space<hbm>> -> memref<1x14x128xi32, #tpu.memory_space<hbm>>
        %dma_start3A_181 = tpu.memref_squeeze %dma_start3A_180 : memref<1x14x128xi32, #tpu.memory_space<hbm>> -> memref<14x128xi32, #tpu.memory_space<hbm>>
        tpu.enqueue_dma source(%dma_start3A_181 : memref<14x128xi32, #tpu.memory_space<hbm>>) target(%arg13 : memref<14x128xi32, #tpu.memory_space<vmem>>) target_semaphore(%arg24 : memref<!tpu.dma_semaphore, #tpu.memory_space<semaphore_mem>>)
      }
      %scan3A_109 = arith.constant 14 : i32
      %dma_wait3A_110 = arith.constant 0 : i32
      %dma_wait3A_111 = arith.constant 0 : i32
      %dma_wait3A_112 = tpu.memref_slice %arg4[%arg1, %dma_wait3A_110, %dma_wait3A_111] : memref<16x424x128xi32, #tpu.memory_space<hbm>> -> memref<1x14x128xi32, #tpu.memory_space<hbm>>
      %dma_wait3A_113 = tpu.memref_squeeze %dma_wait3A_112 : memref<1x14x128xi32, #tpu.memory_space<hbm>> -> memref<14x128xi32, #tpu.memory_space<hbm>>
      %dma_wait3A_114 = arith.constant 0 : i32
      %dma_wait3A_115 = arith.constant 0 : i32
      %dma_wait3A_116 = tpu.memref_slice %arg4[%arg1, %dma_wait3A_114, %dma_wait3A_115] : memref<16x424x128xi32, #tpu.memory_space<hbm>> -> memref<1x14x128xi32, #tpu.memory_space<hbm>>
      %dma_wait3A_117 = tpu.memref_squeeze %dma_wait3A_116 : memref<1x14x128xi32, #tpu.memory_space<hbm>> -> memref<14x128xi32, #tpu.memory_space<hbm>>
      tpu.wait_dma2 semaphore(%arg23 : memref<!tpu.dma_semaphore, #tpu.memory_space<semaphore_mem>>) src(%dma_wait3A_117 : memref<14x128xi32, #tpu.memory_space<hbm>>) dst(%arg12 : memref<14x128xi32, #tpu.memory_space<vmem>>)
      %dma_wait3A_118 = arith.constant 0 : i32
      %dma_wait3A_119 = arith.constant 0 : i32
      %dma_wait3A_120 = tpu.memref_slice %arg4[%arg1, %dma_wait3A_118, %dma_wait3A_119] : memref<16x424x128xi32, #tpu.memory_space<hbm>> -> memref<1x14x128xi32, #tpu.memory_space<hbm>>
      %dma_wait3A_121 = tpu.memref_squeeze %dma_wait3A_120 : memref<1x14x128xi32, #tpu.memory_space<hbm>> -> memref<14x128xi32, #tpu.memory_space<hbm>>
      %dma_wait3A_122 = arith.constant 0 : i32
      %dma_wait3A_123 = arith.constant 0 : i32
      %dma_wait3A_124 = tpu.memref_slice %arg4[%arg1, %dma_wait3A_122, %dma_wait3A_123] : memref<16x424x128xi32, #tpu.memory_space<hbm>> -> memref<1x14x128xi32, #tpu.memory_space<hbm>>
      %dma_wait3A_125 = tpu.memref_squeeze %dma_wait3A_124 : memref<1x14x128xi32, #tpu.memory_space<hbm>> -> memref<14x128xi32, #tpu.memory_space<hbm>>
      tpu.wait_dma2 semaphore(%arg24 : memref<!tpu.dma_semaphore, #tpu.memory_space<semaphore_mem>>) src(%dma_wait3A_125 : memref<14x128xi32, #tpu.memory_space<hbm>>) dst(%arg13 : memref<14x128xi32, #tpu.memory_space<vmem>>)
    } else {
    }
    %eq3A_3 = arith.constant 1 : i32
    %eq3A_4 = arith.cmpi eq, %arg0, %eq3A_3 : i32
    %convert_element_type3A_5 = arith.extui %eq3A_4 : i1 to i32
    %cond3A_6 = arith.constant 0 : i32
    %cond3A_7 = arith.cmpi ne, %convert_element_type3A_5, %cond3A_6 : i32
    scf.if %cond3A_7 {
      %dma_start3A_88 = arith.constant 0 : i32
      %dma_start3A_89 = arith.constant 0 : i32
      %dma_start3A_90 = tpu.memref_slice %arg5[%arg1, %dma_start3A_88, %dma_start3A_89] : memref<16x424x128xi32, #tpu.memory_space<hbm>> -> memref<1x14x128xi32, #tpu.memory_space<hbm>>
      %dma_start3A_91 = tpu.memref_squeeze %dma_start3A_90 : memref<1x14x128xi32, #tpu.memory_space<hbm>> -> memref<14x128xi32, #tpu.memory_space<hbm>>
      %dma_start3A_92 = arith.constant 0 : i32
      %dma_start3A_93 = arith.constant 0 : i32
      %dma_start3A_94 = tpu.memref_slice %arg5[%arg1, %dma_start3A_92, %dma_start3A_93] : memref<16x424x128xi32, #tpu.memory_space<hbm>> -> memref<1x14x128xi32, #tpu.memory_space<hbm>>
      %dma_start3A_95 = tpu.memref_squeeze %dma_start3A_94 : memref<1x14x128xi32, #tpu.memory_space<hbm>> -> memref<14x128xi32, #tpu.memory_space<hbm>>
      tpu.enqueue_dma source(%dma_start3A_95 : memref<14x128xi32, #tpu.memory_space<hbm>>) target(%arg12 : memref<14x128xi32, #tpu.memory_space<vmem>>) target_semaphore(%arg23 : memref<!tpu.dma_semaphore, #tpu.memory_space<semaphore_mem>>)
      %dma_start3A_96 = arith.constant 14 : i32
      %dma_start3A_97 = arith.constant 0 : i32
      %dma_start3A_98 = tpu.memref_slice %arg5[%arg1, %dma_start3A_96, %dma_start3A_97] : memref<16x424x128xi32, #tpu.memory_space<hbm>> -> memref<1x14x128xi32, #tpu.memory_space<hbm>>
      %dma_start3A_99 = tpu.memref_squeeze %dma_start3A_98 : memref<1x14x128xi32, #tpu.memory_space<hbm>> -> memref<14x128xi32, #tpu.memory_space<hbm>>
      %dma_start3A_100 = arith.constant 14 : i32
      %dma_start3A_101 = arith.constant 0 : i32
      %dma_start3A_102 = tpu.memref_slice %arg5[%arg1, %dma_start3A_100, %dma_start3A_101] : memref<16x424x128xi32, #tpu.memory_space<hbm>> -> memref<1x14x128xi32, #tpu.memory_space<hbm>>
      %dma_start3A_103 = tpu.memref_squeeze %dma_start3A_102 : memref<1x14x128xi32, #tpu.memory_space<hbm>> -> memref<14x128xi32, #tpu.memory_space<hbm>>
      tpu.enqueue_dma source(%dma_start3A_103 : memref<14x128xi32, #tpu.memory_space<hbm>>) target(%arg13 : memref<14x128xi32, #tpu.memory_space<vmem>>) target_semaphore(%arg24 : memref<!tpu.dma_semaphore, #tpu.memory_space<semaphore_mem>>)
      %scan3A_104 = arith.constant 0 : i32
      %scan3A_105 = arith.constant 0 : i32
      %scan3A_106 = arith.constant 14 : i32
      %scan3A_107 = arith.addi %scan3A_105, %scan3A_106 : i32
      %scan3A_108 = arith.constant 1 : i32
      scf.for %scan3A_126 = %scan3A_105 to %scan3A_107 step %scan3A_108  : i32 {
        %dma_wait3A_127 = arith.constant 0 : i32
        %dma_wait3A_128 = arith.constant 0 : i32
        %dma_wait3A_129 = tpu.memref_slice %arg5[%arg1, %dma_wait3A_127, %dma_wait3A_128] : memref<16x424x128xi32, #tpu.memory_space<hbm>> -> memref<1x14x128xi32, #tpu.memory_space<hbm>>
        %dma_wait3A_130 = tpu.memref_squeeze %dma_wait3A_129 : memref<1x14x128xi32, #tpu.memory_space<hbm>> -> memref<14x128xi32, #tpu.memory_space<hbm>>
        %dma_wait3A_131 = arith.constant 0 : i32
        %dma_wait3A_132 = arith.constant 0 : i32
        %dma_wait3A_133 = tpu.memref_slice %arg5[%arg1, %dma_wait3A_131, %dma_wait3A_132] : memref<16x424x128xi32, #tpu.memory_space<hbm>> -> memref<1x14x128xi32, #tpu.memory_space<hbm>>
        %dma_wait3A_134 = tpu.memref_squeeze %dma_wait3A_133 : memref<1x14x128xi32, #tpu.memory_space<hbm>> -> memref<14x128xi32, #tpu.memory_space<hbm>>
        tpu.wait_dma2 semaphore(%arg23 : memref<!tpu.dma_semaphore, #tpu.memory_space<semaphore_mem>>) src(%dma_wait3A_134 : memref<14x128xi32, #tpu.memory_space<hbm>>) dst(%arg12 : memref<14x128xi32, #tpu.memory_space<vmem>>)
        %scan3A_135 = arith.constant 0 : i32
        %scan3A_136 = arith.constant 0 : i32
        %scan3A_137 = arith.constant 14 : i32
        %scan3A_138 = arith.addi %scan3A_136, %scan3A_137 : i32
        %scan3A_139 = arith.constant 1 : i32
        scf.for %scan3A_182 = %scan3A_136 to %scan3A_138 step %scan3A_139  : i32 {
          "tpu.region"() ({
            %run_scoped3A = tpu.sem_alloc : memref<!tpu.dma_semaphore, #tpu.memory_space<semaphore_mem>>
            %dma_start3A_183 = arith.constant 0 : i32
            %dma_start3A_184 = tpu.memref_slice %arg12[%scan3A_182, %dma_start3A_183] : memref<14x128xi32, #tpu.memory_space<vmem>> -> memref<1x128xi32, #tpu.memory_space<vmem>>
            %dma_start3A_185 = tpu.memref_squeeze %dma_start3A_184 : memref<1x128xi32, #tpu.memory_space<vmem>> -> memref<128xi32, #tpu.memory_space<vmem>>
            %dma_start3A_186 = arith.constant 0 : i32
            %dma_start3A_187 = arith.constant 0 : i32
            %dma_start3A_188 = tpu.memref_slice %arg18[%dma_start3A_186, %dma_start3A_187] : memref<51200x32xf32, #tpu.memory_space<vmem_shared>> -> memref<51200x32xf32, #tpu.memory_space<vmem_shared>>
            tpu.enqueue_indirect_dma source(%arg14 : memref<128x32xf32, #tpu.memory_space<vmem>>) target(%dma_start3A_188 : memref<51200x32xf32, #tpu.memory_space<vmem_shared>>) offsets(%dma_start3A_185 : memref<128xi32, #tpu.memory_space<vmem>>) semaphore(%run_scoped3A : memref<!tpu.dma_semaphore, #tpu.memory_space<semaphore_mem>>) {add = true}
            %dma_wait3A_189 = arith.constant 0 : i32
            %dma_wait3A_190 = tpu.memref_slice %arg12[%scan3A_182, %dma_wait3A_189] : memref<14x128xi32, #tpu.memory_space<vmem>> -> memref<1x128xi32, #tpu.memory_space<vmem>>
            %dma_wait3A_191 = tpu.memref_squeeze %dma_wait3A_190 : memref<1x128xi32, #tpu.memory_space<vmem>> -> memref<128xi32, #tpu.memory_space<vmem>>
            %dma_wait3A_192 = arith.constant 0 : i32
            %dma_wait3A_193 = arith.constant 0 : i32
            %dma_wait3A_194 = tpu.memref_slice %arg18[%dma_wait3A_192, %dma_wait3A_193] : memref<51200x32xf32, #tpu.memory_space<vmem_shared>> -> memref<51200x32xf32, #tpu.memory_space<vmem_shared>>
            tpu.wait_indirect_dma semaphore(%run_scoped3A : memref<!tpu.dma_semaphore, #tpu.memory_space<semaphore_mem>>) src(%arg14 : memref<128x32xf32, #tpu.memory_space<vmem>>) dst(%dma_wait3A_194 : memref<51200x32xf32, #tpu.memory_space<vmem_shared>>)
            tpu.yield
          }) : () -> ()
        }
        %scan3A_140 = arith.constant 14 : i32
        %mul3A_141 = arith.constant 2 : i32
        %mul3A_142 = arith.muli %mul3A_141, %scan3A_126 : i32
        %add3A = arith.constant 2 : i32
        %add3A_143 = arith.addi %mul3A_142, %add3A : i32
        %add3A_144 = arith.constant 0 : i32
        %add3A_145 = arith.addi %add3A_143, %add3A_144 : i32
        %mul3A_146 = arith.constant 14 : i32
        %mul3A_147 = arith.muli %add3A_145, %mul3A_146 : i32
        %dma_start3A_148 = arith.constant 0 : i32
        %dma_start3A_149 = tpu.memref_slice %arg5[%arg1, %mul3A_147, %dma_start3A_148] : memref<16x424x128xi32, #tpu.memory_space<hbm>> -> memref<1x14x128xi32, #tpu.memory_space<hbm>>
        %dma_start3A_150 = tpu.memref_squeeze %dma_start3A_149 : memref<1x14x128xi32, #tpu.memory_space<hbm>> -> memref<14x128xi32, #tpu.memory_space<hbm>>
        %dma_start3A_151 = arith.constant 0 : i32
        %dma_start3A_152 = tpu.memref_slice %arg5[%arg1, %mul3A_147, %dma_start3A_151] : memref<16x424x128xi32, #tpu.memory_space<hbm>> -> memref<1x14x128xi32, #tpu.memory_space<hbm>>
        %dma_start3A_153 = tpu.memref_squeeze %dma_start3A_152 : memref<1x14x128xi32, #tpu.memory_space<hbm>> -> memref<14x128xi32, #tpu.memory_space<hbm>>
        tpu.enqueue_dma source(%dma_start3A_153 : memref<14x128xi32, #tpu.memory_space<hbm>>) target(%arg12 : memref<14x128xi32, #tpu.memory_space<vmem>>) target_semaphore(%arg23 : memref<!tpu.dma_semaphore, #tpu.memory_space<semaphore_mem>>)
        %dma_wait3A_154 = arith.constant 0 : i32
        %dma_wait3A_155 = arith.constant 0 : i32
        %dma_wait3A_156 = tpu.memref_slice %arg5[%arg1, %dma_wait3A_154, %dma_wait3A_155] : memref<16x424x128xi32, #tpu.memory_space<hbm>> -> memref<1x14x128xi32, #tpu.memory_space<hbm>>
        %dma_wait3A_157 = tpu.memref_squeeze %dma_wait3A_156 : memref<1x14x128xi32, #tpu.memory_space<hbm>> -> memref<14x128xi32, #tpu.memory_space<hbm>>
        %dma_wait3A_158 = arith.constant 0 : i32
        %dma_wait3A_159 = arith.constant 0 : i32
        %dma_wait3A_160 = tpu.memref_slice %arg5[%arg1, %dma_wait3A_158, %dma_wait3A_159] : memref<16x424x128xi32, #tpu.memory_space<hbm>> -> memref<1x14x128xi32, #tpu.memory_space<hbm>>
        %dma_wait3A_161 = tpu.memref_squeeze %dma_wait3A_160 : memref<1x14x128xi32, #tpu.memory_space<hbm>> -> memref<14x128xi32, #tpu.memory_space<hbm>>
        tpu.wait_dma2 semaphore(%arg24 : memref<!tpu.dma_semaphore, #tpu.memory_space<semaphore_mem>>) src(%dma_wait3A_161 : memref<14x128xi32, #tpu.memory_space<hbm>>) dst(%arg13 : memref<14x128xi32, #tpu.memory_space<vmem>>)
        %scan3A_162 = arith.constant 0 : i32
        %scan3A_163 = arith.constant 0 : i32
        %scan3A_164 = arith.constant 14 : i32
        %scan3A_165 = arith.addi %scan3A_163, %scan3A_164 : i32
        %scan3A_166 = arith.constant 1 : i32
        scf.for %scan3A_182 = %scan3A_163 to %scan3A_165 step %scan3A_166  : i32 {
          "tpu.region"() ({
            %run_scoped3A = tpu.sem_alloc : memref<!tpu.dma_semaphore, #tpu.memory_space<semaphore_mem>>
            %dma_start3A_183 = arith.constant 0 : i32
            %dma_start3A_184 = tpu.memref_slice %arg13[%scan3A_182, %dma_start3A_183] : memref<14x128xi32, #tpu.memory_space<vmem>> -> memref<1x128xi32, #tpu.memory_space<vmem>>
            %dma_start3A_185 = tpu.memref_squeeze %dma_start3A_184 : memref<1x128xi32, #tpu.memory_space<vmem>> -> memref<128xi32, #tpu.memory_space<vmem>>
            %dma_start3A_186 = arith.constant 0 : i32
            %dma_start3A_187 = arith.constant 0 : i32
            %dma_start3A_188 = tpu.memref_slice %arg18[%dma_start3A_186, %dma_start3A_187] : memref<51200x32xf32, #tpu.memory_space<vmem_shared>> -> memref<51200x32xf32, #tpu.memory_space<vmem_shared>>
            tpu.enqueue_indirect_dma source(%arg14 : memref<128x32xf32, #tpu.memory_space<vmem>>) target(%dma_start3A_188 : memref<51200x32xf32, #tpu.memory_space<vmem_shared>>) offsets(%dma_start3A_185 : memref<128xi32, #tpu.memory_space<vmem>>) semaphore(%run_scoped3A : memref<!tpu.dma_semaphore, #tpu.memory_space<semaphore_mem>>) {add = true}
            %dma_wait3A_189 = arith.constant 0 : i32
            %dma_wait3A_190 = tpu.memref_slice %arg13[%scan3A_182, %dma_wait3A_189] : memref<14x128xi32, #tpu.memory_space<vmem>> -> memref<1x128xi32, #tpu.memory_space<vmem>>
            %dma_wait3A_191 = tpu.memref_squeeze %dma_wait3A_190 : memref<1x128xi32, #tpu.memory_space<vmem>> -> memref<128xi32, #tpu.memory_space<vmem>>
            %dma_wait3A_192 = arith.constant 0 : i32
            %dma_wait3A_193 = arith.constant 0 : i32
            %dma_wait3A_194 = tpu.memref_slice %arg18[%dma_wait3A_192, %dma_wait3A_193] : memref<51200x32xf32, #tpu.memory_space<vmem_shared>> -> memref<51200x32xf32, #tpu.memory_space<vmem_shared>>
            tpu.wait_indirect_dma semaphore(%run_scoped3A : memref<!tpu.dma_semaphore, #tpu.memory_space<semaphore_mem>>) src(%arg14 : memref<128x32xf32, #tpu.memory_space<vmem>>) dst(%dma_wait3A_194 : memref<51200x32xf32, #tpu.memory_space<vmem_shared>>)
            tpu.yield
          }) : () -> ()
        }
        %scan3A_167 = arith.constant 14 : i32
        %mul3A_168 = arith.constant 2 : i32
        %mul3A_169 = arith.muli %mul3A_168, %scan3A_126 : i32
        %add3A_170 = arith.constant 2 : i32
        %add3A_171 = arith.addi %mul3A_169, %add3A_170 : i32
        %add3A_172 = arith.constant 1 : i32
        %add3A_173 = arith.addi %add3A_171, %add3A_172 : i32
        %mul3A_174 = arith.constant 14 : i32
        %mul3A_175 = arith.muli %add3A_173, %mul3A_174 : i32
        %dma_start3A_176 = arith.constant 0 : i32
        %dma_start3A_177 = tpu.memref_slice %arg5[%arg1, %mul3A_175, %dma_start3A_176] : memref<16x424x128xi32, #tpu.memory_space<hbm>> -> memref<1x14x128xi32, #tpu.memory_space<hbm>>
        %dma_start3A_178 = tpu.memref_squeeze %dma_start3A_177 : memref<1x14x128xi32, #tpu.memory_space<hbm>> -> memref<14x128xi32, #tpu.memory_space<hbm>>
        %dma_start3A_179 = arith.constant 0 : i32
        %dma_start3A_180 = tpu.memref_slice %arg5[%arg1, %mul3A_175, %dma_start3A_179] : memref<16x424x128xi32, #tpu.memory_space<hbm>> -> memref<1x14x128xi32, #tpu.memory_space<hbm>>
        %dma_start3A_181 = tpu.memref_squeeze %dma_start3A_180 : memref<1x14x128xi32, #tpu.memory_space<hbm>> -> memref<14x128xi32, #tpu.memory_space<hbm>>
        tpu.enqueue_dma source(%dma_start3A_181 : memref<14x128xi32, #tpu.memory_space<hbm>>) target(%arg13 : memref<14x128xi32, #tpu.memory_space<vmem>>) target_semaphore(%arg24 : memref<!tpu.dma_semaphore, #tpu.memory_space<semaphore_mem>>)
      }
      %scan3A_109 = arith.constant 14 : i32
      %dma_wait3A_110 = arith.constant 0 : i32
      %dma_wait3A_111 = arith.constant 0 : i32
      %dma_wait3A_112 = tpu.memref_slice %arg5[%arg1, %dma_wait3A_110, %dma_wait3A_111] : memref<16x424x128xi32, #tpu.memory_space<hbm>> -> memref<1x14x128xi32, #tpu.memory_space<hbm>>
      %dma_wait3A_113 = tpu.memref_squeeze %dma_wait3A_112 : memref<1x14x128xi32, #tpu.memory_space<hbm>> -> memref<14x128xi32, #tpu.memory_space<hbm>>
      %dma_wait3A_114 = arith.constant 0 : i32
      %dma_wait3A_115 = arith.constant 0 : i32
      %dma_wait3A_116 = tpu.memref_slice %arg5[%arg1, %dma_wait3A_114, %dma_wait3A_115] : memref<16x424x128xi32, #tpu.memory_space<hbm>> -> memref<1x14x128xi32, #tpu.memory_space<hbm>>
      %dma_wait3A_117 = tpu.memref_squeeze %dma_wait3A_116 : memref<1x14x128xi32, #tpu.memory_space<hbm>> -> memref<14x128xi32, #tpu.memory_space<hbm>>
      tpu.wait_dma2 semaphore(%arg23 : memref<!tpu.dma_semaphore, #tpu.memory_space<semaphore_mem>>) src(%dma_wait3A_117 : memref<14x128xi32, #tpu.memory_space<hbm>>) dst(%arg12 : memref<14x128xi32, #tpu.memory_space<vmem>>)
      %dma_wait3A_118 = arith.constant 0 : i32
      %dma_wait3A_119 = arith.constant 0 : i32
      %dma_wait3A_120 = tpu.memref_slice %arg5[%arg1, %dma_wait3A_118, %dma_wait3A_119] : memref<16x424x128xi32, #tpu.memory_space<hbm>> -> memref<1x14x128xi32, #tpu.memory_space<hbm>>
      %dma_wait3A_121 = tpu.memref_squeeze %dma_wait3A_120 : memref<1x14x128xi32, #tpu.memory_space<hbm>> -> memref<14x128xi32, #tpu.memory_space<hbm>>
      %dma_wait3A_122 = arith.constant 0 : i32
      %dma_wait3A_123 = arith.constant 0 : i32
      %dma_wait3A_124 = tpu.memref_slice %arg5[%arg1, %dma_wait3A_122, %dma_wait3A_123] : memref<16x424x128xi32, #tpu.memory_space<hbm>> -> memref<1x14x128xi32, #tpu.memory_space<hbm>>
      %dma_wait3A_125 = tpu.memref_squeeze %dma_wait3A_124 : memref<1x14x128xi32, #tpu.memory_space<hbm>> -> memref<14x128xi32, #tpu.memory_space<hbm>>
      tpu.wait_dma2 semaphore(%arg24 : memref<!tpu.dma_semaphore, #tpu.memory_space<semaphore_mem>>) src(%dma_wait3A_125 : memref<14x128xi32, #tpu.memory_space<hbm>>) dst(%arg13 : memref<14x128xi32, #tpu.memory_space<vmem>>)
    } else {
    }
    %barrier3A_8 = arith.constant 0 : index
    tpu.barrier barrier_id(%barrier3A_8)
    %mul3A_9 = arith.constant 3200 : i32
    %mul3A_10 = arith.muli %arg1, %mul3A_9 : i32
    %mul3A_11 = arith.constant 3200 : i32
    %mul3A_12 = arith.muli %arg1, %mul3A_11 : i32
    "tpu.region"() ({
      %run_scoped3A = tpu.sem_alloc : memref<!tpu.dma_semaphore, #tpu.memory_space<semaphore_mem>>
      %dma_start3A_88 = arith.constant 0 : i32
      %dma_start3A_89 = tpu.memref_slice %arg8[%arg0, %mul3A_12, %dma_start3A_88] : memref<2x51200x32xf32, #tpu.memory_space<hbm>> -> memref<1x3200x32xf32, #tpu.memory_space<hbm>>
      %dma_start3A_90 = tpu.memref_squeeze %dma_start3A_89 : memref<1x3200x32xf32, #tpu.memory_space<hbm>> -> memref<3200x32xf32, #tpu.memory_space<hbm>>
      %dma_start3A_91 = arith.constant 0 : i32
      %dma_start3A_92 = tpu.memref_slice %arg18[%mul3A_10, %dma_start3A_91] : memref<51200x32xf32, #tpu.memory_space<vmem_shared>> -> memref<3200x32xf32, #tpu.memory_space<vmem_shared>>
      tpu.enqueue_dma source(%dma_start3A_92 : memref<3200x32xf32, #tpu.memory_space<vmem_shared>>) target(%dma_start3A_90 : memref<3200x32xf32, #tpu.memory_space<hbm>>) target_semaphore(%run_scoped3A : memref<!tpu.dma_semaphore, #tpu.memory_space<semaphore_mem>>)
      %dma_wait3A_93 = arith.constant 0 : i32
      %dma_wait3A_94 = tpu.memref_slice %arg8[%arg0, %mul3A_12, %dma_wait3A_93] : memref<2x51200x32xf32, #tpu.memory_space<hbm>> -> memref<1x3200x32xf32, #tpu.memory_space<hbm>>
      %dma_wait3A_95 = tpu.memref_squeeze %dma_wait3A_94 : memref<1x3200x32xf32, #tpu.memory_space<hbm>> -> memref<3200x32xf32, #tpu.memory_space<hbm>>
      %dma_wait3A_96 = arith.constant 0 : i32
      %dma_wait3A_97 = tpu.memref_slice %arg18[%mul3A_10, %dma_wait3A_96] : memref<51200x32xf32, #tpu.memory_space<vmem_shared>> -> memref<3200x32xf32, #tpu.memory_space<vmem_shared>>
      tpu.wait_dma2 semaphore(%run_scoped3A : memref<!tpu.dma_semaphore, #tpu.memory_space<semaphore_mem>>) src(%dma_wait3A_97 : memref<3200x32xf32, #tpu.memory_space<vmem_shared>>) dst(%dma_wait3A_95 : memref<3200x32xf32, #tpu.memory_space<hbm>>)
      tpu.yield
    }) : () -> ()
    %mul3A_13 = arith.constant 3200 : i32
    %mul3A_14 = arith.muli %arg1, %mul3A_13 : i32
    "tpu.region"() ({
      %run_scoped3A = tpu.sem_alloc : memref<!tpu.dma_semaphore, #tpu.memory_space<semaphore_mem>>
      %dma_start3A_88 = arith.constant 0 : i32
      %dma_start3A_89 = tpu.memref_slice %arg18[%mul3A_14, %dma_start3A_88] : memref<51200x32xf32, #tpu.memory_space<vmem_shared>> -> memref<3200x32xf32, #tpu.memory_space<vmem_shared>>
      tpu.enqueue_dma source(%arg7 : memref<3200x32xf32, #tpu.memory_space<hbm>>) target(%dma_start3A_89 : memref<3200x32xf32, #tpu.memory_space<vmem_shared>>) target_semaphore(%run_scoped3A : memref<!tpu.dma_semaphore, #tpu.memory_space<semaphore_mem>>)
      %dma_wait3A_90 = arith.constant 0 : i32
      %dma_wait3A_91 = tpu.memref_slice %arg18[%mul3A_14, %dma_wait3A_90] : memref<51200x32xf32, #tpu.memory_space<vmem_shared>> -> memref<3200x32xf32, #tpu.memory_space<vmem_shared>>
      tpu.wait_dma2 semaphore(%run_scoped3A : memref<!tpu.dma_semaphore, #tpu.memory_space<semaphore_mem>>) src(%arg7 : memref<3200x32xf32, #tpu.memory_space<hbm>>) dst(%dma_wait3A_91 : memref<3200x32xf32, #tpu.memory_space<vmem_shared>>)
      tpu.yield
    }) : () -> ()
    %barrier3A_15 = arith.constant 0 : index
    tpu.barrier barrier_id(%barrier3A_15)
    %dma_start3A = arith.constant 0 : i32
    %dma_start3A_16 = arith.constant 0 : i32
    %dma_start3A_17 = tpu.memref_slice %arg3[%arg0, %arg1, %dma_start3A, %dma_start3A_16] : memref<2x16x424x128xi32, #tpu.memory_space<hbm>> -> memref<1x1x14x128xi32, #tpu.memory_space<hbm>>
    %dma_start3A_18 = tpu.memref_squeeze %dma_start3A_17 : memref<1x1x14x128xi32, #tpu.memory_space<hbm>> -> memref<14x128xi32, #tpu.memory_space<hbm>>
    %dma_start3A_19 = arith.constant 0 : i32
    %dma_start3A_20 = arith.constant 0 : i32
    %dma_start3A_21 = tpu.memref_slice %arg3[%arg0, %arg1, %dma_start3A_19, %dma_start3A_20] : memref<2x16x424x128xi32, #tpu.memory_space<hbm>> -> memref<1x1x14x128xi32, #tpu.memory_space<hbm>>
    %dma_start3A_22 = tpu.memref_squeeze %dma_start3A_21 : memref<1x1x14x128xi32, #tpu.memory_space<hbm>> -> memref<14x128xi32, #tpu.memory_space<hbm>>
    tpu.enqueue_dma source(%dma_start3A_22 : memref<14x128xi32, #tpu.memory_space<hbm>>) target(%arg10 : memref<14x128xi32, #tpu.memory_space<vmem>>) target_semaphore(%arg23 : memref<!tpu.dma_semaphore, #tpu.memory_space<semaphore_mem>>)
    %dma_start3A_23 = arith.constant 0 : i32
    %dma_start3A_24 = arith.constant 0 : i32
    %dma_start3A_25 = tpu.memref_slice %arg4[%arg1, %dma_start3A_23, %dma_start3A_24] : memref<16x424x128xi32, #tpu.memory_space<hbm>> -> memref<1x14x128xi32, #tpu.memory_space<hbm>>
    %dma_start3A_26 = tpu.memref_squeeze %dma_start3A_25 : memref<1x14x128xi32, #tpu.memory_space<hbm>> -> memref<14x128xi32, #tpu.memory_space<hbm>>
    %dma_start3A_27 = arith.constant 0 : i32
    %dma_start3A_28 = arith.constant 0 : i32
    %dma_start3A_29 = tpu.memref_slice %arg4[%arg1, %dma_start3A_27, %dma_start3A_28] : memref<16x424x128xi32, #tpu.memory_space<hbm>> -> memref<1x14x128xi32, #tpu.memory_space<hbm>>
    %dma_start3A_30 = tpu.memref_squeeze %dma_start3A_29 : memref<1x14x128xi32, #tpu.memory_space<hbm>> -> memref<14x128xi32, #tpu.memory_space<hbm>>
    tpu.enqueue_dma source(%dma_start3A_30 : memref<14x128xi32, #tpu.memory_space<hbm>>) target(%arg12 : memref<14x128xi32, #tpu.memory_space<vmem>>) target_semaphore(%arg23 : memref<!tpu.dma_semaphore, #tpu.memory_space<semaphore_mem>>)
    %dma_start3A_31 = arith.constant 14 : i32
    %dma_start3A_32 = arith.constant 0 : i32
    %dma_start3A_33 = tpu.memref_slice %arg3[%arg0, %arg1, %dma_start3A_31, %dma_start3A_32] : memref<2x16x424x128xi32, #tpu.memory_space<hbm>> -> memref<1x1x14x128xi32, #tpu.memory_space<hbm>>
    %dma_start3A_34 = tpu.memref_squeeze %dma_start3A_33 : memref<1x1x14x128xi32, #tpu.memory_space<hbm>> -> memref<14x128xi32, #tpu.memory_space<hbm>>
    %dma_start3A_35 = arith.constant 14 : i32
    %dma_start3A_36 = arith.constant 0 : i32
    %dma_start3A_37 = tpu.memref_slice %arg3[%arg0, %arg1, %dma_start3A_35, %dma_start3A_36] : memref<2x16x424x128xi32, #tpu.memory_space<hbm>> -> memref<1x1x14x128xi32, #tpu.memory_space<hbm>>
    %dma_start3A_38 = tpu.memref_squeeze %dma_start3A_37 : memref<1x1x14x128xi32, #tpu.memory_space<hbm>> -> memref<14x128xi32, #tpu.memory_space<hbm>>
    tpu.enqueue_dma source(%dma_start3A_38 : memref<14x128xi32, #tpu.memory_space<hbm>>) target(%arg11 : memref<14x128xi32, #tpu.memory_space<vmem>>) target_semaphore(%arg24 : memref<!tpu.dma_semaphore, #tpu.memory_space<semaphore_mem>>)
    %dma_start3A_39 = arith.constant 14 : i32
    %dma_start3A_40 = arith.constant 0 : i32
    %dma_start3A_41 = tpu.memref_slice %arg4[%arg1, %dma_start3A_39, %dma_start3A_40] : memref<16x424x128xi32, #tpu.memory_space<hbm>> -> memref<1x14x128xi32, #tpu.memory_space<hbm>>
    %dma_start3A_42 = tpu.memref_squeeze %dma_start3A_41 : memref<1x14x128xi32, #tpu.memory_space<hbm>> -> memref<14x128xi32, #tpu.memory_space<hbm>>
    %dma_start3A_43 = arith.constant 14 : i32
    %dma_start3A_44 = arith.constant 0 : i32
    %dma_start3A_45 = tpu.memref_slice %arg4[%arg1, %dma_start3A_43, %dma_start3A_44] : memref<16x424x128xi32, #tpu.memory_space<hbm>> -> memref<1x14x128xi32, #tpu.memory_space<hbm>>
    %dma_start3A_46 = tpu.memref_squeeze %dma_start3A_45 : memref<1x14x128xi32, #tpu.memory_space<hbm>> -> memref<14x128xi32, #tpu.memory_space<hbm>>
    tpu.enqueue_dma source(%dma_start3A_46 : memref<14x128xi32, #tpu.memory_space<hbm>>) target(%arg13 : memref<14x128xi32, #tpu.memory_space<vmem>>) target_semaphore(%arg24 : memref<!tpu.dma_semaphore, #tpu.memory_space<semaphore_mem>>)
    %scan3A = arith.constant 0 : i32
    %scan3A_47 = arith.constant 0 : i32
    %scan3A_48 = arith.constant 14 : i32
    %scan3A_49 = arith.addi %scan3A_47, %scan3A_48 : i32
    %scan3A_50 = arith.constant 1 : i32
    scf.for %scan3A_88 = %scan3A_47 to %scan3A_49 step %scan3A_50  : i32 {
      %dma_wait3A_89 = arith.constant 0 : i32
      %dma_wait3A_90 = arith.constant 0 : i32
      %dma_wait3A_91 = tpu.memref_slice %arg3[%arg0, %arg1, %dma_wait3A_89, %dma_wait3A_90] : memref<2x16x424x128xi32, #tpu.memory_space<hbm>> -> memref<1x1x14x128xi32, #tpu.memory_space<hbm>>
      %dma_wait3A_92 = tpu.memref_squeeze %dma_wait3A_91 : memref<1x1x14x128xi32, #tpu.memory_space<hbm>> -> memref<14x128xi32, #tpu.memory_space<hbm>>
      %dma_wait3A_93 = arith.constant 0 : i32
      %dma_wait3A_94 = arith.constant 0 : i32
      %dma_wait3A_95 = tpu.memref_slice %arg3[%arg0, %arg1, %dma_wait3A_93, %dma_wait3A_94] : memref<2x16x424x128xi32, #tpu.memory_space<hbm>> -> memref<1x1x14x128xi32, #tpu.memory_space<hbm>>
      %dma_wait3A_96 = tpu.memref_squeeze %dma_wait3A_95 : memref<1x1x14x128xi32, #tpu.memory_space<hbm>> -> memref<14x128xi32, #tpu.memory_space<hbm>>
      tpu.wait_dma2 semaphore(%arg23 : memref<!tpu.dma_semaphore, #tpu.memory_space<semaphore_mem>>) src(%dma_wait3A_96 : memref<14x128xi32, #tpu.memory_space<hbm>>) dst(%arg10 : memref<14x128xi32, #tpu.memory_space<vmem>>)
      %dma_wait3A_97 = arith.constant 0 : i32
      %dma_wait3A_98 = arith.constant 0 : i32
      %dma_wait3A_99 = tpu.memref_slice %arg4[%arg1, %dma_wait3A_97, %dma_wait3A_98] : memref<16x424x128xi32, #tpu.memory_space<hbm>> -> memref<1x14x128xi32, #tpu.memory_space<hbm>>
      %dma_wait3A_100 = tpu.memref_squeeze %dma_wait3A_99 : memref<1x14x128xi32, #tpu.memory_space<hbm>> -> memref<14x128xi32, #tpu.memory_space<hbm>>
      %dma_wait3A_101 = arith.constant 0 : i32
      %dma_wait3A_102 = arith.constant 0 : i32
      %dma_wait3A_103 = tpu.memref_slice %arg4[%arg1, %dma_wait3A_101, %dma_wait3A_102] : memref<16x424x128xi32, #tpu.memory_space<hbm>> -> memref<1x14x128xi32, #tpu.memory_space<hbm>>
      %dma_wait3A_104 = tpu.memref_squeeze %dma_wait3A_103 : memref<1x14x128xi32, #tpu.memory_space<hbm>> -> memref<14x128xi32, #tpu.memory_space<hbm>>
      tpu.wait_dma2 semaphore(%arg23 : memref<!tpu.dma_semaphore, #tpu.memory_space<semaphore_mem>>) src(%dma_wait3A_104 : memref<14x128xi32, #tpu.memory_space<hbm>>) dst(%arg12 : memref<14x128xi32, #tpu.memory_space<vmem>>)
      %dma_start3A_105 = arith.constant 0 : i32
      %dma_start3A_106 = arith.constant 0 : i32
      %dma_start3A_107 = tpu.memref_slice %arg10[%dma_start3A_105, %dma_start3A_106] : memref<14x128xi32, #tpu.memory_space<vmem>> -> memref<1x128xi32, #tpu.memory_space<vmem>>
      %dma_start3A_108 = tpu.memref_squeeze %dma_start3A_107 : memref<1x128xi32, #tpu.memory_space<vmem>> -> memref<128xi32, #tpu.memory_space<vmem>>
      %dma_start3A_109 = arith.constant 0 : i32
      %dma_start3A_110 = arith.constant 0 : i32
      %dma_start3A_111 = tpu.memref_slice %arg2[%dma_start3A_109, %dma_start3A_110] : memref<100000x32xf32, #tpu.memory_space<hbm>> -> memref<100000x32xf32, #tpu.memory_space<hbm>>
      tpu.enqueue_indirect_dma source(%dma_start3A_111 : memref<100000x32xf32, #tpu.memory_space<hbm>>) target(%arg14 : memref<128x32xf32, #tpu.memory_space<vmem>>) offsets(%dma_start3A_108 : memref<128xi32, #tpu.memory_space<vmem>>) semaphore(%arg19 : memref<!tpu.dma_semaphore, #tpu.memory_space<semaphore_mem>>)
      %dma_start3A_112 = arith.constant 1 : i32
      %dma_start3A_113 = arith.constant 0 : i32
      %dma_start3A_114 = tpu.memref_slice %arg10[%dma_start3A_112, %dma_start3A_113] : memref<14x128xi32, #tpu.memory_space<vmem>> -> memref<1x128xi32, #tpu.memory_space<vmem>>
      %dma_start3A_115 = tpu.memref_squeeze %dma_start3A_114 : memref<1x128xi32, #tpu.memory_space<vmem>> -> memref<128xi32, #tpu.memory_space<vmem>>
      %dma_start3A_116 = arith.constant 0 : i32
      %dma_start3A_117 = arith.constant 0 : i32
      %dma_start3A_118 = tpu.memref_slice %arg2[%dma_start3A_116, %dma_start3A_117] : memref<100000x32xf32, #tpu.memory_space<hbm>> -> memref<100000x32xf32, #tpu.memory_space<hbm>>
      tpu.enqueue_indirect_dma source(%dma_start3A_118 : memref<100000x32xf32, #tpu.memory_space<hbm>>) target(%arg15 : memref<128x32xf32, #tpu.memory_space<vmem>>) offsets(%dma_start3A_115 : memref<128xi32, #tpu.memory_space<vmem>>) semaphore(%arg20 : memref<!tpu.dma_semaphore, #tpu.memory_space<semaphore_mem>>)
      %dma_start3A_119 = arith.constant 2 : i32
      %dma_start3A_120 = arith.constant 0 : i32
      %dma_start3A_121 = tpu.memref_slice %arg10[%dma_start3A_119, %dma_start3A_120] : memref<14x128xi32, #tpu.memory_space<vmem>> -> memref<1x128xi32, #tpu.memory_space<vmem>>
      %dma_start3A_122 = tpu.memref_squeeze %dma_start3A_121 : memref<1x128xi32, #tpu.memory_space<vmem>> -> memref<128xi32, #tpu.memory_space<vmem>>
      %dma_start3A_123 = arith.constant 0 : i32
      %dma_start3A_124 = arith.constant 0 : i32
      %dma_start3A_125 = tpu.memref_slice %arg2[%dma_start3A_123, %dma_start3A_124] : memref<100000x32xf32, #tpu.memory_space<hbm>> -> memref<100000x32xf32, #tpu.memory_space<hbm>>
      tpu.enqueue_indirect_dma source(%dma_start3A_125 : memref<100000x32xf32, #tpu.memory_space<hbm>>) target(%arg16 : memref<128x32xf32, #tpu.memory_space<vmem>>) offsets(%dma_start3A_122 : memref<128xi32, #tpu.memory_space<vmem>>) semaphore(%arg21 : memref<!tpu.dma_semaphore, #tpu.memory_space<semaphore_mem>>)
      %dma_start3A_126 = arith.constant 3 : i32
      %dma_start3A_127 = arith.constant 0 : i32
      %dma_start3A_128 = tpu.memref_slice %arg10[%dma_start3A_126, %dma_start3A_127] : memref<14x128xi32, #tpu.memory_space<vmem>> -> memref<1x128xi32, #tpu.memory_space<vmem>>
      %dma_start3A_129 = tpu.memref_squeeze %dma_start3A_128 : memref<1x128xi32, #tpu.memory_space<vmem>> -> memref<128xi32, #tpu.memory_space<vmem>>
      %dma_start3A_130 = arith.constant 0 : i32
      %dma_start3A_131 = arith.constant 0 : i32
      %dma_start3A_132 = tpu.memref_slice %arg2[%dma_start3A_130, %dma_start3A_131] : memref<100000x32xf32, #tpu.memory_space<hbm>> -> memref<100000x32xf32, #tpu.memory_space<hbm>>
      tpu.enqueue_indirect_dma source(%dma_start3A_132 : memref<100000x32xf32, #tpu.memory_space<hbm>>) target(%arg17 : memref<128x32xf32, #tpu.memory_space<vmem>>) offsets(%dma_start3A_129 : memref<128xi32, #tpu.memory_space<vmem>>) semaphore(%arg22 : memref<!tpu.dma_semaphore, #tpu.memory_space<semaphore_mem>>)
      %dma_wait3A_133 = arith.constant 0 : i32
      %dma_wait3A_134 = arith.constant 0 : i32
      %dma_wait3A_135 = tpu.memref_slice %arg10[%dma_wait3A_133, %dma_wait3A_134] : memref<14x128xi32, #tpu.memory_space<vmem>> -> memref<1x128xi32, #tpu.memory_space<vmem>>
      %dma_wait3A_136 = tpu.memref_squeeze %dma_wait3A_135 : memref<1x128xi32, #tpu.memory_space<vmem>> -> memref<128xi32, #tpu.memory_space<vmem>>
      %dma_wait3A_137 = arith.constant 0 : i32
      %dma_wait3A_138 = arith.constant 0 : i32
      %dma_wait3A_139 = tpu.memref_slice %arg2[%dma_wait3A_137, %dma_wait3A_138] : memref<100000x32xf32, #tpu.memory_space<hbm>> -> memref<100000x32xf32, #tpu.memory_space<hbm>>
      tpu.wait_indirect_dma semaphore(%arg19 : memref<!tpu.dma_semaphore, #tpu.memory_space<semaphore_mem>>) src(%dma_wait3A_139 : memref<100000x32xf32, #tpu.memory_space<hbm>>) dst(%arg14 : memref<128x32xf32, #tpu.memory_space<vmem>>)
      %run_scoped3A = arith.constant 0 : i32
      "tpu.region"() ({
        %run_scoped3A_579 = tpu.sem_alloc : memref<!tpu.dma_semaphore, #tpu.memory_space<semaphore_mem>>
        %dma_start3A_580 = arith.constant 0 : i32
        %dma_start3A_581 = tpu.memref_slice %arg12[%run_scoped3A, %dma_start3A_580] : memref<14x128xi32, #tpu.memory_space<vmem>> -> memref<1x128xi32, #tpu.memory_space<vmem>>
        %dma_start3A_582 = tpu.memref_squeeze %dma_start3A_581 : memref<1x128xi32, #tpu.memory_space<vmem>> -> memref<128xi32, #tpu.memory_space<vmem>>
        %dma_start3A_583 = arith.constant 0 : i32
        %dma_start3A_584 = arith.constant 0 : i32
        %dma_start3A_585 = tpu.memref_slice %arg18[%dma_start3A_583, %dma_start3A_584] : memref<51200x32xf32, #tpu.memory_space<vmem_shared>> -> memref<51200x32xf32, #tpu.memory_space<vmem_shared>>
        tpu.enqueue_indirect_dma source(%arg14 : memref<128x32xf32, #tpu.memory_space<vmem>>) target(%dma_start3A_585 : memref<51200x32xf32, #tpu.memory_space<vmem_shared>>) offsets(%dma_start3A_582 : memref<128xi32, #tpu.memory_space<vmem>>) semaphore(%run_scoped3A_579 : memref<!tpu.dma_semaphore, #tpu.memory_space<semaphore_mem>>) {add = true}
        %dma_wait3A_586 = arith.constant 0 : i32
        %dma_wait3A_587 = tpu.memref_slice %arg12[%run_scoped3A, %dma_wait3A_586] : memref<14x128xi32, #tpu.memory_space<vmem>> -> memref<1x128xi32, #tpu.memory_space<vmem>>
        %dma_wait3A_588 = tpu.memref_squeeze %dma_wait3A_587 : memref<1x128xi32, #tpu.memory_space<vmem>> -> memref<128xi32, #tpu.memory_space<vmem>>
        %dma_wait3A_589 = arith.constant 0 : i32
        %dma_wait3A_590 = arith.constant 0 : i32
        %dma_wait3A_591 = tpu.memref_slice %arg18[%dma_wait3A_589, %dma_wait3A_590] : memref<51200x32xf32, #tpu.memory_space<vmem_shared>> -> memref<51200x32xf32, #tpu.memory_space<vmem_shared>>
        tpu.wait_indirect_dma semaphore(%run_scoped3A_579 : memref<!tpu.dma_semaphore, #tpu.memory_space<semaphore_mem>>) src(%arg14 : memref<128x32xf32, #tpu.memory_space<vmem>>) dst(%dma_wait3A_591 : memref<51200x32xf32, #tpu.memory_space<vmem_shared>>)
        tpu.yield
      }) : () -> ()
      %dma_start3A_140 = arith.constant 4 : i32
      %dma_start3A_141 = arith.constant 0 : i32
      %dma_start3A_142 = tpu.memref_slice %arg10[%dma_start3A_140, %dma_start3A_141] : memref<14x128xi32, #tpu.memory_space<vmem>> -> memref<1x128xi32, #tpu.memory_space<vmem>>
      %dma_start3A_143 = tpu.memref_squeeze %dma_start3A_142 : memref<1x128xi32, #tpu.memory_space<vmem>> -> memref<128xi32, #tpu.memory_space<vmem>>
      %dma_start3A_144 = arith.constant 0 : i32
      %dma_start3A_145 = arith.constant 0 : i32
      %dma_start3A_146 = tpu.memref_slice %arg2[%dma_start3A_144, %dma_start3A_145] : memref<100000x32xf32, #tpu.memory_space<hbm>> -> memref<100000x32xf32, #tpu.memory_space<hbm>>
      tpu.enqueue_indirect_dma source(%dma_start3A_146 : memref<100000x32xf32, #tpu.memory_space<hbm>>) target(%arg14 : memref<128x32xf32, #tpu.memory_space<vmem>>) offsets(%dma_start3A_143 : memref<128xi32, #tpu.memory_space<vmem>>) semaphore(%arg19 : memref<!tpu.dma_semaphore, #tpu.memory_space<semaphore_mem>>)
      %dma_wait3A_147 = arith.constant 1 : i32
      %dma_wait3A_148 = arith.constant 0 : i32
      %dma_wait3A_149 = tpu.memref_slice %arg10[%dma_wait3A_147, %dma_wait3A_148] : memref<14x128xi32, #tpu.memory_space<vmem>> -> memref<1x128xi32, #tpu.memory_space<vmem>>
      %dma_wait3A_150 = tpu.memref_squeeze %dma_wait3A_149 : memref<1x128xi32, #tpu.memory_space<vmem>> -> memref<128xi32, #tpu.memory_space<vmem>>
      %dma_wait3A_151 = arith.constant 0 : i32
      %dma_wait3A_152 = arith.constant 0 : i32
      %dma_wait3A_153 = tpu.memref_slice %arg2[%dma_wait3A_151, %dma_wait3A_152] : memref<100000x32xf32, #tpu.memory_space<hbm>> -> memref<100000x32xf32, #tpu.memory_space<hbm>>
      tpu.wait_indirect_dma semaphore(%arg20 : memref<!tpu.dma_semaphore, #tpu.memory_space<semaphore_mem>>) src(%dma_wait3A_153 : memref<100000x32xf32, #tpu.memory_space<hbm>>) dst(%arg15 : memref<128x32xf32, #tpu.memory_space<vmem>>)
      %run_scoped3A_154 = arith.constant 1 : i32
      "tpu.region"() ({
        %run_scoped3A_579 = tpu.sem_alloc : memref<!tpu.dma_semaphore, #tpu.memory_space<semaphore_mem>>
        %dma_start3A_580 = arith.constant 0 : i32
        %dma_start3A_581 = tpu.memref_slice %arg12[%run_scoped3A_154, %dma_start3A_580] : memref<14x128xi32, #tpu.memory_space<vmem>> -> memref<1x128xi32, #tpu.memory_space<vmem>>
        %dma_start3A_582 = tpu.memref_squeeze %dma_start3A_581 : memref<1x128xi32, #tpu.memory_space<vmem>> -> memref<128xi32, #tpu.memory_space<vmem>>
        %dma_start3A_583 = arith.constant 0 : i32
        %dma_start3A_584 = arith.constant 0 : i32
        %dma_start3A_585 = tpu.memref_slice %arg18[%dma_start3A_583, %dma_start3A_584] : memref<51200x32xf32, #tpu.memory_space<vmem_shared>> -> memref<51200x32xf32, #tpu.memory_space<vmem_shared>>
        tpu.enqueue_indirect_dma source(%arg15 : memref<128x32xf32, #tpu.memory_space<vmem>>) target(%dma_start3A_585 : memref<51200x32xf32, #tpu.memory_space<vmem_shared>>) offsets(%dma_start3A_582 : memref<128xi32, #tpu.memory_space<vmem>>) semaphore(%run_scoped3A_579 : memref<!tpu.dma_semaphore, #tpu.memory_space<semaphore_mem>>) {add = true}
        %dma_wait3A_586 = arith.constant 0 : i32
        %dma_wait3A_587 = tpu.memref_slice %arg12[%run_scoped3A_154, %dma_wait3A_586] : memref<14x128xi32, #tpu.memory_space<vmem>> -> memref<1x128xi32, #tpu.memory_space<vmem>>
        %dma_wait3A_588 = tpu.memref_squeeze %dma_wait3A_587 : memref<1x128xi32, #tpu.memory_space<vmem>> -> memref<128xi32, #tpu.memory_space<vmem>>
        %dma_wait3A_589 = arith.constant 0 : i32
        %dma_wait3A_590 = arith.constant 0 : i32
        %dma_wait3A_591 = tpu.memref_slice %arg18[%dma_wait3A_589, %dma_wait3A_590] : memref<51200x32xf32, #tpu.memory_space<vmem_shared>> -> memref<51200x32xf32, #tpu.memory_space<vmem_shared>>
        tpu.wait_indirect_dma semaphore(%run_scoped3A_579 : memref<!tpu.dma_semaphore, #tpu.memory_space<semaphore_mem>>) src(%arg15 : memref<128x32xf32, #tpu.memory_space<vmem>>) dst(%dma_wait3A_591 : memref<51200x32xf32, #tpu.memory_space<vmem_shared>>)
        tpu.yield
      }) : () -> ()
      %dma_start3A_155 = arith.constant 5 : i32
      %dma_start3A_156 = arith.constant 0 : i32
      %dma_start3A_157 = tpu.memref_slice %arg10[%dma_start3A_155, %dma_start3A_156] : memref<14x128xi32, #tpu.memory_space<vmem>> -> memref<1x128xi32, #tpu.memory_space<vmem>>
      %dma_start3A_158 = tpu.memref_squeeze %dma_start3A_157 : memref<1x128xi32, #tpu.memory_space<vmem>> -> memref<128xi32, #tpu.memory_space<vmem>>
      %dma_start3A_159 = arith.constant 0 : i32
      %dma_start3A_160 = arith.constant 0 : i32
      %dma_start3A_161 = tpu.memref_slice %arg2[%dma_start3A_159, %dma_start3A_160] : memref<100000x32xf32, #tpu.memory_space<hbm>> -> memref<100000x32xf32, #tpu.memory_space<hbm>>
      tpu.enqueue_indirect_dma source(%dma_start3A_161 : memref<100000x32xf32, #tpu.memory_space<hbm>>) target(%arg15 : memref<128x32xf32, #tpu.memory_space<vmem>>) offsets(%dma_start3A_158 : memref<128xi32, #tpu.memory_space<vmem>>) semaphore(%arg20 : memref<!tpu.dma_semaphore, #tpu.memory_space<semaphore_mem>>)
      %dma_wait3A_162 = arith.constant 2 : i32
      %dma_wait3A_163 = arith.constant 0 : i32
      %dma_wait3A_164 = tpu.memref_slice %arg10[%dma_wait3A_162, %dma_wait3A_163] : memref<14x128xi32, #tpu.memory_space<vmem>> -> memref<1x128xi32, #tpu.memory_space<vmem>>
      %dma_wait3A_165 = tpu.memref_squeeze %dma_wait3A_164 : memref<1x128xi32, #tpu.memory_space<vmem>> -> memref<128xi32, #tpu.memory_space<vmem>>
      %dma_wait3A_166 = arith.constant 0 : i32
      %dma_wait3A_167 = arith.constant 0 : i32
      %dma_wait3A_168 = tpu.memref_slice %arg2[%dma_wait3A_166, %dma_wait3A_167] : memref<100000x32xf32, #tpu.memory_space<hbm>> -> memref<100000x32xf32, #tpu.memory_space<hbm>>
      tpu.wait_indirect_dma semaphore(%arg21 : memref<!tpu.dma_semaphore, #tpu.memory_space<semaphore_mem>>) src(%dma_wait3A_168 : memref<100000x32xf32, #tpu.memory_space<hbm>>) dst(%arg16 : memref<128x32xf32, #tpu.memory_space<vmem>>)
      %run_scoped3A_169 = arith.constant 2 : i32
      "tpu.region"() ({
        %run_scoped3A_579 = tpu.sem_alloc : memref<!tpu.dma_semaphore, #tpu.memory_space<semaphore_mem>>
        %dma_start3A_580 = arith.constant 0 : i32
        %dma_start3A_581 = tpu.memref_slice %arg12[%run_scoped3A_169, %dma_start3A_580] : memref<14x128xi32, #tpu.memory_space<vmem>> -> memref<1x128xi32, #tpu.memory_space<vmem>>
        %dma_start3A_582 = tpu.memref_squeeze %dma_start3A_581 : memref<1x128xi32, #tpu.memory_space<vmem>> -> memref<128xi32, #tpu.memory_space<vmem>>
        %dma_start3A_583 = arith.constant 0 : i32
        %dma_start3A_584 = arith.constant 0 : i32
        %dma_start3A_585 = tpu.memref_slice %arg18[%dma_start3A_583, %dma_start3A_584] : memref<51200x32xf32, #tpu.memory_space<vmem_shared>> -> memref<51200x32xf32, #tpu.memory_space<vmem_shared>>
        tpu.enqueue_indirect_dma source(%arg16 : memref<128x32xf32, #tpu.memory_space<vmem>>) target(%dma_start3A_585 : memref<51200x32xf32, #tpu.memory_space<vmem_shared>>) offsets(%dma_start3A_582 : memref<128xi32, #tpu.memory_space<vmem>>) semaphore(%run_scoped3A_579 : memref<!tpu.dma_semaphore, #tpu.memory_space<semaphore_mem>>) {add = true}
        %dma_wait3A_586 = arith.constant 0 : i32
        %dma_wait3A_587 = tpu.memref_slice %arg12[%run_scoped3A_169, %dma_wait3A_586] : memref<14x128xi32, #tpu.memory_space<vmem>> -> memref<1x128xi32, #tpu.memory_space<vmem>>
        %dma_wait3A_588 = tpu.memref_squeeze %dma_wait3A_587 : memref<1x128xi32, #tpu.memory_space<vmem>> -> memref<128xi32, #tpu.memory_space<vmem>>
        %dma_wait3A_589 = arith.constant 0 : i32
        %dma_wait3A_590 = arith.constant 0 : i32
        %dma_wait3A_591 = tpu.memref_slice %arg18[%dma_wait3A_589, %dma_wait3A_590] : memref<51200x32xf32, #tpu.memory_space<vmem_shared>> -> memref<51200x32xf32, #tpu.memory_space<vmem_shared>>
        tpu.wait_indirect_dma semaphore(%run_scoped3A_579 : memref<!tpu.dma_semaphore, #tpu.memory_space<semaphore_mem>>) src(%arg16 : memref<128x32xf32, #tpu.memory_space<vmem>>) dst(%dma_wait3A_591 : memref<51200x32xf32, #tpu.memory_space<vmem_shared>>)
        tpu.yield
      }) : () -> ()
      %dma_start3A_170 = arith.constant 6 : i32
      %dma_start3A_171 = arith.constant 0 : i32
      %dma_start3A_172 = tpu.memref_slice %arg10[%dma_start3A_170, %dma_start3A_171] : memref<14x128xi32, #tpu.memory_space<vmem>> -> memref<1x128xi32, #tpu.memory_space<vmem>>
      %dma_start3A_173 = tpu.memref_squeeze %dma_start3A_172 : memref<1x128xi32, #tpu.memory_space<vmem>> -> memref<128xi32, #tpu.memory_space<vmem>>
      %dma_start3A_174 = arith.constant 0 : i32
      %dma_start3A_175 = arith.constant 0 : i32
      %dma_start3A_176 = tpu.memref_slice %arg2[%dma_start3A_174, %dma_start3A_175] : memref<100000x32xf32, #tpu.memory_space<hbm>> -> memref<100000x32xf32, #tpu.memory_space<hbm>>
      tpu.enqueue_indirect_dma source(%dma_start3A_176 : memref<100000x32xf32, #tpu.memory_space<hbm>>) target(%arg16 : memref<128x32xf32, #tpu.memory_space<vmem>>) offsets(%dma_start3A_173 : memref<128xi32, #tpu.memory_space<vmem>>) semaphore(%arg21 : memref<!tpu.dma_semaphore, #tpu.memory_space<semaphore_mem>>)
      %dma_wait3A_177 = arith.constant 3 : i32
      %dma_wait3A_178 = arith.constant 0 : i32
      %dma_wait3A_179 = tpu.memref_slice %arg10[%dma_wait3A_177, %dma_wait3A_178] : memref<14x128xi32, #tpu.memory_space<vmem>> -> memref<1x128xi32, #tpu.memory_space<vmem>>
      %dma_wait3A_180 = tpu.memref_squeeze %dma_wait3A_179 : memref<1x128xi32, #tpu.memory_space<vmem>> -> memref<128xi32, #tpu.memory_space<vmem>>
      %dma_wait3A_181 = arith.constant 0 : i32
      %dma_wait3A_182 = arith.constant 0 : i32
      %dma_wait3A_183 = tpu.memref_slice %arg2[%dma_wait3A_181, %dma_wait3A_182] : memref<100000x32xf32, #tpu.memory_space<hbm>> -> memref<100000x32xf32, #tpu.memory_space<hbm>>
      tpu.wait_indirect_dma semaphore(%arg22 : memref<!tpu.dma_semaphore, #tpu.memory_space<semaphore_mem>>) src(%dma_wait3A_183 : memref<100000x32xf32, #tpu.memory_space<hbm>>) dst(%arg17 : memref<128x32xf32, #tpu.memory_space<vmem>>)
      %run_scoped3A_184 = arith.constant 3 : i32
      "tpu.region"() ({
        %run_scoped3A_579 = tpu.sem_alloc : memref<!tpu.dma_semaphore, #tpu.memory_space<semaphore_mem>>
        %dma_start3A_580 = arith.constant 0 : i32
        %dma_start3A_581 = tpu.memref_slice %arg12[%run_scoped3A_184, %dma_start3A_580] : memref<14x128xi32, #tpu.memory_space<vmem>> -> memref<1x128xi32, #tpu.memory_space<vmem>>
        %dma_start3A_582 = tpu.memref_squeeze %dma_start3A_581 : memref<1x128xi32, #tpu.memory_space<vmem>> -> memref<128xi32, #tpu.memory_space<vmem>>
        %dma_start3A_583 = arith.constant 0 : i32
        %dma_start3A_584 = arith.constant 0 : i32
        %dma_start3A_585 = tpu.memref_slice %arg18[%dma_start3A_583, %dma_start3A_584] : memref<51200x32xf32, #tpu.memory_space<vmem_shared>> -> memref<51200x32xf32, #tpu.memory_space<vmem_shared>>
        tpu.enqueue_indirect_dma source(%arg17 : memref<128x32xf32, #tpu.memory_space<vmem>>) target(%dma_start3A_585 : memref<51200x32xf32, #tpu.memory_space<vmem_shared>>) offsets(%dma_start3A_582 : memref<128xi32, #tpu.memory_space<vmem>>) semaphore(%run_scoped3A_579 : memref<!tpu.dma_semaphore, #tpu.memory_space<semaphore_mem>>) {add = true}
        %dma_wait3A_586 = arith.constant 0 : i32
        %dma_wait3A_587 = tpu.memref_slice %arg12[%run_scoped3A_184, %dma_wait3A_586] : memref<14x128xi32, #tpu.memory_space<vmem>> -> memref<1x128xi32, #tpu.memory_space<vmem>>
        %dma_wait3A_588 = tpu.memref_squeeze %dma_wait3A_587 : memref<1x128xi32, #tpu.memory_space<vmem>> -> memref<128xi32, #tpu.memory_space<vmem>>
        %dma_wait3A_589 = arith.constant 0 : i32
        %dma_wait3A_590 = arith.constant 0 : i32
        %dma_wait3A_591 = tpu.memref_slice %arg18[%dma_wait3A_589, %dma_wait3A_590] : memref<51200x32xf32, #tpu.memory_space<vmem_shared>> -> memref<51200x32xf32, #tpu.memory_space<vmem_shared>>
        tpu.wait_indirect_dma semaphore(%run_scoped3A_579 : memref<!tpu.dma_semaphore, #tpu.memory_space<semaphore_mem>>) src(%arg17 : memref<128x32xf32, #tpu.memory_space<vmem>>) dst(%dma_wait3A_591 : memref<51200x32xf32, #tpu.memory_space<vmem_shared>>)
        tpu.yield
      }) : () -> ()
      %dma_start3A_185 = arith.constant 7 : i32
      %dma_start3A_186 = arith.constant 0 : i32
      %dma_start3A_187 = tpu.memref_slice %arg10[%dma_start3A_185, %dma_start3A_186] : memref<14x128xi32, #tpu.memory_space<vmem>> -> memref<1x128xi32, #tpu.memory_space<vmem>>
      %dma_start3A_188 = tpu.memref_squeeze %dma_start3A_187 : memref<1x128xi32, #tpu.memory_space<vmem>> -> memref<128xi32, #tpu.memory_space<vmem>>
      %dma_start3A_189 = arith.constant 0 : i32
      %dma_start3A_190 = arith.constant 0 : i32
      %dma_start3A_191 = tpu.memref_slice %arg2[%dma_start3A_189, %dma_start3A_190] : memref<100000x32xf32, #tpu.memory_space<hbm>> -> memref<100000x32xf32, #tpu.memory_space<hbm>>
      tpu.enqueue_indirect_dma source(%dma_start3A_191 : memref<100000x32xf32, #tpu.memory_space<hbm>>) target(%arg17 : memref<128x32xf32, #tpu.memory_space<vmem>>) offsets(%dma_start3A_188 : memref<128xi32, #tpu.memory_space<vmem>>) semaphore(%arg22 : memref<!tpu.dma_semaphore, #tpu.memory_space<semaphore_mem>>)
      %dma_wait3A_192 = arith.constant 4 : i32
      %dma_wait3A_193 = arith.constant 0 : i32
      %dma_wait3A_194 = tpu.memref_slice %arg10[%dma_wait3A_192, %dma_wait3A_193] : memref<14x128xi32, #tpu.memory_space<vmem>> -> memref<1x128xi32, #tpu.memory_space<vmem>>
      %dma_wait3A_195 = tpu.memref_squeeze %dma_wait3A_194 : memref<1x128xi32, #tpu.memory_space<vmem>> -> memref<128xi32, #tpu.memory_space<vmem>>
      %dma_wait3A_196 = arith.constant 0 : i32
      %dma_wait3A_197 = arith.constant 0 : i32
      %dma_wait3A_198 = tpu.memref_slice %arg2[%dma_wait3A_196, %dma_wait3A_197] : memref<100000x32xf32, #tpu.memory_space<hbm>> -> memref<100000x32xf32, #tpu.memory_space<hbm>>
      tpu.wait_indirect_dma semaphore(%arg19 : memref<!tpu.dma_semaphore, #tpu.memory_space<semaphore_mem>>) src(%dma_wait3A_198 : memref<100000x32xf32, #tpu.memory_space<hbm>>) dst(%arg14 : memref<128x32xf32, #tpu.memory_space<vmem>>)
      %run_scoped3A_199 = arith.constant 4 : i32
      "tpu.region"() ({
        %run_scoped3A_579 = tpu.sem_alloc : memref<!tpu.dma_semaphore, #tpu.memory_space<semaphore_mem>>
        %dma_start3A_580 = arith.constant 0 : i32
        %dma_start3A_581 = tpu.memref_slice %arg12[%run_scoped3A_199, %dma_start3A_580] : memref<14x128xi32, #tpu.memory_space<vmem>> -> memref<1x128xi32, #tpu.memory_space<vmem>>
        %dma_start3A_582 = tpu.memref_squeeze %dma_start3A_581 : memref<1x128xi32, #tpu.memory_space<vmem>> -> memref<128xi32, #tpu.memory_space<vmem>>
        %dma_start3A_583 = arith.constant 0 : i32
        %dma_start3A_584 = arith.constant 0 : i32
        %dma_start3A_585 = tpu.memref_slice %arg18[%dma_start3A_583, %dma_start3A_584] : memref<51200x32xf32, #tpu.memory_space<vmem_shared>> -> memref<51200x32xf32, #tpu.memory_space<vmem_shared>>
        tpu.enqueue_indirect_dma source(%arg14 : memref<128x32xf32, #tpu.memory_space<vmem>>) target(%dma_start3A_585 : memref<51200x32xf32, #tpu.memory_space<vmem_shared>>) offsets(%dma_start3A_582 : memref<128xi32, #tpu.memory_space<vmem>>) semaphore(%run_scoped3A_579 : memref<!tpu.dma_semaphore, #tpu.memory_space<semaphore_mem>>) {add = true}
        %dma_wait3A_586 = arith.constant 0 : i32
        %dma_wait3A_587 = tpu.memref_slice %arg12[%run_scoped3A_199, %dma_wait3A_586] : memref<14x128xi32, #tpu.memory_space<vmem>> -> memref<1x128xi32, #tpu.memory_space<vmem>>
        %dma_wait3A_588 = tpu.memref_squeeze %dma_wait3A_587 : memref<1x128xi32, #tpu.memory_space<vmem>> -> memref<128xi32, #tpu.memory_space<vmem>>
        %dma_wait3A_589 = arith.constant 0 : i32
        %dma_wait3A_590 = arith.constant 0 : i32
        %dma_wait3A_591 = tpu.memref_slice %arg18[%dma_wait3A_589, %dma_wait3A_590] : memref<51200x32xf32, #tpu.memory_space<vmem_shared>> -> memref<51200x32xf32, #tpu.memory_space<vmem_shared>>
        tpu.wait_indirect_dma semaphore(%run_scoped3A_579 : memref<!tpu.dma_semaphore, #tpu.memory_space<semaphore_mem>>) src(%arg14 : memref<128x32xf32, #tpu.memory_space<vmem>>) dst(%dma_wait3A_591 : memref<51200x32xf32, #tpu.memory_space<vmem_shared>>)
        tpu.yield
      }) : () -> ()
      %dma_start3A_200 = arith.constant 8 : i32
      %dma_start3A_201 = arith.constant 0 : i32
      %dma_start3A_202 = tpu.memref_slice %arg10[%dma_start3A_200, %dma_start3A_201] : memref<14x128xi32, #tpu.memory_space<vmem>> -> memref<1x128xi32, #tpu.memory_space<vmem>>
      %dma_start3A_203 = tpu.memref_squeeze %dma_start3A_202 : memref<1x128xi32, #tpu.memory_space<vmem>> -> memref<128xi32, #tpu.memory_space<vmem>>
      %dma_start3A_204 = arith.constant 0 : i32
      %dma_start3A_205 = arith.constant 0 : i32
      %dma_start3A_206 = tpu.memref_slice %arg2[%dma_start3A_204, %dma_start3A_205] : memref<100000x32xf32, #tpu.memory_space<hbm>> -> memref<100000x32xf32, #tpu.memory_space<hbm>>
      tpu.enqueue_indirect_dma source(%dma_start3A_206 : memref<100000x32xf32, #tpu.memory_space<hbm>>) target(%arg14 : memref<128x32xf32, #tpu.memory_space<vmem>>) offsets(%dma_start3A_203 : memref<128xi32, #tpu.memory_space<vmem>>) semaphore(%arg19 : memref<!tpu.dma_semaphore, #tpu.memory_space<semaphore_mem>>)
      %dma_wait3A_207 = arith.constant 5 : i32
      %dma_wait3A_208 = arith.constant 0 : i32
      %dma_wait3A_209 = tpu.memref_slice %arg10[%dma_wait3A_207, %dma_wait3A_208] : memref<14x128xi32, #tpu.memory_space<vmem>> -> memref<1x128xi32, #tpu.memory_space<vmem>>
      %dma_wait3A_210 = tpu.memref_squeeze %dma_wait3A_209 : memref<1x128xi32, #tpu.memory_space<vmem>> -> memref<128xi32, #tpu.memory_space<vmem>>
      %dma_wait3A_211 = arith.constant 0 : i32
      %dma_wait3A_212 = arith.constant 0 : i32
      %dma_wait3A_213 = tpu.memref_slice %arg2[%dma_wait3A_211, %dma_wait3A_212] : memref<100000x32xf32, #tpu.memory_space<hbm>> -> memref<100000x32xf32, #tpu.memory_space<hbm>>
      tpu.wait_indirect_dma semaphore(%arg20 : memref<!tpu.dma_semaphore, #tpu.memory_space<semaphore_mem>>) src(%dma_wait3A_213 : memref<100000x32xf32, #tpu.memory_space<hbm>>) dst(%arg15 : memref<128x32xf32, #tpu.memory_space<vmem>>)
      %run_scoped3A_214 = arith.constant 5 : i32
      "tpu.region"() ({
        %run_scoped3A_579 = tpu.sem_alloc : memref<!tpu.dma_semaphore, #tpu.memory_space<semaphore_mem>>
        %dma_start3A_580 = arith.constant 0 : i32
        %dma_start3A_581 = tpu.memref_slice %arg12[%run_scoped3A_214, %dma_start3A_580] : memref<14x128xi32, #tpu.memory_space<vmem>> -> memref<1x128xi32, #tpu.memory_space<vmem>>
        %dma_start3A_582 = tpu.memref_squeeze %dma_start3A_581 : memref<1x128xi32, #tpu.memory_space<vmem>> -> memref<128xi32, #tpu.memory_space<vmem>>
        %dma_start3A_583 = arith.constant 0 : i32
        %dma_start3A_584 = arith.constant 0 : i32
        %dma_start3A_585 = tpu.memref_slice %arg18[%dma_start3A_583, %dma_start3A_584] : memref<51200x32xf32, #tpu.memory_space<vmem_shared>> -> memref<51200x32xf32, #tpu.memory_space<vmem_shared>>
        tpu.enqueue_indirect_dma source(%arg15 : memref<128x32xf32, #tpu.memory_space<vmem>>) target(%dma_start3A_585 : memref<51200x32xf32, #tpu.memory_space<vmem_shared>>) offsets(%dma_start3A_582 : memref<128xi32, #tpu.memory_space<vmem>>) semaphore(%run_scoped3A_579 : memref<!tpu.dma_semaphore, #tpu.memory_space<semaphore_mem>>) {add = true}
        %dma_wait3A_586 = arith.constant 0 : i32
        %dma_wait3A_587 = tpu.memref_slice %arg12[%run_scoped3A_214, %dma_wait3A_586] : memref<14x128xi32, #tpu.memory_space<vmem>> -> memref<1x128xi32, #tpu.memory_space<vmem>>
        %dma_wait3A_588 = tpu.memref_squeeze %dma_wait3A_587 : memref<1x128xi32, #tpu.memory_space<vmem>> -> memref<128xi32, #tpu.memory_space<vmem>>
        %dma_wait3A_589 = arith.constant 0 : i32
        %dma_wait3A_590 = arith.constant 0 : i32
        %dma_wait3A_591 = tpu.memref_slice %arg18[%dma_wait3A_589, %dma_wait3A_590] : memref<51200x32xf32, #tpu.memory_space<vmem_shared>> -> memref<51200x32xf32, #tpu.memory_space<vmem_shared>>
        tpu.wait_indirect_dma semaphore(%run_scoped3A_579 : memref<!tpu.dma_semaphore, #tpu.memory_space<semaphore_mem>>) src(%arg15 : memref<128x32xf32, #tpu.memory_space<vmem>>) dst(%dma_wait3A_591 : memref<51200x32xf32, #tpu.memory_space<vmem_shared>>)
        tpu.yield
      }) : () -> ()
      %dma_start3A_215 = arith.constant 9 : i32
      %dma_start3A_216 = arith.constant 0 : i32
      %dma_start3A_217 = tpu.memref_slice %arg10[%dma_start3A_215, %dma_start3A_216] : memref<14x128xi32, #tpu.memory_space<vmem>> -> memref<1x128xi32, #tpu.memory_space<vmem>>
      %dma_start3A_218 = tpu.memref_squeeze %dma_start3A_217 : memref<1x128xi32, #tpu.memory_space<vmem>> -> memref<128xi32, #tpu.memory_space<vmem>>
      %dma_start3A_219 = arith.constant 0 : i32
      %dma_start3A_220 = arith.constant 0 : i32
      %dma_start3A_221 = tpu.memref_slice %arg2[%dma_start3A_219, %dma_start3A_220] : memref<100000x32xf32, #tpu.memory_space<hbm>> -> memref<100000x32xf32, #tpu.memory_space<hbm>>
      tpu.enqueue_indirect_dma source(%dma_start3A_221 : memref<100000x32xf32, #tpu.memory_space<hbm>>) target(%arg15 : memref<128x32xf32, #tpu.memory_space<vmem>>) offsets(%dma_start3A_218 : memref<128xi32, #tpu.memory_space<vmem>>) semaphore(%arg20 : memref<!tpu.dma_semaphore, #tpu.memory_space<semaphore_mem>>)
      %dma_wait3A_222 = arith.constant 6 : i32
      %dma_wait3A_223 = arith.constant 0 : i32
      %dma_wait3A_224 = tpu.memref_slice %arg10[%dma_wait3A_222, %dma_wait3A_223] : memref<14x128xi32, #tpu.memory_space<vmem>> -> memref<1x128xi32, #tpu.memory_space<vmem>>
      %dma_wait3A_225 = tpu.memref_squeeze %dma_wait3A_224 : memref<1x128xi32, #tpu.memory_space<vmem>> -> memref<128xi32, #tpu.memory_space<vmem>>
      %dma_wait3A_226 = arith.constant 0 : i32
      %dma_wait3A_227 = arith.constant 0 : i32
      %dma_wait3A_228 = tpu.memref_slice %arg2[%dma_wait3A_226, %dma_wait3A_227] : memref<100000x32xf32, #tpu.memory_space<hbm>> -> memref<100000x32xf32, #tpu.memory_space<hbm>>
      tpu.wait_indirect_dma semaphore(%arg21 : memref<!tpu.dma_semaphore, #tpu.memory_space<semaphore_mem>>) src(%dma_wait3A_228 : memref<100000x32xf32, #tpu.memory_space<hbm>>) dst(%arg16 : memref<128x32xf32, #tpu.memory_space<vmem>>)
      %run_scoped3A_229 = arith.constant 6 : i32
      "tpu.region"() ({
        %run_scoped3A_579 = tpu.sem_alloc : memref<!tpu.dma_semaphore, #tpu.memory_space<semaphore_mem>>
        %dma_start3A_580 = arith.constant 0 : i32
        %dma_start3A_581 = tpu.memref_slice %arg12[%run_scoped3A_229, %dma_start3A_580] : memref<14x128xi32, #tpu.memory_space<vmem>> -> memref<1x128xi32, #tpu.memory_space<vmem>>
        %dma_start3A_582 = tpu.memref_squeeze %dma_start3A_581 : memref<1x128xi32, #tpu.memory_space<vmem>> -> memref<128xi32, #tpu.memory_space<vmem>>
        %dma_start3A_583 = arith.constant 0 : i32
        %dma_start3A_584 = arith.constant 0 : i32
        %dma_start3A_585 = tpu.memref_slice %arg18[%dma_start3A_583, %dma_start3A_584] : memref<51200x32xf32, #tpu.memory_space<vmem_shared>> -> memref<51200x32xf32, #tpu.memory_space<vmem_shared>>
        tpu.enqueue_indirect_dma source(%arg16 : memref<128x32xf32, #tpu.memory_space<vmem>>) target(%dma_start3A_585 : memref<51200x32xf32, #tpu.memory_space<vmem_shared>>) offsets(%dma_start3A_582 : memref<128xi32, #tpu.memory_space<vmem>>) semaphore(%run_scoped3A_579 : memref<!tpu.dma_semaphore, #tpu.memory_space<semaphore_mem>>) {add = true}
        %dma_wait3A_586 = arith.constant 0 : i32
        %dma_wait3A_587 = tpu.memref_slice %arg12[%run_scoped3A_229, %dma_wait3A_586] : memref<14x128xi32, #tpu.memory_space<vmem>> -> memref<1x128xi32, #tpu.memory_space<vmem>>
        %dma_wait3A_588 = tpu.memref_squeeze %dma_wait3A_587 : memref<1x128xi32, #tpu.memory_space<vmem>> -> memref<128xi32, #tpu.memory_space<vmem>>
        %dma_wait3A_589 = arith.constant 0 : i32
        %dma_wait3A_590 = arith.constant 0 : i32
        %dma_wait3A_591 = tpu.memref_slice %arg18[%dma_wait3A_589, %dma_wait3A_590] : memref<51200x32xf32, #tpu.memory_space<vmem_shared>> -> memref<51200x32xf32, #tpu.memory_space<vmem_shared>>
        tpu.wait_indirect_dma semaphore(%run_scoped3A_579 : memref<!tpu.dma_semaphore, #tpu.memory_space<semaphore_mem>>) src(%arg16 : memref<128x32xf32, #tpu.memory_space<vmem>>) dst(%dma_wait3A_591 : memref<51200x32xf32, #tpu.memory_space<vmem_shared>>)
        tpu.yield
      }) : () -> ()
      %dma_start3A_230 = arith.constant 10 : i32
      %dma_start3A_231 = arith.constant 0 : i32
      %dma_start3A_232 = tpu.memref_slice %arg10[%dma_start3A_230, %dma_start3A_231] : memref<14x128xi32, #tpu.memory_space<vmem>> -> memref<1x128xi32, #tpu.memory_space<vmem>>
      %dma_start3A_233 = tpu.memref_squeeze %dma_start3A_232 : memref<1x128xi32, #tpu.memory_space<vmem>> -> memref<128xi32, #tpu.memory_space<vmem>>
      %dma_start3A_234 = arith.constant 0 : i32
      %dma_start3A_235 = arith.constant 0 : i32
      %dma_start3A_236 = tpu.memref_slice %arg2[%dma_start3A_234, %dma_start3A_235] : memref<100000x32xf32, #tpu.memory_space<hbm>> -> memref<100000x32xf32, #tpu.memory_space<hbm>>
      tpu.enqueue_indirect_dma source(%dma_start3A_236 : memref<100000x32xf32, #tpu.memory_space<hbm>>) target(%arg16 : memref<128x32xf32, #tpu.memory_space<vmem>>) offsets(%dma_start3A_233 : memref<128xi32, #tpu.memory_space<vmem>>) semaphore(%arg21 : memref<!tpu.dma_semaphore, #tpu.memory_space<semaphore_mem>>)
      %dma_wait3A_237 = arith.constant 7 : i32
      %dma_wait3A_238 = arith.constant 0 : i32
      %dma_wait3A_239 = tpu.memref_slice %arg10[%dma_wait3A_237, %dma_wait3A_238] : memref<14x128xi32, #tpu.memory_space<vmem>> -> memref<1x128xi32, #tpu.memory_space<vmem>>
      %dma_wait3A_240 = tpu.memref_squeeze %dma_wait3A_239 : memref<1x128xi32, #tpu.memory_space<vmem>> -> memref<128xi32, #tpu.memory_space<vmem>>
      %dma_wait3A_241 = arith.constant 0 : i32
      %dma_wait3A_242 = arith.constant 0 : i32
      %dma_wait3A_243 = tpu.memref_slice %arg2[%dma_wait3A_241, %dma_wait3A_242] : memref<100000x32xf32, #tpu.memory_space<hbm>> -> memref<100000x32xf32, #tpu.memory_space<hbm>>
      tpu.wait_indirect_dma semaphore(%arg22 : memref<!tpu.dma_semaphore, #tpu.memory_space<semaphore_mem>>) src(%dma_wait3A_243 : memref<100000x32xf32, #tpu.memory_space<hbm>>) dst(%arg17 : memref<128x32xf32, #tpu.memory_space<vmem>>)
      %run_scoped3A_244 = arith.constant 7 : i32
      "tpu.region"() ({
        %run_scoped3A_579 = tpu.sem_alloc : memref<!tpu.dma_semaphore, #tpu.memory_space<semaphore_mem>>
        %dma_start3A_580 = arith.constant 0 : i32
        %dma_start3A_581 = tpu.memref_slice %arg12[%run_scoped3A_244, %dma_start3A_580] : memref<14x128xi32, #tpu.memory_space<vmem>> -> memref<1x128xi32, #tpu.memory_space<vmem>>
        %dma_start3A_582 = tpu.memref_squeeze %dma_start3A_581 : memref<1x128xi32, #tpu.memory_space<vmem>> -> memref<128xi32, #tpu.memory_space<vmem>>
        %dma_start3A_583 = arith.constant 0 : i32
        %dma_start3A_584 = arith.constant 0 : i32
        %dma_start3A_585 = tpu.memref_slice %arg18[%dma_start3A_583, %dma_start3A_584] : memref<51200x32xf32, #tpu.memory_space<vmem_shared>> -> memref<51200x32xf32, #tpu.memory_space<vmem_shared>>
        tpu.enqueue_indirect_dma source(%arg17 : memref<128x32xf32, #tpu.memory_space<vmem>>) target(%dma_start3A_585 : memref<51200x32xf32, #tpu.memory_space<vmem_shared>>) offsets(%dma_start3A_582 : memref<128xi32, #tpu.memory_space<vmem>>) semaphore(%run_scoped3A_579 : memref<!tpu.dma_semaphore, #tpu.memory_space<semaphore_mem>>) {add = true}
        %dma_wait3A_586 = arith.constant 0 : i32
        %dma_wait3A_587 = tpu.memref_slice %arg12[%run_scoped3A_244, %dma_wait3A_586] : memref<14x128xi32, #tpu.memory_space<vmem>> -> memref<1x128xi32, #tpu.memory_space<vmem>>
        %dma_wait3A_588 = tpu.memref_squeeze %dma_wait3A_587 : memref<1x128xi32, #tpu.memory_space<vmem>> -> memref<128xi32, #tpu.memory_space<vmem>>
        %dma_wait3A_589 = arith.constant 0 : i32
        %dma_wait3A_590 = arith.constant 0 : i32
        %dma_wait3A_591 = tpu.memref_slice %arg18[%dma_wait3A_589, %dma_wait3A_590] : memref<51200x32xf32, #tpu.memory_space<vmem_shared>> -> memref<51200x32xf32, #tpu.memory_space<vmem_shared>>
        tpu.wait_indirect_dma semaphore(%run_scoped3A_579 : memref<!tpu.dma_semaphore, #tpu.memory_space<semaphore_mem>>) src(%arg17 : memref<128x32xf32, #tpu.memory_space<vmem>>) dst(%dma_wait3A_591 : memref<51200x32xf32, #tpu.memory_space<vmem_shared>>)
        tpu.yield
      }) : () -> ()
      %dma_start3A_245 = arith.constant 11 : i32
      %dma_start3A_246 = arith.constant 0 : i32
      %dma_start3A_247 = tpu.memref_slice %arg10[%dma_start3A_245, %dma_start3A_246] : memref<14x128xi32, #tpu.memory_space<vmem>> -> memref<1x128xi32, #tpu.memory_space<vmem>>
      %dma_start3A_248 = tpu.memref_squeeze %dma_start3A_247 : memref<1x128xi32, #tpu.memory_space<vmem>> -> memref<128xi32, #tpu.memory_space<vmem>>
      %dma_start3A_249 = arith.constant 0 : i32
      %dma_start3A_250 = arith.constant 0 : i32
      %dma_start3A_251 = tpu.memref_slice %arg2[%dma_start3A_249, %dma_start3A_250] : memref<100000x32xf32, #tpu.memory_space<hbm>> -> memref<100000x32xf32, #tpu.memory_space<hbm>>
      tpu.enqueue_indirect_dma source(%dma_start3A_251 : memref<100000x32xf32, #tpu.memory_space<hbm>>) target(%arg17 : memref<128x32xf32, #tpu.memory_space<vmem>>) offsets(%dma_start3A_248 : memref<128xi32, #tpu.memory_space<vmem>>) semaphore(%arg22 : memref<!tpu.dma_semaphore, #tpu.memory_space<semaphore_mem>>)
      %dma_wait3A_252 = arith.constant 8 : i32
      %dma_wait3A_253 = arith.constant 0 : i32
      %dma_wait3A_254 = tpu.memref_slice %arg10[%dma_wait3A_252, %dma_wait3A_253] : memref<14x128xi32, #tpu.memory_space<vmem>> -> memref<1x128xi32, #tpu.memory_space<vmem>>
      %dma_wait3A_255 = tpu.memref_squeeze %dma_wait3A_254 : memref<1x128xi32, #tpu.memory_space<vmem>> -> memref<128xi32, #tpu.memory_space<vmem>>
      %dma_wait3A_256 = arith.constant 0 : i32
      %dma_wait3A_257 = arith.constant 0 : i32
      %dma_wait3A_258 = tpu.memref_slice %arg2[%dma_wait3A_256, %dma_wait3A_257] : memref<100000x32xf32, #tpu.memory_space<hbm>> -> memref<100000x32xf32, #tpu.memory_space<hbm>>
      tpu.wait_indirect_dma semaphore(%arg19 : memref<!tpu.dma_semaphore, #tpu.memory_space<semaphore_mem>>) src(%dma_wait3A_258 : memref<100000x32xf32, #tpu.memory_space<hbm>>) dst(%arg14 : memref<128x32xf32, #tpu.memory_space<vmem>>)
      %run_scoped3A_259 = arith.constant 8 : i32
      "tpu.region"() ({
        %run_scoped3A_579 = tpu.sem_alloc : memref<!tpu.dma_semaphore, #tpu.memory_space<semaphore_mem>>
        %dma_start3A_580 = arith.constant 0 : i32
        %dma_start3A_581 = tpu.memref_slice %arg12[%run_scoped3A_259, %dma_start3A_580] : memref<14x128xi32, #tpu.memory_space<vmem>> -> memref<1x128xi32, #tpu.memory_space<vmem>>
        %dma_start3A_582 = tpu.memref_squeeze %dma_start3A_581 : memref<1x128xi32, #tpu.memory_space<vmem>> -> memref<128xi32, #tpu.memory_space<vmem>>
        %dma_start3A_583 = arith.constant 0 : i32
        %dma_start3A_584 = arith.constant 0 : i32
        %dma_start3A_585 = tpu.memref_slice %arg18[%dma_start3A_583, %dma_start3A_584] : memref<51200x32xf32, #tpu.memory_space<vmem_shared>> -> memref<51200x32xf32, #tpu.memory_space<vmem_shared>>
        tpu.enqueue_indirect_dma source(%arg14 : memref<128x32xf32, #tpu.memory_space<vmem>>) target(%dma_start3A_585 : memref<51200x32xf32, #tpu.memory_space<vmem_shared>>) offsets(%dma_start3A_582 : memref<128xi32, #tpu.memory_space<vmem>>) semaphore(%run_scoped3A_579 : memref<!tpu.dma_semaphore, #tpu.memory_space<semaphore_mem>>) {add = true}
        %dma_wait3A_586 = arith.constant 0 : i32
        %dma_wait3A_587 = tpu.memref_slice %arg12[%run_scoped3A_259, %dma_wait3A_586] : memref<14x128xi32, #tpu.memory_space<vmem>> -> memref<1x128xi32, #tpu.memory_space<vmem>>
        %dma_wait3A_588 = tpu.memref_squeeze %dma_wait3A_587 : memref<1x128xi32, #tpu.memory_space<vmem>> -> memref<128xi32, #tpu.memory_space<vmem>>
        %dma_wait3A_589 = arith.constant 0 : i32
        %dma_wait3A_590 = arith.constant 0 : i32
        %dma_wait3A_591 = tpu.memref_slice %arg18[%dma_wait3A_589, %dma_wait3A_590] : memref<51200x32xf32, #tpu.memory_space<vmem_shared>> -> memref<51200x32xf32, #tpu.memory_space<vmem_shared>>
        tpu.wait_indirect_dma semaphore(%run_scoped3A_579 : memref<!tpu.dma_semaphore, #tpu.memory_space<semaphore_mem>>) src(%arg14 : memref<128x32xf32, #tpu.memory_space<vmem>>) dst(%dma_wait3A_591 : memref<51200x32xf32, #tpu.memory_space<vmem_shared>>)
        tpu.yield
      }) : () -> ()
      %dma_start3A_260 = arith.constant 12 : i32
      %dma_start3A_261 = arith.constant 0 : i32
      %dma_start3A_262 = tpu.memref_slice %arg10[%dma_start3A_260, %dma_start3A_261] : memref<14x128xi32, #tpu.memory_space<vmem>> -> memref<1x128xi32, #tpu.memory_space<vmem>>
      %dma_start3A_263 = tpu.memref_squeeze %dma_start3A_262 : memref<1x128xi32, #tpu.memory_space<vmem>> -> memref<128xi32, #tpu.memory_space<vmem>>
      %dma_start3A_264 = arith.constant 0 : i32
      %dma_start3A_265 = arith.constant 0 : i32
      %dma_start3A_266 = tpu.memref_slice %arg2[%dma_start3A_264, %dma_start3A_265] : memref<100000x32xf32, #tpu.memory_space<hbm>> -> memref<100000x32xf32, #tpu.memory_space<hbm>>
      tpu.enqueue_indirect_dma source(%dma_start3A_266 : memref<100000x32xf32, #tpu.memory_space<hbm>>) target(%arg14 : memref<128x32xf32, #tpu.memory_space<vmem>>) offsets(%dma_start3A_263 : memref<128xi32, #tpu.memory_space<vmem>>) semaphore(%arg19 : memref<!tpu.dma_semaphore, #tpu.memory_space<semaphore_mem>>)
      %dma_wait3A_267 = arith.constant 9 : i32
      %dma_wait3A_268 = arith.constant 0 : i32
      %dma_wait3A_269 = tpu.memref_slice %arg10[%dma_wait3A_267, %dma_wait3A_268] : memref<14x128xi32, #tpu.memory_space<vmem>> -> memref<1x128xi32, #tpu.memory_space<vmem>>
      %dma_wait3A_270 = tpu.memref_squeeze %dma_wait3A_269 : memref<1x128xi32, #tpu.memory_space<vmem>> -> memref<128xi32, #tpu.memory_space<vmem>>
      %dma_wait3A_271 = arith.constant 0 : i32
      %dma_wait3A_272 = arith.constant 0 : i32
      %dma_wait3A_273 = tpu.memref_slice %arg2[%dma_wait3A_271, %dma_wait3A_272] : memref<100000x32xf32, #tpu.memory_space<hbm>> -> memref<100000x32xf32, #tpu.memory_space<hbm>>
      tpu.wait_indirect_dma semaphore(%arg20 : memref<!tpu.dma_semaphore, #tpu.memory_space<semaphore_mem>>) src(%dma_wait3A_273 : memref<100000x32xf32, #tpu.memory_space<hbm>>) dst(%arg15 : memref<128x32xf32, #tpu.memory_space<vmem>>)
      %run_scoped3A_274 = arith.constant 9 : i32
      "tpu.region"() ({
        %run_scoped3A_579 = tpu.sem_alloc : memref<!tpu.dma_semaphore, #tpu.memory_space<semaphore_mem>>
        %dma_start3A_580 = arith.constant 0 : i32
        %dma_start3A_581 = tpu.memref_slice %arg12[%run_scoped3A_274, %dma_start3A_580] : memref<14x128xi32, #tpu.memory_space<vmem>> -> memref<1x128xi32, #tpu.memory_space<vmem>>
        %dma_start3A_582 = tpu.memref_squeeze %dma_start3A_581 : memref<1x128xi32, #tpu.memory_space<vmem>> -> memref<128xi32, #tpu.memory_space<vmem>>
        %dma_start3A_583 = arith.constant 0 : i32
        %dma_start3A_584 = arith.constant 0 : i32
        %dma_start3A_585 = tpu.memref_slice %arg18[%dma_start3A_583, %dma_start3A_584] : memref<51200x32xf32, #tpu.memory_space<vmem_shared>> -> memref<51200x32xf32, #tpu.memory_space<vmem_shared>>
        tpu.enqueue_indirect_dma source(%arg15 : memref<128x32xf32, #tpu.memory_space<vmem>>) target(%dma_start3A_585 : memref<51200x32xf32, #tpu.memory_space<vmem_shared>>) offsets(%dma_start3A_582 : memref<128xi32, #tpu.memory_space<vmem>>) semaphore(%run_scoped3A_579 : memref<!tpu.dma_semaphore, #tpu.memory_space<semaphore_mem>>) {add = true}
        %dma_wait3A_586 = arith.constant 0 : i32
        %dma_wait3A_587 = tpu.memref_slice %arg12[%run_scoped3A_274, %dma_wait3A_586] : memref<14x128xi32, #tpu.memory_space<vmem>> -> memref<1x128xi32, #tpu.memory_space<vmem>>
        %dma_wait3A_588 = tpu.memref_squeeze %dma_wait3A_587 : memref<1x128xi32, #tpu.memory_space<vmem>> -> memref<128xi32, #tpu.memory_space<vmem>>
        %dma_wait3A_589 = arith.constant 0 : i32
        %dma_wait3A_590 = arith.constant 0 : i32
        %dma_wait3A_591 = tpu.memref_slice %arg18[%dma_wait3A_589, %dma_wait3A_590] : memref<51200x32xf32, #tpu.memory_space<vmem_shared>> -> memref<51200x32xf32, #tpu.memory_space<vmem_shared>>
        tpu.wait_indirect_dma semaphore(%run_scoped3A_579 : memref<!tpu.dma_semaphore, #tpu.memory_space<semaphore_mem>>) src(%arg15 : memref<128x32xf32, #tpu.memory_space<vmem>>) dst(%dma_wait3A_591 : memref<51200x32xf32, #tpu.memory_space<vmem_shared>>)
        tpu.yield
      }) : () -> ()
      %dma_start3A_275 = arith.constant 13 : i32
      %dma_start3A_276 = arith.constant 0 : i32
      %dma_start3A_277 = tpu.memref_slice %arg10[%dma_start3A_275, %dma_start3A_276] : memref<14x128xi32, #tpu.memory_space<vmem>> -> memref<1x128xi32, #tpu.memory_space<vmem>>
      %dma_start3A_278 = tpu.memref_squeeze %dma_start3A_277 : memref<1x128xi32, #tpu.memory_space<vmem>> -> memref<128xi32, #tpu.memory_space<vmem>>
      %dma_start3A_279 = arith.constant 0 : i32
      %dma_start3A_280 = arith.constant 0 : i32
      %dma_start3A_281 = tpu.memref_slice %arg2[%dma_start3A_279, %dma_start3A_280] : memref<100000x32xf32, #tpu.memory_space<hbm>> -> memref<100000x32xf32, #tpu.memory_space<hbm>>
      tpu.enqueue_indirect_dma source(%dma_start3A_281 : memref<100000x32xf32, #tpu.memory_space<hbm>>) target(%arg15 : memref<128x32xf32, #tpu.memory_space<vmem>>) offsets(%dma_start3A_278 : memref<128xi32, #tpu.memory_space<vmem>>) semaphore(%arg20 : memref<!tpu.dma_semaphore, #tpu.memory_space<semaphore_mem>>)
      %dma_wait3A_282 = arith.constant 10 : i32
      %dma_wait3A_283 = arith.constant 0 : i32
      %dma_wait3A_284 = tpu.memref_slice %arg10[%dma_wait3A_282, %dma_wait3A_283] : memref<14x128xi32, #tpu.memory_space<vmem>> -> memref<1x128xi32, #tpu.memory_space<vmem>>
      %dma_wait3A_285 = tpu.memref_squeeze %dma_wait3A_284 : memref<1x128xi32, #tpu.memory_space<vmem>> -> memref<128xi32, #tpu.memory_space<vmem>>
      %dma_wait3A_286 = arith.constant 0 : i32
      %dma_wait3A_287 = arith.constant 0 : i32
      %dma_wait3A_288 = tpu.memref_slice %arg2[%dma_wait3A_286, %dma_wait3A_287] : memref<100000x32xf32, #tpu.memory_space<hbm>> -> memref<100000x32xf32, #tpu.memory_space<hbm>>
      tpu.wait_indirect_dma semaphore(%arg21 : memref<!tpu.dma_semaphore, #tpu.memory_space<semaphore_mem>>) src(%dma_wait3A_288 : memref<100000x32xf32, #tpu.memory_space<hbm>>) dst(%arg16 : memref<128x32xf32, #tpu.memory_space<vmem>>)
      %run_scoped3A_289 = arith.constant 10 : i32
      "tpu.region"() ({
        %run_scoped3A_579 = tpu.sem_alloc : memref<!tpu.dma_semaphore, #tpu.memory_space<semaphore_mem>>
        %dma_start3A_580 = arith.constant 0 : i32
        %dma_start3A_581 = tpu.memref_slice %arg12[%run_scoped3A_289, %dma_start3A_580] : memref<14x128xi32, #tpu.memory_space<vmem>> -> memref<1x128xi32, #tpu.memory_space<vmem>>
        %dma_start3A_582 = tpu.memref_squeeze %dma_start3A_581 : memref<1x128xi32, #tpu.memory_space<vmem>> -> memref<128xi32, #tpu.memory_space<vmem>>
        %dma_start3A_583 = arith.constant 0 : i32
        %dma_start3A_584 = arith.constant 0 : i32
        %dma_start3A_585 = tpu.memref_slice %arg18[%dma_start3A_583, %dma_start3A_584] : memref<51200x32xf32, #tpu.memory_space<vmem_shared>> -> memref<51200x32xf32, #tpu.memory_space<vmem_shared>>
        tpu.enqueue_indirect_dma source(%arg16 : memref<128x32xf32, #tpu.memory_space<vmem>>) target(%dma_start3A_585 : memref<51200x32xf32, #tpu.memory_space<vmem_shared>>) offsets(%dma_start3A_582 : memref<128xi32, #tpu.memory_space<vmem>>) semaphore(%run_scoped3A_579 : memref<!tpu.dma_semaphore, #tpu.memory_space<semaphore_mem>>) {add = true}
        %dma_wait3A_586 = arith.constant 0 : i32
        %dma_wait3A_587 = tpu.memref_slice %arg12[%run_scoped3A_289, %dma_wait3A_586] : memref<14x128xi32, #tpu.memory_space<vmem>> -> memref<1x128xi32, #tpu.memory_space<vmem>>
        %dma_wait3A_588 = tpu.memref_squeeze %dma_wait3A_587 : memref<1x128xi32, #tpu.memory_space<vmem>> -> memref<128xi32, #tpu.memory_space<vmem>>
        %dma_wait3A_589 = arith.constant 0 : i32
        %dma_wait3A_590 = arith.constant 0 : i32
        %dma_wait3A_591 = tpu.memref_slice %arg18[%dma_wait3A_589, %dma_wait3A_590] : memref<51200x32xf32, #tpu.memory_space<vmem_shared>> -> memref<51200x32xf32, #tpu.memory_space<vmem_shared>>
        tpu.wait_indirect_dma semaphore(%run_scoped3A_579 : memref<!tpu.dma_semaphore, #tpu.memory_space<semaphore_mem>>) src(%arg16 : memref<128x32xf32, #tpu.memory_space<vmem>>) dst(%dma_wait3A_591 : memref<51200x32xf32, #tpu.memory_space<vmem_shared>>)
        tpu.yield
      }) : () -> ()
      %dma_wait3A_290 = arith.constant 0 : i32
      %dma_wait3A_291 = arith.constant 0 : i32
      %dma_wait3A_292 = tpu.memref_slice %arg3[%arg0, %arg1, %dma_wait3A_290, %dma_wait3A_291] : memref<2x16x424x128xi32, #tpu.memory_space<hbm>> -> memref<1x1x14x128xi32, #tpu.memory_space<hbm>>
      %dma_wait3A_293 = tpu.memref_squeeze %dma_wait3A_292 : memref<1x1x14x128xi32, #tpu.memory_space<hbm>> -> memref<14x128xi32, #tpu.memory_space<hbm>>
      %dma_wait3A_294 = arith.constant 0 : i32
      %dma_wait3A_295 = arith.constant 0 : i32
      %dma_wait3A_296 = tpu.memref_slice %arg3[%arg0, %arg1, %dma_wait3A_294, %dma_wait3A_295] : memref<2x16x424x128xi32, #tpu.memory_space<hbm>> -> memref<1x1x14x128xi32, #tpu.memory_space<hbm>>
      %dma_wait3A_297 = tpu.memref_squeeze %dma_wait3A_296 : memref<1x1x14x128xi32, #tpu.memory_space<hbm>> -> memref<14x128xi32, #tpu.memory_space<hbm>>
      tpu.wait_dma2 semaphore(%arg24 : memref<!tpu.dma_semaphore, #tpu.memory_space<semaphore_mem>>) src(%dma_wait3A_297 : memref<14x128xi32, #tpu.memory_space<hbm>>) dst(%arg11 : memref<14x128xi32, #tpu.memory_space<vmem>>)
      %dma_wait3A_298 = arith.constant 0 : i32
      %dma_wait3A_299 = arith.constant 0 : i32
      %dma_wait3A_300 = tpu.memref_slice %arg4[%arg1, %dma_wait3A_298, %dma_wait3A_299] : memref<16x424x128xi32, #tpu.memory_space<hbm>> -> memref<1x14x128xi32, #tpu.memory_space<hbm>>
      %dma_wait3A_301 = tpu.memref_squeeze %dma_wait3A_300 : memref<1x14x128xi32, #tpu.memory_space<hbm>> -> memref<14x128xi32, #tpu.memory_space<hbm>>
      %dma_wait3A_302 = arith.constant 0 : i32
      %dma_wait3A_303 = arith.constant 0 : i32
      %dma_wait3A_304 = tpu.memref_slice %arg4[%arg1, %dma_wait3A_302, %dma_wait3A_303] : memref<16x424x128xi32, #tpu.memory_space<hbm>> -> memref<1x14x128xi32, #tpu.memory_space<hbm>>
      %dma_wait3A_305 = tpu.memref_squeeze %dma_wait3A_304 : memref<1x14x128xi32, #tpu.memory_space<hbm>> -> memref<14x128xi32, #tpu.memory_space<hbm>>
      tpu.wait_dma2 semaphore(%arg24 : memref<!tpu.dma_semaphore, #tpu.memory_space<semaphore_mem>>) src(%dma_wait3A_305 : memref<14x128xi32, #tpu.memory_space<hbm>>) dst(%arg13 : memref<14x128xi32, #tpu.memory_space<vmem>>)
      %dma_start3A_306 = arith.constant 0 : i32
      %dma_start3A_307 = arith.constant 0 : i32
      %dma_start3A_308 = tpu.memref_slice %arg11[%dma_start3A_306, %dma_start3A_307] : memref<14x128xi32, #tpu.memory_space<vmem>> -> memref<1x128xi32, #tpu.memory_space<vmem>>
      %dma_start3A_309 = tpu.memref_squeeze %dma_start3A_308 : memref<1x128xi32, #tpu.memory_space<vmem>> -> memref<128xi32, #tpu.memory_space<vmem>>
      %dma_start3A_310 = arith.constant 0 : i32
      %dma_start3A_311 = arith.constant 0 : i32
      %dma_start3A_312 = tpu.memref_slice %arg2[%dma_start3A_310, %dma_start3A_311] : memref<100000x32xf32, #tpu.memory_space<hbm>> -> memref<100000x32xf32, #tpu.memory_space<hbm>>
      tpu.enqueue_indirect_dma source(%dma_start3A_312 : memref<100000x32xf32, #tpu.memory_space<hbm>>) target(%arg16 : memref<128x32xf32, #tpu.memory_space<vmem>>) offsets(%dma_start3A_309 : memref<128xi32, #tpu.memory_space<vmem>>) semaphore(%arg21 : memref<!tpu.dma_semaphore, #tpu.memory_space<semaphore_mem>>)
      %dma_wait3A_313 = arith.constant 11 : i32
      %dma_wait3A_314 = arith.constant 0 : i32
      %dma_wait3A_315 = tpu.memref_slice %arg10[%dma_wait3A_313, %dma_wait3A_314] : memref<14x128xi32, #tpu.memory_space<vmem>> -> memref<1x128xi32, #tpu.memory_space<vmem>>
      %dma_wait3A_316 = tpu.memref_squeeze %dma_wait3A_315 : memref<1x128xi32, #tpu.memory_space<vmem>> -> memref<128xi32, #tpu.memory_space<vmem>>
      %dma_wait3A_317 = arith.constant 0 : i32
      %dma_wait3A_318 = arith.constant 0 : i32
      %dma_wait3A_319 = tpu.memref_slice %arg2[%dma_wait3A_317, %dma_wait3A_318] : memref<100000x32xf32, #tpu.memory_space<hbm>> -> memref<100000x32xf32, #tpu.memory_space<hbm>>
      tpu.wait_indirect_dma semaphore(%arg22 : memref<!tpu.dma_semaphore, #tpu.memory_space<semaphore_mem>>) src(%dma_wait3A_319 : memref<100000x32xf32, #tpu.memory_space<hbm>>) dst(%arg17 : memref<128x32xf32, #tpu.memory_space<vmem>>)
      %run_scoped3A_320 = arith.constant 11 : i32
      "tpu.region"() ({
        %run_scoped3A_579 = tpu.sem_alloc : memref<!tpu.dma_semaphore, #tpu.memory_space<semaphore_mem>>
        %dma_start3A_580 = arith.constant 0 : i32
        %dma_start3A_581 = tpu.memref_slice %arg12[%run_scoped3A_320, %dma_start3A_580] : memref<14x128xi32, #tpu.memory_space<vmem>> -> memref<1x128xi32, #tpu.memory_space<vmem>>
        %dma_start3A_582 = tpu.memref_squeeze %dma_start3A_581 : memref<1x128xi32, #tpu.memory_space<vmem>> -> memref<128xi32, #tpu.memory_space<vmem>>
        %dma_start3A_583 = arith.constant 0 : i32
        %dma_start3A_584 = arith.constant 0 : i32
        %dma_start3A_585 = tpu.memref_slice %arg18[%dma_start3A_583, %dma_start3A_584] : memref<51200x32xf32, #tpu.memory_space<vmem_shared>> -> memref<51200x32xf32, #tpu.memory_space<vmem_shared>>
        tpu.enqueue_indirect_dma source(%arg17 : memref<128x32xf32, #tpu.memory_space<vmem>>) target(%dma_start3A_585 : memref<51200x32xf32, #tpu.memory_space<vmem_shared>>) offsets(%dma_start3A_582 : memref<128xi32, #tpu.memory_space<vmem>>) semaphore(%run_scoped3A_579 : memref<!tpu.dma_semaphore, #tpu.memory_space<semaphore_mem>>) {add = true}
        %dma_wait3A_586 = arith.constant 0 : i32
        %dma_wait3A_587 = tpu.memref_slice %arg12[%run_scoped3A_320, %dma_wait3A_586] : memref<14x128xi32, #tpu.memory_space<vmem>> -> memref<1x128xi32, #tpu.memory_space<vmem>>
        %dma_wait3A_588 = tpu.memref_squeeze %dma_wait3A_587 : memref<1x128xi32, #tpu.memory_space<vmem>> -> memref<128xi32, #tpu.memory_space<vmem>>
        %dma_wait3A_589 = arith.constant 0 : i32
        %dma_wait3A_590 = arith.constant 0 : i32
        %dma_wait3A_591 = tpu.memref_slice %arg18[%dma_wait3A_589, %dma_wait3A_590] : memref<51200x32xf32, #tpu.memory_space<vmem_shared>> -> memref<51200x32xf32, #tpu.memory_space<vmem_shared>>
        tpu.wait_indirect_dma semaphore(%run_scoped3A_579 : memref<!tpu.dma_semaphore, #tpu.memory_space<semaphore_mem>>) src(%arg17 : memref<128x32xf32, #tpu.memory_space<vmem>>) dst(%dma_wait3A_591 : memref<51200x32xf32, #tpu.memory_space<vmem_shared>>)
        tpu.yield
      }) : () -> ()
      %dma_start3A_321 = arith.constant 1 : i32
      %dma_start3A_322 = arith.constant 0 : i32
      %dma_start3A_323 = tpu.memref_slice %arg11[%dma_start3A_321, %dma_start3A_322] : memref<14x128xi32, #tpu.memory_space<vmem>> -> memref<1x128xi32, #tpu.memory_space<vmem>>
      %dma_start3A_324 = tpu.memref_squeeze %dma_start3A_323 : memref<1x128xi32, #tpu.memory_space<vmem>> -> memref<128xi32, #tpu.memory_space<vmem>>
      %dma_start3A_325 = arith.constant 0 : i32
      %dma_start3A_326 = arith.constant 0 : i32
      %dma_start3A_327 = tpu.memref_slice %arg2[%dma_start3A_325, %dma_start3A_326] : memref<100000x32xf32, #tpu.memory_space<hbm>> -> memref<100000x32xf32, #tpu.memory_space<hbm>>
      tpu.enqueue_indirect_dma source(%dma_start3A_327 : memref<100000x32xf32, #tpu.memory_space<hbm>>) target(%arg17 : memref<128x32xf32, #tpu.memory_space<vmem>>) offsets(%dma_start3A_324 : memref<128xi32, #tpu.memory_space<vmem>>) semaphore(%arg22 : memref<!tpu.dma_semaphore, #tpu.memory_space<semaphore_mem>>)
      %dma_wait3A_328 = arith.constant 12 : i32
      %dma_wait3A_329 = arith.constant 0 : i32
      %dma_wait3A_330 = tpu.memref_slice %arg10[%dma_wait3A_328, %dma_wait3A_329] : memref<14x128xi32, #tpu.memory_space<vmem>> -> memref<1x128xi32, #tpu.memory_space<vmem>>
      %dma_wait3A_331 = tpu.memref_squeeze %dma_wait3A_330 : memref<1x128xi32, #tpu.memory_space<vmem>> -> memref<128xi32, #tpu.memory_space<vmem>>
      %dma_wait3A_332 = arith.constant 0 : i32
      %dma_wait3A_333 = arith.constant 0 : i32
      %dma_wait3A_334 = tpu.memref_slice %arg2[%dma_wait3A_332, %dma_wait3A_333] : memref<100000x32xf32, #tpu.memory_space<hbm>> -> memref<100000x32xf32, #tpu.memory_space<hbm>>
      tpu.wait_indirect_dma semaphore(%arg19 : memref<!tpu.dma_semaphore, #tpu.memory_space<semaphore_mem>>) src(%dma_wait3A_334 : memref<100000x32xf32, #tpu.memory_space<hbm>>) dst(%arg14 : memref<128x32xf32, #tpu.memory_space<vmem>>)
      %run_scoped3A_335 = arith.constant 12 : i32
      "tpu.region"() ({
        %run_scoped3A_579 = tpu.sem_alloc : memref<!tpu.dma_semaphore, #tpu.memory_space<semaphore_mem>>
        %dma_start3A_580 = arith.constant 0 : i32
        %dma_start3A_581 = tpu.memref_slice %arg12[%run_scoped3A_335, %dma_start3A_580] : memref<14x128xi32, #tpu.memory_space<vmem>> -> memref<1x128xi32, #tpu.memory_space<vmem>>
        %dma_start3A_582 = tpu.memref_squeeze %dma_start3A_581 : memref<1x128xi32, #tpu.memory_space<vmem>> -> memref<128xi32, #tpu.memory_space<vmem>>
        %dma_start3A_583 = arith.constant 0 : i32
        %dma_start3A_584 = arith.constant 0 : i32
        %dma_start3A_585 = tpu.memref_slice %arg18[%dma_start3A_583, %dma_start3A_584] : memref<51200x32xf32, #tpu.memory_space<vmem_shared>> -> memref<51200x32xf32, #tpu.memory_space<vmem_shared>>
        tpu.enqueue_indirect_dma source(%arg14 : memref<128x32xf32, #tpu.memory_space<vmem>>) target(%dma_start3A_585 : memref<51200x32xf32, #tpu.memory_space<vmem_shared>>) offsets(%dma_start3A_582 : memref<128xi32, #tpu.memory_space<vmem>>) semaphore(%run_scoped3A_579 : memref<!tpu.dma_semaphore, #tpu.memory_space<semaphore_mem>>) {add = true}
        %dma_wait3A_586 = arith.constant 0 : i32
        %dma_wait3A_587 = tpu.memref_slice %arg12[%run_scoped3A_335, %dma_wait3A_586] : memref<14x128xi32, #tpu.memory_space<vmem>> -> memref<1x128xi32, #tpu.memory_space<vmem>>
        %dma_wait3A_588 = tpu.memref_squeeze %dma_wait3A_587 : memref<1x128xi32, #tpu.memory_space<vmem>> -> memref<128xi32, #tpu.memory_space<vmem>>
        %dma_wait3A_589 = arith.constant 0 : i32
        %dma_wait3A_590 = arith.constant 0 : i32
        %dma_wait3A_591 = tpu.memref_slice %arg18[%dma_wait3A_589, %dma_wait3A_590] : memref<51200x32xf32, #tpu.memory_space<vmem_shared>> -> memref<51200x32xf32, #tpu.memory_space<vmem_shared>>
        tpu.wait_indirect_dma semaphore(%run_scoped3A_579 : memref<!tpu.dma_semaphore, #tpu.memory_space<semaphore_mem>>) src(%arg14 : memref<128x32xf32, #tpu.memory_space<vmem>>) dst(%dma_wait3A_591 : memref<51200x32xf32, #tpu.memory_space<vmem_shared>>)
        tpu.yield
      }) : () -> ()
      %dma_start3A_336 = arith.constant 2 : i32
      %dma_start3A_337 = arith.constant 0 : i32
      %dma_start3A_338 = tpu.memref_slice %arg11[%dma_start3A_336, %dma_start3A_337] : memref<14x128xi32, #tpu.memory_space<vmem>> -> memref<1x128xi32, #tpu.memory_space<vmem>>
      %dma_start3A_339 = tpu.memref_squeeze %dma_start3A_338 : memref<1x128xi32, #tpu.memory_space<vmem>> -> memref<128xi32, #tpu.memory_space<vmem>>
      %dma_start3A_340 = arith.constant 0 : i32
      %dma_start3A_341 = arith.constant 0 : i32
      %dma_start3A_342 = tpu.memref_slice %arg2[%dma_start3A_340, %dma_start3A_341] : memref<100000x32xf32, #tpu.memory_space<hbm>> -> memref<100000x32xf32, #tpu.memory_space<hbm>>
      tpu.enqueue_indirect_dma source(%dma_start3A_342 : memref<100000x32xf32, #tpu.memory_space<hbm>>) target(%arg14 : memref<128x32xf32, #tpu.memory_space<vmem>>) offsets(%dma_start3A_339 : memref<128xi32, #tpu.memory_space<vmem>>) semaphore(%arg19 : memref<!tpu.dma_semaphore, #tpu.memory_space<semaphore_mem>>)
      %dma_wait3A_343 = arith.constant 13 : i32
      %dma_wait3A_344 = arith.constant 0 : i32
      %dma_wait3A_345 = tpu.memref_slice %arg10[%dma_wait3A_343, %dma_wait3A_344] : memref<14x128xi32, #tpu.memory_space<vmem>> -> memref<1x128xi32, #tpu.memory_space<vmem>>
      %dma_wait3A_346 = tpu.memref_squeeze %dma_wait3A_345 : memref<1x128xi32, #tpu.memory_space<vmem>> -> memref<128xi32, #tpu.memory_space<vmem>>
      %dma_wait3A_347 = arith.constant 0 : i32
      %dma_wait3A_348 = arith.constant 0 : i32
      %dma_wait3A_349 = tpu.memref_slice %arg2[%dma_wait3A_347, %dma_wait3A_348] : memref<100000x32xf32, #tpu.memory_space<hbm>> -> memref<100000x32xf32, #tpu.memory_space<hbm>>
      tpu.wait_indirect_dma semaphore(%arg20 : memref<!tpu.dma_semaphore, #tpu.memory_space<semaphore_mem>>) src(%dma_wait3A_349 : memref<100000x32xf32, #tpu.memory_space<hbm>>) dst(%arg15 : memref<128x32xf32, #tpu.memory_space<vmem>>)
      %run_scoped3A_350 = arith.constant 13 : i32
      "tpu.region"() ({
        %run_scoped3A_579 = tpu.sem_alloc : memref<!tpu.dma_semaphore, #tpu.memory_space<semaphore_mem>>
        %dma_start3A_580 = arith.constant 0 : i32
        %dma_start3A_581 = tpu.memref_slice %arg12[%run_scoped3A_350, %dma_start3A_580] : memref<14x128xi32, #tpu.memory_space<vmem>> -> memref<1x128xi32, #tpu.memory_space<vmem>>
        %dma_start3A_582 = tpu.memref_squeeze %dma_start3A_581 : memref<1x128xi32, #tpu.memory_space<vmem>> -> memref<128xi32, #tpu.memory_space<vmem>>
        %dma_start3A_583 = arith.constant 0 : i32
        %dma_start3A_584 = arith.constant 0 : i32
        %dma_start3A_585 = tpu.memref_slice %arg18[%dma_start3A_583, %dma_start3A_584] : memref<51200x32xf32, #tpu.memory_space<vmem_shared>> -> memref<51200x32xf32, #tpu.memory_space<vmem_shared>>
        tpu.enqueue_indirect_dma source(%arg15 : memref<128x32xf32, #tpu.memory_space<vmem>>) target(%dma_start3A_585 : memref<51200x32xf32, #tpu.memory_space<vmem_shared>>) offsets(%dma_start3A_582 : memref<128xi32, #tpu.memory_space<vmem>>) semaphore(%run_scoped3A_579 : memref<!tpu.dma_semaphore, #tpu.memory_space<semaphore_mem>>) {add = true}
        %dma_wait3A_586 = arith.constant 0 : i32
        %dma_wait3A_587 = tpu.memref_slice %arg12[%run_scoped3A_350, %dma_wait3A_586] : memref<14x128xi32, #tpu.memory_space<vmem>> -> memref<1x128xi32, #tpu.memory_space<vmem>>
        %dma_wait3A_588 = tpu.memref_squeeze %dma_wait3A_587 : memref<1x128xi32, #tpu.memory_space<vmem>> -> memref<128xi32, #tpu.memory_space<vmem>>
        %dma_wait3A_589 = arith.constant 0 : i32
        %dma_wait3A_590 = arith.constant 0 : i32
        %dma_wait3A_591 = tpu.memref_slice %arg18[%dma_wait3A_589, %dma_wait3A_590] : memref<51200x32xf32, #tpu.memory_space<vmem_shared>> -> memref<51200x32xf32, #tpu.memory_space<vmem_shared>>
        tpu.wait_indirect_dma semaphore(%run_scoped3A_579 : memref<!tpu.dma_semaphore, #tpu.memory_space<semaphore_mem>>) src(%arg15 : memref<128x32xf32, #tpu.memory_space<vmem>>) dst(%dma_wait3A_591 : memref<51200x32xf32, #tpu.memory_space<vmem_shared>>)
        tpu.yield
      }) : () -> ()
      %dma_start3A_351 = arith.constant 3 : i32
      %dma_start3A_352 = arith.constant 0 : i32
      %dma_start3A_353 = tpu.memref_slice %arg11[%dma_start3A_351, %dma_start3A_352] : memref<14x128xi32, #tpu.memory_space<vmem>> -> memref<1x128xi32, #tpu.memory_space<vmem>>
      %dma_start3A_354 = tpu.memref_squeeze %dma_start3A_353 : memref<1x128xi32, #tpu.memory_space<vmem>> -> memref<128xi32, #tpu.memory_space<vmem>>
      %dma_start3A_355 = arith.constant 0 : i32
      %dma_start3A_356 = arith.constant 0 : i32
      %dma_start3A_357 = tpu.memref_slice %arg2[%dma_start3A_355, %dma_start3A_356] : memref<100000x32xf32, #tpu.memory_space<hbm>> -> memref<100000x32xf32, #tpu.memory_space<hbm>>
      tpu.enqueue_indirect_dma source(%dma_start3A_357 : memref<100000x32xf32, #tpu.memory_space<hbm>>) target(%arg15 : memref<128x32xf32, #tpu.memory_space<vmem>>) offsets(%dma_start3A_354 : memref<128xi32, #tpu.memory_space<vmem>>) semaphore(%arg20 : memref<!tpu.dma_semaphore, #tpu.memory_space<semaphore_mem>>)
      %mul3A_358 = arith.constant 2 : i32
      %mul3A_359 = arith.muli %mul3A_358, %scan3A_88 : i32
      %add3A = arith.constant 2 : i32
      %add3A_360 = arith.addi %mul3A_359, %add3A : i32
      %mul3A_361 = arith.constant 14 : i32
      %mul3A_362 = arith.muli %add3A_360, %mul3A_361 : i32
      %dma_start3A_363 = arith.constant 0 : i32
      %dma_start3A_364 = tpu.memref_slice %arg3[%arg0, %arg1, %mul3A_362, %dma_start3A_363] : memref<2x16x424x128xi32, #tpu.memory_space<hbm>> -> memref<1x1x14x128xi32, #tpu.memory_space<hbm>>
      %dma_start3A_365 = tpu.memref_squeeze %dma_start3A_364 : memref<1x1x14x128xi32, #tpu.memory_space<hbm>> -> memref<14x128xi32, #tpu.memory_space<hbm>>
      %dma_start3A_366 = arith.constant 0 : i32
      %dma_start3A_367 = tpu.memref_slice %arg3[%arg0, %arg1, %mul3A_362, %dma_start3A_366] : memref<2x16x424x128xi32, #tpu.memory_space<hbm>> -> memref<1x1x14x128xi32, #tpu.memory_space<hbm>>
      %dma_start3A_368 = tpu.memref_squeeze %dma_start3A_367 : memref<1x1x14x128xi32, #tpu.memory_space<hbm>> -> memref<14x128xi32, #tpu.memory_space<hbm>>
      tpu.enqueue_dma source(%dma_start3A_368 : memref<14x128xi32, #tpu.memory_space<hbm>>) target(%arg10 : memref<14x128xi32, #tpu.memory_space<vmem>>) target_semaphore(%arg23 : memref<!tpu.dma_semaphore, #tpu.memory_space<semaphore_mem>>)
      %mul3A_369 = arith.constant 14 : i32
      %mul3A_370 = arith.muli %add3A_360, %mul3A_369 : i32
      %dma_start3A_371 = arith.constant 0 : i32
      %dma_start3A_372 = tpu.memref_slice %arg4[%arg1, %mul3A_370, %dma_start3A_371] : memref<16x424x128xi32, #tpu.memory_space<hbm>> -> memref<1x14x128xi32, #tpu.memory_space<hbm>>
      %dma_start3A_373 = tpu.memref_squeeze %dma_start3A_372 : memref<1x14x128xi32, #tpu.memory_space<hbm>> -> memref<14x128xi32, #tpu.memory_space<hbm>>
      %dma_start3A_374 = arith.constant 0 : i32
      %dma_start3A_375 = tpu.memref_slice %arg4[%arg1, %mul3A_370, %dma_start3A_374] : memref<16x424x128xi32, #tpu.memory_space<hbm>> -> memref<1x14x128xi32, #tpu.memory_space<hbm>>
      %dma_start3A_376 = tpu.memref_squeeze %dma_start3A_375 : memref<1x14x128xi32, #tpu.memory_space<hbm>> -> memref<14x128xi32, #tpu.memory_space<hbm>>
      tpu.enqueue_dma source(%dma_start3A_376 : memref<14x128xi32, #tpu.memory_space<hbm>>) target(%arg12 : memref<14x128xi32, #tpu.memory_space<vmem>>) target_semaphore(%arg23 : memref<!tpu.dma_semaphore, #tpu.memory_space<semaphore_mem>>)
      %dma_wait3A_377 = arith.constant 0 : i32
      %dma_wait3A_378 = arith.constant 0 : i32
      %dma_wait3A_379 = tpu.memref_slice %arg11[%dma_wait3A_377, %dma_wait3A_378] : memref<14x128xi32, #tpu.memory_space<vmem>> -> memref<1x128xi32, #tpu.memory_space<vmem>>
      %dma_wait3A_380 = tpu.memref_squeeze %dma_wait3A_379 : memref<1x128xi32, #tpu.memory_space<vmem>> -> memref<128xi32, #tpu.memory_space<vmem>>
      %dma_wait3A_381 = arith.constant 0 : i32
      %dma_wait3A_382 = arith.constant 0 : i32
      %dma_wait3A_383 = tpu.memref_slice %arg2[%dma_wait3A_381, %dma_wait3A_382] : memref<100000x32xf32, #tpu.memory_space<hbm>> -> memref<100000x32xf32, #tpu.memory_space<hbm>>
      tpu.wait_indirect_dma semaphore(%arg21 : memref<!tpu.dma_semaphore, #tpu.memory_space<semaphore_mem>>) src(%dma_wait3A_383 : memref<100000x32xf32, #tpu.memory_space<hbm>>) dst(%arg16 : memref<128x32xf32, #tpu.memory_space<vmem>>)
      %run_scoped3A_384 = arith.constant 0 : i32
      "tpu.region"() ({
        %run_scoped3A_579 = tpu.sem_alloc : memref<!tpu.dma_semaphore, #tpu.memory_space<semaphore_mem>>
        %dma_start3A_580 = arith.constant 0 : i32
        %dma_start3A_581 = tpu.memref_slice %arg13[%run_scoped3A_384, %dma_start3A_580] : memref<14x128xi32, #tpu.memory_space<vmem>> -> memref<1x128xi32, #tpu.memory_space<vmem>>
        %dma_start3A_582 = tpu.memref_squeeze %dma_start3A_581 : memref<1x128xi32, #tpu.memory_space<vmem>> -> memref<128xi32, #tpu.memory_space<vmem>>
        %dma_start3A_583 = arith.constant 0 : i32
        %dma_start3A_584 = arith.constant 0 : i32
        %dma_start3A_585 = tpu.memref_slice %arg18[%dma_start3A_583, %dma_start3A_584] : memref<51200x32xf32, #tpu.memory_space<vmem_shared>> -> memref<51200x32xf32, #tpu.memory_space<vmem_shared>>
        tpu.enqueue_indirect_dma source(%arg16 : memref<128x32xf32, #tpu.memory_space<vmem>>) target(%dma_start3A_585 : memref<51200x32xf32, #tpu.memory_space<vmem_shared>>) offsets(%dma_start3A_582 : memref<128xi32, #tpu.memory_space<vmem>>) semaphore(%run_scoped3A_579 : memref<!tpu.dma_semaphore, #tpu.memory_space<semaphore_mem>>) {add = true}
        %dma_wait3A_586 = arith.constant 0 : i32
        %dma_wait3A_587 = tpu.memref_slice %arg13[%run_scoped3A_384, %dma_wait3A_586] : memref<14x128xi32, #tpu.memory_space<vmem>> -> memref<1x128xi32, #tpu.memory_space<vmem>>
        %dma_wait3A_588 = tpu.memref_squeeze %dma_wait3A_587 : memref<1x128xi32, #tpu.memory_space<vmem>> -> memref<128xi32, #tpu.memory_space<vmem>>
        %dma_wait3A_589 = arith.constant 0 : i32
        %dma_wait3A_590 = arith.constant 0 : i32
        %dma_wait3A_591 = tpu.memref_slice %arg18[%dma_wait3A_589, %dma_wait3A_590] : memref<51200x32xf32, #tpu.memory_space<vmem_shared>> -> memref<51200x32xf32, #tpu.memory_space<vmem_shared>>
        tpu.wait_indirect_dma semaphore(%run_scoped3A_579 : memref<!tpu.dma_semaphore, #tpu.memory_space<semaphore_mem>>) src(%arg16 : memref<128x32xf32, #tpu.memory_space<vmem>>) dst(%dma_wait3A_591 : memref<51200x32xf32, #tpu.memory_space<vmem_shared>>)
        tpu.yield
      }) : () -> ()
      %dma_start3A_385 = arith.constant 4 : i32
      %dma_start3A_386 = arith.constant 0 : i32
      %dma_start3A_387 = tpu.memref_slice %arg11[%dma_start3A_385, %dma_start3A_386] : memref<14x128xi32, #tpu.memory_space<vmem>> -> memref<1x128xi32, #tpu.memory_space<vmem>>
      %dma_start3A_388 = tpu.memref_squeeze %dma_start3A_387 : memref<1x128xi32, #tpu.memory_space<vmem>> -> memref<128xi32, #tpu.memory_space<vmem>>
      %dma_start3A_389 = arith.constant 0 : i32
      %dma_start3A_390 = arith.constant 0 : i32
      %dma_start3A_391 = tpu.memref_slice %arg2[%dma_start3A_389, %dma_start3A_390] : memref<100000x32xf32, #tpu.memory_space<hbm>> -> memref<100000x32xf32, #tpu.memory_space<hbm>>
      tpu.enqueue_indirect_dma source(%dma_start3A_391 : memref<100000x32xf32, #tpu.memory_space<hbm>>) target(%arg16 : memref<128x32xf32, #tpu.memory_space<vmem>>) offsets(%dma_start3A_388 : memref<128xi32, #tpu.memory_space<vmem>>) semaphore(%arg21 : memref<!tpu.dma_semaphore, #tpu.memory_space<semaphore_mem>>)
      %dma_wait3A_392 = arith.constant 1 : i32
      %dma_wait3A_393 = arith.constant 0 : i32
      %dma_wait3A_394 = tpu.memref_slice %arg11[%dma_wait3A_392, %dma_wait3A_393] : memref<14x128xi32, #tpu.memory_space<vmem>> -> memref<1x128xi32, #tpu.memory_space<vmem>>
      %dma_wait3A_395 = tpu.memref_squeeze %dma_wait3A_394 : memref<1x128xi32, #tpu.memory_space<vmem>> -> memref<128xi32, #tpu.memory_space<vmem>>
      %dma_wait3A_396 = arith.constant 0 : i32
      %dma_wait3A_397 = arith.constant 0 : i32
      %dma_wait3A_398 = tpu.memref_slice %arg2[%dma_wait3A_396, %dma_wait3A_397] : memref<100000x32xf32, #tpu.memory_space<hbm>> -> memref<100000x32xf32, #tpu.memory_space<hbm>>
      tpu.wait_indirect_dma semaphore(%arg22 : memref<!tpu.dma_semaphore, #tpu.memory_space<semaphore_mem>>) src(%dma_wait3A_398 : memref<100000x32xf32, #tpu.memory_space<hbm>>) dst(%arg17 : memref<128x32xf32, #tpu.memory_space<vmem>>)
      %run_scoped3A_399 = arith.constant 1 : i32
      "tpu.region"() ({
        %run_scoped3A_579 = tpu.sem_alloc : memref<!tpu.dma_semaphore, #tpu.memory_space<semaphore_mem>>
        %dma_start3A_580 = arith.constant 0 : i32
        %dma_start3A_581 = tpu.memref_slice %arg13[%run_scoped3A_399, %dma_start3A_580] : memref<14x128xi32, #tpu.memory_space<vmem>> -> memref<1x128xi32, #tpu.memory_space<vmem>>
        %dma_start3A_582 = tpu.memref_squeeze %dma_start3A_581 : memref<1x128xi32, #tpu.memory_space<vmem>> -> memref<128xi32, #tpu.memory_space<vmem>>
        %dma_start3A_583 = arith.constant 0 : i32
        %dma_start3A_584 = arith.constant 0 : i32
        %dma_start3A_585 = tpu.memref_slice %arg18[%dma_start3A_583, %dma_start3A_584] : memref<51200x32xf32, #tpu.memory_space<vmem_shared>> -> memref<51200x32xf32, #tpu.memory_space<vmem_shared>>
        tpu.enqueue_indirect_dma source(%arg17 : memref<128x32xf32, #tpu.memory_space<vmem>>) target(%dma_start3A_585 : memref<51200x32xf32, #tpu.memory_space<vmem_shared>>) offsets(%dma_start3A_582 : memref<128xi32, #tpu.memory_space<vmem>>) semaphore(%run_scoped3A_579 : memref<!tpu.dma_semaphore, #tpu.memory_space<semaphore_mem>>) {add = true}
        %dma_wait3A_586 = arith.constant 0 : i32
        %dma_wait3A_587 = tpu.memref_slice %arg13[%run_scoped3A_399, %dma_wait3A_586] : memref<14x128xi32, #tpu.memory_space<vmem>> -> memref<1x128xi32, #tpu.memory_space<vmem>>
        %dma_wait3A_588 = tpu.memref_squeeze %dma_wait3A_587 : memref<1x128xi32, #tpu.memory_space<vmem>> -> memref<128xi32, #tpu.memory_space<vmem>>
        %dma_wait3A_589 = arith.constant 0 : i32
        %dma_wait3A_590 = arith.constant 0 : i32
        %dma_wait3A_591 = tpu.memref_slice %arg18[%dma_wait3A_589, %dma_wait3A_590] : memref<51200x32xf32, #tpu.memory_space<vmem_shared>> -> memref<51200x32xf32, #tpu.memory_space<vmem_shared>>
        tpu.wait_indirect_dma semaphore(%run_scoped3A_579 : memref<!tpu.dma_semaphore, #tpu.memory_space<semaphore_mem>>) src(%arg17 : memref<128x32xf32, #tpu.memory_space<vmem>>) dst(%dma_wait3A_591 : memref<51200x32xf32, #tpu.memory_space<vmem_shared>>)
        tpu.yield
      }) : () -> ()
      %dma_start3A_400 = arith.constant 5 : i32
      %dma_start3A_401 = arith.constant 0 : i32
      %dma_start3A_402 = tpu.memref_slice %arg11[%dma_start3A_400, %dma_start3A_401] : memref<14x128xi32, #tpu.memory_space<vmem>> -> memref<1x128xi32, #tpu.memory_space<vmem>>
      %dma_start3A_403 = tpu.memref_squeeze %dma_start3A_402 : memref<1x128xi32, #tpu.memory_space<vmem>> -> memref<128xi32, #tpu.memory_space<vmem>>
      %dma_start3A_404 = arith.constant 0 : i32
      %dma_start3A_405 = arith.constant 0 : i32
      %dma_start3A_406 = tpu.memref_slice %arg2[%dma_start3A_404, %dma_start3A_405] : memref<100000x32xf32, #tpu.memory_space<hbm>> -> memref<100000x32xf32, #tpu.memory_space<hbm>>
      tpu.enqueue_indirect_dma source(%dma_start3A_406 : memref<100000x32xf32, #tpu.memory_space<hbm>>) target(%arg17 : memref<128x32xf32, #tpu.memory_space<vmem>>) offsets(%dma_start3A_403 : memref<128xi32, #tpu.memory_space<vmem>>) semaphore(%arg22 : memref<!tpu.dma_semaphore, #tpu.memory_space<semaphore_mem>>)
      %dma_wait3A_407 = arith.constant 2 : i32
      %dma_wait3A_408 = arith.constant 0 : i32
      %dma_wait3A_409 = tpu.memref_slice %arg11[%dma_wait3A_407, %dma_wait3A_408] : memref<14x128xi32, #tpu.memory_space<vmem>> -> memref<1x128xi32, #tpu.memory_space<vmem>>
      %dma_wait3A_410 = tpu.memref_squeeze %dma_wait3A_409 : memref<1x128xi32, #tpu.memory_space<vmem>> -> memref<128xi32, #tpu.memory_space<vmem>>
      %dma_wait3A_411 = arith.constant 0 : i32
      %dma_wait3A_412 = arith.constant 0 : i32
      %dma_wait3A_413 = tpu.memref_slice %arg2[%dma_wait3A_411, %dma_wait3A_412] : memref<100000x32xf32, #tpu.memory_space<hbm>> -> memref<100000x32xf32, #tpu.memory_space<hbm>>
      tpu.wait_indirect_dma semaphore(%arg19 : memref<!tpu.dma_semaphore, #tpu.memory_space<semaphore_mem>>) src(%dma_wait3A_413 : memref<100000x32xf32, #tpu.memory_space<hbm>>) dst(%arg14 : memref<128x32xf32, #tpu.memory_space<vmem>>)
      %run_scoped3A_414 = arith.constant 2 : i32
      "tpu.region"() ({
        %run_scoped3A_579 = tpu.sem_alloc : memref<!tpu.dma_semaphore, #tpu.memory_space<semaphore_mem>>
        %dma_start3A_580 = arith.constant 0 : i32
        %dma_start3A_581 = tpu.memref_slice %arg13[%run_scoped3A_414, %dma_start3A_580] : memref<14x128xi32, #tpu.memory_space<vmem>> -> memref<1x128xi32, #tpu.memory_space<vmem>>
        %dma_start3A_582 = tpu.memref_squeeze %dma_start3A_581 : memref<1x128xi32, #tpu.memory_space<vmem>> -> memref<128xi32, #tpu.memory_space<vmem>>
        %dma_start3A_583 = arith.constant 0 : i32
        %dma_start3A_584 = arith.constant 0 : i32
        %dma_start3A_585 = tpu.memref_slice %arg18[%dma_start3A_583, %dma_start3A_584] : memref<51200x32xf32, #tpu.memory_space<vmem_shared>> -> memref<51200x32xf32, #tpu.memory_space<vmem_shared>>
        tpu.enqueue_indirect_dma source(%arg14 : memref<128x32xf32, #tpu.memory_space<vmem>>) target(%dma_start3A_585 : memref<51200x32xf32, #tpu.memory_space<vmem_shared>>) offsets(%dma_start3A_582 : memref<128xi32, #tpu.memory_space<vmem>>) semaphore(%run_scoped3A_579 : memref<!tpu.dma_semaphore, #tpu.memory_space<semaphore_mem>>) {add = true}
        %dma_wait3A_586 = arith.constant 0 : i32
        %dma_wait3A_587 = tpu.memref_slice %arg13[%run_scoped3A_414, %dma_wait3A_586] : memref<14x128xi32, #tpu.memory_space<vmem>> -> memref<1x128xi32, #tpu.memory_space<vmem>>
        %dma_wait3A_588 = tpu.memref_squeeze %dma_wait3A_587 : memref<1x128xi32, #tpu.memory_space<vmem>> -> memref<128xi32, #tpu.memory_space<vmem>>
        %dma_wait3A_589 = arith.constant 0 : i32
        %dma_wait3A_590 = arith.constant 0 : i32
        %dma_wait3A_591 = tpu.memref_slice %arg18[%dma_wait3A_589, %dma_wait3A_590] : memref<51200x32xf32, #tpu.memory_space<vmem_shared>> -> memref<51200x32xf32, #tpu.memory_space<vmem_shared>>
        tpu.wait_indirect_dma semaphore(%run_scoped3A_579 : memref<!tpu.dma_semaphore, #tpu.memory_space<semaphore_mem>>) src(%arg14 : memref<128x32xf32, #tpu.memory_space<vmem>>) dst(%dma_wait3A_591 : memref<51200x32xf32, #tpu.memory_space<vmem_shared>>)
        tpu.yield
      }) : () -> ()
      %dma_start3A_415 = arith.constant 6 : i32
      %dma_start3A_416 = arith.constant 0 : i32
      %dma_start3A_417 = tpu.memref_slice %arg11[%dma_start3A_415, %dma_start3A_416] : memref<14x128xi32, #tpu.memory_space<vmem>> -> memref<1x128xi32, #tpu.memory_space<vmem>>
      %dma_start3A_418 = tpu.memref_squeeze %dma_start3A_417 : memref<1x128xi32, #tpu.memory_space<vmem>> -> memref<128xi32, #tpu.memory_space<vmem>>
      %dma_start3A_419 = arith.constant 0 : i32
      %dma_start3A_420 = arith.constant 0 : i32
      %dma_start3A_421 = tpu.memref_slice %arg2[%dma_start3A_419, %dma_start3A_420] : memref<100000x32xf32, #tpu.memory_space<hbm>> -> memref<100000x32xf32, #tpu.memory_space<hbm>>
      tpu.enqueue_indirect_dma source(%dma_start3A_421 : memref<100000x32xf32, #tpu.memory_space<hbm>>) target(%arg14 : memref<128x32xf32, #tpu.memory_space<vmem>>) offsets(%dma_start3A_418 : memref<128xi32, #tpu.memory_space<vmem>>) semaphore(%arg19 : memref<!tpu.dma_semaphore, #tpu.memory_space<semaphore_mem>>)
      %dma_wait3A_422 = arith.constant 3 : i32
      %dma_wait3A_423 = arith.constant 0 : i32
      %dma_wait3A_424 = tpu.memref_slice %arg11[%dma_wait3A_422, %dma_wait3A_423] : memref<14x128xi32, #tpu.memory_space<vmem>> -> memref<1x128xi32, #tpu.memory_space<vmem>>
      %dma_wait3A_425 = tpu.memref_squeeze %dma_wait3A_424 : memref<1x128xi32, #tpu.memory_space<vmem>> -> memref<128xi32, #tpu.memory_space<vmem>>
      %dma_wait3A_426 = arith.constant 0 : i32
      %dma_wait3A_427 = arith.constant 0 : i32
      %dma_wait3A_428 = tpu.memref_slice %arg2[%dma_wait3A_426, %dma_wait3A_427] : memref<100000x32xf32, #tpu.memory_space<hbm>> -> memref<100000x32xf32, #tpu.memory_space<hbm>>
      tpu.wait_indirect_dma semaphore(%arg20 : memref<!tpu.dma_semaphore, #tpu.memory_space<semaphore_mem>>) src(%dma_wait3A_428 : memref<100000x32xf32, #tpu.memory_space<hbm>>) dst(%arg15 : memref<128x32xf32, #tpu.memory_space<vmem>>)
      %run_scoped3A_429 = arith.constant 3 : i32
      "tpu.region"() ({
        %run_scoped3A_579 = tpu.sem_alloc : memref<!tpu.dma_semaphore, #tpu.memory_space<semaphore_mem>>
        %dma_start3A_580 = arith.constant 0 : i32
        %dma_start3A_581 = tpu.memref_slice %arg13[%run_scoped3A_429, %dma_start3A_580] : memref<14x128xi32, #tpu.memory_space<vmem>> -> memref<1x128xi32, #tpu.memory_space<vmem>>
        %dma_start3A_582 = tpu.memref_squeeze %dma_start3A_581 : memref<1x128xi32, #tpu.memory_space<vmem>> -> memref<128xi32, #tpu.memory_space<vmem>>
        %dma_start3A_583 = arith.constant 0 : i32
        %dma_start3A_584 = arith.constant 0 : i32
        %dma_start3A_585 = tpu.memref_slice %arg18[%dma_start3A_583, %dma_start3A_584] : memref<51200x32xf32, #tpu.memory_space<vmem_shared>> -> memref<51200x32xf32, #tpu.memory_space<vmem_shared>>
        tpu.enqueue_indirect_dma source(%arg15 : memref<128x32xf32, #tpu.memory_space<vmem>>) target(%dma_start3A_585 : memref<51200x32xf32, #tpu.memory_space<vmem_shared>>) offsets(%dma_start3A_582 : memref<128xi32, #tpu.memory_space<vmem>>) semaphore(%run_scoped3A_579 : memref<!tpu.dma_semaphore, #tpu.memory_space<semaphore_mem>>) {add = true}
        %dma_wait3A_586 = arith.constant 0 : i32
        %dma_wait3A_587 = tpu.memref_slice %arg13[%run_scoped3A_429, %dma_wait3A_586] : memref<14x128xi32, #tpu.memory_space<vmem>> -> memref<1x128xi32, #tpu.memory_space<vmem>>
        %dma_wait3A_588 = tpu.memref_squeeze %dma_wait3A_587 : memref<1x128xi32, #tpu.memory_space<vmem>> -> memref<128xi32, #tpu.memory_space<vmem>>
        %dma_wait3A_589 = arith.constant 0 : i32
        %dma_wait3A_590 = arith.constant 0 : i32
        %dma_wait3A_591 = tpu.memref_slice %arg18[%dma_wait3A_589, %dma_wait3A_590] : memref<51200x32xf32, #tpu.memory_space<vmem_shared>> -> memref<51200x32xf32, #tpu.memory_space<vmem_shared>>
        tpu.wait_indirect_dma semaphore(%run_scoped3A_579 : memref<!tpu.dma_semaphore, #tpu.memory_space<semaphore_mem>>) src(%arg15 : memref<128x32xf32, #tpu.memory_space<vmem>>) dst(%dma_wait3A_591 : memref<51200x32xf32, #tpu.memory_space<vmem_shared>>)
        tpu.yield
      }) : () -> ()
      %dma_start3A_430 = arith.constant 7 : i32
      %dma_start3A_431 = arith.constant 0 : i32
      %dma_start3A_432 = tpu.memref_slice %arg11[%dma_start3A_430, %dma_start3A_431] : memref<14x128xi32, #tpu.memory_space<vmem>> -> memref<1x128xi32, #tpu.memory_space<vmem>>
      %dma_start3A_433 = tpu.memref_squeeze %dma_start3A_432 : memref<1x128xi32, #tpu.memory_space<vmem>> -> memref<128xi32, #tpu.memory_space<vmem>>
      %dma_start3A_434 = arith.constant 0 : i32
      %dma_start3A_435 = arith.constant 0 : i32
      %dma_start3A_436 = tpu.memref_slice %arg2[%dma_start3A_434, %dma_start3A_435] : memref<100000x32xf32, #tpu.memory_space<hbm>> -> memref<100000x32xf32, #tpu.memory_space<hbm>>
      tpu.enqueue_indirect_dma source(%dma_start3A_436 : memref<100000x32xf32, #tpu.memory_space<hbm>>) target(%arg15 : memref<128x32xf32, #tpu.memory_space<vmem>>) offsets(%dma_start3A_433 : memref<128xi32, #tpu.memory_space<vmem>>) semaphore(%arg20 : memref<!tpu.dma_semaphore, #tpu.memory_space<semaphore_mem>>)
      %dma_wait3A_437 = arith.constant 4 : i32
      %dma_wait3A_438 = arith.constant 0 : i32
      %dma_wait3A_439 = tpu.memref_slice %arg11[%dma_wait3A_437, %dma_wait3A_438] : memref<14x128xi32, #tpu.memory_space<vmem>> -> memref<1x128xi32, #tpu.memory_space<vmem>>
      %dma_wait3A_440 = tpu.memref_squeeze %dma_wait3A_439 : memref<1x128xi32, #tpu.memory_space<vmem>> -> memref<128xi32, #tpu.memory_space<vmem>>
      %dma_wait3A_441 = arith.constant 0 : i32
      %dma_wait3A_442 = arith.constant 0 : i32
      %dma_wait3A_443 = tpu.memref_slice %arg2[%dma_wait3A_441, %dma_wait3A_442] : memref<100000x32xf32, #tpu.memory_space<hbm>> -> memref<100000x32xf32, #tpu.memory_space<hbm>>
      tpu.wait_indirect_dma semaphore(%arg21 : memref<!tpu.dma_semaphore, #tpu.memory_space<semaphore_mem>>) src(%dma_wait3A_443 : memref<100000x32xf32, #tpu.memory_space<hbm>>) dst(%arg16 : memref<128x32xf32, #tpu.memory_space<vmem>>)
      %run_scoped3A_444 = arith.constant 4 : i32
      "tpu.region"() ({
        %run_scoped3A_579 = tpu.sem_alloc : memref<!tpu.dma_semaphore, #tpu.memory_space<semaphore_mem>>
        %dma_start3A_580 = arith.constant 0 : i32
        %dma_start3A_581 = tpu.memref_slice %arg13[%run_scoped3A_444, %dma_start3A_580] : memref<14x128xi32, #tpu.memory_space<vmem>> -> memref<1x128xi32, #tpu.memory_space<vmem>>
        %dma_start3A_582 = tpu.memref_squeeze %dma_start3A_581 : memref<1x128xi32, #tpu.memory_space<vmem>> -> memref<128xi32, #tpu.memory_space<vmem>>
        %dma_start3A_583 = arith.constant 0 : i32
        %dma_start3A_584 = arith.constant 0 : i32
        %dma_start3A_585 = tpu.memref_slice %arg18[%dma_start3A_583, %dma_start3A_584] : memref<51200x32xf32, #tpu.memory_space<vmem_shared>> -> memref<51200x32xf32, #tpu.memory_space<vmem_shared>>
        tpu.enqueue_indirect_dma source(%arg16 : memref<128x32xf32, #tpu.memory_space<vmem>>) target(%dma_start3A_585 : memref<51200x32xf32, #tpu.memory_space<vmem_shared>>) offsets(%dma_start3A_582 : memref<128xi32, #tpu.memory_space<vmem>>) semaphore(%run_scoped3A_579 : memref<!tpu.dma_semaphore, #tpu.memory_space<semaphore_mem>>) {add = true}
        %dma_wait3A_586 = arith.constant 0 : i32
        %dma_wait3A_587 = tpu.memref_slice %arg13[%run_scoped3A_444, %dma_wait3A_586] : memref<14x128xi32, #tpu.memory_space<vmem>> -> memref<1x128xi32, #tpu.memory_space<vmem>>
        %dma_wait3A_588 = tpu.memref_squeeze %dma_wait3A_587 : memref<1x128xi32, #tpu.memory_space<vmem>> -> memref<128xi32, #tpu.memory_space<vmem>>
        %dma_wait3A_589 = arith.constant 0 : i32
        %dma_wait3A_590 = arith.constant 0 : i32
        %dma_wait3A_591 = tpu.memref_slice %arg18[%dma_wait3A_589, %dma_wait3A_590] : memref<51200x32xf32, #tpu.memory_space<vmem_shared>> -> memref<51200x32xf32, #tpu.memory_space<vmem_shared>>
        tpu.wait_indirect_dma semaphore(%run_scoped3A_579 : memref<!tpu.dma_semaphore, #tpu.memory_space<semaphore_mem>>) src(%arg16 : memref<128x32xf32, #tpu.memory_space<vmem>>) dst(%dma_wait3A_591 : memref<51200x32xf32, #tpu.memory_space<vmem_shared>>)
        tpu.yield
      }) : () -> ()
      %dma_start3A_445 = arith.constant 8 : i32
      %dma_start3A_446 = arith.constant 0 : i32
      %dma_start3A_447 = tpu.memref_slice %arg11[%dma_start3A_445, %dma_start3A_446] : memref<14x128xi32, #tpu.memory_space<vmem>> -> memref<1x128xi32, #tpu.memory_space<vmem>>
      %dma_start3A_448 = tpu.memref_squeeze %dma_start3A_447 : memref<1x128xi32, #tpu.memory_space<vmem>> -> memref<128xi32, #tpu.memory_space<vmem>>
      %dma_start3A_449 = arith.constant 0 : i32
      %dma_start3A_450 = arith.constant 0 : i32
      %dma_start3A_451 = tpu.memref_slice %arg2[%dma_start3A_449, %dma_start3A_450] : memref<100000x32xf32, #tpu.memory_space<hbm>> -> memref<100000x32xf32, #tpu.memory_space<hbm>>
      tpu.enqueue_indirect_dma source(%dma_start3A_451 : memref<100000x32xf32, #tpu.memory_space<hbm>>) target(%arg16 : memref<128x32xf32, #tpu.memory_space<vmem>>) offsets(%dma_start3A_448 : memref<128xi32, #tpu.memory_space<vmem>>) semaphore(%arg21 : memref<!tpu.dma_semaphore, #tpu.memory_space<semaphore_mem>>)
      %dma_wait3A_452 = arith.constant 5 : i32
      %dma_wait3A_453 = arith.constant 0 : i32
      %dma_wait3A_454 = tpu.memref_slice %arg11[%dma_wait3A_452, %dma_wait3A_453] : memref<14x128xi32, #tpu.memory_space<vmem>> -> memref<1x128xi32, #tpu.memory_space<vmem>>
      %dma_wait3A_455 = tpu.memref_squeeze %dma_wait3A_454 : memref<1x128xi32, #tpu.memory_space<vmem>> -> memref<128xi32, #tpu.memory_space<vmem>>
      %dma_wait3A_456 = arith.constant 0 : i32
      %dma_wait3A_457 = arith.constant 0 : i32
      %dma_wait3A_458 = tpu.memref_slice %arg2[%dma_wait3A_456, %dma_wait3A_457] : memref<100000x32xf32, #tpu.memory_space<hbm>> -> memref<100000x32xf32, #tpu.memory_space<hbm>>
      tpu.wait_indirect_dma semaphore(%arg22 : memref<!tpu.dma_semaphore, #tpu.memory_space<semaphore_mem>>) src(%dma_wait3A_458 : memref<100000x32xf32, #tpu.memory_space<hbm>>) dst(%arg17 : memref<128x32xf32, #tpu.memory_space<vmem>>)
      %run_scoped3A_459 = arith.constant 5 : i32
      "tpu.region"() ({
        %run_scoped3A_579 = tpu.sem_alloc : memref<!tpu.dma_semaphore, #tpu.memory_space<semaphore_mem>>
        %dma_start3A_580 = arith.constant 0 : i32
        %dma_start3A_581 = tpu.memref_slice %arg13[%run_scoped3A_459, %dma_start3A_580] : memref<14x128xi32, #tpu.memory_space<vmem>> -> memref<1x128xi32, #tpu.memory_space<vmem>>
        %dma_start3A_582 = tpu.memref_squeeze %dma_start3A_581 : memref<1x128xi32, #tpu.memory_space<vmem>> -> memref<128xi32, #tpu.memory_space<vmem>>
        %dma_start3A_583 = arith.constant 0 : i32
        %dma_start3A_584 = arith.constant 0 : i32
        %dma_start3A_585 = tpu.memref_slice %arg18[%dma_start3A_583, %dma_start3A_584] : memref<51200x32xf32, #tpu.memory_space<vmem_shared>> -> memref<51200x32xf32, #tpu.memory_space<vmem_shared>>
        tpu.enqueue_indirect_dma source(%arg17 : memref<128x32xf32, #tpu.memory_space<vmem>>) target(%dma_start3A_585 : memref<51200x32xf32, #tpu.memory_space<vmem_shared>>) offsets(%dma_start3A_582 : memref<128xi32, #tpu.memory_space<vmem>>) semaphore(%run_scoped3A_579 : memref<!tpu.dma_semaphore, #tpu.memory_space<semaphore_mem>>) {add = true}
        %dma_wait3A_586 = arith.constant 0 : i32
        %dma_wait3A_587 = tpu.memref_slice %arg13[%run_scoped3A_459, %dma_wait3A_586] : memref<14x128xi32, #tpu.memory_space<vmem>> -> memref<1x128xi32, #tpu.memory_space<vmem>>
        %dma_wait3A_588 = tpu.memref_squeeze %dma_wait3A_587 : memref<1x128xi32, #tpu.memory_space<vmem>> -> memref<128xi32, #tpu.memory_space<vmem>>
        %dma_wait3A_589 = arith.constant 0 : i32
        %dma_wait3A_590 = arith.constant 0 : i32
        %dma_wait3A_591 = tpu.memref_slice %arg18[%dma_wait3A_589, %dma_wait3A_590] : memref<51200x32xf32, #tpu.memory_space<vmem_shared>> -> memref<51200x32xf32, #tpu.memory_space<vmem_shared>>
        tpu.wait_indirect_dma semaphore(%run_scoped3A_579 : memref<!tpu.dma_semaphore, #tpu.memory_space<semaphore_mem>>) src(%arg17 : memref<128x32xf32, #tpu.memory_space<vmem>>) dst(%dma_wait3A_591 : memref<51200x32xf32, #tpu.memory_space<vmem_shared>>)
        tpu.yield
      }) : () -> ()
      %dma_start3A_460 = arith.constant 9 : i32
      %dma_start3A_461 = arith.constant 0 : i32
      %dma_start3A_462 = tpu.memref_slice %arg11[%dma_start3A_460, %dma_start3A_461] : memref<14x128xi32, #tpu.memory_space<vmem>> -> memref<1x128xi32, #tpu.memory_space<vmem>>
      %dma_start3A_463 = tpu.memref_squeeze %dma_start3A_462 : memref<1x128xi32, #tpu.memory_space<vmem>> -> memref<128xi32, #tpu.memory_space<vmem>>
      %dma_start3A_464 = arith.constant 0 : i32
      %dma_start3A_465 = arith.constant 0 : i32
      %dma_start3A_466 = tpu.memref_slice %arg2[%dma_start3A_464, %dma_start3A_465] : memref<100000x32xf32, #tpu.memory_space<hbm>> -> memref<100000x32xf32, #tpu.memory_space<hbm>>
      tpu.enqueue_indirect_dma source(%dma_start3A_466 : memref<100000x32xf32, #tpu.memory_space<hbm>>) target(%arg17 : memref<128x32xf32, #tpu.memory_space<vmem>>) offsets(%dma_start3A_463 : memref<128xi32, #tpu.memory_space<vmem>>) semaphore(%arg22 : memref<!tpu.dma_semaphore, #tpu.memory_space<semaphore_mem>>)
      %dma_wait3A_467 = arith.constant 6 : i32
      %dma_wait3A_468 = arith.constant 0 : i32
      %dma_wait3A_469 = tpu.memref_slice %arg11[%dma_wait3A_467, %dma_wait3A_468] : memref<14x128xi32, #tpu.memory_space<vmem>> -> memref<1x128xi32, #tpu.memory_space<vmem>>
      %dma_wait3A_470 = tpu.memref_squeeze %dma_wait3A_469 : memref<1x128xi32, #tpu.memory_space<vmem>> -> memref<128xi32, #tpu.memory_space<vmem>>
      %dma_wait3A_471 = arith.constant 0 : i32
      %dma_wait3A_472 = arith.constant 0 : i32
      %dma_wait3A_473 = tpu.memref_slice %arg2[%dma_wait3A_471, %dma_wait3A_472] : memref<100000x32xf32, #tpu.memory_space<hbm>> -> memref<100000x32xf32, #tpu.memory_space<hbm>>
      tpu.wait_indirect_dma semaphore(%arg19 : memref<!tpu.dma_semaphore, #tpu.memory_space<semaphore_mem>>) src(%dma_wait3A_473 : memref<100000x32xf32, #tpu.memory_space<hbm>>) dst(%arg14 : memref<128x32xf32, #tpu.memory_space<vmem>>)
      %run_scoped3A_474 = arith.constant 6 : i32
      "tpu.region"() ({
        %run_scoped3A_579 = tpu.sem_alloc : memref<!tpu.dma_semaphore, #tpu.memory_space<semaphore_mem>>
        %dma_start3A_580 = arith.constant 0 : i32
        %dma_start3A_581 = tpu.memref_slice %arg13[%run_scoped3A_474, %dma_start3A_580] : memref<14x128xi32, #tpu.memory_space<vmem>> -> memref<1x128xi32, #tpu.memory_space<vmem>>
        %dma_start3A_582 = tpu.memref_squeeze %dma_start3A_581 : memref<1x128xi32, #tpu.memory_space<vmem>> -> memref<128xi32, #tpu.memory_space<vmem>>
        %dma_start3A_583 = arith.constant 0 : i32
        %dma_start3A_584 = arith.constant 0 : i32
        %dma_start3A_585 = tpu.memref_slice %arg18[%dma_start3A_583, %dma_start3A_584] : memref<51200x32xf32, #tpu.memory_space<vmem_shared>> -> memref<51200x32xf32, #tpu.memory_space<vmem_shared>>
        tpu.enqueue_indirect_dma source(%arg14 : memref<128x32xf32, #tpu.memory_space<vmem>>) target(%dma_start3A_585 : memref<51200x32xf32, #tpu.memory_space<vmem_shared>>) offsets(%dma_start3A_582 : memref<128xi32, #tpu.memory_space<vmem>>) semaphore(%run_scoped3A_579 : memref<!tpu.dma_semaphore, #tpu.memory_space<semaphore_mem>>) {add = true}
        %dma_wait3A_586 = arith.constant 0 : i32
        %dma_wait3A_587 = tpu.memref_slice %arg13[%run_scoped3A_474, %dma_wait3A_586] : memref<14x128xi32, #tpu.memory_space<vmem>> -> memref<1x128xi32, #tpu.memory_space<vmem>>
        %dma_wait3A_588 = tpu.memref_squeeze %dma_wait3A_587 : memref<1x128xi32, #tpu.memory_space<vmem>> -> memref<128xi32, #tpu.memory_space<vmem>>
        %dma_wait3A_589 = arith.constant 0 : i32
        %dma_wait3A_590 = arith.constant 0 : i32
        %dma_wait3A_591 = tpu.memref_slice %arg18[%dma_wait3A_589, %dma_wait3A_590] : memref<51200x32xf32, #tpu.memory_space<vmem_shared>> -> memref<51200x32xf32, #tpu.memory_space<vmem_shared>>
        tpu.wait_indirect_dma semaphore(%run_scoped3A_579 : memref<!tpu.dma_semaphore, #tpu.memory_space<semaphore_mem>>) src(%arg14 : memref<128x32xf32, #tpu.memory_space<vmem>>) dst(%dma_wait3A_591 : memref<51200x32xf32, #tpu.memory_space<vmem_shared>>)
        tpu.yield
      }) : () -> ()
      %dma_start3A_475 = arith.constant 10 : i32
      %dma_start3A_476 = arith.constant 0 : i32
      %dma_start3A_477 = tpu.memref_slice %arg11[%dma_start3A_475, %dma_start3A_476] : memref<14x128xi32, #tpu.memory_space<vmem>> -> memref<1x128xi32, #tpu.memory_space<vmem>>
      %dma_start3A_478 = tpu.memref_squeeze %dma_start3A_477 : memref<1x128xi32, #tpu.memory_space<vmem>> -> memref<128xi32, #tpu.memory_space<vmem>>
      %dma_start3A_479 = arith.constant 0 : i32
      %dma_start3A_480 = arith.constant 0 : i32
      %dma_start3A_481 = tpu.memref_slice %arg2[%dma_start3A_479, %dma_start3A_480] : memref<100000x32xf32, #tpu.memory_space<hbm>> -> memref<100000x32xf32, #tpu.memory_space<hbm>>
      tpu.enqueue_indirect_dma source(%dma_start3A_481 : memref<100000x32xf32, #tpu.memory_space<hbm>>) target(%arg14 : memref<128x32xf32, #tpu.memory_space<vmem>>) offsets(%dma_start3A_478 : memref<128xi32, #tpu.memory_space<vmem>>) semaphore(%arg19 : memref<!tpu.dma_semaphore, #tpu.memory_space<semaphore_mem>>)
      %dma_wait3A_482 = arith.constant 7 : i32
      %dma_wait3A_483 = arith.constant 0 : i32
      %dma_wait3A_484 = tpu.memref_slice %arg11[%dma_wait3A_482, %dma_wait3A_483] : memref<14x128xi32, #tpu.memory_space<vmem>> -> memref<1x128xi32, #tpu.memory_space<vmem>>
      %dma_wait3A_485 = tpu.memref_squeeze %dma_wait3A_484 : memref<1x128xi32, #tpu.memory_space<vmem>> -> memref<128xi32, #tpu.memory_space<vmem>>
      %dma_wait3A_486 = arith.constant 0 : i32
      %dma_wait3A_487 = arith.constant 0 : i32
      %dma_wait3A_488 = tpu.memref_slice %arg2[%dma_wait3A_486, %dma_wait3A_487] : memref<100000x32xf32, #tpu.memory_space<hbm>> -> memref<100000x32xf32, #tpu.memory_space<hbm>>
      tpu.wait_indirect_dma semaphore(%arg20 : memref<!tpu.dma_semaphore, #tpu.memory_space<semaphore_mem>>) src(%dma_wait3A_488 : memref<100000x32xf32, #tpu.memory_space<hbm>>) dst(%arg15 : memref<128x32xf32, #tpu.memory_space<vmem>>)
      %run_scoped3A_489 = arith.constant 7 : i32
      "tpu.region"() ({
        %run_scoped3A_579 = tpu.sem_alloc : memref<!tpu.dma_semaphore, #tpu.memory_space<semaphore_mem>>
        %dma_start3A_580 = arith.constant 0 : i32
        %dma_start3A_581 = tpu.memref_slice %arg13[%run_scoped3A_489, %dma_start3A_580] : memref<14x128xi32, #tpu.memory_space<vmem>> -> memref<1x128xi32, #tpu.memory_space<vmem>>
        %dma_start3A_582 = tpu.memref_squeeze %dma_start3A_581 : memref<1x128xi32, #tpu.memory_space<vmem>> -> memref<128xi32, #tpu.memory_space<vmem>>
        %dma_start3A_583 = arith.constant 0 : i32
        %dma_start3A_584 = arith.constant 0 : i32
        %dma_start3A_585 = tpu.memref_slice %arg18[%dma_start3A_583, %dma_start3A_584] : memref<51200x32xf32, #tpu.memory_space<vmem_shared>> -> memref<51200x32xf32, #tpu.memory_space<vmem_shared>>
        tpu.enqueue_indirect_dma source(%arg15 : memref<128x32xf32, #tpu.memory_space<vmem>>) target(%dma_start3A_585 : memref<51200x32xf32, #tpu.memory_space<vmem_shared>>) offsets(%dma_start3A_582 : memref<128xi32, #tpu.memory_space<vmem>>) semaphore(%run_scoped3A_579 : memref<!tpu.dma_semaphore, #tpu.memory_space<semaphore_mem>>) {add = true}
        %dma_wait3A_586 = arith.constant 0 : i32
        %dma_wait3A_587 = tpu.memref_slice %arg13[%run_scoped3A_489, %dma_wait3A_586] : memref<14x128xi32, #tpu.memory_space<vmem>> -> memref<1x128xi32, #tpu.memory_space<vmem>>
        %dma_wait3A_588 = tpu.memref_squeeze %dma_wait3A_587 : memref<1x128xi32, #tpu.memory_space<vmem>> -> memref<128xi32, #tpu.memory_space<vmem>>
        %dma_wait3A_589 = arith.constant 0 : i32
        %dma_wait3A_590 = arith.constant 0 : i32
        %dma_wait3A_591 = tpu.memref_slice %arg18[%dma_wait3A_589, %dma_wait3A_590] : memref<51200x32xf32, #tpu.memory_space<vmem_shared>> -> memref<51200x32xf32, #tpu.memory_space<vmem_shared>>
        tpu.wait_indirect_dma semaphore(%run_scoped3A_579 : memref<!tpu.dma_semaphore, #tpu.memory_space<semaphore_mem>>) src(%arg15 : memref<128x32xf32, #tpu.memory_space<vmem>>) dst(%dma_wait3A_591 : memref<51200x32xf32, #tpu.memory_space<vmem_shared>>)
        tpu.yield
      }) : () -> ()
      %dma_start3A_490 = arith.constant 11 : i32
      %dma_start3A_491 = arith.constant 0 : i32
      %dma_start3A_492 = tpu.memref_slice %arg11[%dma_start3A_490, %dma_start3A_491] : memref<14x128xi32, #tpu.memory_space<vmem>> -> memref<1x128xi32, #tpu.memory_space<vmem>>
      %dma_start3A_493 = tpu.memref_squeeze %dma_start3A_492 : memref<1x128xi32, #tpu.memory_space<vmem>> -> memref<128xi32, #tpu.memory_space<vmem>>
      %dma_start3A_494 = arith.constant 0 : i32
      %dma_start3A_495 = arith.constant 0 : i32
      %dma_start3A_496 = tpu.memref_slice %arg2[%dma_start3A_494, %dma_start3A_495] : memref<100000x32xf32, #tpu.memory_space<hbm>> -> memref<100000x32xf32, #tpu.memory_space<hbm>>
      tpu.enqueue_indirect_dma source(%dma_start3A_496 : memref<100000x32xf32, #tpu.memory_space<hbm>>) target(%arg15 : memref<128x32xf32, #tpu.memory_space<vmem>>) offsets(%dma_start3A_493 : memref<128xi32, #tpu.memory_space<vmem>>) semaphore(%arg20 : memref<!tpu.dma_semaphore, #tpu.memory_space<semaphore_mem>>)
      %dma_wait3A_497 = arith.constant 8 : i32
      %dma_wait3A_498 = arith.constant 0 : i32
      %dma_wait3A_499 = tpu.memref_slice %arg11[%dma_wait3A_497, %dma_wait3A_498] : memref<14x128xi32, #tpu.memory_space<vmem>> -> memref<1x128xi32, #tpu.memory_space<vmem>>
      %dma_wait3A_500 = tpu.memref_squeeze %dma_wait3A_499 : memref<1x128xi32, #tpu.memory_space<vmem>> -> memref<128xi32, #tpu.memory_space<vmem>>
      %dma_wait3A_501 = arith.constant 0 : i32
      %dma_wait3A_502 = arith.constant 0 : i32
      %dma_wait3A_503 = tpu.memref_slice %arg2[%dma_wait3A_501, %dma_wait3A_502] : memref<100000x32xf32, #tpu.memory_space<hbm>> -> memref<100000x32xf32, #tpu.memory_space<hbm>>
      tpu.wait_indirect_dma semaphore(%arg21 : memref<!tpu.dma_semaphore, #tpu.memory_space<semaphore_mem>>) src(%dma_wait3A_503 : memref<100000x32xf32, #tpu.memory_space<hbm>>) dst(%arg16 : memref<128x32xf32, #tpu.memory_space<vmem>>)
      %run_scoped3A_504 = arith.constant 8 : i32
      "tpu.region"() ({
        %run_scoped3A_579 = tpu.sem_alloc : memref<!tpu.dma_semaphore, #tpu.memory_space<semaphore_mem>>
        %dma_start3A_580 = arith.constant 0 : i32
        %dma_start3A_581 = tpu.memref_slice %arg13[%run_scoped3A_504, %dma_start3A_580] : memref<14x128xi32, #tpu.memory_space<vmem>> -> memref<1x128xi32, #tpu.memory_space<vmem>>
        %dma_start3A_582 = tpu.memref_squeeze %dma_start3A_581 : memref<1x128xi32, #tpu.memory_space<vmem>> -> memref<128xi32, #tpu.memory_space<vmem>>
        %dma_start3A_583 = arith.constant 0 : i32
        %dma_start3A_584 = arith.constant 0 : i32
        %dma_start3A_585 = tpu.memref_slice %arg18[%dma_start3A_583, %dma_start3A_584] : memref<51200x32xf32, #tpu.memory_space<vmem_shared>> -> memref<51200x32xf32, #tpu.memory_space<vmem_shared>>
        tpu.enqueue_indirect_dma source(%arg16 : memref<128x32xf32, #tpu.memory_space<vmem>>) target(%dma_start3A_585 : memref<51200x32xf32, #tpu.memory_space<vmem_shared>>) offsets(%dma_start3A_582 : memref<128xi32, #tpu.memory_space<vmem>>) semaphore(%run_scoped3A_579 : memref<!tpu.dma_semaphore, #tpu.memory_space<semaphore_mem>>) {add = true}
        %dma_wait3A_586 = arith.constant 0 : i32
        %dma_wait3A_587 = tpu.memref_slice %arg13[%run_scoped3A_504, %dma_wait3A_586] : memref<14x128xi32, #tpu.memory_space<vmem>> -> memref<1x128xi32, #tpu.memory_space<vmem>>
        %dma_wait3A_588 = tpu.memref_squeeze %dma_wait3A_587 : memref<1x128xi32, #tpu.memory_space<vmem>> -> memref<128xi32, #tpu.memory_space<vmem>>
        %dma_wait3A_589 = arith.constant 0 : i32
        %dma_wait3A_590 = arith.constant 0 : i32
        %dma_wait3A_591 = tpu.memref_slice %arg18[%dma_wait3A_589, %dma_wait3A_590] : memref<51200x32xf32, #tpu.memory_space<vmem_shared>> -> memref<51200x32xf32, #tpu.memory_space<vmem_shared>>
        tpu.wait_indirect_dma semaphore(%run_scoped3A_579 : memref<!tpu.dma_semaphore, #tpu.memory_space<semaphore_mem>>) src(%arg16 : memref<128x32xf32, #tpu.memory_space<vmem>>) dst(%dma_wait3A_591 : memref<51200x32xf32, #tpu.memory_space<vmem_shared>>)
        tpu.yield
      }) : () -> ()
      %dma_start3A_505 = arith.constant 12 : i32
      %dma_start3A_506 = arith.constant 0 : i32
      %dma_start3A_507 = tpu.memref_slice %arg11[%dma_start3A_505, %dma_start3A_506] : memref<14x128xi32, #tpu.memory_space<vmem>> -> memref<1x128xi32, #tpu.memory_space<vmem>>
      %dma_start3A_508 = tpu.memref_squeeze %dma_start3A_507 : memref<1x128xi32, #tpu.memory_space<vmem>> -> memref<128xi32, #tpu.memory_space<vmem>>
      %dma_start3A_509 = arith.constant 0 : i32
      %dma_start3A_510 = arith.constant 0 : i32
      %dma_start3A_511 = tpu.memref_slice %arg2[%dma_start3A_509, %dma_start3A_510] : memref<100000x32xf32, #tpu.memory_space<hbm>> -> memref<100000x32xf32, #tpu.memory_space<hbm>>
      tpu.enqueue_indirect_dma source(%dma_start3A_511 : memref<100000x32xf32, #tpu.memory_space<hbm>>) target(%arg16 : memref<128x32xf32, #tpu.memory_space<vmem>>) offsets(%dma_start3A_508 : memref<128xi32, #tpu.memory_space<vmem>>) semaphore(%arg21 : memref<!tpu.dma_semaphore, #tpu.memory_space<semaphore_mem>>)
      %dma_wait3A_512 = arith.constant 9 : i32
      %dma_wait3A_513 = arith.constant 0 : i32
      %dma_wait3A_514 = tpu.memref_slice %arg11[%dma_wait3A_512, %dma_wait3A_513] : memref<14x128xi32, #tpu.memory_space<vmem>> -> memref<1x128xi32, #tpu.memory_space<vmem>>
      %dma_wait3A_515 = tpu.memref_squeeze %dma_wait3A_514 : memref<1x128xi32, #tpu.memory_space<vmem>> -> memref<128xi32, #tpu.memory_space<vmem>>
      %dma_wait3A_516 = arith.constant 0 : i32
      %dma_wait3A_517 = arith.constant 0 : i32
      %dma_wait3A_518 = tpu.memref_slice %arg2[%dma_wait3A_516, %dma_wait3A_517] : memref<100000x32xf32, #tpu.memory_space<hbm>> -> memref<100000x32xf32, #tpu.memory_space<hbm>>
      tpu.wait_indirect_dma semaphore(%arg22 : memref<!tpu.dma_semaphore, #tpu.memory_space<semaphore_mem>>) src(%dma_wait3A_518 : memref<100000x32xf32, #tpu.memory_space<hbm>>) dst(%arg17 : memref<128x32xf32, #tpu.memory_space<vmem>>)
      %run_scoped3A_519 = arith.constant 9 : i32
      "tpu.region"() ({
        %run_scoped3A_579 = tpu.sem_alloc : memref<!tpu.dma_semaphore, #tpu.memory_space<semaphore_mem>>
        %dma_start3A_580 = arith.constant 0 : i32
        %dma_start3A_581 = tpu.memref_slice %arg13[%run_scoped3A_519, %dma_start3A_580] : memref<14x128xi32, #tpu.memory_space<vmem>> -> memref<1x128xi32, #tpu.memory_space<vmem>>
        %dma_start3A_582 = tpu.memref_squeeze %dma_start3A_581 : memref<1x128xi32, #tpu.memory_space<vmem>> -> memref<128xi32, #tpu.memory_space<vmem>>
        %dma_start3A_583 = arith.constant 0 : i32
        %dma_start3A_584 = arith.constant 0 : i32
        %dma_start3A_585 = tpu.memref_slice %arg18[%dma_start3A_583, %dma_start3A_584] : memref<51200x32xf32, #tpu.memory_space<vmem_shared>> -> memref<51200x32xf32, #tpu.memory_space<vmem_shared>>
        tpu.enqueue_indirect_dma source(%arg17 : memref<128x32xf32, #tpu.memory_space<vmem>>) target(%dma_start3A_585 : memref<51200x32xf32, #tpu.memory_space<vmem_shared>>) offsets(%dma_start3A_582 : memref<128xi32, #tpu.memory_space<vmem>>) semaphore(%run_scoped3A_579 : memref<!tpu.dma_semaphore, #tpu.memory_space<semaphore_mem>>) {add = true}
        %dma_wait3A_586 = arith.constant 0 : i32
        %dma_wait3A_587 = tpu.memref_slice %arg13[%run_scoped3A_519, %dma_wait3A_586] : memref<14x128xi32, #tpu.memory_space<vmem>> -> memref<1x128xi32, #tpu.memory_space<vmem>>
        %dma_wait3A_588 = tpu.memref_squeeze %dma_wait3A_587 : memref<1x128xi32, #tpu.memory_space<vmem>> -> memref<128xi32, #tpu.memory_space<vmem>>
        %dma_wait3A_589 = arith.constant 0 : i32
        %dma_wait3A_590 = arith.constant 0 : i32
        %dma_wait3A_591 = tpu.memref_slice %arg18[%dma_wait3A_589, %dma_wait3A_590] : memref<51200x32xf32, #tpu.memory_space<vmem_shared>> -> memref<51200x32xf32, #tpu.memory_space<vmem_shared>>
        tpu.wait_indirect_dma semaphore(%run_scoped3A_579 : memref<!tpu.dma_semaphore, #tpu.memory_space<semaphore_mem>>) src(%arg17 : memref<128x32xf32, #tpu.memory_space<vmem>>) dst(%dma_wait3A_591 : memref<51200x32xf32, #tpu.memory_space<vmem_shared>>)
        tpu.yield
      }) : () -> ()
      %dma_start3A_520 = arith.constant 13 : i32
      %dma_start3A_521 = arith.constant 0 : i32
      %dma_start3A_522 = tpu.memref_slice %arg11[%dma_start3A_520, %dma_start3A_521] : memref<14x128xi32, #tpu.memory_space<vmem>> -> memref<1x128xi32, #tpu.memory_space<vmem>>
      %dma_start3A_523 = tpu.memref_squeeze %dma_start3A_522 : memref<1x128xi32, #tpu.memory_space<vmem>> -> memref<128xi32, #tpu.memory_space<vmem>>
      %dma_start3A_524 = arith.constant 0 : i32
      %dma_start3A_525 = arith.constant 0 : i32
      %dma_start3A_526 = tpu.memref_slice %arg2[%dma_start3A_524, %dma_start3A_525] : memref<100000x32xf32, #tpu.memory_space<hbm>> -> memref<100000x32xf32, #tpu.memory_space<hbm>>
      tpu.enqueue_indirect_dma source(%dma_start3A_526 : memref<100000x32xf32, #tpu.memory_space<hbm>>) target(%arg17 : memref<128x32xf32, #tpu.memory_space<vmem>>) offsets(%dma_start3A_523 : memref<128xi32, #tpu.memory_space<vmem>>) semaphore(%arg22 : memref<!tpu.dma_semaphore, #tpu.memory_space<semaphore_mem>>)
      %dma_wait3A_527 = arith.constant 10 : i32
      %dma_wait3A_528 = arith.constant 0 : i32
      %dma_wait3A_529 = tpu.memref_slice %arg11[%dma_wait3A_527, %dma_wait3A_528] : memref<14x128xi32, #tpu.memory_space<vmem>> -> memref<1x128xi32, #tpu.memory_space<vmem>>
      %dma_wait3A_530 = tpu.memref_squeeze %dma_wait3A_529 : memref<1x128xi32, #tpu.memory_space<vmem>> -> memref<128xi32, #tpu.memory_space<vmem>>
      %dma_wait3A_531 = arith.constant 0 : i32
      %dma_wait3A_532 = arith.constant 0 : i32
      %dma_wait3A_533 = tpu.memref_slice %arg2[%dma_wait3A_531, %dma_wait3A_532] : memref<100000x32xf32, #tpu.memory_space<hbm>> -> memref<100000x32xf32, #tpu.memory_space<hbm>>
      tpu.wait_indirect_dma semaphore(%arg19 : memref<!tpu.dma_semaphore, #tpu.memory_space<semaphore_mem>>) src(%dma_wait3A_533 : memref<100000x32xf32, #tpu.memory_space<hbm>>) dst(%arg14 : memref<128x32xf32, #tpu.memory_space<vmem>>)
      %run_scoped3A_534 = arith.constant 10 : i32
      "tpu.region"() ({
        %run_scoped3A_579 = tpu.sem_alloc : memref<!tpu.dma_semaphore, #tpu.memory_space<semaphore_mem>>
        %dma_start3A_580 = arith.constant 0 : i32
        %dma_start3A_581 = tpu.memref_slice %arg13[%run_scoped3A_534, %dma_start3A_580] : memref<14x128xi32, #tpu.memory_space<vmem>> -> memref<1x128xi32, #tpu.memory_space<vmem>>
        %dma_start3A_582 = tpu.memref_squeeze %dma_start3A_581 : memref<1x128xi32, #tpu.memory_space<vmem>> -> memref<128xi32, #tpu.memory_space<vmem>>
        %dma_start3A_583 = arith.constant 0 : i32
        %dma_start3A_584 = arith.constant 0 : i32
        %dma_start3A_585 = tpu.memref_slice %arg18[%dma_start3A_583, %dma_start3A_584] : memref<51200x32xf32, #tpu.memory_space<vmem_shared>> -> memref<51200x32xf32, #tpu.memory_space<vmem_shared>>
        tpu.enqueue_indirect_dma source(%arg14 : memref<128x32xf32, #tpu.memory_space<vmem>>) target(%dma_start3A_585 : memref<51200x32xf32, #tpu.memory_space<vmem_shared>>) offsets(%dma_start3A_582 : memref<128xi32, #tpu.memory_space<vmem>>) semaphore(%run_scoped3A_579 : memref<!tpu.dma_semaphore, #tpu.memory_space<semaphore_mem>>) {add = true}
        %dma_wait3A_586 = arith.constant 0 : i32
        %dma_wait3A_587 = tpu.memref_slice %arg13[%run_scoped3A_534, %dma_wait3A_586] : memref<14x128xi32, #tpu.memory_space<vmem>> -> memref<1x128xi32, #tpu.memory_space<vmem>>
        %dma_wait3A_588 = tpu.memref_squeeze %dma_wait3A_587 : memref<1x128xi32, #tpu.memory_space<vmem>> -> memref<128xi32, #tpu.memory_space<vmem>>
        %dma_wait3A_589 = arith.constant 0 : i32
        %dma_wait3A_590 = arith.constant 0 : i32
        %dma_wait3A_591 = tpu.memref_slice %arg18[%dma_wait3A_589, %dma_wait3A_590] : memref<51200x32xf32, #tpu.memory_space<vmem_shared>> -> memref<51200x32xf32, #tpu.memory_space<vmem_shared>>
        tpu.wait_indirect_dma semaphore(%run_scoped3A_579 : memref<!tpu.dma_semaphore, #tpu.memory_space<semaphore_mem>>) src(%arg14 : memref<128x32xf32, #tpu.memory_space<vmem>>) dst(%dma_wait3A_591 : memref<51200x32xf32, #tpu.memory_space<vmem_shared>>)
        tpu.yield
      }) : () -> ()
      %dma_wait3A_535 = arith.constant 11 : i32
      %dma_wait3A_536 = arith.constant 0 : i32
      %dma_wait3A_537 = tpu.memref_slice %arg11[%dma_wait3A_535, %dma_wait3A_536] : memref<14x128xi32, #tpu.memory_space<vmem>> -> memref<1x128xi32, #tpu.memory_space<vmem>>
      %dma_wait3A_538 = tpu.memref_squeeze %dma_wait3A_537 : memref<1x128xi32, #tpu.memory_space<vmem>> -> memref<128xi32, #tpu.memory_space<vmem>>
      %dma_wait3A_539 = arith.constant 0 : i32
      %dma_wait3A_540 = arith.constant 0 : i32
      %dma_wait3A_541 = tpu.memref_slice %arg2[%dma_wait3A_539, %dma_wait3A_540] : memref<100000x32xf32, #tpu.memory_space<hbm>> -> memref<100000x32xf32, #tpu.memory_space<hbm>>
      tpu.wait_indirect_dma semaphore(%arg20 : memref<!tpu.dma_semaphore, #tpu.memory_space<semaphore_mem>>) src(%dma_wait3A_541 : memref<100000x32xf32, #tpu.memory_space<hbm>>) dst(%arg15 : memref<128x32xf32, #tpu.memory_space<vmem>>)
      %run_scoped3A_542 = arith.constant 11 : i32
      "tpu.region"() ({
        %run_scoped3A_579 = tpu.sem_alloc : memref<!tpu.dma_semaphore, #tpu.memory_space<semaphore_mem>>
        %dma_start3A_580 = arith.constant 0 : i32
        %dma_start3A_581 = tpu.memref_slice %arg13[%run_scoped3A_542, %dma_start3A_580] : memref<14x128xi32, #tpu.memory_space<vmem>> -> memref<1x128xi32, #tpu.memory_space<vmem>>
        %dma_start3A_582 = tpu.memref_squeeze %dma_start3A_581 : memref<1x128xi32, #tpu.memory_space<vmem>> -> memref<128xi32, #tpu.memory_space<vmem>>
        %dma_start3A_583 = arith.constant 0 : i32
        %dma_start3A_584 = arith.constant 0 : i32
        %dma_start3A_585 = tpu.memref_slice %arg18[%dma_start3A_583, %dma_start3A_584] : memref<51200x32xf32, #tpu.memory_space<vmem_shared>> -> memref<51200x32xf32, #tpu.memory_space<vmem_shared>>
        tpu.enqueue_indirect_dma source(%arg15 : memref<128x32xf32, #tpu.memory_space<vmem>>) target(%dma_start3A_585 : memref<51200x32xf32, #tpu.memory_space<vmem_shared>>) offsets(%dma_start3A_582 : memref<128xi32, #tpu.memory_space<vmem>>) semaphore(%run_scoped3A_579 : memref<!tpu.dma_semaphore, #tpu.memory_space<semaphore_mem>>) {add = true}
        %dma_wait3A_586 = arith.constant 0 : i32
        %dma_wait3A_587 = tpu.memref_slice %arg13[%run_scoped3A_542, %dma_wait3A_586] : memref<14x128xi32, #tpu.memory_space<vmem>> -> memref<1x128xi32, #tpu.memory_space<vmem>>
        %dma_wait3A_588 = tpu.memref_squeeze %dma_wait3A_587 : memref<1x128xi32, #tpu.memory_space<vmem>> -> memref<128xi32, #tpu.memory_space<vmem>>
        %dma_wait3A_589 = arith.constant 0 : i32
        %dma_wait3A_590 = arith.constant 0 : i32
        %dma_wait3A_591 = tpu.memref_slice %arg18[%dma_wait3A_589, %dma_wait3A_590] : memref<51200x32xf32, #tpu.memory_space<vmem_shared>> -> memref<51200x32xf32, #tpu.memory_space<vmem_shared>>
        tpu.wait_indirect_dma semaphore(%run_scoped3A_579 : memref<!tpu.dma_semaphore, #tpu.memory_space<semaphore_mem>>) src(%arg15 : memref<128x32xf32, #tpu.memory_space<vmem>>) dst(%dma_wait3A_591 : memref<51200x32xf32, #tpu.memory_space<vmem_shared>>)
        tpu.yield
      }) : () -> ()
      %dma_wait3A_543 = arith.constant 12 : i32
      %dma_wait3A_544 = arith.constant 0 : i32
      %dma_wait3A_545 = tpu.memref_slice %arg11[%dma_wait3A_543, %dma_wait3A_544] : memref<14x128xi32, #tpu.memory_space<vmem>> -> memref<1x128xi32, #tpu.memory_space<vmem>>
      %dma_wait3A_546 = tpu.memref_squeeze %dma_wait3A_545 : memref<1x128xi32, #tpu.memory_space<vmem>> -> memref<128xi32, #tpu.memory_space<vmem>>
      %dma_wait3A_547 = arith.constant 0 : i32
      %dma_wait3A_548 = arith.constant 0 : i32
      %dma_wait3A_549 = tpu.memref_slice %arg2[%dma_wait3A_547, %dma_wait3A_548] : memref<100000x32xf32, #tpu.memory_space<hbm>> -> memref<100000x32xf32, #tpu.memory_space<hbm>>
      tpu.wait_indirect_dma semaphore(%arg21 : memref<!tpu.dma_semaphore, #tpu.memory_space<semaphore_mem>>) src(%dma_wait3A_549 : memref<100000x32xf32, #tpu.memory_space<hbm>>) dst(%arg16 : memref<128x32xf32, #tpu.memory_space<vmem>>)
      %run_scoped3A_550 = arith.constant 12 : i32
      "tpu.region"() ({
        %run_scoped3A_579 = tpu.sem_alloc : memref<!tpu.dma_semaphore, #tpu.memory_space<semaphore_mem>>
        %dma_start3A_580 = arith.constant 0 : i32
        %dma_start3A_581 = tpu.memref_slice %arg13[%run_scoped3A_550, %dma_start3A_580] : memref<14x128xi32, #tpu.memory_space<vmem>> -> memref<1x128xi32, #tpu.memory_space<vmem>>
        %dma_start3A_582 = tpu.memref_squeeze %dma_start3A_581 : memref<1x128xi32, #tpu.memory_space<vmem>> -> memref<128xi32, #tpu.memory_space<vmem>>
        %dma_start3A_583 = arith.constant 0 : i32
        %dma_start3A_584 = arith.constant 0 : i32
        %dma_start3A_585 = tpu.memref_slice %arg18[%dma_start3A_583, %dma_start3A_584] : memref<51200x32xf32, #tpu.memory_space<vmem_shared>> -> memref<51200x32xf32, #tpu.memory_space<vmem_shared>>
        tpu.enqueue_indirect_dma source(%arg16 : memref<128x32xf32, #tpu.memory_space<vmem>>) target(%dma_start3A_585 : memref<51200x32xf32, #tpu.memory_space<vmem_shared>>) offsets(%dma_start3A_582 : memref<128xi32, #tpu.memory_space<vmem>>) semaphore(%run_scoped3A_579 : memref<!tpu.dma_semaphore, #tpu.memory_space<semaphore_mem>>) {add = true}
        %dma_wait3A_586 = arith.constant 0 : i32
        %dma_wait3A_587 = tpu.memref_slice %arg13[%run_scoped3A_550, %dma_wait3A_586] : memref<14x128xi32, #tpu.memory_space<vmem>> -> memref<1x128xi32, #tpu.memory_space<vmem>>
        %dma_wait3A_588 = tpu.memref_squeeze %dma_wait3A_587 : memref<1x128xi32, #tpu.memory_space<vmem>> -> memref<128xi32, #tpu.memory_space<vmem>>
        %dma_wait3A_589 = arith.constant 0 : i32
        %dma_wait3A_590 = arith.constant 0 : i32
        %dma_wait3A_591 = tpu.memref_slice %arg18[%dma_wait3A_589, %dma_wait3A_590] : memref<51200x32xf32, #tpu.memory_space<vmem_shared>> -> memref<51200x32xf32, #tpu.memory_space<vmem_shared>>
        tpu.wait_indirect_dma semaphore(%run_scoped3A_579 : memref<!tpu.dma_semaphore, #tpu.memory_space<semaphore_mem>>) src(%arg16 : memref<128x32xf32, #tpu.memory_space<vmem>>) dst(%dma_wait3A_591 : memref<51200x32xf32, #tpu.memory_space<vmem_shared>>)
        tpu.yield
      }) : () -> ()
      %dma_wait3A_551 = arith.constant 13 : i32
      %dma_wait3A_552 = arith.constant 0 : i32
      %dma_wait3A_553 = tpu.memref_slice %arg11[%dma_wait3A_551, %dma_wait3A_552] : memref<14x128xi32, #tpu.memory_space<vmem>> -> memref<1x128xi32, #tpu.memory_space<vmem>>
      %dma_wait3A_554 = tpu.memref_squeeze %dma_wait3A_553 : memref<1x128xi32, #tpu.memory_space<vmem>> -> memref<128xi32, #tpu.memory_space<vmem>>
      %dma_wait3A_555 = arith.constant 0 : i32
      %dma_wait3A_556 = arith.constant 0 : i32
      %dma_wait3A_557 = tpu.memref_slice %arg2[%dma_wait3A_555, %dma_wait3A_556] : memref<100000x32xf32, #tpu.memory_space<hbm>> -> memref<100000x32xf32, #tpu.memory_space<hbm>>
      tpu.wait_indirect_dma semaphore(%arg22 : memref<!tpu.dma_semaphore, #tpu.memory_space<semaphore_mem>>) src(%dma_wait3A_557 : memref<100000x32xf32, #tpu.memory_space<hbm>>) dst(%arg17 : memref<128x32xf32, #tpu.memory_space<vmem>>)
      %run_scoped3A_558 = arith.constant 13 : i32
      "tpu.region"() ({
        %run_scoped3A_579 = tpu.sem_alloc : memref<!tpu.dma_semaphore, #tpu.memory_space<semaphore_mem>>
        %dma_start3A_580 = arith.constant 0 : i32
        %dma_start3A_581 = tpu.memref_slice %arg13[%run_scoped3A_558, %dma_start3A_580] : memref<14x128xi32, #tpu.memory_space<vmem>> -> memref<1x128xi32, #tpu.memory_space<vmem>>
        %dma_start3A_582 = tpu.memref_squeeze %dma_start3A_581 : memref<1x128xi32, #tpu.memory_space<vmem>> -> memref<128xi32, #tpu.memory_space<vmem>>
        %dma_start3A_583 = arith.constant 0 : i32
        %dma_start3A_584 = arith.constant 0 : i32
        %dma_start3A_585 = tpu.memref_slice %arg18[%dma_start3A_583, %dma_start3A_584] : memref<51200x32xf32, #tpu.memory_space<vmem_shared>> -> memref<51200x32xf32, #tpu.memory_space<vmem_shared>>
        tpu.enqueue_indirect_dma source(%arg17 : memref<128x32xf32, #tpu.memory_space<vmem>>) target(%dma_start3A_585 : memref<51200x32xf32, #tpu.memory_space<vmem_shared>>) offsets(%dma_start3A_582 : memref<128xi32, #tpu.memory_space<vmem>>) semaphore(%run_scoped3A_579 : memref<!tpu.dma_semaphore, #tpu.memory_space<semaphore_mem>>) {add = true}
        %dma_wait3A_586 = arith.constant 0 : i32
        %dma_wait3A_587 = tpu.memref_slice %arg13[%run_scoped3A_558, %dma_wait3A_586] : memref<14x128xi32, #tpu.memory_space<vmem>> -> memref<1x128xi32, #tpu.memory_space<vmem>>
        %dma_wait3A_588 = tpu.memref_squeeze %dma_wait3A_587 : memref<1x128xi32, #tpu.memory_space<vmem>> -> memref<128xi32, #tpu.memory_space<vmem>>
        %dma_wait3A_589 = arith.constant 0 : i32
        %dma_wait3A_590 = arith.constant 0 : i32
        %dma_wait3A_591 = tpu.memref_slice %arg18[%dma_wait3A_589, %dma_wait3A_590] : memref<51200x32xf32, #tpu.memory_space<vmem_shared>> -> memref<51200x32xf32, #tpu.memory_space<vmem_shared>>
        tpu.wait_indirect_dma semaphore(%run_scoped3A_579 : memref<!tpu.dma_semaphore, #tpu.memory_space<semaphore_mem>>) src(%arg17 : memref<128x32xf32, #tpu.memory_space<vmem>>) dst(%dma_wait3A_591 : memref<51200x32xf32, #tpu.memory_space<vmem_shared>>)
        tpu.yield
      }) : () -> ()
      %mul3A_559 = arith.constant 2 : i32
      %mul3A_560 = arith.muli %mul3A_559, %scan3A_88 : i32
      %add3A_561 = arith.constant 3 : i32
      %add3A_562 = arith.addi %mul3A_560, %add3A_561 : i32
      %mul3A_563 = arith.constant 14 : i32
      %mul3A_564 = arith.muli %add3A_562, %mul3A_563 : i32
      %dma_start3A_565 = arith.constant 0 : i32
      %dma_start3A_566 = tpu.memref_slice %arg3[%arg0, %arg1, %mul3A_564, %dma_start3A_565] : memref<2x16x424x128xi32, #tpu.memory_space<hbm>> -> memref<1x1x14x128xi32, #tpu.memory_space<hbm>>
      %dma_start3A_567 = tpu.memref_squeeze %dma_start3A_566 : memref<1x1x14x128xi32, #tpu.memory_space<hbm>> -> memref<14x128xi32, #tpu.memory_space<hbm>>
      %dma_start3A_568 = arith.constant 0 : i32
      %dma_start3A_569 = tpu.memref_slice %arg3[%arg0, %arg1, %mul3A_564, %dma_start3A_568] : memref<2x16x424x128xi32, #tpu.memory_space<hbm>> -> memref<1x1x14x128xi32, #tpu.memory_space<hbm>>
      %dma_start3A_570 = tpu.memref_squeeze %dma_start3A_569 : memref<1x1x14x128xi32, #tpu.memory_space<hbm>> -> memref<14x128xi32, #tpu.memory_space<hbm>>
      tpu.enqueue_dma source(%dma_start3A_570 : memref<14x128xi32, #tpu.memory_space<hbm>>) target(%arg11 : memref<14x128xi32, #tpu.memory_space<vmem>>) target_semaphore(%arg24 : memref<!tpu.dma_semaphore, #tpu.memory_space<semaphore_mem>>)
      %mul3A_571 = arith.constant 14 : i32
      %mul3A_572 = arith.muli %add3A_562, %mul3A_571 : i32
      %dma_start3A_573 = arith.constant 0 : i32
      %dma_start3A_574 = tpu.memref_slice %arg4[%arg1, %mul3A_572, %dma_start3A_573] : memref<16x424x128xi32, #tpu.memory_space<hbm>> -> memref<1x14x128xi32, #tpu.memory_space<hbm>>
      %dma_start3A_575 = tpu.memref_squeeze %dma_start3A_574 : memref<1x14x128xi32, #tpu.memory_space<hbm>> -> memref<14x128xi32, #tpu.memory_space<hbm>>
      %dma_start3A_576 = arith.constant 0 : i32
      %dma_start3A_577 = tpu.memref_slice %arg4[%arg1, %mul3A_572, %dma_start3A_576] : memref<16x424x128xi32, #tpu.memory_space<hbm>> -> memref<1x14x128xi32, #tpu.memory_space<hbm>>
      %dma_start3A_578 = tpu.memref_squeeze %dma_start3A_577 : memref<1x14x128xi32, #tpu.memory_space<hbm>> -> memref<14x128xi32, #tpu.memory_space<hbm>>
      tpu.enqueue_dma source(%dma_start3A_578 : memref<14x128xi32, #tpu.memory_space<hbm>>) target(%arg13 : memref<14x128xi32, #tpu.memory_space<vmem>>) target_semaphore(%arg24 : memref<!tpu.dma_semaphore, #tpu.memory_space<semaphore_mem>>)
    }
    %scan3A_51 = arith.constant 14 : i32
    %dma_wait3A = arith.constant 0 : i32
    %dma_wait3A_52 = arith.constant 0 : i32
    %dma_wait3A_53 = tpu.memref_slice %arg3[%arg0, %arg1, %dma_wait3A, %dma_wait3A_52] : memref<2x16x424x128xi32, #tpu.memory_space<hbm>> -> memref<1x1x14x128xi32, #tpu.memory_space<hbm>>
    %dma_wait3A_54 = tpu.memref_squeeze %dma_wait3A_53 : memref<1x1x14x128xi32, #tpu.memory_space<hbm>> -> memref<14x128xi32, #tpu.memory_space<hbm>>
    %dma_wait3A_55 = arith.constant 0 : i32
    %dma_wait3A_56 = arith.constant 0 : i32
    %dma_wait3A_57 = tpu.memref_slice %arg3[%arg0, %arg1, %dma_wait3A_55, %dma_wait3A_56] : memref<2x16x424x128xi32, #tpu.memory_space<hbm>> -> memref<1x1x14x128xi32, #tpu.memory_space<hbm>>
    %dma_wait3A_58 = tpu.memref_squeeze %dma_wait3A_57 : memref<1x1x14x128xi32, #tpu.memory_space<hbm>> -> memref<14x128xi32, #tpu.memory_space<hbm>>
    tpu.wait_dma2 semaphore(%arg23 : memref<!tpu.dma_semaphore, #tpu.memory_space<semaphore_mem>>) src(%dma_wait3A_58 : memref<14x128xi32, #tpu.memory_space<hbm>>) dst(%arg10 : memref<14x128xi32, #tpu.memory_space<vmem>>)
    %dma_wait3A_59 = arith.constant 0 : i32
    %dma_wait3A_60 = arith.constant 0 : i32
    %dma_wait3A_61 = tpu.memref_slice %arg4[%arg1, %dma_wait3A_59, %dma_wait3A_60] : memref<16x424x128xi32, #tpu.memory_space<hbm>> -> memref<1x14x128xi32, #tpu.memory_space<hbm>>
    %dma_wait3A_62 = tpu.memref_squeeze %dma_wait3A_61 : memref<1x14x128xi32, #tpu.memory_space<hbm>> -> memref<14x128xi32, #tpu.memory_space<hbm>>
    %dma_wait3A_63 = arith.constant 0 : i32
    %dma_wait3A_64 = arith.constant 0 : i32
    %dma_wait3A_65 = tpu.memref_slice %arg4[%arg1, %dma_wait3A_63, %dma_wait3A_64] : memref<16x424x128xi32, #tpu.memory_space<hbm>> -> memref<1x14x128xi32, #tpu.memory_space<hbm>>
    %dma_wait3A_66 = tpu.memref_squeeze %dma_wait3A_65 : memref<1x14x128xi32, #tpu.memory_space<hbm>> -> memref<14x128xi32, #tpu.memory_space<hbm>>
    tpu.wait_dma2 semaphore(%arg23 : memref<!tpu.dma_semaphore, #tpu.memory_space<semaphore_mem>>) src(%dma_wait3A_66 : memref<14x128xi32, #tpu.memory_space<hbm>>) dst(%arg12 : memref<14x128xi32, #tpu.memory_space<vmem>>)
    %dma_wait3A_67 = arith.constant 0 : i32
    %dma_wait3A_68 = arith.constant 0 : i32
    %dma_wait3A_69 = tpu.memref_slice %arg3[%arg0, %arg1, %dma_wait3A_67, %dma_wait3A_68] : memref<2x16x424x128xi32, #tpu.memory_space<hbm>> -> memref<1x1x14x128xi32, #tpu.memory_space<hbm>>
    %dma_wait3A_70 = tpu.memref_squeeze %dma_wait3A_69 : memref<1x1x14x128xi32, #tpu.memory_space<hbm>> -> memref<14x128xi32, #tpu.memory_space<hbm>>
    %dma_wait3A_71 = arith.constant 0 : i32
    %dma_wait3A_72 = arith.constant 0 : i32
    %dma_wait3A_73 = tpu.memref_slice %arg3[%arg0, %arg1, %dma_wait3A_71, %dma_wait3A_72] : memref<2x16x424x128xi32, #tpu.memory_space<hbm>> -> memref<1x1x14x128xi32, #tpu.memory_space<hbm>>
    %dma_wait3A_74 = tpu.memref_squeeze %dma_wait3A_73 : memref<1x1x14x128xi32, #tpu.memory_space<hbm>> -> memref<14x128xi32, #tpu.memory_space<hbm>>
    tpu.wait_dma2 semaphore(%arg24 : memref<!tpu.dma_semaphore, #tpu.memory_space<semaphore_mem>>) src(%dma_wait3A_74 : memref<14x128xi32, #tpu.memory_space<hbm>>) dst(%arg11 : memref<14x128xi32, #tpu.memory_space<vmem>>)
    %dma_wait3A_75 = arith.constant 0 : i32
    %dma_wait3A_76 = arith.constant 0 : i32
    %dma_wait3A_77 = tpu.memref_slice %arg4[%arg1, %dma_wait3A_75, %dma_wait3A_76] : memref<16x424x128xi32, #tpu.memory_space<hbm>> -> memref<1x14x128xi32, #tpu.memory_space<hbm>>
    %dma_wait3A_78 = tpu.memref_squeeze %dma_wait3A_77 : memref<1x14x128xi32, #tpu.memory_space<hbm>> -> memref<14x128xi32, #tpu.memory_space<hbm>>
    %dma_wait3A_79 = arith.constant 0 : i32
    %dma_wait3A_80 = arith.constant 0 : i32
    %dma_wait3A_81 = tpu.memref_slice %arg4[%arg1, %dma_wait3A_79, %dma_wait3A_80] : memref<16x424x128xi32, #tpu.memory_space<hbm>> -> memref<1x14x128xi32, #tpu.memory_space<hbm>>
    %dma_wait3A_82 = tpu.memref_squeeze %dma_wait3A_81 : memref<1x14x128xi32, #tpu.memory_space<hbm>> -> memref<14x128xi32, #tpu.memory_space<hbm>>
    tpu.wait_dma2 semaphore(%arg24 : memref<!tpu.dma_semaphore, #tpu.memory_space<semaphore_mem>>) src(%dma_wait3A_82 : memref<14x128xi32, #tpu.memory_space<hbm>>) dst(%arg13 : memref<14x128xi32, #tpu.memory_space<vmem>>)
    %barrier3A_83 = arith.constant 0 : index
    tpu.barrier barrier_id(%barrier3A_83)
    %mul3A_84 = arith.constant 3200 : i32
    %mul3A_85 = arith.muli %arg1, %mul3A_84 : i32
    %mul3A_86 = arith.constant 3200 : i32
    %mul3A_87 = arith.muli %arg1, %mul3A_86 : i32
    "tpu.region"() ({
      %run_scoped3A = tpu.sem_alloc : memref<!tpu.dma_semaphore, #tpu.memory_space<semaphore_mem>>
      %dma_start3A_88 = arith.constant 0 : i32
      %dma_start3A_89 = tpu.memref_slice %arg9[%arg0, %mul3A_87, %dma_start3A_88] : memref<2x51200x32xf32, #tpu.memory_space<hbm>> -> memref<1x3200x32xf32, #tpu.memory_space<hbm>>
      %dma_start3A_90 = tpu.memref_squeeze %dma_start3A_89 : memref<1x3200x32xf32, #tpu.memory_space<hbm>> -> memref<3200x32xf32, #tpu.memory_space<hbm>>
      %dma_start3A_91 = arith.constant 0 : i32
      %dma_start3A_92 = tpu.memref_slice %arg18[%mul3A_85, %dma_start3A_91] : memref<51200x32xf32, #tpu.memory_space<vmem_shared>> -> memref<3200x32xf32, #tpu.memory_space<vmem_shared>>
      tpu.enqueue_dma source(%dma_start3A_92 : memref<3200x32xf32, #tpu.memory_space<vmem_shared>>) target(%dma_start3A_90 : memref<3200x32xf32, #tpu.memory_space<hbm>>) target_semaphore(%run_scoped3A : memref<!tpu.dma_semaphore, #tpu.memory_space<semaphore_mem>>)
      %dma_wait3A_93 = arith.constant 0 : i32
      %dma_wait3A_94 = tpu.memref_slice %arg9[%arg0, %mul3A_87, %dma_wait3A_93] : memref<2x51200x32xf32, #tpu.memory_space<hbm>> -> memref<1x3200x32xf32, #tpu.memory_space<hbm>>
      %dma_wait3A_95 = tpu.memref_squeeze %dma_wait3A_94 : memref<1x3200x32xf32, #tpu.memory_space<hbm>> -> memref<3200x32xf32, #tpu.memory_space<hbm>>
      %dma_wait3A_96 = arith.constant 0 : i32
      %dma_wait3A_97 = tpu.memref_slice %arg18[%mul3A_85, %dma_wait3A_96] : memref<51200x32xf32, #tpu.memory_space<vmem_shared>> -> memref<3200x32xf32, #tpu.memory_space<vmem_shared>>
      tpu.wait_dma2 semaphore(%run_scoped3A : memref<!tpu.dma_semaphore, #tpu.memory_space<semaphore_mem>>) src(%dma_wait3A_97 : memref<3200x32xf32, #tpu.memory_space<vmem_shared>>) dst(%dma_wait3A_95 : memref<3200x32xf32, #tpu.memory_space<hbm>>)
      tpu.yield
    }) : () -> ()
    return
  }
}

#map = affine_map<(d0, d1) -> (0, 0)>
#map1 = affine_map<(d0, d1) -> (0, 0, 0, 0)>
#map2 = affine_map<(d0, d1) -> (0, 0, 0)>
module attributes {stable_mosaic.version = 14 : i64} {
  func.func @_bwd_body(%arg0: i32, %arg1: i32, %arg2: memref<102400x32xf32, #tpu.memory_space<hbm>>, %arg3: memref<2x16x424x128xi32, #tpu.memory_space<hbm>>, %arg4: memref<16x424x128xi32, #tpu.memory_space<hbm>>, %arg5: memref<3200x32xf32, #tpu.memory_space<hbm>>, %arg6: memref<2x51200x32xf32, #tpu.memory_space<hbm>>, %arg7: memref<14x128xi32, #tpu.memory_space<vmem>>, %arg8: memref<14x128xi32, #tpu.memory_space<vmem>>, %arg9: memref<14x128xi32, #tpu.memory_space<vmem>>, %arg10: memref<14x128xi32, #tpu.memory_space<vmem>>, %arg11: memref<128x32xf32, #tpu.memory_space<vmem>>, %arg12: memref<128x32xf32, #tpu.memory_space<vmem>>, %arg13: memref<128x32xf32, #tpu.memory_space<vmem>>, %arg14: memref<128x32xf32, #tpu.memory_space<vmem>>, %arg15: memref<51200x32xf32, #tpu.memory_space<vmem_shared>>, %arg16: memref<!tpu.dma_semaphore, #tpu.memory_space<semaphore_mem>>, %arg17: memref<!tpu.dma_semaphore, #tpu.memory_space<semaphore_mem>>, %arg18: memref<!tpu.dma_semaphore, #tpu.memory_space<semaphore_mem>>, %arg19: memref<!tpu.dma_semaphore, #tpu.memory_space<semaphore_mem>>, %arg20: memref<!tpu.dma_semaphore, #tpu.memory_space<semaphore_mem>>, %arg21: memref<!tpu.dma_semaphore, #tpu.memory_space<semaphore_mem>>) attributes {dimension_semantics = [#tpu.dimension_semantics<core_parallel>, #tpu.dimension_semantics<subcore_parallel>], iteration_bounds = array<i64: 2, 16>, scalar_prefetch = 0 : i64, scratch_operands = 15 : i64, tpu.core_type = #tpu.core_type<sc_vector_subcore>, window_params = [{transform_indices = #map}, {transform_indices = #map1}, {transform_indices = #map2}, {transform_indices = #map}, {transform_indices = #map2}]} {
    %mul3A = arith.constant 3200 : i32
    %mul3A_0 = arith.muli %arg1, %mul3A : i32
    "tpu.region"() ({
      %run_scoped3A = tpu.sem_alloc : memref<!tpu.dma_semaphore, #tpu.memory_space<semaphore_mem>>
      %dma_start3A_73 = arith.constant 0 : i32
      %dma_start3A_74 = tpu.memref_slice %arg15[%mul3A_0, %dma_start3A_73] : memref<51200x32xf32, #tpu.memory_space<vmem_shared>> -> memref<3200x32xf32, #tpu.memory_space<vmem_shared>>
      tpu.enqueue_dma source(%arg5 : memref<3200x32xf32, #tpu.memory_space<hbm>>) target(%dma_start3A_74 : memref<3200x32xf32, #tpu.memory_space<vmem_shared>>) target_semaphore(%run_scoped3A : memref<!tpu.dma_semaphore, #tpu.memory_space<semaphore_mem>>)
      %dma_wait3A_75 = arith.constant 0 : i32
      %dma_wait3A_76 = tpu.memref_slice %arg15[%mul3A_0, %dma_wait3A_75] : memref<51200x32xf32, #tpu.memory_space<vmem_shared>> -> memref<3200x32xf32, #tpu.memory_space<vmem_shared>>
      tpu.wait_dma2 semaphore(%run_scoped3A : memref<!tpu.dma_semaphore, #tpu.memory_space<semaphore_mem>>) src(%arg5 : memref<3200x32xf32, #tpu.memory_space<hbm>>) dst(%dma_wait3A_76 : memref<3200x32xf32, #tpu.memory_space<vmem_shared>>)
      tpu.yield
    }) : () -> ()
    %barrier3A = arith.constant 0 : index
    tpu.barrier barrier_id(%barrier3A)
    %dma_start3A = arith.constant 0 : i32
    %dma_start3A_1 = arith.constant 0 : i32
    %dma_start3A_2 = tpu.memref_slice %arg3[%arg0, %arg1, %dma_start3A, %dma_start3A_1] : memref<2x16x424x128xi32, #tpu.memory_space<hbm>> -> memref<1x1x14x128xi32, #tpu.memory_space<hbm>>
    %dma_start3A_3 = tpu.memref_squeeze %dma_start3A_2 : memref<1x1x14x128xi32, #tpu.memory_space<hbm>> -> memref<14x128xi32, #tpu.memory_space<hbm>>
    %dma_start3A_4 = arith.constant 0 : i32
    %dma_start3A_5 = arith.constant 0 : i32
    %dma_start3A_6 = tpu.memref_slice %arg3[%arg0, %arg1, %dma_start3A_4, %dma_start3A_5] : memref<2x16x424x128xi32, #tpu.memory_space<hbm>> -> memref<1x1x14x128xi32, #tpu.memory_space<hbm>>
    %dma_start3A_7 = tpu.memref_squeeze %dma_start3A_6 : memref<1x1x14x128xi32, #tpu.memory_space<hbm>> -> memref<14x128xi32, #tpu.memory_space<hbm>>
    tpu.enqueue_dma source(%dma_start3A_7 : memref<14x128xi32, #tpu.memory_space<hbm>>) target(%arg7 : memref<14x128xi32, #tpu.memory_space<vmem>>) target_semaphore(%arg20 : memref<!tpu.dma_semaphore, #tpu.memory_space<semaphore_mem>>)
    %dma_start3A_8 = arith.constant 0 : i32
    %dma_start3A_9 = arith.constant 0 : i32
    %dma_start3A_10 = tpu.memref_slice %arg4[%arg1, %dma_start3A_8, %dma_start3A_9] : memref<16x424x128xi32, #tpu.memory_space<hbm>> -> memref<1x14x128xi32, #tpu.memory_space<hbm>>
    %dma_start3A_11 = tpu.memref_squeeze %dma_start3A_10 : memref<1x14x128xi32, #tpu.memory_space<hbm>> -> memref<14x128xi32, #tpu.memory_space<hbm>>
    %dma_start3A_12 = arith.constant 0 : i32
    %dma_start3A_13 = arith.constant 0 : i32
    %dma_start3A_14 = tpu.memref_slice %arg4[%arg1, %dma_start3A_12, %dma_start3A_13] : memref<16x424x128xi32, #tpu.memory_space<hbm>> -> memref<1x14x128xi32, #tpu.memory_space<hbm>>
    %dma_start3A_15 = tpu.memref_squeeze %dma_start3A_14 : memref<1x14x128xi32, #tpu.memory_space<hbm>> -> memref<14x128xi32, #tpu.memory_space<hbm>>
    tpu.enqueue_dma source(%dma_start3A_15 : memref<14x128xi32, #tpu.memory_space<hbm>>) target(%arg9 : memref<14x128xi32, #tpu.memory_space<vmem>>) target_semaphore(%arg20 : memref<!tpu.dma_semaphore, #tpu.memory_space<semaphore_mem>>)
    %dma_start3A_16 = arith.constant 14 : i32
    %dma_start3A_17 = arith.constant 0 : i32
    %dma_start3A_18 = tpu.memref_slice %arg3[%arg0, %arg1, %dma_start3A_16, %dma_start3A_17] : memref<2x16x424x128xi32, #tpu.memory_space<hbm>> -> memref<1x1x14x128xi32, #tpu.memory_space<hbm>>
    %dma_start3A_19 = tpu.memref_squeeze %dma_start3A_18 : memref<1x1x14x128xi32, #tpu.memory_space<hbm>> -> memref<14x128xi32, #tpu.memory_space<hbm>>
    %dma_start3A_20 = arith.constant 14 : i32
    %dma_start3A_21 = arith.constant 0 : i32
    %dma_start3A_22 = tpu.memref_slice %arg3[%arg0, %arg1, %dma_start3A_20, %dma_start3A_21] : memref<2x16x424x128xi32, #tpu.memory_space<hbm>> -> memref<1x1x14x128xi32, #tpu.memory_space<hbm>>
    %dma_start3A_23 = tpu.memref_squeeze %dma_start3A_22 : memref<1x1x14x128xi32, #tpu.memory_space<hbm>> -> memref<14x128xi32, #tpu.memory_space<hbm>>
    tpu.enqueue_dma source(%dma_start3A_23 : memref<14x128xi32, #tpu.memory_space<hbm>>) target(%arg8 : memref<14x128xi32, #tpu.memory_space<vmem>>) target_semaphore(%arg21 : memref<!tpu.dma_semaphore, #tpu.memory_space<semaphore_mem>>)
    %dma_start3A_24 = arith.constant 14 : i32
    %dma_start3A_25 = arith.constant 0 : i32
    %dma_start3A_26 = tpu.memref_slice %arg4[%arg1, %dma_start3A_24, %dma_start3A_25] : memref<16x424x128xi32, #tpu.memory_space<hbm>> -> memref<1x14x128xi32, #tpu.memory_space<hbm>>
    %dma_start3A_27 = tpu.memref_squeeze %dma_start3A_26 : memref<1x14x128xi32, #tpu.memory_space<hbm>> -> memref<14x128xi32, #tpu.memory_space<hbm>>
    %dma_start3A_28 = arith.constant 14 : i32
    %dma_start3A_29 = arith.constant 0 : i32
    %dma_start3A_30 = tpu.memref_slice %arg4[%arg1, %dma_start3A_28, %dma_start3A_29] : memref<16x424x128xi32, #tpu.memory_space<hbm>> -> memref<1x14x128xi32, #tpu.memory_space<hbm>>
    %dma_start3A_31 = tpu.memref_squeeze %dma_start3A_30 : memref<1x14x128xi32, #tpu.memory_space<hbm>> -> memref<14x128xi32, #tpu.memory_space<hbm>>
    tpu.enqueue_dma source(%dma_start3A_31 : memref<14x128xi32, #tpu.memory_space<hbm>>) target(%arg10 : memref<14x128xi32, #tpu.memory_space<vmem>>) target_semaphore(%arg21 : memref<!tpu.dma_semaphore, #tpu.memory_space<semaphore_mem>>)
    %scan3A = arith.constant 0 : i32
    %scan3A_32 = arith.constant 0 : i32
    %scan3A_33 = arith.constant 14 : i32
    %scan3A_34 = arith.addi %scan3A_32, %scan3A_33 : i32
    %scan3A_35 = arith.constant 1 : i32
    scf.for %scan3A_73 = %scan3A_32 to %scan3A_34 step %scan3A_35  : i32 {
      %dma_wait3A_74 = arith.constant 0 : i32
      %dma_wait3A_75 = arith.constant 0 : i32
      %dma_wait3A_76 = tpu.memref_slice %arg3[%arg0, %arg1, %dma_wait3A_74, %dma_wait3A_75] : memref<2x16x424x128xi32, #tpu.memory_space<hbm>> -> memref<1x1x14x128xi32, #tpu.memory_space<hbm>>
      %dma_wait3A_77 = tpu.memref_squeeze %dma_wait3A_76 : memref<1x1x14x128xi32, #tpu.memory_space<hbm>> -> memref<14x128xi32, #tpu.memory_space<hbm>>
      %dma_wait3A_78 = arith.constant 0 : i32
      %dma_wait3A_79 = arith.constant 0 : i32
      %dma_wait3A_80 = tpu.memref_slice %arg3[%arg0, %arg1, %dma_wait3A_78, %dma_wait3A_79] : memref<2x16x424x128xi32, #tpu.memory_space<hbm>> -> memref<1x1x14x128xi32, #tpu.memory_space<hbm>>
      %dma_wait3A_81 = tpu.memref_squeeze %dma_wait3A_80 : memref<1x1x14x128xi32, #tpu.memory_space<hbm>> -> memref<14x128xi32, #tpu.memory_space<hbm>>
      tpu.wait_dma2 semaphore(%arg20 : memref<!tpu.dma_semaphore, #tpu.memory_space<semaphore_mem>>) src(%dma_wait3A_81 : memref<14x128xi32, #tpu.memory_space<hbm>>) dst(%arg7 : memref<14x128xi32, #tpu.memory_space<vmem>>)
      %dma_wait3A_82 = arith.constant 0 : i32
      %dma_wait3A_83 = arith.constant 0 : i32
      %dma_wait3A_84 = tpu.memref_slice %arg4[%arg1, %dma_wait3A_82, %dma_wait3A_83] : memref<16x424x128xi32, #tpu.memory_space<hbm>> -> memref<1x14x128xi32, #tpu.memory_space<hbm>>
      %dma_wait3A_85 = tpu.memref_squeeze %dma_wait3A_84 : memref<1x14x128xi32, #tpu.memory_space<hbm>> -> memref<14x128xi32, #tpu.memory_space<hbm>>
      %dma_wait3A_86 = arith.constant 0 : i32
      %dma_wait3A_87 = arith.constant 0 : i32
      %dma_wait3A_88 = tpu.memref_slice %arg4[%arg1, %dma_wait3A_86, %dma_wait3A_87] : memref<16x424x128xi32, #tpu.memory_space<hbm>> -> memref<1x14x128xi32, #tpu.memory_space<hbm>>
      %dma_wait3A_89 = tpu.memref_squeeze %dma_wait3A_88 : memref<1x14x128xi32, #tpu.memory_space<hbm>> -> memref<14x128xi32, #tpu.memory_space<hbm>>
      tpu.wait_dma2 semaphore(%arg20 : memref<!tpu.dma_semaphore, #tpu.memory_space<semaphore_mem>>) src(%dma_wait3A_89 : memref<14x128xi32, #tpu.memory_space<hbm>>) dst(%arg9 : memref<14x128xi32, #tpu.memory_space<vmem>>)
      %dma_start3A_90 = arith.constant 0 : i32
      %dma_start3A_91 = arith.constant 0 : i32
      %dma_start3A_92 = tpu.memref_slice %arg7[%dma_start3A_90, %dma_start3A_91] : memref<14x128xi32, #tpu.memory_space<vmem>> -> memref<1x128xi32, #tpu.memory_space<vmem>>
      %dma_start3A_93 = tpu.memref_squeeze %dma_start3A_92 : memref<1x128xi32, #tpu.memory_space<vmem>> -> memref<128xi32, #tpu.memory_space<vmem>>
      %dma_start3A_94 = arith.constant 0 : i32
      %dma_start3A_95 = arith.constant 0 : i32
      %dma_start3A_96 = tpu.memref_slice %arg2[%dma_start3A_94, %dma_start3A_95] : memref<102400x32xf32, #tpu.memory_space<hbm>> -> memref<102400x32xf32, #tpu.memory_space<hbm>>
      tpu.enqueue_indirect_dma source(%dma_start3A_96 : memref<102400x32xf32, #tpu.memory_space<hbm>>) target(%arg11 : memref<128x32xf32, #tpu.memory_space<vmem>>) offsets(%dma_start3A_93 : memref<128xi32, #tpu.memory_space<vmem>>) semaphore(%arg16 : memref<!tpu.dma_semaphore, #tpu.memory_space<semaphore_mem>>)
      %dma_start3A_97 = arith.constant 1 : i32
      %dma_start3A_98 = arith.constant 0 : i32
      %dma_start3A_99 = tpu.memref_slice %arg7[%dma_start3A_97, %dma_start3A_98] : memref<14x128xi32, #tpu.memory_space<vmem>> -> memref<1x128xi32, #tpu.memory_space<vmem>>
      %dma_start3A_100 = tpu.memref_squeeze %dma_start3A_99 : memref<1x128xi32, #tpu.memory_space<vmem>> -> memref<128xi32, #tpu.memory_space<vmem>>
      %dma_start3A_101 = arith.constant 0 : i32
      %dma_start3A_102 = arith.constant 0 : i32
      %dma_start3A_103 = tpu.memref_slice %arg2[%dma_start3A_101, %dma_start3A_102] : memref<102400x32xf32, #tpu.memory_space<hbm>> -> memref<102400x32xf32, #tpu.memory_space<hbm>>
      tpu.enqueue_indirect_dma source(%dma_start3A_103 : memref<102400x32xf32, #tpu.memory_space<hbm>>) target(%arg12 : memref<128x32xf32, #tpu.memory_space<vmem>>) offsets(%dma_start3A_100 : memref<128xi32, #tpu.memory_space<vmem>>) semaphore(%arg17 : memref<!tpu.dma_semaphore, #tpu.memory_space<semaphore_mem>>)
      %dma_start3A_104 = arith.constant 2 : i32
      %dma_start3A_105 = arith.constant 0 : i32
      %dma_start3A_106 = tpu.memref_slice %arg7[%dma_start3A_104, %dma_start3A_105] : memref<14x128xi32, #tpu.memory_space<vmem>> -> memref<1x128xi32, #tpu.memory_space<vmem>>
      %dma_start3A_107 = tpu.memref_squeeze %dma_start3A_106 : memref<1x128xi32, #tpu.memory_space<vmem>> -> memref<128xi32, #tpu.memory_space<vmem>>
      %dma_start3A_108 = arith.constant 0 : i32
      %dma_start3A_109 = arith.constant 0 : i32
      %dma_start3A_110 = tpu.memref_slice %arg2[%dma_start3A_108, %dma_start3A_109] : memref<102400x32xf32, #tpu.memory_space<hbm>> -> memref<102400x32xf32, #tpu.memory_space<hbm>>
      tpu.enqueue_indirect_dma source(%dma_start3A_110 : memref<102400x32xf32, #tpu.memory_space<hbm>>) target(%arg13 : memref<128x32xf32, #tpu.memory_space<vmem>>) offsets(%dma_start3A_107 : memref<128xi32, #tpu.memory_space<vmem>>) semaphore(%arg18 : memref<!tpu.dma_semaphore, #tpu.memory_space<semaphore_mem>>)
      %dma_start3A_111 = arith.constant 3 : i32
      %dma_start3A_112 = arith.constant 0 : i32
      %dma_start3A_113 = tpu.memref_slice %arg7[%dma_start3A_111, %dma_start3A_112] : memref<14x128xi32, #tpu.memory_space<vmem>> -> memref<1x128xi32, #tpu.memory_space<vmem>>
      %dma_start3A_114 = tpu.memref_squeeze %dma_start3A_113 : memref<1x128xi32, #tpu.memory_space<vmem>> -> memref<128xi32, #tpu.memory_space<vmem>>
      %dma_start3A_115 = arith.constant 0 : i32
      %dma_start3A_116 = arith.constant 0 : i32
      %dma_start3A_117 = tpu.memref_slice %arg2[%dma_start3A_115, %dma_start3A_116] : memref<102400x32xf32, #tpu.memory_space<hbm>> -> memref<102400x32xf32, #tpu.memory_space<hbm>>
      tpu.enqueue_indirect_dma source(%dma_start3A_117 : memref<102400x32xf32, #tpu.memory_space<hbm>>) target(%arg14 : memref<128x32xf32, #tpu.memory_space<vmem>>) offsets(%dma_start3A_114 : memref<128xi32, #tpu.memory_space<vmem>>) semaphore(%arg19 : memref<!tpu.dma_semaphore, #tpu.memory_space<semaphore_mem>>)
      %dma_wait3A_118 = arith.constant 0 : i32
      %dma_wait3A_119 = arith.constant 0 : i32
      %dma_wait3A_120 = tpu.memref_slice %arg7[%dma_wait3A_118, %dma_wait3A_119] : memref<14x128xi32, #tpu.memory_space<vmem>> -> memref<1x128xi32, #tpu.memory_space<vmem>>
      %dma_wait3A_121 = tpu.memref_squeeze %dma_wait3A_120 : memref<1x128xi32, #tpu.memory_space<vmem>> -> memref<128xi32, #tpu.memory_space<vmem>>
      %dma_wait3A_122 = arith.constant 0 : i32
      %dma_wait3A_123 = arith.constant 0 : i32
      %dma_wait3A_124 = tpu.memref_slice %arg2[%dma_wait3A_122, %dma_wait3A_123] : memref<102400x32xf32, #tpu.memory_space<hbm>> -> memref<102400x32xf32, #tpu.memory_space<hbm>>
      tpu.wait_indirect_dma semaphore(%arg16 : memref<!tpu.dma_semaphore, #tpu.memory_space<semaphore_mem>>) src(%dma_wait3A_124 : memref<102400x32xf32, #tpu.memory_space<hbm>>) dst(%arg11 : memref<128x32xf32, #tpu.memory_space<vmem>>)
      %run_scoped3A = arith.constant 0 : i32
      "tpu.region"() ({
        %run_scoped3A_564 = tpu.sem_alloc : memref<!tpu.dma_semaphore, #tpu.memory_space<semaphore_mem>>
        %dma_start3A_565 = arith.constant 0 : i32
        %dma_start3A_566 = tpu.memref_slice %arg9[%run_scoped3A, %dma_start3A_565] : memref<14x128xi32, #tpu.memory_space<vmem>> -> memref<1x128xi32, #tpu.memory_space<vmem>>
        %dma_start3A_567 = tpu.memref_squeeze %dma_start3A_566 : memref<1x128xi32, #tpu.memory_space<vmem>> -> memref<128xi32, #tpu.memory_space<vmem>>
        %dma_start3A_568 = arith.constant 0 : i32
        %dma_start3A_569 = arith.constant 0 : i32
        %dma_start3A_570 = tpu.memref_slice %arg15[%dma_start3A_568, %dma_start3A_569] : memref<51200x32xf32, #tpu.memory_space<vmem_shared>> -> memref<51200x32xf32, #tpu.memory_space<vmem_shared>>
        tpu.enqueue_indirect_dma source(%arg11 : memref<128x32xf32, #tpu.memory_space<vmem>>) target(%dma_start3A_570 : memref<51200x32xf32, #tpu.memory_space<vmem_shared>>) offsets(%dma_start3A_567 : memref<128xi32, #tpu.memory_space<vmem>>) semaphore(%run_scoped3A_564 : memref<!tpu.dma_semaphore, #tpu.memory_space<semaphore_mem>>) {add = true}
        %dma_wait3A_571 = arith.constant 0 : i32
        %dma_wait3A_572 = tpu.memref_slice %arg9[%run_scoped3A, %dma_wait3A_571] : memref<14x128xi32, #tpu.memory_space<vmem>> -> memref<1x128xi32, #tpu.memory_space<vmem>>
        %dma_wait3A_573 = tpu.memref_squeeze %dma_wait3A_572 : memref<1x128xi32, #tpu.memory_space<vmem>> -> memref<128xi32, #tpu.memory_space<vmem>>
        %dma_wait3A_574 = arith.constant 0 : i32
        %dma_wait3A_575 = arith.constant 0 : i32
        %dma_wait3A_576 = tpu.memref_slice %arg15[%dma_wait3A_574, %dma_wait3A_575] : memref<51200x32xf32, #tpu.memory_space<vmem_shared>> -> memref<51200x32xf32, #tpu.memory_space<vmem_shared>>
        tpu.wait_indirect_dma semaphore(%run_scoped3A_564 : memref<!tpu.dma_semaphore, #tpu.memory_space<semaphore_mem>>) src(%arg11 : memref<128x32xf32, #tpu.memory_space<vmem>>) dst(%dma_wait3A_576 : memref<51200x32xf32, #tpu.memory_space<vmem_shared>>)
        tpu.yield
      }) : () -> ()
      %dma_start3A_125 = arith.constant 4 : i32
      %dma_start3A_126 = arith.constant 0 : i32
      %dma_start3A_127 = tpu.memref_slice %arg7[%dma_start3A_125, %dma_start3A_126] : memref<14x128xi32, #tpu.memory_space<vmem>> -> memref<1x128xi32, #tpu.memory_space<vmem>>
      %dma_start3A_128 = tpu.memref_squeeze %dma_start3A_127 : memref<1x128xi32, #tpu.memory_space<vmem>> -> memref<128xi32, #tpu.memory_space<vmem>>
      %dma_start3A_129 = arith.constant 0 : i32
      %dma_start3A_130 = arith.constant 0 : i32
      %dma_start3A_131 = tpu.memref_slice %arg2[%dma_start3A_129, %dma_start3A_130] : memref<102400x32xf32, #tpu.memory_space<hbm>> -> memref<102400x32xf32, #tpu.memory_space<hbm>>
      tpu.enqueue_indirect_dma source(%dma_start3A_131 : memref<102400x32xf32, #tpu.memory_space<hbm>>) target(%arg11 : memref<128x32xf32, #tpu.memory_space<vmem>>) offsets(%dma_start3A_128 : memref<128xi32, #tpu.memory_space<vmem>>) semaphore(%arg16 : memref<!tpu.dma_semaphore, #tpu.memory_space<semaphore_mem>>)
      %dma_wait3A_132 = arith.constant 1 : i32
      %dma_wait3A_133 = arith.constant 0 : i32
      %dma_wait3A_134 = tpu.memref_slice %arg7[%dma_wait3A_132, %dma_wait3A_133] : memref<14x128xi32, #tpu.memory_space<vmem>> -> memref<1x128xi32, #tpu.memory_space<vmem>>
      %dma_wait3A_135 = tpu.memref_squeeze %dma_wait3A_134 : memref<1x128xi32, #tpu.memory_space<vmem>> -> memref<128xi32, #tpu.memory_space<vmem>>
      %dma_wait3A_136 = arith.constant 0 : i32
      %dma_wait3A_137 = arith.constant 0 : i32
      %dma_wait3A_138 = tpu.memref_slice %arg2[%dma_wait3A_136, %dma_wait3A_137] : memref<102400x32xf32, #tpu.memory_space<hbm>> -> memref<102400x32xf32, #tpu.memory_space<hbm>>
      tpu.wait_indirect_dma semaphore(%arg17 : memref<!tpu.dma_semaphore, #tpu.memory_space<semaphore_mem>>) src(%dma_wait3A_138 : memref<102400x32xf32, #tpu.memory_space<hbm>>) dst(%arg12 : memref<128x32xf32, #tpu.memory_space<vmem>>)
      %run_scoped3A_139 = arith.constant 1 : i32
      "tpu.region"() ({
        %run_scoped3A_564 = tpu.sem_alloc : memref<!tpu.dma_semaphore, #tpu.memory_space<semaphore_mem>>
        %dma_start3A_565 = arith.constant 0 : i32
        %dma_start3A_566 = tpu.memref_slice %arg9[%run_scoped3A_139, %dma_start3A_565] : memref<14x128xi32, #tpu.memory_space<vmem>> -> memref<1x128xi32, #tpu.memory_space<vmem>>
        %dma_start3A_567 = tpu.memref_squeeze %dma_start3A_566 : memref<1x128xi32, #tpu.memory_space<vmem>> -> memref<128xi32, #tpu.memory_space<vmem>>
        %dma_start3A_568 = arith.constant 0 : i32
        %dma_start3A_569 = arith.constant 0 : i32
        %dma_start3A_570 = tpu.memref_slice %arg15[%dma_start3A_568, %dma_start3A_569] : memref<51200x32xf32, #tpu.memory_space<vmem_shared>> -> memref<51200x32xf32, #tpu.memory_space<vmem_shared>>
        tpu.enqueue_indirect_dma source(%arg12 : memref<128x32xf32, #tpu.memory_space<vmem>>) target(%dma_start3A_570 : memref<51200x32xf32, #tpu.memory_space<vmem_shared>>) offsets(%dma_start3A_567 : memref<128xi32, #tpu.memory_space<vmem>>) semaphore(%run_scoped3A_564 : memref<!tpu.dma_semaphore, #tpu.memory_space<semaphore_mem>>) {add = true}
        %dma_wait3A_571 = arith.constant 0 : i32
        %dma_wait3A_572 = tpu.memref_slice %arg9[%run_scoped3A_139, %dma_wait3A_571] : memref<14x128xi32, #tpu.memory_space<vmem>> -> memref<1x128xi32, #tpu.memory_space<vmem>>
        %dma_wait3A_573 = tpu.memref_squeeze %dma_wait3A_572 : memref<1x128xi32, #tpu.memory_space<vmem>> -> memref<128xi32, #tpu.memory_space<vmem>>
        %dma_wait3A_574 = arith.constant 0 : i32
        %dma_wait3A_575 = arith.constant 0 : i32
        %dma_wait3A_576 = tpu.memref_slice %arg15[%dma_wait3A_574, %dma_wait3A_575] : memref<51200x32xf32, #tpu.memory_space<vmem_shared>> -> memref<51200x32xf32, #tpu.memory_space<vmem_shared>>
        tpu.wait_indirect_dma semaphore(%run_scoped3A_564 : memref<!tpu.dma_semaphore, #tpu.memory_space<semaphore_mem>>) src(%arg12 : memref<128x32xf32, #tpu.memory_space<vmem>>) dst(%dma_wait3A_576 : memref<51200x32xf32, #tpu.memory_space<vmem_shared>>)
        tpu.yield
      }) : () -> ()
      %dma_start3A_140 = arith.constant 5 : i32
      %dma_start3A_141 = arith.constant 0 : i32
      %dma_start3A_142 = tpu.memref_slice %arg7[%dma_start3A_140, %dma_start3A_141] : memref<14x128xi32, #tpu.memory_space<vmem>> -> memref<1x128xi32, #tpu.memory_space<vmem>>
      %dma_start3A_143 = tpu.memref_squeeze %dma_start3A_142 : memref<1x128xi32, #tpu.memory_space<vmem>> -> memref<128xi32, #tpu.memory_space<vmem>>
      %dma_start3A_144 = arith.constant 0 : i32
      %dma_start3A_145 = arith.constant 0 : i32
      %dma_start3A_146 = tpu.memref_slice %arg2[%dma_start3A_144, %dma_start3A_145] : memref<102400x32xf32, #tpu.memory_space<hbm>> -> memref<102400x32xf32, #tpu.memory_space<hbm>>
      tpu.enqueue_indirect_dma source(%dma_start3A_146 : memref<102400x32xf32, #tpu.memory_space<hbm>>) target(%arg12 : memref<128x32xf32, #tpu.memory_space<vmem>>) offsets(%dma_start3A_143 : memref<128xi32, #tpu.memory_space<vmem>>) semaphore(%arg17 : memref<!tpu.dma_semaphore, #tpu.memory_space<semaphore_mem>>)
      %dma_wait3A_147 = arith.constant 2 : i32
      %dma_wait3A_148 = arith.constant 0 : i32
      %dma_wait3A_149 = tpu.memref_slice %arg7[%dma_wait3A_147, %dma_wait3A_148] : memref<14x128xi32, #tpu.memory_space<vmem>> -> memref<1x128xi32, #tpu.memory_space<vmem>>
      %dma_wait3A_150 = tpu.memref_squeeze %dma_wait3A_149 : memref<1x128xi32, #tpu.memory_space<vmem>> -> memref<128xi32, #tpu.memory_space<vmem>>
      %dma_wait3A_151 = arith.constant 0 : i32
      %dma_wait3A_152 = arith.constant 0 : i32
      %dma_wait3A_153 = tpu.memref_slice %arg2[%dma_wait3A_151, %dma_wait3A_152] : memref<102400x32xf32, #tpu.memory_space<hbm>> -> memref<102400x32xf32, #tpu.memory_space<hbm>>
      tpu.wait_indirect_dma semaphore(%arg18 : memref<!tpu.dma_semaphore, #tpu.memory_space<semaphore_mem>>) src(%dma_wait3A_153 : memref<102400x32xf32, #tpu.memory_space<hbm>>) dst(%arg13 : memref<128x32xf32, #tpu.memory_space<vmem>>)
      %run_scoped3A_154 = arith.constant 2 : i32
      "tpu.region"() ({
        %run_scoped3A_564 = tpu.sem_alloc : memref<!tpu.dma_semaphore, #tpu.memory_space<semaphore_mem>>
        %dma_start3A_565 = arith.constant 0 : i32
        %dma_start3A_566 = tpu.memref_slice %arg9[%run_scoped3A_154, %dma_start3A_565] : memref<14x128xi32, #tpu.memory_space<vmem>> -> memref<1x128xi32, #tpu.memory_space<vmem>>
        %dma_start3A_567 = tpu.memref_squeeze %dma_start3A_566 : memref<1x128xi32, #tpu.memory_space<vmem>> -> memref<128xi32, #tpu.memory_space<vmem>>
        %dma_start3A_568 = arith.constant 0 : i32
        %dma_start3A_569 = arith.constant 0 : i32
        %dma_start3A_570 = tpu.memref_slice %arg15[%dma_start3A_568, %dma_start3A_569] : memref<51200x32xf32, #tpu.memory_space<vmem_shared>> -> memref<51200x32xf32, #tpu.memory_space<vmem_shared>>
        tpu.enqueue_indirect_dma source(%arg13 : memref<128x32xf32, #tpu.memory_space<vmem>>) target(%dma_start3A_570 : memref<51200x32xf32, #tpu.memory_space<vmem_shared>>) offsets(%dma_start3A_567 : memref<128xi32, #tpu.memory_space<vmem>>) semaphore(%run_scoped3A_564 : memref<!tpu.dma_semaphore, #tpu.memory_space<semaphore_mem>>) {add = true}
        %dma_wait3A_571 = arith.constant 0 : i32
        %dma_wait3A_572 = tpu.memref_slice %arg9[%run_scoped3A_154, %dma_wait3A_571] : memref<14x128xi32, #tpu.memory_space<vmem>> -> memref<1x128xi32, #tpu.memory_space<vmem>>
        %dma_wait3A_573 = tpu.memref_squeeze %dma_wait3A_572 : memref<1x128xi32, #tpu.memory_space<vmem>> -> memref<128xi32, #tpu.memory_space<vmem>>
        %dma_wait3A_574 = arith.constant 0 : i32
        %dma_wait3A_575 = arith.constant 0 : i32
        %dma_wait3A_576 = tpu.memref_slice %arg15[%dma_wait3A_574, %dma_wait3A_575] : memref<51200x32xf32, #tpu.memory_space<vmem_shared>> -> memref<51200x32xf32, #tpu.memory_space<vmem_shared>>
        tpu.wait_indirect_dma semaphore(%run_scoped3A_564 : memref<!tpu.dma_semaphore, #tpu.memory_space<semaphore_mem>>) src(%arg13 : memref<128x32xf32, #tpu.memory_space<vmem>>) dst(%dma_wait3A_576 : memref<51200x32xf32, #tpu.memory_space<vmem_shared>>)
        tpu.yield
      }) : () -> ()
      %dma_start3A_155 = arith.constant 6 : i32
      %dma_start3A_156 = arith.constant 0 : i32
      %dma_start3A_157 = tpu.memref_slice %arg7[%dma_start3A_155, %dma_start3A_156] : memref<14x128xi32, #tpu.memory_space<vmem>> -> memref<1x128xi32, #tpu.memory_space<vmem>>
      %dma_start3A_158 = tpu.memref_squeeze %dma_start3A_157 : memref<1x128xi32, #tpu.memory_space<vmem>> -> memref<128xi32, #tpu.memory_space<vmem>>
      %dma_start3A_159 = arith.constant 0 : i32
      %dma_start3A_160 = arith.constant 0 : i32
      %dma_start3A_161 = tpu.memref_slice %arg2[%dma_start3A_159, %dma_start3A_160] : memref<102400x32xf32, #tpu.memory_space<hbm>> -> memref<102400x32xf32, #tpu.memory_space<hbm>>
      tpu.enqueue_indirect_dma source(%dma_start3A_161 : memref<102400x32xf32, #tpu.memory_space<hbm>>) target(%arg13 : memref<128x32xf32, #tpu.memory_space<vmem>>) offsets(%dma_start3A_158 : memref<128xi32, #tpu.memory_space<vmem>>) semaphore(%arg18 : memref<!tpu.dma_semaphore, #tpu.memory_space<semaphore_mem>>)
      %dma_wait3A_162 = arith.constant 3 : i32
      %dma_wait3A_163 = arith.constant 0 : i32
      %dma_wait3A_164 = tpu.memref_slice %arg7[%dma_wait3A_162, %dma_wait3A_163] : memref<14x128xi32, #tpu.memory_space<vmem>> -> memref<1x128xi32, #tpu.memory_space<vmem>>
      %dma_wait3A_165 = tpu.memref_squeeze %dma_wait3A_164 : memref<1x128xi32, #tpu.memory_space<vmem>> -> memref<128xi32, #tpu.memory_space<vmem>>
      %dma_wait3A_166 = arith.constant 0 : i32
      %dma_wait3A_167 = arith.constant 0 : i32
      %dma_wait3A_168 = tpu.memref_slice %arg2[%dma_wait3A_166, %dma_wait3A_167] : memref<102400x32xf32, #tpu.memory_space<hbm>> -> memref<102400x32xf32, #tpu.memory_space<hbm>>
      tpu.wait_indirect_dma semaphore(%arg19 : memref<!tpu.dma_semaphore, #tpu.memory_space<semaphore_mem>>) src(%dma_wait3A_168 : memref<102400x32xf32, #tpu.memory_space<hbm>>) dst(%arg14 : memref<128x32xf32, #tpu.memory_space<vmem>>)
      %run_scoped3A_169 = arith.constant 3 : i32
      "tpu.region"() ({
        %run_scoped3A_564 = tpu.sem_alloc : memref<!tpu.dma_semaphore, #tpu.memory_space<semaphore_mem>>
        %dma_start3A_565 = arith.constant 0 : i32
        %dma_start3A_566 = tpu.memref_slice %arg9[%run_scoped3A_169, %dma_start3A_565] : memref<14x128xi32, #tpu.memory_space<vmem>> -> memref<1x128xi32, #tpu.memory_space<vmem>>
        %dma_start3A_567 = tpu.memref_squeeze %dma_start3A_566 : memref<1x128xi32, #tpu.memory_space<vmem>> -> memref<128xi32, #tpu.memory_space<vmem>>
        %dma_start3A_568 = arith.constant 0 : i32
        %dma_start3A_569 = arith.constant 0 : i32
        %dma_start3A_570 = tpu.memref_slice %arg15[%dma_start3A_568, %dma_start3A_569] : memref<51200x32xf32, #tpu.memory_space<vmem_shared>> -> memref<51200x32xf32, #tpu.memory_space<vmem_shared>>
        tpu.enqueue_indirect_dma source(%arg14 : memref<128x32xf32, #tpu.memory_space<vmem>>) target(%dma_start3A_570 : memref<51200x32xf32, #tpu.memory_space<vmem_shared>>) offsets(%dma_start3A_567 : memref<128xi32, #tpu.memory_space<vmem>>) semaphore(%run_scoped3A_564 : memref<!tpu.dma_semaphore, #tpu.memory_space<semaphore_mem>>) {add = true}
        %dma_wait3A_571 = arith.constant 0 : i32
        %dma_wait3A_572 = tpu.memref_slice %arg9[%run_scoped3A_169, %dma_wait3A_571] : memref<14x128xi32, #tpu.memory_space<vmem>> -> memref<1x128xi32, #tpu.memory_space<vmem>>
        %dma_wait3A_573 = tpu.memref_squeeze %dma_wait3A_572 : memref<1x128xi32, #tpu.memory_space<vmem>> -> memref<128xi32, #tpu.memory_space<vmem>>
        %dma_wait3A_574 = arith.constant 0 : i32
        %dma_wait3A_575 = arith.constant 0 : i32
        %dma_wait3A_576 = tpu.memref_slice %arg15[%dma_wait3A_574, %dma_wait3A_575] : memref<51200x32xf32, #tpu.memory_space<vmem_shared>> -> memref<51200x32xf32, #tpu.memory_space<vmem_shared>>
        tpu.wait_indirect_dma semaphore(%run_scoped3A_564 : memref<!tpu.dma_semaphore, #tpu.memory_space<semaphore_mem>>) src(%arg14 : memref<128x32xf32, #tpu.memory_space<vmem>>) dst(%dma_wait3A_576 : memref<51200x32xf32, #tpu.memory_space<vmem_shared>>)
        tpu.yield
      }) : () -> ()
      %dma_start3A_170 = arith.constant 7 : i32
      %dma_start3A_171 = arith.constant 0 : i32
      %dma_start3A_172 = tpu.memref_slice %arg7[%dma_start3A_170, %dma_start3A_171] : memref<14x128xi32, #tpu.memory_space<vmem>> -> memref<1x128xi32, #tpu.memory_space<vmem>>
      %dma_start3A_173 = tpu.memref_squeeze %dma_start3A_172 : memref<1x128xi32, #tpu.memory_space<vmem>> -> memref<128xi32, #tpu.memory_space<vmem>>
      %dma_start3A_174 = arith.constant 0 : i32
      %dma_start3A_175 = arith.constant 0 : i32
      %dma_start3A_176 = tpu.memref_slice %arg2[%dma_start3A_174, %dma_start3A_175] : memref<102400x32xf32, #tpu.memory_space<hbm>> -> memref<102400x32xf32, #tpu.memory_space<hbm>>
      tpu.enqueue_indirect_dma source(%dma_start3A_176 : memref<102400x32xf32, #tpu.memory_space<hbm>>) target(%arg14 : memref<128x32xf32, #tpu.memory_space<vmem>>) offsets(%dma_start3A_173 : memref<128xi32, #tpu.memory_space<vmem>>) semaphore(%arg19 : memref<!tpu.dma_semaphore, #tpu.memory_space<semaphore_mem>>)
      %dma_wait3A_177 = arith.constant 4 : i32
      %dma_wait3A_178 = arith.constant 0 : i32
      %dma_wait3A_179 = tpu.memref_slice %arg7[%dma_wait3A_177, %dma_wait3A_178] : memref<14x128xi32, #tpu.memory_space<vmem>> -> memref<1x128xi32, #tpu.memory_space<vmem>>
      %dma_wait3A_180 = tpu.memref_squeeze %dma_wait3A_179 : memref<1x128xi32, #tpu.memory_space<vmem>> -> memref<128xi32, #tpu.memory_space<vmem>>
      %dma_wait3A_181 = arith.constant 0 : i32
      %dma_wait3A_182 = arith.constant 0 : i32
      %dma_wait3A_183 = tpu.memref_slice %arg2[%dma_wait3A_181, %dma_wait3A_182] : memref<102400x32xf32, #tpu.memory_space<hbm>> -> memref<102400x32xf32, #tpu.memory_space<hbm>>
      tpu.wait_indirect_dma semaphore(%arg16 : memref<!tpu.dma_semaphore, #tpu.memory_space<semaphore_mem>>) src(%dma_wait3A_183 : memref<102400x32xf32, #tpu.memory_space<hbm>>) dst(%arg11 : memref<128x32xf32, #tpu.memory_space<vmem>>)
      %run_scoped3A_184 = arith.constant 4 : i32
      "tpu.region"() ({
        %run_scoped3A_564 = tpu.sem_alloc : memref<!tpu.dma_semaphore, #tpu.memory_space<semaphore_mem>>
        %dma_start3A_565 = arith.constant 0 : i32
        %dma_start3A_566 = tpu.memref_slice %arg9[%run_scoped3A_184, %dma_start3A_565] : memref<14x128xi32, #tpu.memory_space<vmem>> -> memref<1x128xi32, #tpu.memory_space<vmem>>
        %dma_start3A_567 = tpu.memref_squeeze %dma_start3A_566 : memref<1x128xi32, #tpu.memory_space<vmem>> -> memref<128xi32, #tpu.memory_space<vmem>>
        %dma_start3A_568 = arith.constant 0 : i32
        %dma_start3A_569 = arith.constant 0 : i32
        %dma_start3A_570 = tpu.memref_slice %arg15[%dma_start3A_568, %dma_start3A_569] : memref<51200x32xf32, #tpu.memory_space<vmem_shared>> -> memref<51200x32xf32, #tpu.memory_space<vmem_shared>>
        tpu.enqueue_indirect_dma source(%arg11 : memref<128x32xf32, #tpu.memory_space<vmem>>) target(%dma_start3A_570 : memref<51200x32xf32, #tpu.memory_space<vmem_shared>>) offsets(%dma_start3A_567 : memref<128xi32, #tpu.memory_space<vmem>>) semaphore(%run_scoped3A_564 : memref<!tpu.dma_semaphore, #tpu.memory_space<semaphore_mem>>) {add = true}
        %dma_wait3A_571 = arith.constant 0 : i32
        %dma_wait3A_572 = tpu.memref_slice %arg9[%run_scoped3A_184, %dma_wait3A_571] : memref<14x128xi32, #tpu.memory_space<vmem>> -> memref<1x128xi32, #tpu.memory_space<vmem>>
        %dma_wait3A_573 = tpu.memref_squeeze %dma_wait3A_572 : memref<1x128xi32, #tpu.memory_space<vmem>> -> memref<128xi32, #tpu.memory_space<vmem>>
        %dma_wait3A_574 = arith.constant 0 : i32
        %dma_wait3A_575 = arith.constant 0 : i32
        %dma_wait3A_576 = tpu.memref_slice %arg15[%dma_wait3A_574, %dma_wait3A_575] : memref<51200x32xf32, #tpu.memory_space<vmem_shared>> -> memref<51200x32xf32, #tpu.memory_space<vmem_shared>>
        tpu.wait_indirect_dma semaphore(%run_scoped3A_564 : memref<!tpu.dma_semaphore, #tpu.memory_space<semaphore_mem>>) src(%arg11 : memref<128x32xf32, #tpu.memory_space<vmem>>) dst(%dma_wait3A_576 : memref<51200x32xf32, #tpu.memory_space<vmem_shared>>)
        tpu.yield
      }) : () -> ()
      %dma_start3A_185 = arith.constant 8 : i32
      %dma_start3A_186 = arith.constant 0 : i32
      %dma_start3A_187 = tpu.memref_slice %arg7[%dma_start3A_185, %dma_start3A_186] : memref<14x128xi32, #tpu.memory_space<vmem>> -> memref<1x128xi32, #tpu.memory_space<vmem>>
      %dma_start3A_188 = tpu.memref_squeeze %dma_start3A_187 : memref<1x128xi32, #tpu.memory_space<vmem>> -> memref<128xi32, #tpu.memory_space<vmem>>
      %dma_start3A_189 = arith.constant 0 : i32
      %dma_start3A_190 = arith.constant 0 : i32
      %dma_start3A_191 = tpu.memref_slice %arg2[%dma_start3A_189, %dma_start3A_190] : memref<102400x32xf32, #tpu.memory_space<hbm>> -> memref<102400x32xf32, #tpu.memory_space<hbm>>
      tpu.enqueue_indirect_dma source(%dma_start3A_191 : memref<102400x32xf32, #tpu.memory_space<hbm>>) target(%arg11 : memref<128x32xf32, #tpu.memory_space<vmem>>) offsets(%dma_start3A_188 : memref<128xi32, #tpu.memory_space<vmem>>) semaphore(%arg16 : memref<!tpu.dma_semaphore, #tpu.memory_space<semaphore_mem>>)
      %dma_wait3A_192 = arith.constant 5 : i32
      %dma_wait3A_193 = arith.constant 0 : i32
      %dma_wait3A_194 = tpu.memref_slice %arg7[%dma_wait3A_192, %dma_wait3A_193] : memref<14x128xi32, #tpu.memory_space<vmem>> -> memref<1x128xi32, #tpu.memory_space<vmem>>
      %dma_wait3A_195 = tpu.memref_squeeze %dma_wait3A_194 : memref<1x128xi32, #tpu.memory_space<vmem>> -> memref<128xi32, #tpu.memory_space<vmem>>
      %dma_wait3A_196 = arith.constant 0 : i32
      %dma_wait3A_197 = arith.constant 0 : i32
      %dma_wait3A_198 = tpu.memref_slice %arg2[%dma_wait3A_196, %dma_wait3A_197] : memref<102400x32xf32, #tpu.memory_space<hbm>> -> memref<102400x32xf32, #tpu.memory_space<hbm>>
      tpu.wait_indirect_dma semaphore(%arg17 : memref<!tpu.dma_semaphore, #tpu.memory_space<semaphore_mem>>) src(%dma_wait3A_198 : memref<102400x32xf32, #tpu.memory_space<hbm>>) dst(%arg12 : memref<128x32xf32, #tpu.memory_space<vmem>>)
      %run_scoped3A_199 = arith.constant 5 : i32
      "tpu.region"() ({
        %run_scoped3A_564 = tpu.sem_alloc : memref<!tpu.dma_semaphore, #tpu.memory_space<semaphore_mem>>
        %dma_start3A_565 = arith.constant 0 : i32
        %dma_start3A_566 = tpu.memref_slice %arg9[%run_scoped3A_199, %dma_start3A_565] : memref<14x128xi32, #tpu.memory_space<vmem>> -> memref<1x128xi32, #tpu.memory_space<vmem>>
        %dma_start3A_567 = tpu.memref_squeeze %dma_start3A_566 : memref<1x128xi32, #tpu.memory_space<vmem>> -> memref<128xi32, #tpu.memory_space<vmem>>
        %dma_start3A_568 = arith.constant 0 : i32
        %dma_start3A_569 = arith.constant 0 : i32
        %dma_start3A_570 = tpu.memref_slice %arg15[%dma_start3A_568, %dma_start3A_569] : memref<51200x32xf32, #tpu.memory_space<vmem_shared>> -> memref<51200x32xf32, #tpu.memory_space<vmem_shared>>
        tpu.enqueue_indirect_dma source(%arg12 : memref<128x32xf32, #tpu.memory_space<vmem>>) target(%dma_start3A_570 : memref<51200x32xf32, #tpu.memory_space<vmem_shared>>) offsets(%dma_start3A_567 : memref<128xi32, #tpu.memory_space<vmem>>) semaphore(%run_scoped3A_564 : memref<!tpu.dma_semaphore, #tpu.memory_space<semaphore_mem>>) {add = true}
        %dma_wait3A_571 = arith.constant 0 : i32
        %dma_wait3A_572 = tpu.memref_slice %arg9[%run_scoped3A_199, %dma_wait3A_571] : memref<14x128xi32, #tpu.memory_space<vmem>> -> memref<1x128xi32, #tpu.memory_space<vmem>>
        %dma_wait3A_573 = tpu.memref_squeeze %dma_wait3A_572 : memref<1x128xi32, #tpu.memory_space<vmem>> -> memref<128xi32, #tpu.memory_space<vmem>>
        %dma_wait3A_574 = arith.constant 0 : i32
        %dma_wait3A_575 = arith.constant 0 : i32
        %dma_wait3A_576 = tpu.memref_slice %arg15[%dma_wait3A_574, %dma_wait3A_575] : memref<51200x32xf32, #tpu.memory_space<vmem_shared>> -> memref<51200x32xf32, #tpu.memory_space<vmem_shared>>
        tpu.wait_indirect_dma semaphore(%run_scoped3A_564 : memref<!tpu.dma_semaphore, #tpu.memory_space<semaphore_mem>>) src(%arg12 : memref<128x32xf32, #tpu.memory_space<vmem>>) dst(%dma_wait3A_576 : memref<51200x32xf32, #tpu.memory_space<vmem_shared>>)
        tpu.yield
      }) : () -> ()
      %dma_start3A_200 = arith.constant 9 : i32
      %dma_start3A_201 = arith.constant 0 : i32
      %dma_start3A_202 = tpu.memref_slice %arg7[%dma_start3A_200, %dma_start3A_201] : memref<14x128xi32, #tpu.memory_space<vmem>> -> memref<1x128xi32, #tpu.memory_space<vmem>>
      %dma_start3A_203 = tpu.memref_squeeze %dma_start3A_202 : memref<1x128xi32, #tpu.memory_space<vmem>> -> memref<128xi32, #tpu.memory_space<vmem>>
      %dma_start3A_204 = arith.constant 0 : i32
      %dma_start3A_205 = arith.constant 0 : i32
      %dma_start3A_206 = tpu.memref_slice %arg2[%dma_start3A_204, %dma_start3A_205] : memref<102400x32xf32, #tpu.memory_space<hbm>> -> memref<102400x32xf32, #tpu.memory_space<hbm>>
      tpu.enqueue_indirect_dma source(%dma_start3A_206 : memref<102400x32xf32, #tpu.memory_space<hbm>>) target(%arg12 : memref<128x32xf32, #tpu.memory_space<vmem>>) offsets(%dma_start3A_203 : memref<128xi32, #tpu.memory_space<vmem>>) semaphore(%arg17 : memref<!tpu.dma_semaphore, #tpu.memory_space<semaphore_mem>>)
      %dma_wait3A_207 = arith.constant 6 : i32
      %dma_wait3A_208 = arith.constant 0 : i32
      %dma_wait3A_209 = tpu.memref_slice %arg7[%dma_wait3A_207, %dma_wait3A_208] : memref<14x128xi32, #tpu.memory_space<vmem>> -> memref<1x128xi32, #tpu.memory_space<vmem>>
      %dma_wait3A_210 = tpu.memref_squeeze %dma_wait3A_209 : memref<1x128xi32, #tpu.memory_space<vmem>> -> memref<128xi32, #tpu.memory_space<vmem>>
      %dma_wait3A_211 = arith.constant 0 : i32
      %dma_wait3A_212 = arith.constant 0 : i32
      %dma_wait3A_213 = tpu.memref_slice %arg2[%dma_wait3A_211, %dma_wait3A_212] : memref<102400x32xf32, #tpu.memory_space<hbm>> -> memref<102400x32xf32, #tpu.memory_space<hbm>>
      tpu.wait_indirect_dma semaphore(%arg18 : memref<!tpu.dma_semaphore, #tpu.memory_space<semaphore_mem>>) src(%dma_wait3A_213 : memref<102400x32xf32, #tpu.memory_space<hbm>>) dst(%arg13 : memref<128x32xf32, #tpu.memory_space<vmem>>)
      %run_scoped3A_214 = arith.constant 6 : i32
      "tpu.region"() ({
        %run_scoped3A_564 = tpu.sem_alloc : memref<!tpu.dma_semaphore, #tpu.memory_space<semaphore_mem>>
        %dma_start3A_565 = arith.constant 0 : i32
        %dma_start3A_566 = tpu.memref_slice %arg9[%run_scoped3A_214, %dma_start3A_565] : memref<14x128xi32, #tpu.memory_space<vmem>> -> memref<1x128xi32, #tpu.memory_space<vmem>>
        %dma_start3A_567 = tpu.memref_squeeze %dma_start3A_566 : memref<1x128xi32, #tpu.memory_space<vmem>> -> memref<128xi32, #tpu.memory_space<vmem>>
        %dma_start3A_568 = arith.constant 0 : i32
        %dma_start3A_569 = arith.constant 0 : i32
        %dma_start3A_570 = tpu.memref_slice %arg15[%dma_start3A_568, %dma_start3A_569] : memref<51200x32xf32, #tpu.memory_space<vmem_shared>> -> memref<51200x32xf32, #tpu.memory_space<vmem_shared>>
        tpu.enqueue_indirect_dma source(%arg13 : memref<128x32xf32, #tpu.memory_space<vmem>>) target(%dma_start3A_570 : memref<51200x32xf32, #tpu.memory_space<vmem_shared>>) offsets(%dma_start3A_567 : memref<128xi32, #tpu.memory_space<vmem>>) semaphore(%run_scoped3A_564 : memref<!tpu.dma_semaphore, #tpu.memory_space<semaphore_mem>>) {add = true}
        %dma_wait3A_571 = arith.constant 0 : i32
        %dma_wait3A_572 = tpu.memref_slice %arg9[%run_scoped3A_214, %dma_wait3A_571] : memref<14x128xi32, #tpu.memory_space<vmem>> -> memref<1x128xi32, #tpu.memory_space<vmem>>
        %dma_wait3A_573 = tpu.memref_squeeze %dma_wait3A_572 : memref<1x128xi32, #tpu.memory_space<vmem>> -> memref<128xi32, #tpu.memory_space<vmem>>
        %dma_wait3A_574 = arith.constant 0 : i32
        %dma_wait3A_575 = arith.constant 0 : i32
        %dma_wait3A_576 = tpu.memref_slice %arg15[%dma_wait3A_574, %dma_wait3A_575] : memref<51200x32xf32, #tpu.memory_space<vmem_shared>> -> memref<51200x32xf32, #tpu.memory_space<vmem_shared>>
        tpu.wait_indirect_dma semaphore(%run_scoped3A_564 : memref<!tpu.dma_semaphore, #tpu.memory_space<semaphore_mem>>) src(%arg13 : memref<128x32xf32, #tpu.memory_space<vmem>>) dst(%dma_wait3A_576 : memref<51200x32xf32, #tpu.memory_space<vmem_shared>>)
        tpu.yield
      }) : () -> ()
      %dma_start3A_215 = arith.constant 10 : i32
      %dma_start3A_216 = arith.constant 0 : i32
      %dma_start3A_217 = tpu.memref_slice %arg7[%dma_start3A_215, %dma_start3A_216] : memref<14x128xi32, #tpu.memory_space<vmem>> -> memref<1x128xi32, #tpu.memory_space<vmem>>
      %dma_start3A_218 = tpu.memref_squeeze %dma_start3A_217 : memref<1x128xi32, #tpu.memory_space<vmem>> -> memref<128xi32, #tpu.memory_space<vmem>>
      %dma_start3A_219 = arith.constant 0 : i32
      %dma_start3A_220 = arith.constant 0 : i32
      %dma_start3A_221 = tpu.memref_slice %arg2[%dma_start3A_219, %dma_start3A_220] : memref<102400x32xf32, #tpu.memory_space<hbm>> -> memref<102400x32xf32, #tpu.memory_space<hbm>>
      tpu.enqueue_indirect_dma source(%dma_start3A_221 : memref<102400x32xf32, #tpu.memory_space<hbm>>) target(%arg13 : memref<128x32xf32, #tpu.memory_space<vmem>>) offsets(%dma_start3A_218 : memref<128xi32, #tpu.memory_space<vmem>>) semaphore(%arg18 : memref<!tpu.dma_semaphore, #tpu.memory_space<semaphore_mem>>)
      %dma_wait3A_222 = arith.constant 7 : i32
      %dma_wait3A_223 = arith.constant 0 : i32
      %dma_wait3A_224 = tpu.memref_slice %arg7[%dma_wait3A_222, %dma_wait3A_223] : memref<14x128xi32, #tpu.memory_space<vmem>> -> memref<1x128xi32, #tpu.memory_space<vmem>>
      %dma_wait3A_225 = tpu.memref_squeeze %dma_wait3A_224 : memref<1x128xi32, #tpu.memory_space<vmem>> -> memref<128xi32, #tpu.memory_space<vmem>>
      %dma_wait3A_226 = arith.constant 0 : i32
      %dma_wait3A_227 = arith.constant 0 : i32
      %dma_wait3A_228 = tpu.memref_slice %arg2[%dma_wait3A_226, %dma_wait3A_227] : memref<102400x32xf32, #tpu.memory_space<hbm>> -> memref<102400x32xf32, #tpu.memory_space<hbm>>
      tpu.wait_indirect_dma semaphore(%arg19 : memref<!tpu.dma_semaphore, #tpu.memory_space<semaphore_mem>>) src(%dma_wait3A_228 : memref<102400x32xf32, #tpu.memory_space<hbm>>) dst(%arg14 : memref<128x32xf32, #tpu.memory_space<vmem>>)
      %run_scoped3A_229 = arith.constant 7 : i32
      "tpu.region"() ({
        %run_scoped3A_564 = tpu.sem_alloc : memref<!tpu.dma_semaphore, #tpu.memory_space<semaphore_mem>>
        %dma_start3A_565 = arith.constant 0 : i32
        %dma_start3A_566 = tpu.memref_slice %arg9[%run_scoped3A_229, %dma_start3A_565] : memref<14x128xi32, #tpu.memory_space<vmem>> -> memref<1x128xi32, #tpu.memory_space<vmem>>
        %dma_start3A_567 = tpu.memref_squeeze %dma_start3A_566 : memref<1x128xi32, #tpu.memory_space<vmem>> -> memref<128xi32, #tpu.memory_space<vmem>>
        %dma_start3A_568 = arith.constant 0 : i32
        %dma_start3A_569 = arith.constant 0 : i32
        %dma_start3A_570 = tpu.memref_slice %arg15[%dma_start3A_568, %dma_start3A_569] : memref<51200x32xf32, #tpu.memory_space<vmem_shared>> -> memref<51200x32xf32, #tpu.memory_space<vmem_shared>>
        tpu.enqueue_indirect_dma source(%arg14 : memref<128x32xf32, #tpu.memory_space<vmem>>) target(%dma_start3A_570 : memref<51200x32xf32, #tpu.memory_space<vmem_shared>>) offsets(%dma_start3A_567 : memref<128xi32, #tpu.memory_space<vmem>>) semaphore(%run_scoped3A_564 : memref<!tpu.dma_semaphore, #tpu.memory_space<semaphore_mem>>) {add = true}
        %dma_wait3A_571 = arith.constant 0 : i32
        %dma_wait3A_572 = tpu.memref_slice %arg9[%run_scoped3A_229, %dma_wait3A_571] : memref<14x128xi32, #tpu.memory_space<vmem>> -> memref<1x128xi32, #tpu.memory_space<vmem>>
        %dma_wait3A_573 = tpu.memref_squeeze %dma_wait3A_572 : memref<1x128xi32, #tpu.memory_space<vmem>> -> memref<128xi32, #tpu.memory_space<vmem>>
        %dma_wait3A_574 = arith.constant 0 : i32
        %dma_wait3A_575 = arith.constant 0 : i32
        %dma_wait3A_576 = tpu.memref_slice %arg15[%dma_wait3A_574, %dma_wait3A_575] : memref<51200x32xf32, #tpu.memory_space<vmem_shared>> -> memref<51200x32xf32, #tpu.memory_space<vmem_shared>>
        tpu.wait_indirect_dma semaphore(%run_scoped3A_564 : memref<!tpu.dma_semaphore, #tpu.memory_space<semaphore_mem>>) src(%arg14 : memref<128x32xf32, #tpu.memory_space<vmem>>) dst(%dma_wait3A_576 : memref<51200x32xf32, #tpu.memory_space<vmem_shared>>)
        tpu.yield
      }) : () -> ()
      %dma_start3A_230 = arith.constant 11 : i32
      %dma_start3A_231 = arith.constant 0 : i32
      %dma_start3A_232 = tpu.memref_slice %arg7[%dma_start3A_230, %dma_start3A_231] : memref<14x128xi32, #tpu.memory_space<vmem>> -> memref<1x128xi32, #tpu.memory_space<vmem>>
      %dma_start3A_233 = tpu.memref_squeeze %dma_start3A_232 : memref<1x128xi32, #tpu.memory_space<vmem>> -> memref<128xi32, #tpu.memory_space<vmem>>
      %dma_start3A_234 = arith.constant 0 : i32
      %dma_start3A_235 = arith.constant 0 : i32
      %dma_start3A_236 = tpu.memref_slice %arg2[%dma_start3A_234, %dma_start3A_235] : memref<102400x32xf32, #tpu.memory_space<hbm>> -> memref<102400x32xf32, #tpu.memory_space<hbm>>
      tpu.enqueue_indirect_dma source(%dma_start3A_236 : memref<102400x32xf32, #tpu.memory_space<hbm>>) target(%arg14 : memref<128x32xf32, #tpu.memory_space<vmem>>) offsets(%dma_start3A_233 : memref<128xi32, #tpu.memory_space<vmem>>) semaphore(%arg19 : memref<!tpu.dma_semaphore, #tpu.memory_space<semaphore_mem>>)
      %dma_wait3A_237 = arith.constant 8 : i32
      %dma_wait3A_238 = arith.constant 0 : i32
      %dma_wait3A_239 = tpu.memref_slice %arg7[%dma_wait3A_237, %dma_wait3A_238] : memref<14x128xi32, #tpu.memory_space<vmem>> -> memref<1x128xi32, #tpu.memory_space<vmem>>
      %dma_wait3A_240 = tpu.memref_squeeze %dma_wait3A_239 : memref<1x128xi32, #tpu.memory_space<vmem>> -> memref<128xi32, #tpu.memory_space<vmem>>
      %dma_wait3A_241 = arith.constant 0 : i32
      %dma_wait3A_242 = arith.constant 0 : i32
      %dma_wait3A_243 = tpu.memref_slice %arg2[%dma_wait3A_241, %dma_wait3A_242] : memref<102400x32xf32, #tpu.memory_space<hbm>> -> memref<102400x32xf32, #tpu.memory_space<hbm>>
      tpu.wait_indirect_dma semaphore(%arg16 : memref<!tpu.dma_semaphore, #tpu.memory_space<semaphore_mem>>) src(%dma_wait3A_243 : memref<102400x32xf32, #tpu.memory_space<hbm>>) dst(%arg11 : memref<128x32xf32, #tpu.memory_space<vmem>>)
      %run_scoped3A_244 = arith.constant 8 : i32
      "tpu.region"() ({
        %run_scoped3A_564 = tpu.sem_alloc : memref<!tpu.dma_semaphore, #tpu.memory_space<semaphore_mem>>
        %dma_start3A_565 = arith.constant 0 : i32
        %dma_start3A_566 = tpu.memref_slice %arg9[%run_scoped3A_244, %dma_start3A_565] : memref<14x128xi32, #tpu.memory_space<vmem>> -> memref<1x128xi32, #tpu.memory_space<vmem>>
        %dma_start3A_567 = tpu.memref_squeeze %dma_start3A_566 : memref<1x128xi32, #tpu.memory_space<vmem>> -> memref<128xi32, #tpu.memory_space<vmem>>
        %dma_start3A_568 = arith.constant 0 : i32
        %dma_start3A_569 = arith.constant 0 : i32
        %dma_start3A_570 = tpu.memref_slice %arg15[%dma_start3A_568, %dma_start3A_569] : memref<51200x32xf32, #tpu.memory_space<vmem_shared>> -> memref<51200x32xf32, #tpu.memory_space<vmem_shared>>
        tpu.enqueue_indirect_dma source(%arg11 : memref<128x32xf32, #tpu.memory_space<vmem>>) target(%dma_start3A_570 : memref<51200x32xf32, #tpu.memory_space<vmem_shared>>) offsets(%dma_start3A_567 : memref<128xi32, #tpu.memory_space<vmem>>) semaphore(%run_scoped3A_564 : memref<!tpu.dma_semaphore, #tpu.memory_space<semaphore_mem>>) {add = true}
        %dma_wait3A_571 = arith.constant 0 : i32
        %dma_wait3A_572 = tpu.memref_slice %arg9[%run_scoped3A_244, %dma_wait3A_571] : memref<14x128xi32, #tpu.memory_space<vmem>> -> memref<1x128xi32, #tpu.memory_space<vmem>>
        %dma_wait3A_573 = tpu.memref_squeeze %dma_wait3A_572 : memref<1x128xi32, #tpu.memory_space<vmem>> -> memref<128xi32, #tpu.memory_space<vmem>>
        %dma_wait3A_574 = arith.constant 0 : i32
        %dma_wait3A_575 = arith.constant 0 : i32
        %dma_wait3A_576 = tpu.memref_slice %arg15[%dma_wait3A_574, %dma_wait3A_575] : memref<51200x32xf32, #tpu.memory_space<vmem_shared>> -> memref<51200x32xf32, #tpu.memory_space<vmem_shared>>
        tpu.wait_indirect_dma semaphore(%run_scoped3A_564 : memref<!tpu.dma_semaphore, #tpu.memory_space<semaphore_mem>>) src(%arg11 : memref<128x32xf32, #tpu.memory_space<vmem>>) dst(%dma_wait3A_576 : memref<51200x32xf32, #tpu.memory_space<vmem_shared>>)
        tpu.yield
      }) : () -> ()
      %dma_start3A_245 = arith.constant 12 : i32
      %dma_start3A_246 = arith.constant 0 : i32
      %dma_start3A_247 = tpu.memref_slice %arg7[%dma_start3A_245, %dma_start3A_246] : memref<14x128xi32, #tpu.memory_space<vmem>> -> memref<1x128xi32, #tpu.memory_space<vmem>>
      %dma_start3A_248 = tpu.memref_squeeze %dma_start3A_247 : memref<1x128xi32, #tpu.memory_space<vmem>> -> memref<128xi32, #tpu.memory_space<vmem>>
      %dma_start3A_249 = arith.constant 0 : i32
      %dma_start3A_250 = arith.constant 0 : i32
      %dma_start3A_251 = tpu.memref_slice %arg2[%dma_start3A_249, %dma_start3A_250] : memref<102400x32xf32, #tpu.memory_space<hbm>> -> memref<102400x32xf32, #tpu.memory_space<hbm>>
      tpu.enqueue_indirect_dma source(%dma_start3A_251 : memref<102400x32xf32, #tpu.memory_space<hbm>>) target(%arg11 : memref<128x32xf32, #tpu.memory_space<vmem>>) offsets(%dma_start3A_248 : memref<128xi32, #tpu.memory_space<vmem>>) semaphore(%arg16 : memref<!tpu.dma_semaphore, #tpu.memory_space<semaphore_mem>>)
      %dma_wait3A_252 = arith.constant 9 : i32
      %dma_wait3A_253 = arith.constant 0 : i32
      %dma_wait3A_254 = tpu.memref_slice %arg7[%dma_wait3A_252, %dma_wait3A_253] : memref<14x128xi32, #tpu.memory_space<vmem>> -> memref<1x128xi32, #tpu.memory_space<vmem>>
      %dma_wait3A_255 = tpu.memref_squeeze %dma_wait3A_254 : memref<1x128xi32, #tpu.memory_space<vmem>> -> memref<128xi32, #tpu.memory_space<vmem>>
      %dma_wait3A_256 = arith.constant 0 : i32
      %dma_wait3A_257 = arith.constant 0 : i32
      %dma_wait3A_258 = tpu.memref_slice %arg2[%dma_wait3A_256, %dma_wait3A_257] : memref<102400x32xf32, #tpu.memory_space<hbm>> -> memref<102400x32xf32, #tpu.memory_space<hbm>>
      tpu.wait_indirect_dma semaphore(%arg17 : memref<!tpu.dma_semaphore, #tpu.memory_space<semaphore_mem>>) src(%dma_wait3A_258 : memref<102400x32xf32, #tpu.memory_space<hbm>>) dst(%arg12 : memref<128x32xf32, #tpu.memory_space<vmem>>)
      %run_scoped3A_259 = arith.constant 9 : i32
      "tpu.region"() ({
        %run_scoped3A_564 = tpu.sem_alloc : memref<!tpu.dma_semaphore, #tpu.memory_space<semaphore_mem>>
        %dma_start3A_565 = arith.constant 0 : i32
        %dma_start3A_566 = tpu.memref_slice %arg9[%run_scoped3A_259, %dma_start3A_565] : memref<14x128xi32, #tpu.memory_space<vmem>> -> memref<1x128xi32, #tpu.memory_space<vmem>>
        %dma_start3A_567 = tpu.memref_squeeze %dma_start3A_566 : memref<1x128xi32, #tpu.memory_space<vmem>> -> memref<128xi32, #tpu.memory_space<vmem>>
        %dma_start3A_568 = arith.constant 0 : i32
        %dma_start3A_569 = arith.constant 0 : i32
        %dma_start3A_570 = tpu.memref_slice %arg15[%dma_start3A_568, %dma_start3A_569] : memref<51200x32xf32, #tpu.memory_space<vmem_shared>> -> memref<51200x32xf32, #tpu.memory_space<vmem_shared>>
        tpu.enqueue_indirect_dma source(%arg12 : memref<128x32xf32, #tpu.memory_space<vmem>>) target(%dma_start3A_570 : memref<51200x32xf32, #tpu.memory_space<vmem_shared>>) offsets(%dma_start3A_567 : memref<128xi32, #tpu.memory_space<vmem>>) semaphore(%run_scoped3A_564 : memref<!tpu.dma_semaphore, #tpu.memory_space<semaphore_mem>>) {add = true}
        %dma_wait3A_571 = arith.constant 0 : i32
        %dma_wait3A_572 = tpu.memref_slice %arg9[%run_scoped3A_259, %dma_wait3A_571] : memref<14x128xi32, #tpu.memory_space<vmem>> -> memref<1x128xi32, #tpu.memory_space<vmem>>
        %dma_wait3A_573 = tpu.memref_squeeze %dma_wait3A_572 : memref<1x128xi32, #tpu.memory_space<vmem>> -> memref<128xi32, #tpu.memory_space<vmem>>
        %dma_wait3A_574 = arith.constant 0 : i32
        %dma_wait3A_575 = arith.constant 0 : i32
        %dma_wait3A_576 = tpu.memref_slice %arg15[%dma_wait3A_574, %dma_wait3A_575] : memref<51200x32xf32, #tpu.memory_space<vmem_shared>> -> memref<51200x32xf32, #tpu.memory_space<vmem_shared>>
        tpu.wait_indirect_dma semaphore(%run_scoped3A_564 : memref<!tpu.dma_semaphore, #tpu.memory_space<semaphore_mem>>) src(%arg12 : memref<128x32xf32, #tpu.memory_space<vmem>>) dst(%dma_wait3A_576 : memref<51200x32xf32, #tpu.memory_space<vmem_shared>>)
        tpu.yield
      }) : () -> ()
      %dma_start3A_260 = arith.constant 13 : i32
      %dma_start3A_261 = arith.constant 0 : i32
      %dma_start3A_262 = tpu.memref_slice %arg7[%dma_start3A_260, %dma_start3A_261] : memref<14x128xi32, #tpu.memory_space<vmem>> -> memref<1x128xi32, #tpu.memory_space<vmem>>
      %dma_start3A_263 = tpu.memref_squeeze %dma_start3A_262 : memref<1x128xi32, #tpu.memory_space<vmem>> -> memref<128xi32, #tpu.memory_space<vmem>>
      %dma_start3A_264 = arith.constant 0 : i32
      %dma_start3A_265 = arith.constant 0 : i32
      %dma_start3A_266 = tpu.memref_slice %arg2[%dma_start3A_264, %dma_start3A_265] : memref<102400x32xf32, #tpu.memory_space<hbm>> -> memref<102400x32xf32, #tpu.memory_space<hbm>>
      tpu.enqueue_indirect_dma source(%dma_start3A_266 : memref<102400x32xf32, #tpu.memory_space<hbm>>) target(%arg12 : memref<128x32xf32, #tpu.memory_space<vmem>>) offsets(%dma_start3A_263 : memref<128xi32, #tpu.memory_space<vmem>>) semaphore(%arg17 : memref<!tpu.dma_semaphore, #tpu.memory_space<semaphore_mem>>)
      %dma_wait3A_267 = arith.constant 10 : i32
      %dma_wait3A_268 = arith.constant 0 : i32
      %dma_wait3A_269 = tpu.memref_slice %arg7[%dma_wait3A_267, %dma_wait3A_268] : memref<14x128xi32, #tpu.memory_space<vmem>> -> memref<1x128xi32, #tpu.memory_space<vmem>>
      %dma_wait3A_270 = tpu.memref_squeeze %dma_wait3A_269 : memref<1x128xi32, #tpu.memory_space<vmem>> -> memref<128xi32, #tpu.memory_space<vmem>>
      %dma_wait3A_271 = arith.constant 0 : i32
      %dma_wait3A_272 = arith.constant 0 : i32
      %dma_wait3A_273 = tpu.memref_slice %arg2[%dma_wait3A_271, %dma_wait3A_272] : memref<102400x32xf32, #tpu.memory_space<hbm>> -> memref<102400x32xf32, #tpu.memory_space<hbm>>
      tpu.wait_indirect_dma semaphore(%arg18 : memref<!tpu.dma_semaphore, #tpu.memory_space<semaphore_mem>>) src(%dma_wait3A_273 : memref<102400x32xf32, #tpu.memory_space<hbm>>) dst(%arg13 : memref<128x32xf32, #tpu.memory_space<vmem>>)
      %run_scoped3A_274 = arith.constant 10 : i32
      "tpu.region"() ({
        %run_scoped3A_564 = tpu.sem_alloc : memref<!tpu.dma_semaphore, #tpu.memory_space<semaphore_mem>>
        %dma_start3A_565 = arith.constant 0 : i32
        %dma_start3A_566 = tpu.memref_slice %arg9[%run_scoped3A_274, %dma_start3A_565] : memref<14x128xi32, #tpu.memory_space<vmem>> -> memref<1x128xi32, #tpu.memory_space<vmem>>
        %dma_start3A_567 = tpu.memref_squeeze %dma_start3A_566 : memref<1x128xi32, #tpu.memory_space<vmem>> -> memref<128xi32, #tpu.memory_space<vmem>>
        %dma_start3A_568 = arith.constant 0 : i32
        %dma_start3A_569 = arith.constant 0 : i32
        %dma_start3A_570 = tpu.memref_slice %arg15[%dma_start3A_568, %dma_start3A_569] : memref<51200x32xf32, #tpu.memory_space<vmem_shared>> -> memref<51200x32xf32, #tpu.memory_space<vmem_shared>>
        tpu.enqueue_indirect_dma source(%arg13 : memref<128x32xf32, #tpu.memory_space<vmem>>) target(%dma_start3A_570 : memref<51200x32xf32, #tpu.memory_space<vmem_shared>>) offsets(%dma_start3A_567 : memref<128xi32, #tpu.memory_space<vmem>>) semaphore(%run_scoped3A_564 : memref<!tpu.dma_semaphore, #tpu.memory_space<semaphore_mem>>) {add = true}
        %dma_wait3A_571 = arith.constant 0 : i32
        %dma_wait3A_572 = tpu.memref_slice %arg9[%run_scoped3A_274, %dma_wait3A_571] : memref<14x128xi32, #tpu.memory_space<vmem>> -> memref<1x128xi32, #tpu.memory_space<vmem>>
        %dma_wait3A_573 = tpu.memref_squeeze %dma_wait3A_572 : memref<1x128xi32, #tpu.memory_space<vmem>> -> memref<128xi32, #tpu.memory_space<vmem>>
        %dma_wait3A_574 = arith.constant 0 : i32
        %dma_wait3A_575 = arith.constant 0 : i32
        %dma_wait3A_576 = tpu.memref_slice %arg15[%dma_wait3A_574, %dma_wait3A_575] : memref<51200x32xf32, #tpu.memory_space<vmem_shared>> -> memref<51200x32xf32, #tpu.memory_space<vmem_shared>>
        tpu.wait_indirect_dma semaphore(%run_scoped3A_564 : memref<!tpu.dma_semaphore, #tpu.memory_space<semaphore_mem>>) src(%arg13 : memref<128x32xf32, #tpu.memory_space<vmem>>) dst(%dma_wait3A_576 : memref<51200x32xf32, #tpu.memory_space<vmem_shared>>)
        tpu.yield
      }) : () -> ()
      %dma_wait3A_275 = arith.constant 0 : i32
      %dma_wait3A_276 = arith.constant 0 : i32
      %dma_wait3A_277 = tpu.memref_slice %arg3[%arg0, %arg1, %dma_wait3A_275, %dma_wait3A_276] : memref<2x16x424x128xi32, #tpu.memory_space<hbm>> -> memref<1x1x14x128xi32, #tpu.memory_space<hbm>>
      %dma_wait3A_278 = tpu.memref_squeeze %dma_wait3A_277 : memref<1x1x14x128xi32, #tpu.memory_space<hbm>> -> memref<14x128xi32, #tpu.memory_space<hbm>>
      %dma_wait3A_279 = arith.constant 0 : i32
      %dma_wait3A_280 = arith.constant 0 : i32
      %dma_wait3A_281 = tpu.memref_slice %arg3[%arg0, %arg1, %dma_wait3A_279, %dma_wait3A_280] : memref<2x16x424x128xi32, #tpu.memory_space<hbm>> -> memref<1x1x14x128xi32, #tpu.memory_space<hbm>>
      %dma_wait3A_282 = tpu.memref_squeeze %dma_wait3A_281 : memref<1x1x14x128xi32, #tpu.memory_space<hbm>> -> memref<14x128xi32, #tpu.memory_space<hbm>>
      tpu.wait_dma2 semaphore(%arg21 : memref<!tpu.dma_semaphore, #tpu.memory_space<semaphore_mem>>) src(%dma_wait3A_282 : memref<14x128xi32, #tpu.memory_space<hbm>>) dst(%arg8 : memref<14x128xi32, #tpu.memory_space<vmem>>)
      %dma_wait3A_283 = arith.constant 0 : i32
      %dma_wait3A_284 = arith.constant 0 : i32
      %dma_wait3A_285 = tpu.memref_slice %arg4[%arg1, %dma_wait3A_283, %dma_wait3A_284] : memref<16x424x128xi32, #tpu.memory_space<hbm>> -> memref<1x14x128xi32, #tpu.memory_space<hbm>>
      %dma_wait3A_286 = tpu.memref_squeeze %dma_wait3A_285 : memref<1x14x128xi32, #tpu.memory_space<hbm>> -> memref<14x128xi32, #tpu.memory_space<hbm>>
      %dma_wait3A_287 = arith.constant 0 : i32
      %dma_wait3A_288 = arith.constant 0 : i32
      %dma_wait3A_289 = tpu.memref_slice %arg4[%arg1, %dma_wait3A_287, %dma_wait3A_288] : memref<16x424x128xi32, #tpu.memory_space<hbm>> -> memref<1x14x128xi32, #tpu.memory_space<hbm>>
      %dma_wait3A_290 = tpu.memref_squeeze %dma_wait3A_289 : memref<1x14x128xi32, #tpu.memory_space<hbm>> -> memref<14x128xi32, #tpu.memory_space<hbm>>
      tpu.wait_dma2 semaphore(%arg21 : memref<!tpu.dma_semaphore, #tpu.memory_space<semaphore_mem>>) src(%dma_wait3A_290 : memref<14x128xi32, #tpu.memory_space<hbm>>) dst(%arg10 : memref<14x128xi32, #tpu.memory_space<vmem>>)
      %dma_start3A_291 = arith.constant 0 : i32
      %dma_start3A_292 = arith.constant 0 : i32
      %dma_start3A_293 = tpu.memref_slice %arg8[%dma_start3A_291, %dma_start3A_292] : memref<14x128xi32, #tpu.memory_space<vmem>> -> memref<1x128xi32, #tpu.memory_space<vmem>>
      %dma_start3A_294 = tpu.memref_squeeze %dma_start3A_293 : memref<1x128xi32, #tpu.memory_space<vmem>> -> memref<128xi32, #tpu.memory_space<vmem>>
      %dma_start3A_295 = arith.constant 0 : i32
      %dma_start3A_296 = arith.constant 0 : i32
      %dma_start3A_297 = tpu.memref_slice %arg2[%dma_start3A_295, %dma_start3A_296] : memref<102400x32xf32, #tpu.memory_space<hbm>> -> memref<102400x32xf32, #tpu.memory_space<hbm>>
      tpu.enqueue_indirect_dma source(%dma_start3A_297 : memref<102400x32xf32, #tpu.memory_space<hbm>>) target(%arg13 : memref<128x32xf32, #tpu.memory_space<vmem>>) offsets(%dma_start3A_294 : memref<128xi32, #tpu.memory_space<vmem>>) semaphore(%arg18 : memref<!tpu.dma_semaphore, #tpu.memory_space<semaphore_mem>>)
      %dma_wait3A_298 = arith.constant 11 : i32
      %dma_wait3A_299 = arith.constant 0 : i32
      %dma_wait3A_300 = tpu.memref_slice %arg7[%dma_wait3A_298, %dma_wait3A_299] : memref<14x128xi32, #tpu.memory_space<vmem>> -> memref<1x128xi32, #tpu.memory_space<vmem>>
      %dma_wait3A_301 = tpu.memref_squeeze %dma_wait3A_300 : memref<1x128xi32, #tpu.memory_space<vmem>> -> memref<128xi32, #tpu.memory_space<vmem>>
      %dma_wait3A_302 = arith.constant 0 : i32
      %dma_wait3A_303 = arith.constant 0 : i32
      %dma_wait3A_304 = tpu.memref_slice %arg2[%dma_wait3A_302, %dma_wait3A_303] : memref<102400x32xf32, #tpu.memory_space<hbm>> -> memref<102400x32xf32, #tpu.memory_space<hbm>>
      tpu.wait_indirect_dma semaphore(%arg19 : memref<!tpu.dma_semaphore, #tpu.memory_space<semaphore_mem>>) src(%dma_wait3A_304 : memref<102400x32xf32, #tpu.memory_space<hbm>>) dst(%arg14 : memref<128x32xf32, #tpu.memory_space<vmem>>)
      %run_scoped3A_305 = arith.constant 11 : i32
      "tpu.region"() ({
        %run_scoped3A_564 = tpu.sem_alloc : memref<!tpu.dma_semaphore, #tpu.memory_space<semaphore_mem>>
        %dma_start3A_565 = arith.constant 0 : i32
        %dma_start3A_566 = tpu.memref_slice %arg9[%run_scoped3A_305, %dma_start3A_565] : memref<14x128xi32, #tpu.memory_space<vmem>> -> memref<1x128xi32, #tpu.memory_space<vmem>>
        %dma_start3A_567 = tpu.memref_squeeze %dma_start3A_566 : memref<1x128xi32, #tpu.memory_space<vmem>> -> memref<128xi32, #tpu.memory_space<vmem>>
        %dma_start3A_568 = arith.constant 0 : i32
        %dma_start3A_569 = arith.constant 0 : i32
        %dma_start3A_570 = tpu.memref_slice %arg15[%dma_start3A_568, %dma_start3A_569] : memref<51200x32xf32, #tpu.memory_space<vmem_shared>> -> memref<51200x32xf32, #tpu.memory_space<vmem_shared>>
        tpu.enqueue_indirect_dma source(%arg14 : memref<128x32xf32, #tpu.memory_space<vmem>>) target(%dma_start3A_570 : memref<51200x32xf32, #tpu.memory_space<vmem_shared>>) offsets(%dma_start3A_567 : memref<128xi32, #tpu.memory_space<vmem>>) semaphore(%run_scoped3A_564 : memref<!tpu.dma_semaphore, #tpu.memory_space<semaphore_mem>>) {add = true}
        %dma_wait3A_571 = arith.constant 0 : i32
        %dma_wait3A_572 = tpu.memref_slice %arg9[%run_scoped3A_305, %dma_wait3A_571] : memref<14x128xi32, #tpu.memory_space<vmem>> -> memref<1x128xi32, #tpu.memory_space<vmem>>
        %dma_wait3A_573 = tpu.memref_squeeze %dma_wait3A_572 : memref<1x128xi32, #tpu.memory_space<vmem>> -> memref<128xi32, #tpu.memory_space<vmem>>
        %dma_wait3A_574 = arith.constant 0 : i32
        %dma_wait3A_575 = arith.constant 0 : i32
        %dma_wait3A_576 = tpu.memref_slice %arg15[%dma_wait3A_574, %dma_wait3A_575] : memref<51200x32xf32, #tpu.memory_space<vmem_shared>> -> memref<51200x32xf32, #tpu.memory_space<vmem_shared>>
        tpu.wait_indirect_dma semaphore(%run_scoped3A_564 : memref<!tpu.dma_semaphore, #tpu.memory_space<semaphore_mem>>) src(%arg14 : memref<128x32xf32, #tpu.memory_space<vmem>>) dst(%dma_wait3A_576 : memref<51200x32xf32, #tpu.memory_space<vmem_shared>>)
        tpu.yield
      }) : () -> ()
      %dma_start3A_306 = arith.constant 1 : i32
      %dma_start3A_307 = arith.constant 0 : i32
      %dma_start3A_308 = tpu.memref_slice %arg8[%dma_start3A_306, %dma_start3A_307] : memref<14x128xi32, #tpu.memory_space<vmem>> -> memref<1x128xi32, #tpu.memory_space<vmem>>
      %dma_start3A_309 = tpu.memref_squeeze %dma_start3A_308 : memref<1x128xi32, #tpu.memory_space<vmem>> -> memref<128xi32, #tpu.memory_space<vmem>>
      %dma_start3A_310 = arith.constant 0 : i32
      %dma_start3A_311 = arith.constant 0 : i32
      %dma_start3A_312 = tpu.memref_slice %arg2[%dma_start3A_310, %dma_start3A_311] : memref<102400x32xf32, #tpu.memory_space<hbm>> -> memref<102400x32xf32, #tpu.memory_space<hbm>>
      tpu.enqueue_indirect_dma source(%dma_start3A_312 : memref<102400x32xf32, #tpu.memory_space<hbm>>) target(%arg14 : memref<128x32xf32, #tpu.memory_space<vmem>>) offsets(%dma_start3A_309 : memref<128xi32, #tpu.memory_space<vmem>>) semaphore(%arg19 : memref<!tpu.dma_semaphore, #tpu.memory_space<semaphore_mem>>)
      %dma_wait3A_313 = arith.constant 12 : i32
      %dma_wait3A_314 = arith.constant 0 : i32
      %dma_wait3A_315 = tpu.memref_slice %arg7[%dma_wait3A_313, %dma_wait3A_314] : memref<14x128xi32, #tpu.memory_space<vmem>> -> memref<1x128xi32, #tpu.memory_space<vmem>>
      %dma_wait3A_316 = tpu.memref_squeeze %dma_wait3A_315 : memref<1x128xi32, #tpu.memory_space<vmem>> -> memref<128xi32, #tpu.memory_space<vmem>>
      %dma_wait3A_317 = arith.constant 0 : i32
      %dma_wait3A_318 = arith.constant 0 : i32
      %dma_wait3A_319 = tpu.memref_slice %arg2[%dma_wait3A_317, %dma_wait3A_318] : memref<102400x32xf32, #tpu.memory_space<hbm>> -> memref<102400x32xf32, #tpu.memory_space<hbm>>
      tpu.wait_indirect_dma semaphore(%arg16 : memref<!tpu.dma_semaphore, #tpu.memory_space<semaphore_mem>>) src(%dma_wait3A_319 : memref<102400x32xf32, #tpu.memory_space<hbm>>) dst(%arg11 : memref<128x32xf32, #tpu.memory_space<vmem>>)
      %run_scoped3A_320 = arith.constant 12 : i32
      "tpu.region"() ({
        %run_scoped3A_564 = tpu.sem_alloc : memref<!tpu.dma_semaphore, #tpu.memory_space<semaphore_mem>>
        %dma_start3A_565 = arith.constant 0 : i32
        %dma_start3A_566 = tpu.memref_slice %arg9[%run_scoped3A_320, %dma_start3A_565] : memref<14x128xi32, #tpu.memory_space<vmem>> -> memref<1x128xi32, #tpu.memory_space<vmem>>
        %dma_start3A_567 = tpu.memref_squeeze %dma_start3A_566 : memref<1x128xi32, #tpu.memory_space<vmem>> -> memref<128xi32, #tpu.memory_space<vmem>>
        %dma_start3A_568 = arith.constant 0 : i32
        %dma_start3A_569 = arith.constant 0 : i32
        %dma_start3A_570 = tpu.memref_slice %arg15[%dma_start3A_568, %dma_start3A_569] : memref<51200x32xf32, #tpu.memory_space<vmem_shared>> -> memref<51200x32xf32, #tpu.memory_space<vmem_shared>>
        tpu.enqueue_indirect_dma source(%arg11 : memref<128x32xf32, #tpu.memory_space<vmem>>) target(%dma_start3A_570 : memref<51200x32xf32, #tpu.memory_space<vmem_shared>>) offsets(%dma_start3A_567 : memref<128xi32, #tpu.memory_space<vmem>>) semaphore(%run_scoped3A_564 : memref<!tpu.dma_semaphore, #tpu.memory_space<semaphore_mem>>) {add = true}
        %dma_wait3A_571 = arith.constant 0 : i32
        %dma_wait3A_572 = tpu.memref_slice %arg9[%run_scoped3A_320, %dma_wait3A_571] : memref<14x128xi32, #tpu.memory_space<vmem>> -> memref<1x128xi32, #tpu.memory_space<vmem>>
        %dma_wait3A_573 = tpu.memref_squeeze %dma_wait3A_572 : memref<1x128xi32, #tpu.memory_space<vmem>> -> memref<128xi32, #tpu.memory_space<vmem>>
        %dma_wait3A_574 = arith.constant 0 : i32
        %dma_wait3A_575 = arith.constant 0 : i32
        %dma_wait3A_576 = tpu.memref_slice %arg15[%dma_wait3A_574, %dma_wait3A_575] : memref<51200x32xf32, #tpu.memory_space<vmem_shared>> -> memref<51200x32xf32, #tpu.memory_space<vmem_shared>>
        tpu.wait_indirect_dma semaphore(%run_scoped3A_564 : memref<!tpu.dma_semaphore, #tpu.memory_space<semaphore_mem>>) src(%arg11 : memref<128x32xf32, #tpu.memory_space<vmem>>) dst(%dma_wait3A_576 : memref<51200x32xf32, #tpu.memory_space<vmem_shared>>)
        tpu.yield
      }) : () -> ()
      %dma_start3A_321 = arith.constant 2 : i32
      %dma_start3A_322 = arith.constant 0 : i32
      %dma_start3A_323 = tpu.memref_slice %arg8[%dma_start3A_321, %dma_start3A_322] : memref<14x128xi32, #tpu.memory_space<vmem>> -> memref<1x128xi32, #tpu.memory_space<vmem>>
      %dma_start3A_324 = tpu.memref_squeeze %dma_start3A_323 : memref<1x128xi32, #tpu.memory_space<vmem>> -> memref<128xi32, #tpu.memory_space<vmem>>
      %dma_start3A_325 = arith.constant 0 : i32
      %dma_start3A_326 = arith.constant 0 : i32
      %dma_start3A_327 = tpu.memref_slice %arg2[%dma_start3A_325, %dma_start3A_326] : memref<102400x32xf32, #tpu.memory_space<hbm>> -> memref<102400x32xf32, #tpu.memory_space<hbm>>
      tpu.enqueue_indirect_dma source(%dma_start3A_327 : memref<102400x32xf32, #tpu.memory_space<hbm>>) target(%arg11 : memref<128x32xf32, #tpu.memory_space<vmem>>) offsets(%dma_start3A_324 : memref<128xi32, #tpu.memory_space<vmem>>) semaphore(%arg16 : memref<!tpu.dma_semaphore, #tpu.memory_space<semaphore_mem>>)
      %dma_wait3A_328 = arith.constant 13 : i32
      %dma_wait3A_329 = arith.constant 0 : i32
      %dma_wait3A_330 = tpu.memref_slice %arg7[%dma_wait3A_328, %dma_wait3A_329] : memref<14x128xi32, #tpu.memory_space<vmem>> -> memref<1x128xi32, #tpu.memory_space<vmem>>
      %dma_wait3A_331 = tpu.memref_squeeze %dma_wait3A_330 : memref<1x128xi32, #tpu.memory_space<vmem>> -> memref<128xi32, #tpu.memory_space<vmem>>
      %dma_wait3A_332 = arith.constant 0 : i32
      %dma_wait3A_333 = arith.constant 0 : i32
      %dma_wait3A_334 = tpu.memref_slice %arg2[%dma_wait3A_332, %dma_wait3A_333] : memref<102400x32xf32, #tpu.memory_space<hbm>> -> memref<102400x32xf32, #tpu.memory_space<hbm>>
      tpu.wait_indirect_dma semaphore(%arg17 : memref<!tpu.dma_semaphore, #tpu.memory_space<semaphore_mem>>) src(%dma_wait3A_334 : memref<102400x32xf32, #tpu.memory_space<hbm>>) dst(%arg12 : memref<128x32xf32, #tpu.memory_space<vmem>>)
      %run_scoped3A_335 = arith.constant 13 : i32
      "tpu.region"() ({
        %run_scoped3A_564 = tpu.sem_alloc : memref<!tpu.dma_semaphore, #tpu.memory_space<semaphore_mem>>
        %dma_start3A_565 = arith.constant 0 : i32
        %dma_start3A_566 = tpu.memref_slice %arg9[%run_scoped3A_335, %dma_start3A_565] : memref<14x128xi32, #tpu.memory_space<vmem>> -> memref<1x128xi32, #tpu.memory_space<vmem>>
        %dma_start3A_567 = tpu.memref_squeeze %dma_start3A_566 : memref<1x128xi32, #tpu.memory_space<vmem>> -> memref<128xi32, #tpu.memory_space<vmem>>
        %dma_start3A_568 = arith.constant 0 : i32
        %dma_start3A_569 = arith.constant 0 : i32
        %dma_start3A_570 = tpu.memref_slice %arg15[%dma_start3A_568, %dma_start3A_569] : memref<51200x32xf32, #tpu.memory_space<vmem_shared>> -> memref<51200x32xf32, #tpu.memory_space<vmem_shared>>
        tpu.enqueue_indirect_dma source(%arg12 : memref<128x32xf32, #tpu.memory_space<vmem>>) target(%dma_start3A_570 : memref<51200x32xf32, #tpu.memory_space<vmem_shared>>) offsets(%dma_start3A_567 : memref<128xi32, #tpu.memory_space<vmem>>) semaphore(%run_scoped3A_564 : memref<!tpu.dma_semaphore, #tpu.memory_space<semaphore_mem>>) {add = true}
        %dma_wait3A_571 = arith.constant 0 : i32
        %dma_wait3A_572 = tpu.memref_slice %arg9[%run_scoped3A_335, %dma_wait3A_571] : memref<14x128xi32, #tpu.memory_space<vmem>> -> memref<1x128xi32, #tpu.memory_space<vmem>>
        %dma_wait3A_573 = tpu.memref_squeeze %dma_wait3A_572 : memref<1x128xi32, #tpu.memory_space<vmem>> -> memref<128xi32, #tpu.memory_space<vmem>>
        %dma_wait3A_574 = arith.constant 0 : i32
        %dma_wait3A_575 = arith.constant 0 : i32
        %dma_wait3A_576 = tpu.memref_slice %arg15[%dma_wait3A_574, %dma_wait3A_575] : memref<51200x32xf32, #tpu.memory_space<vmem_shared>> -> memref<51200x32xf32, #tpu.memory_space<vmem_shared>>
        tpu.wait_indirect_dma semaphore(%run_scoped3A_564 : memref<!tpu.dma_semaphore, #tpu.memory_space<semaphore_mem>>) src(%arg12 : memref<128x32xf32, #tpu.memory_space<vmem>>) dst(%dma_wait3A_576 : memref<51200x32xf32, #tpu.memory_space<vmem_shared>>)
        tpu.yield
      }) : () -> ()
      %dma_start3A_336 = arith.constant 3 : i32
      %dma_start3A_337 = arith.constant 0 : i32
      %dma_start3A_338 = tpu.memref_slice %arg8[%dma_start3A_336, %dma_start3A_337] : memref<14x128xi32, #tpu.memory_space<vmem>> -> memref<1x128xi32, #tpu.memory_space<vmem>>
      %dma_start3A_339 = tpu.memref_squeeze %dma_start3A_338 : memref<1x128xi32, #tpu.memory_space<vmem>> -> memref<128xi32, #tpu.memory_space<vmem>>
      %dma_start3A_340 = arith.constant 0 : i32
      %dma_start3A_341 = arith.constant 0 : i32
      %dma_start3A_342 = tpu.memref_slice %arg2[%dma_start3A_340, %dma_start3A_341] : memref<102400x32xf32, #tpu.memory_space<hbm>> -> memref<102400x32xf32, #tpu.memory_space<hbm>>
      tpu.enqueue_indirect_dma source(%dma_start3A_342 : memref<102400x32xf32, #tpu.memory_space<hbm>>) target(%arg12 : memref<128x32xf32, #tpu.memory_space<vmem>>) offsets(%dma_start3A_339 : memref<128xi32, #tpu.memory_space<vmem>>) semaphore(%arg17 : memref<!tpu.dma_semaphore, #tpu.memory_space<semaphore_mem>>)
      %mul3A_343 = arith.constant 2 : i32
      %mul3A_344 = arith.muli %mul3A_343, %scan3A_73 : i32
      %add3A = arith.constant 2 : i32
      %add3A_345 = arith.addi %mul3A_344, %add3A : i32
      %mul3A_346 = arith.constant 14 : i32
      %mul3A_347 = arith.muli %add3A_345, %mul3A_346 : i32
      %dma_start3A_348 = arith.constant 0 : i32
      %dma_start3A_349 = tpu.memref_slice %arg3[%arg0, %arg1, %mul3A_347, %dma_start3A_348] : memref<2x16x424x128xi32, #tpu.memory_space<hbm>> -> memref<1x1x14x128xi32, #tpu.memory_space<hbm>>
      %dma_start3A_350 = tpu.memref_squeeze %dma_start3A_349 : memref<1x1x14x128xi32, #tpu.memory_space<hbm>> -> memref<14x128xi32, #tpu.memory_space<hbm>>
      %dma_start3A_351 = arith.constant 0 : i32
      %dma_start3A_352 = tpu.memref_slice %arg3[%arg0, %arg1, %mul3A_347, %dma_start3A_351] : memref<2x16x424x128xi32, #tpu.memory_space<hbm>> -> memref<1x1x14x128xi32, #tpu.memory_space<hbm>>
      %dma_start3A_353 = tpu.memref_squeeze %dma_start3A_352 : memref<1x1x14x128xi32, #tpu.memory_space<hbm>> -> memref<14x128xi32, #tpu.memory_space<hbm>>
      tpu.enqueue_dma source(%dma_start3A_353 : memref<14x128xi32, #tpu.memory_space<hbm>>) target(%arg7 : memref<14x128xi32, #tpu.memory_space<vmem>>) target_semaphore(%arg20 : memref<!tpu.dma_semaphore, #tpu.memory_space<semaphore_mem>>)
      %mul3A_354 = arith.constant 14 : i32
      %mul3A_355 = arith.muli %add3A_345, %mul3A_354 : i32
      %dma_start3A_356 = arith.constant 0 : i32
      %dma_start3A_357 = tpu.memref_slice %arg4[%arg1, %mul3A_355, %dma_start3A_356] : memref<16x424x128xi32, #tpu.memory_space<hbm>> -> memref<1x14x128xi32, #tpu.memory_space<hbm>>
      %dma_start3A_358 = tpu.memref_squeeze %dma_start3A_357 : memref<1x14x128xi32, #tpu.memory_space<hbm>> -> memref<14x128xi32, #tpu.memory_space<hbm>>
      %dma_start3A_359 = arith.constant 0 : i32
      %dma_start3A_360 = tpu.memref_slice %arg4[%arg1, %mul3A_355, %dma_start3A_359] : memref<16x424x128xi32, #tpu.memory_space<hbm>> -> memref<1x14x128xi32, #tpu.memory_space<hbm>>
      %dma_start3A_361 = tpu.memref_squeeze %dma_start3A_360 : memref<1x14x128xi32, #tpu.memory_space<hbm>> -> memref<14x128xi32, #tpu.memory_space<hbm>>
      tpu.enqueue_dma source(%dma_start3A_361 : memref<14x128xi32, #tpu.memory_space<hbm>>) target(%arg9 : memref<14x128xi32, #tpu.memory_space<vmem>>) target_semaphore(%arg20 : memref<!tpu.dma_semaphore, #tpu.memory_space<semaphore_mem>>)
      %dma_wait3A_362 = arith.constant 0 : i32
      %dma_wait3A_363 = arith.constant 0 : i32
      %dma_wait3A_364 = tpu.memref_slice %arg8[%dma_wait3A_362, %dma_wait3A_363] : memref<14x128xi32, #tpu.memory_space<vmem>> -> memref<1x128xi32, #tpu.memory_space<vmem>>
      %dma_wait3A_365 = tpu.memref_squeeze %dma_wait3A_364 : memref<1x128xi32, #tpu.memory_space<vmem>> -> memref<128xi32, #tpu.memory_space<vmem>>
      %dma_wait3A_366 = arith.constant 0 : i32
      %dma_wait3A_367 = arith.constant 0 : i32
      %dma_wait3A_368 = tpu.memref_slice %arg2[%dma_wait3A_366, %dma_wait3A_367] : memref<102400x32xf32, #tpu.memory_space<hbm>> -> memref<102400x32xf32, #tpu.memory_space<hbm>>
      tpu.wait_indirect_dma semaphore(%arg18 : memref<!tpu.dma_semaphore, #tpu.memory_space<semaphore_mem>>) src(%dma_wait3A_368 : memref<102400x32xf32, #tpu.memory_space<hbm>>) dst(%arg13 : memref<128x32xf32, #tpu.memory_space<vmem>>)
      %run_scoped3A_369 = arith.constant 0 : i32
      "tpu.region"() ({
        %run_scoped3A_564 = tpu.sem_alloc : memref<!tpu.dma_semaphore, #tpu.memory_space<semaphore_mem>>
        %dma_start3A_565 = arith.constant 0 : i32
        %dma_start3A_566 = tpu.memref_slice %arg10[%run_scoped3A_369, %dma_start3A_565] : memref<14x128xi32, #tpu.memory_space<vmem>> -> memref<1x128xi32, #tpu.memory_space<vmem>>
        %dma_start3A_567 = tpu.memref_squeeze %dma_start3A_566 : memref<1x128xi32, #tpu.memory_space<vmem>> -> memref<128xi32, #tpu.memory_space<vmem>>
        %dma_start3A_568 = arith.constant 0 : i32
        %dma_start3A_569 = arith.constant 0 : i32
        %dma_start3A_570 = tpu.memref_slice %arg15[%dma_start3A_568, %dma_start3A_569] : memref<51200x32xf32, #tpu.memory_space<vmem_shared>> -> memref<51200x32xf32, #tpu.memory_space<vmem_shared>>
        tpu.enqueue_indirect_dma source(%arg13 : memref<128x32xf32, #tpu.memory_space<vmem>>) target(%dma_start3A_570 : memref<51200x32xf32, #tpu.memory_space<vmem_shared>>) offsets(%dma_start3A_567 : memref<128xi32, #tpu.memory_space<vmem>>) semaphore(%run_scoped3A_564 : memref<!tpu.dma_semaphore, #tpu.memory_space<semaphore_mem>>) {add = true}
        %dma_wait3A_571 = arith.constant 0 : i32
        %dma_wait3A_572 = tpu.memref_slice %arg10[%run_scoped3A_369, %dma_wait3A_571] : memref<14x128xi32, #tpu.memory_space<vmem>> -> memref<1x128xi32, #tpu.memory_space<vmem>>
        %dma_wait3A_573 = tpu.memref_squeeze %dma_wait3A_572 : memref<1x128xi32, #tpu.memory_space<vmem>> -> memref<128xi32, #tpu.memory_space<vmem>>
        %dma_wait3A_574 = arith.constant 0 : i32
        %dma_wait3A_575 = arith.constant 0 : i32
        %dma_wait3A_576 = tpu.memref_slice %arg15[%dma_wait3A_574, %dma_wait3A_575] : memref<51200x32xf32, #tpu.memory_space<vmem_shared>> -> memref<51200x32xf32, #tpu.memory_space<vmem_shared>>
        tpu.wait_indirect_dma semaphore(%run_scoped3A_564 : memref<!tpu.dma_semaphore, #tpu.memory_space<semaphore_mem>>) src(%arg13 : memref<128x32xf32, #tpu.memory_space<vmem>>) dst(%dma_wait3A_576 : memref<51200x32xf32, #tpu.memory_space<vmem_shared>>)
        tpu.yield
      }) : () -> ()
      %dma_start3A_370 = arith.constant 4 : i32
      %dma_start3A_371 = arith.constant 0 : i32
      %dma_start3A_372 = tpu.memref_slice %arg8[%dma_start3A_370, %dma_start3A_371] : memref<14x128xi32, #tpu.memory_space<vmem>> -> memref<1x128xi32, #tpu.memory_space<vmem>>
      %dma_start3A_373 = tpu.memref_squeeze %dma_start3A_372 : memref<1x128xi32, #tpu.memory_space<vmem>> -> memref<128xi32, #tpu.memory_space<vmem>>
      %dma_start3A_374 = arith.constant 0 : i32
      %dma_start3A_375 = arith.constant 0 : i32
      %dma_start3A_376 = tpu.memref_slice %arg2[%dma_start3A_374, %dma_start3A_375] : memref<102400x32xf32, #tpu.memory_space<hbm>> -> memref<102400x32xf32, #tpu.memory_space<hbm>>
      tpu.enqueue_indirect_dma source(%dma_start3A_376 : memref<102400x32xf32, #tpu.memory_space<hbm>>) target(%arg13 : memref<128x32xf32, #tpu.memory_space<vmem>>) offsets(%dma_start3A_373 : memref<128xi32, #tpu.memory_space<vmem>>) semaphore(%arg18 : memref<!tpu.dma_semaphore, #tpu.memory_space<semaphore_mem>>)
      %dma_wait3A_377 = arith.constant 1 : i32
      %dma_wait3A_378 = arith.constant 0 : i32
      %dma_wait3A_379 = tpu.memref_slice %arg8[%dma_wait3A_377, %dma_wait3A_378] : memref<14x128xi32, #tpu.memory_space<vmem>> -> memref<1x128xi32, #tpu.memory_space<vmem>>
      %dma_wait3A_380 = tpu.memref_squeeze %dma_wait3A_379 : memref<1x128xi32, #tpu.memory_space<vmem>> -> memref<128xi32, #tpu.memory_space<vmem>>
      %dma_wait3A_381 = arith.constant 0 : i32
      %dma_wait3A_382 = arith.constant 0 : i32
      %dma_wait3A_383 = tpu.memref_slice %arg2[%dma_wait3A_381, %dma_wait3A_382] : memref<102400x32xf32, #tpu.memory_space<hbm>> -> memref<102400x32xf32, #tpu.memory_space<hbm>>
      tpu.wait_indirect_dma semaphore(%arg19 : memref<!tpu.dma_semaphore, #tpu.memory_space<semaphore_mem>>) src(%dma_wait3A_383 : memref<102400x32xf32, #tpu.memory_space<hbm>>) dst(%arg14 : memref<128x32xf32, #tpu.memory_space<vmem>>)
      %run_scoped3A_384 = arith.constant 1 : i32
      "tpu.region"() ({
        %run_scoped3A_564 = tpu.sem_alloc : memref<!tpu.dma_semaphore, #tpu.memory_space<semaphore_mem>>
        %dma_start3A_565 = arith.constant 0 : i32
        %dma_start3A_566 = tpu.memref_slice %arg10[%run_scoped3A_384, %dma_start3A_565] : memref<14x128xi32, #tpu.memory_space<vmem>> -> memref<1x128xi32, #tpu.memory_space<vmem>>
        %dma_start3A_567 = tpu.memref_squeeze %dma_start3A_566 : memref<1x128xi32, #tpu.memory_space<vmem>> -> memref<128xi32, #tpu.memory_space<vmem>>
        %dma_start3A_568 = arith.constant 0 : i32
        %dma_start3A_569 = arith.constant 0 : i32
        %dma_start3A_570 = tpu.memref_slice %arg15[%dma_start3A_568, %dma_start3A_569] : memref<51200x32xf32, #tpu.memory_space<vmem_shared>> -> memref<51200x32xf32, #tpu.memory_space<vmem_shared>>
        tpu.enqueue_indirect_dma source(%arg14 : memref<128x32xf32, #tpu.memory_space<vmem>>) target(%dma_start3A_570 : memref<51200x32xf32, #tpu.memory_space<vmem_shared>>) offsets(%dma_start3A_567 : memref<128xi32, #tpu.memory_space<vmem>>) semaphore(%run_scoped3A_564 : memref<!tpu.dma_semaphore, #tpu.memory_space<semaphore_mem>>) {add = true}
        %dma_wait3A_571 = arith.constant 0 : i32
        %dma_wait3A_572 = tpu.memref_slice %arg10[%run_scoped3A_384, %dma_wait3A_571] : memref<14x128xi32, #tpu.memory_space<vmem>> -> memref<1x128xi32, #tpu.memory_space<vmem>>
        %dma_wait3A_573 = tpu.memref_squeeze %dma_wait3A_572 : memref<1x128xi32, #tpu.memory_space<vmem>> -> memref<128xi32, #tpu.memory_space<vmem>>
        %dma_wait3A_574 = arith.constant 0 : i32
        %dma_wait3A_575 = arith.constant 0 : i32
        %dma_wait3A_576 = tpu.memref_slice %arg15[%dma_wait3A_574, %dma_wait3A_575] : memref<51200x32xf32, #tpu.memory_space<vmem_shared>> -> memref<51200x32xf32, #tpu.memory_space<vmem_shared>>
        tpu.wait_indirect_dma semaphore(%run_scoped3A_564 : memref<!tpu.dma_semaphore, #tpu.memory_space<semaphore_mem>>) src(%arg14 : memref<128x32xf32, #tpu.memory_space<vmem>>) dst(%dma_wait3A_576 : memref<51200x32xf32, #tpu.memory_space<vmem_shared>>)
        tpu.yield
      }) : () -> ()
      %dma_start3A_385 = arith.constant 5 : i32
      %dma_start3A_386 = arith.constant 0 : i32
      %dma_start3A_387 = tpu.memref_slice %arg8[%dma_start3A_385, %dma_start3A_386] : memref<14x128xi32, #tpu.memory_space<vmem>> -> memref<1x128xi32, #tpu.memory_space<vmem>>
      %dma_start3A_388 = tpu.memref_squeeze %dma_start3A_387 : memref<1x128xi32, #tpu.memory_space<vmem>> -> memref<128xi32, #tpu.memory_space<vmem>>
      %dma_start3A_389 = arith.constant 0 : i32
      %dma_start3A_390 = arith.constant 0 : i32
      %dma_start3A_391 = tpu.memref_slice %arg2[%dma_start3A_389, %dma_start3A_390] : memref<102400x32xf32, #tpu.memory_space<hbm>> -> memref<102400x32xf32, #tpu.memory_space<hbm>>
      tpu.enqueue_indirect_dma source(%dma_start3A_391 : memref<102400x32xf32, #tpu.memory_space<hbm>>) target(%arg14 : memref<128x32xf32, #tpu.memory_space<vmem>>) offsets(%dma_start3A_388 : memref<128xi32, #tpu.memory_space<vmem>>) semaphore(%arg19 : memref<!tpu.dma_semaphore, #tpu.memory_space<semaphore_mem>>)
      %dma_wait3A_392 = arith.constant 2 : i32
      %dma_wait3A_393 = arith.constant 0 : i32
      %dma_wait3A_394 = tpu.memref_slice %arg8[%dma_wait3A_392, %dma_wait3A_393] : memref<14x128xi32, #tpu.memory_space<vmem>> -> memref<1x128xi32, #tpu.memory_space<vmem>>
      %dma_wait3A_395 = tpu.memref_squeeze %dma_wait3A_394 : memref<1x128xi32, #tpu.memory_space<vmem>> -> memref<128xi32, #tpu.memory_space<vmem>>
      %dma_wait3A_396 = arith.constant 0 : i32
      %dma_wait3A_397 = arith.constant 0 : i32
      %dma_wait3A_398 = tpu.memref_slice %arg2[%dma_wait3A_396, %dma_wait3A_397] : memref<102400x32xf32, #tpu.memory_space<hbm>> -> memref<102400x32xf32, #tpu.memory_space<hbm>>
      tpu.wait_indirect_dma semaphore(%arg16 : memref<!tpu.dma_semaphore, #tpu.memory_space<semaphore_mem>>) src(%dma_wait3A_398 : memref<102400x32xf32, #tpu.memory_space<hbm>>) dst(%arg11 : memref<128x32xf32, #tpu.memory_space<vmem>>)
      %run_scoped3A_399 = arith.constant 2 : i32
      "tpu.region"() ({
        %run_scoped3A_564 = tpu.sem_alloc : memref<!tpu.dma_semaphore, #tpu.memory_space<semaphore_mem>>
        %dma_start3A_565 = arith.constant 0 : i32
        %dma_start3A_566 = tpu.memref_slice %arg10[%run_scoped3A_399, %dma_start3A_565] : memref<14x128xi32, #tpu.memory_space<vmem>> -> memref<1x128xi32, #tpu.memory_space<vmem>>
        %dma_start3A_567 = tpu.memref_squeeze %dma_start3A_566 : memref<1x128xi32, #tpu.memory_space<vmem>> -> memref<128xi32, #tpu.memory_space<vmem>>
        %dma_start3A_568 = arith.constant 0 : i32
        %dma_start3A_569 = arith.constant 0 : i32
        %dma_start3A_570 = tpu.memref_slice %arg15[%dma_start3A_568, %dma_start3A_569] : memref<51200x32xf32, #tpu.memory_space<vmem_shared>> -> memref<51200x32xf32, #tpu.memory_space<vmem_shared>>
        tpu.enqueue_indirect_dma source(%arg11 : memref<128x32xf32, #tpu.memory_space<vmem>>) target(%dma_start3A_570 : memref<51200x32xf32, #tpu.memory_space<vmem_shared>>) offsets(%dma_start3A_567 : memref<128xi32, #tpu.memory_space<vmem>>) semaphore(%run_scoped3A_564 : memref<!tpu.dma_semaphore, #tpu.memory_space<semaphore_mem>>) {add = true}
        %dma_wait3A_571 = arith.constant 0 : i32
        %dma_wait3A_572 = tpu.memref_slice %arg10[%run_scoped3A_399, %dma_wait3A_571] : memref<14x128xi32, #tpu.memory_space<vmem>> -> memref<1x128xi32, #tpu.memory_space<vmem>>
        %dma_wait3A_573 = tpu.memref_squeeze %dma_wait3A_572 : memref<1x128xi32, #tpu.memory_space<vmem>> -> memref<128xi32, #tpu.memory_space<vmem>>
        %dma_wait3A_574 = arith.constant 0 : i32
        %dma_wait3A_575 = arith.constant 0 : i32
        %dma_wait3A_576 = tpu.memref_slice %arg15[%dma_wait3A_574, %dma_wait3A_575] : memref<51200x32xf32, #tpu.memory_space<vmem_shared>> -> memref<51200x32xf32, #tpu.memory_space<vmem_shared>>
        tpu.wait_indirect_dma semaphore(%run_scoped3A_564 : memref<!tpu.dma_semaphore, #tpu.memory_space<semaphore_mem>>) src(%arg11 : memref<128x32xf32, #tpu.memory_space<vmem>>) dst(%dma_wait3A_576 : memref<51200x32xf32, #tpu.memory_space<vmem_shared>>)
        tpu.yield
      }) : () -> ()
      %dma_start3A_400 = arith.constant 6 : i32
      %dma_start3A_401 = arith.constant 0 : i32
      %dma_start3A_402 = tpu.memref_slice %arg8[%dma_start3A_400, %dma_start3A_401] : memref<14x128xi32, #tpu.memory_space<vmem>> -> memref<1x128xi32, #tpu.memory_space<vmem>>
      %dma_start3A_403 = tpu.memref_squeeze %dma_start3A_402 : memref<1x128xi32, #tpu.memory_space<vmem>> -> memref<128xi32, #tpu.memory_space<vmem>>
      %dma_start3A_404 = arith.constant 0 : i32
      %dma_start3A_405 = arith.constant 0 : i32
      %dma_start3A_406 = tpu.memref_slice %arg2[%dma_start3A_404, %dma_start3A_405] : memref<102400x32xf32, #tpu.memory_space<hbm>> -> memref<102400x32xf32, #tpu.memory_space<hbm>>
      tpu.enqueue_indirect_dma source(%dma_start3A_406 : memref<102400x32xf32, #tpu.memory_space<hbm>>) target(%arg11 : memref<128x32xf32, #tpu.memory_space<vmem>>) offsets(%dma_start3A_403 : memref<128xi32, #tpu.memory_space<vmem>>) semaphore(%arg16 : memref<!tpu.dma_semaphore, #tpu.memory_space<semaphore_mem>>)
      %dma_wait3A_407 = arith.constant 3 : i32
      %dma_wait3A_408 = arith.constant 0 : i32
      %dma_wait3A_409 = tpu.memref_slice %arg8[%dma_wait3A_407, %dma_wait3A_408] : memref<14x128xi32, #tpu.memory_space<vmem>> -> memref<1x128xi32, #tpu.memory_space<vmem>>
      %dma_wait3A_410 = tpu.memref_squeeze %dma_wait3A_409 : memref<1x128xi32, #tpu.memory_space<vmem>> -> memref<128xi32, #tpu.memory_space<vmem>>
      %dma_wait3A_411 = arith.constant 0 : i32
      %dma_wait3A_412 = arith.constant 0 : i32
      %dma_wait3A_413 = tpu.memref_slice %arg2[%dma_wait3A_411, %dma_wait3A_412] : memref<102400x32xf32, #tpu.memory_space<hbm>> -> memref<102400x32xf32, #tpu.memory_space<hbm>>
      tpu.wait_indirect_dma semaphore(%arg17 : memref<!tpu.dma_semaphore, #tpu.memory_space<semaphore_mem>>) src(%dma_wait3A_413 : memref<102400x32xf32, #tpu.memory_space<hbm>>) dst(%arg12 : memref<128x32xf32, #tpu.memory_space<vmem>>)
      %run_scoped3A_414 = arith.constant 3 : i32
      "tpu.region"() ({
        %run_scoped3A_564 = tpu.sem_alloc : memref<!tpu.dma_semaphore, #tpu.memory_space<semaphore_mem>>
        %dma_start3A_565 = arith.constant 0 : i32
        %dma_start3A_566 = tpu.memref_slice %arg10[%run_scoped3A_414, %dma_start3A_565] : memref<14x128xi32, #tpu.memory_space<vmem>> -> memref<1x128xi32, #tpu.memory_space<vmem>>
        %dma_start3A_567 = tpu.memref_squeeze %dma_start3A_566 : memref<1x128xi32, #tpu.memory_space<vmem>> -> memref<128xi32, #tpu.memory_space<vmem>>
        %dma_start3A_568 = arith.constant 0 : i32
        %dma_start3A_569 = arith.constant 0 : i32
        %dma_start3A_570 = tpu.memref_slice %arg15[%dma_start3A_568, %dma_start3A_569] : memref<51200x32xf32, #tpu.memory_space<vmem_shared>> -> memref<51200x32xf32, #tpu.memory_space<vmem_shared>>
        tpu.enqueue_indirect_dma source(%arg12 : memref<128x32xf32, #tpu.memory_space<vmem>>) target(%dma_start3A_570 : memref<51200x32xf32, #tpu.memory_space<vmem_shared>>) offsets(%dma_start3A_567 : memref<128xi32, #tpu.memory_space<vmem>>) semaphore(%run_scoped3A_564 : memref<!tpu.dma_semaphore, #tpu.memory_space<semaphore_mem>>) {add = true}
        %dma_wait3A_571 = arith.constant 0 : i32
        %dma_wait3A_572 = tpu.memref_slice %arg10[%run_scoped3A_414, %dma_wait3A_571] : memref<14x128xi32, #tpu.memory_space<vmem>> -> memref<1x128xi32, #tpu.memory_space<vmem>>
        %dma_wait3A_573 = tpu.memref_squeeze %dma_wait3A_572 : memref<1x128xi32, #tpu.memory_space<vmem>> -> memref<128xi32, #tpu.memory_space<vmem>>
        %dma_wait3A_574 = arith.constant 0 : i32
        %dma_wait3A_575 = arith.constant 0 : i32
        %dma_wait3A_576 = tpu.memref_slice %arg15[%dma_wait3A_574, %dma_wait3A_575] : memref<51200x32xf32, #tpu.memory_space<vmem_shared>> -> memref<51200x32xf32, #tpu.memory_space<vmem_shared>>
        tpu.wait_indirect_dma semaphore(%run_scoped3A_564 : memref<!tpu.dma_semaphore, #tpu.memory_space<semaphore_mem>>) src(%arg12 : memref<128x32xf32, #tpu.memory_space<vmem>>) dst(%dma_wait3A_576 : memref<51200x32xf32, #tpu.memory_space<vmem_shared>>)
        tpu.yield
      }) : () -> ()
      %dma_start3A_415 = arith.constant 7 : i32
      %dma_start3A_416 = arith.constant 0 : i32
      %dma_start3A_417 = tpu.memref_slice %arg8[%dma_start3A_415, %dma_start3A_416] : memref<14x128xi32, #tpu.memory_space<vmem>> -> memref<1x128xi32, #tpu.memory_space<vmem>>
      %dma_start3A_418 = tpu.memref_squeeze %dma_start3A_417 : memref<1x128xi32, #tpu.memory_space<vmem>> -> memref<128xi32, #tpu.memory_space<vmem>>
      %dma_start3A_419 = arith.constant 0 : i32
      %dma_start3A_420 = arith.constant 0 : i32
      %dma_start3A_421 = tpu.memref_slice %arg2[%dma_start3A_419, %dma_start3A_420] : memref<102400x32xf32, #tpu.memory_space<hbm>> -> memref<102400x32xf32, #tpu.memory_space<hbm>>
      tpu.enqueue_indirect_dma source(%dma_start3A_421 : memref<102400x32xf32, #tpu.memory_space<hbm>>) target(%arg12 : memref<128x32xf32, #tpu.memory_space<vmem>>) offsets(%dma_start3A_418 : memref<128xi32, #tpu.memory_space<vmem>>) semaphore(%arg17 : memref<!tpu.dma_semaphore, #tpu.memory_space<semaphore_mem>>)
      %dma_wait3A_422 = arith.constant 4 : i32
      %dma_wait3A_423 = arith.constant 0 : i32
      %dma_wait3A_424 = tpu.memref_slice %arg8[%dma_wait3A_422, %dma_wait3A_423] : memref<14x128xi32, #tpu.memory_space<vmem>> -> memref<1x128xi32, #tpu.memory_space<vmem>>
      %dma_wait3A_425 = tpu.memref_squeeze %dma_wait3A_424 : memref<1x128xi32, #tpu.memory_space<vmem>> -> memref<128xi32, #tpu.memory_space<vmem>>
      %dma_wait3A_426 = arith.constant 0 : i32
      %dma_wait3A_427 = arith.constant 0 : i32
      %dma_wait3A_428 = tpu.memref_slice %arg2[%dma_wait3A_426, %dma_wait3A_427] : memref<102400x32xf32, #tpu.memory_space<hbm>> -> memref<102400x32xf32, #tpu.memory_space<hbm>>
      tpu.wait_indirect_dma semaphore(%arg18 : memref<!tpu.dma_semaphore, #tpu.memory_space<semaphore_mem>>) src(%dma_wait3A_428 : memref<102400x32xf32, #tpu.memory_space<hbm>>) dst(%arg13 : memref<128x32xf32, #tpu.memory_space<vmem>>)
      %run_scoped3A_429 = arith.constant 4 : i32
      "tpu.region"() ({
        %run_scoped3A_564 = tpu.sem_alloc : memref<!tpu.dma_semaphore, #tpu.memory_space<semaphore_mem>>
        %dma_start3A_565 = arith.constant 0 : i32
        %dma_start3A_566 = tpu.memref_slice %arg10[%run_scoped3A_429, %dma_start3A_565] : memref<14x128xi32, #tpu.memory_space<vmem>> -> memref<1x128xi32, #tpu.memory_space<vmem>>
        %dma_start3A_567 = tpu.memref_squeeze %dma_start3A_566 : memref<1x128xi32, #tpu.memory_space<vmem>> -> memref<128xi32, #tpu.memory_space<vmem>>
        %dma_start3A_568 = arith.constant 0 : i32
        %dma_start3A_569 = arith.constant 0 : i32
        %dma_start3A_570 = tpu.memref_slice %arg15[%dma_start3A_568, %dma_start3A_569] : memref<51200x32xf32, #tpu.memory_space<vmem_shared>> -> memref<51200x32xf32, #tpu.memory_space<vmem_shared>>
        tpu.enqueue_indirect_dma source(%arg13 : memref<128x32xf32, #tpu.memory_space<vmem>>) target(%dma_start3A_570 : memref<51200x32xf32, #tpu.memory_space<vmem_shared>>) offsets(%dma_start3A_567 : memref<128xi32, #tpu.memory_space<vmem>>) semaphore(%run_scoped3A_564 : memref<!tpu.dma_semaphore, #tpu.memory_space<semaphore_mem>>) {add = true}
        %dma_wait3A_571 = arith.constant 0 : i32
        %dma_wait3A_572 = tpu.memref_slice %arg10[%run_scoped3A_429, %dma_wait3A_571] : memref<14x128xi32, #tpu.memory_space<vmem>> -> memref<1x128xi32, #tpu.memory_space<vmem>>
        %dma_wait3A_573 = tpu.memref_squeeze %dma_wait3A_572 : memref<1x128xi32, #tpu.memory_space<vmem>> -> memref<128xi32, #tpu.memory_space<vmem>>
        %dma_wait3A_574 = arith.constant 0 : i32
        %dma_wait3A_575 = arith.constant 0 : i32
        %dma_wait3A_576 = tpu.memref_slice %arg15[%dma_wait3A_574, %dma_wait3A_575] : memref<51200x32xf32, #tpu.memory_space<vmem_shared>> -> memref<51200x32xf32, #tpu.memory_space<vmem_shared>>
        tpu.wait_indirect_dma semaphore(%run_scoped3A_564 : memref<!tpu.dma_semaphore, #tpu.memory_space<semaphore_mem>>) src(%arg13 : memref<128x32xf32, #tpu.memory_space<vmem>>) dst(%dma_wait3A_576 : memref<51200x32xf32, #tpu.memory_space<vmem_shared>>)
        tpu.yield
      }) : () -> ()
      %dma_start3A_430 = arith.constant 8 : i32
      %dma_start3A_431 = arith.constant 0 : i32
      %dma_start3A_432 = tpu.memref_slice %arg8[%dma_start3A_430, %dma_start3A_431] : memref<14x128xi32, #tpu.memory_space<vmem>> -> memref<1x128xi32, #tpu.memory_space<vmem>>
      %dma_start3A_433 = tpu.memref_squeeze %dma_start3A_432 : memref<1x128xi32, #tpu.memory_space<vmem>> -> memref<128xi32, #tpu.memory_space<vmem>>
      %dma_start3A_434 = arith.constant 0 : i32
      %dma_start3A_435 = arith.constant 0 : i32
      %dma_start3A_436 = tpu.memref_slice %arg2[%dma_start3A_434, %dma_start3A_435] : memref<102400x32xf32, #tpu.memory_space<hbm>> -> memref<102400x32xf32, #tpu.memory_space<hbm>>
      tpu.enqueue_indirect_dma source(%dma_start3A_436 : memref<102400x32xf32, #tpu.memory_space<hbm>>) target(%arg13 : memref<128x32xf32, #tpu.memory_space<vmem>>) offsets(%dma_start3A_433 : memref<128xi32, #tpu.memory_space<vmem>>) semaphore(%arg18 : memref<!tpu.dma_semaphore, #tpu.memory_space<semaphore_mem>>)
      %dma_wait3A_437 = arith.constant 5 : i32
      %dma_wait3A_438 = arith.constant 0 : i32
      %dma_wait3A_439 = tpu.memref_slice %arg8[%dma_wait3A_437, %dma_wait3A_438] : memref<14x128xi32, #tpu.memory_space<vmem>> -> memref<1x128xi32, #tpu.memory_space<vmem>>
      %dma_wait3A_440 = tpu.memref_squeeze %dma_wait3A_439 : memref<1x128xi32, #tpu.memory_space<vmem>> -> memref<128xi32, #tpu.memory_space<vmem>>
      %dma_wait3A_441 = arith.constant 0 : i32
      %dma_wait3A_442 = arith.constant 0 : i32
      %dma_wait3A_443 = tpu.memref_slice %arg2[%dma_wait3A_441, %dma_wait3A_442] : memref<102400x32xf32, #tpu.memory_space<hbm>> -> memref<102400x32xf32, #tpu.memory_space<hbm>>
      tpu.wait_indirect_dma semaphore(%arg19 : memref<!tpu.dma_semaphore, #tpu.memory_space<semaphore_mem>>) src(%dma_wait3A_443 : memref<102400x32xf32, #tpu.memory_space<hbm>>) dst(%arg14 : memref<128x32xf32, #tpu.memory_space<vmem>>)
      %run_scoped3A_444 = arith.constant 5 : i32
      "tpu.region"() ({
        %run_scoped3A_564 = tpu.sem_alloc : memref<!tpu.dma_semaphore, #tpu.memory_space<semaphore_mem>>
        %dma_start3A_565 = arith.constant 0 : i32
        %dma_start3A_566 = tpu.memref_slice %arg10[%run_scoped3A_444, %dma_start3A_565] : memref<14x128xi32, #tpu.memory_space<vmem>> -> memref<1x128xi32, #tpu.memory_space<vmem>>
        %dma_start3A_567 = tpu.memref_squeeze %dma_start3A_566 : memref<1x128xi32, #tpu.memory_space<vmem>> -> memref<128xi32, #tpu.memory_space<vmem>>
        %dma_start3A_568 = arith.constant 0 : i32
        %dma_start3A_569 = arith.constant 0 : i32
        %dma_start3A_570 = tpu.memref_slice %arg15[%dma_start3A_568, %dma_start3A_569] : memref<51200x32xf32, #tpu.memory_space<vmem_shared>> -> memref<51200x32xf32, #tpu.memory_space<vmem_shared>>
        tpu.enqueue_indirect_dma source(%arg14 : memref<128x32xf32, #tpu.memory_space<vmem>>) target(%dma_start3A_570 : memref<51200x32xf32, #tpu.memory_space<vmem_shared>>) offsets(%dma_start3A_567 : memref<128xi32, #tpu.memory_space<vmem>>) semaphore(%run_scoped3A_564 : memref<!tpu.dma_semaphore, #tpu.memory_space<semaphore_mem>>) {add = true}
        %dma_wait3A_571 = arith.constant 0 : i32
        %dma_wait3A_572 = tpu.memref_slice %arg10[%run_scoped3A_444, %dma_wait3A_571] : memref<14x128xi32, #tpu.memory_space<vmem>> -> memref<1x128xi32, #tpu.memory_space<vmem>>
        %dma_wait3A_573 = tpu.memref_squeeze %dma_wait3A_572 : memref<1x128xi32, #tpu.memory_space<vmem>> -> memref<128xi32, #tpu.memory_space<vmem>>
        %dma_wait3A_574 = arith.constant 0 : i32
        %dma_wait3A_575 = arith.constant 0 : i32
        %dma_wait3A_576 = tpu.memref_slice %arg15[%dma_wait3A_574, %dma_wait3A_575] : memref<51200x32xf32, #tpu.memory_space<vmem_shared>> -> memref<51200x32xf32, #tpu.memory_space<vmem_shared>>
        tpu.wait_indirect_dma semaphore(%run_scoped3A_564 : memref<!tpu.dma_semaphore, #tpu.memory_space<semaphore_mem>>) src(%arg14 : memref<128x32xf32, #tpu.memory_space<vmem>>) dst(%dma_wait3A_576 : memref<51200x32xf32, #tpu.memory_space<vmem_shared>>)
        tpu.yield
      }) : () -> ()
      %dma_start3A_445 = arith.constant 9 : i32
      %dma_start3A_446 = arith.constant 0 : i32
      %dma_start3A_447 = tpu.memref_slice %arg8[%dma_start3A_445, %dma_start3A_446] : memref<14x128xi32, #tpu.memory_space<vmem>> -> memref<1x128xi32, #tpu.memory_space<vmem>>
      %dma_start3A_448 = tpu.memref_squeeze %dma_start3A_447 : memref<1x128xi32, #tpu.memory_space<vmem>> -> memref<128xi32, #tpu.memory_space<vmem>>
      %dma_start3A_449 = arith.constant 0 : i32
      %dma_start3A_450 = arith.constant 0 : i32
      %dma_start3A_451 = tpu.memref_slice %arg2[%dma_start3A_449, %dma_start3A_450] : memref<102400x32xf32, #tpu.memory_space<hbm>> -> memref<102400x32xf32, #tpu.memory_space<hbm>>
      tpu.enqueue_indirect_dma source(%dma_start3A_451 : memref<102400x32xf32, #tpu.memory_space<hbm>>) target(%arg14 : memref<128x32xf32, #tpu.memory_space<vmem>>) offsets(%dma_start3A_448 : memref<128xi32, #tpu.memory_space<vmem>>) semaphore(%arg19 : memref<!tpu.dma_semaphore, #tpu.memory_space<semaphore_mem>>)
      %dma_wait3A_452 = arith.constant 6 : i32
      %dma_wait3A_453 = arith.constant 0 : i32
      %dma_wait3A_454 = tpu.memref_slice %arg8[%dma_wait3A_452, %dma_wait3A_453] : memref<14x128xi32, #tpu.memory_space<vmem>> -> memref<1x128xi32, #tpu.memory_space<vmem>>
      %dma_wait3A_455 = tpu.memref_squeeze %dma_wait3A_454 : memref<1x128xi32, #tpu.memory_space<vmem>> -> memref<128xi32, #tpu.memory_space<vmem>>
      %dma_wait3A_456 = arith.constant 0 : i32
      %dma_wait3A_457 = arith.constant 0 : i32
      %dma_wait3A_458 = tpu.memref_slice %arg2[%dma_wait3A_456, %dma_wait3A_457] : memref<102400x32xf32, #tpu.memory_space<hbm>> -> memref<102400x32xf32, #tpu.memory_space<hbm>>
      tpu.wait_indirect_dma semaphore(%arg16 : memref<!tpu.dma_semaphore, #tpu.memory_space<semaphore_mem>>) src(%dma_wait3A_458 : memref<102400x32xf32, #tpu.memory_space<hbm>>) dst(%arg11 : memref<128x32xf32, #tpu.memory_space<vmem>>)
      %run_scoped3A_459 = arith.constant 6 : i32
      "tpu.region"() ({
        %run_scoped3A_564 = tpu.sem_alloc : memref<!tpu.dma_semaphore, #tpu.memory_space<semaphore_mem>>
        %dma_start3A_565 = arith.constant 0 : i32
        %dma_start3A_566 = tpu.memref_slice %arg10[%run_scoped3A_459, %dma_start3A_565] : memref<14x128xi32, #tpu.memory_space<vmem>> -> memref<1x128xi32, #tpu.memory_space<vmem>>
        %dma_start3A_567 = tpu.memref_squeeze %dma_start3A_566 : memref<1x128xi32, #tpu.memory_space<vmem>> -> memref<128xi32, #tpu.memory_space<vmem>>
        %dma_start3A_568 = arith.constant 0 : i32
        %dma_start3A_569 = arith.constant 0 : i32
        %dma_start3A_570 = tpu.memref_slice %arg15[%dma_start3A_568, %dma_start3A_569] : memref<51200x32xf32, #tpu.memory_space<vmem_shared>> -> memref<51200x32xf32, #tpu.memory_space<vmem_shared>>
        tpu.enqueue_indirect_dma source(%arg11 : memref<128x32xf32, #tpu.memory_space<vmem>>) target(%dma_start3A_570 : memref<51200x32xf32, #tpu.memory_space<vmem_shared>>) offsets(%dma_start3A_567 : memref<128xi32, #tpu.memory_space<vmem>>) semaphore(%run_scoped3A_564 : memref<!tpu.dma_semaphore, #tpu.memory_space<semaphore_mem>>) {add = true}
        %dma_wait3A_571 = arith.constant 0 : i32
        %dma_wait3A_572 = tpu.memref_slice %arg10[%run_scoped3A_459, %dma_wait3A_571] : memref<14x128xi32, #tpu.memory_space<vmem>> -> memref<1x128xi32, #tpu.memory_space<vmem>>
        %dma_wait3A_573 = tpu.memref_squeeze %dma_wait3A_572 : memref<1x128xi32, #tpu.memory_space<vmem>> -> memref<128xi32, #tpu.memory_space<vmem>>
        %dma_wait3A_574 = arith.constant 0 : i32
        %dma_wait3A_575 = arith.constant 0 : i32
        %dma_wait3A_576 = tpu.memref_slice %arg15[%dma_wait3A_574, %dma_wait3A_575] : memref<51200x32xf32, #tpu.memory_space<vmem_shared>> -> memref<51200x32xf32, #tpu.memory_space<vmem_shared>>
        tpu.wait_indirect_dma semaphore(%run_scoped3A_564 : memref<!tpu.dma_semaphore, #tpu.memory_space<semaphore_mem>>) src(%arg11 : memref<128x32xf32, #tpu.memory_space<vmem>>) dst(%dma_wait3A_576 : memref<51200x32xf32, #tpu.memory_space<vmem_shared>>)
        tpu.yield
      }) : () -> ()
      %dma_start3A_460 = arith.constant 10 : i32
      %dma_start3A_461 = arith.constant 0 : i32
      %dma_start3A_462 = tpu.memref_slice %arg8[%dma_start3A_460, %dma_start3A_461] : memref<14x128xi32, #tpu.memory_space<vmem>> -> memref<1x128xi32, #tpu.memory_space<vmem>>
      %dma_start3A_463 = tpu.memref_squeeze %dma_start3A_462 : memref<1x128xi32, #tpu.memory_space<vmem>> -> memref<128xi32, #tpu.memory_space<vmem>>
      %dma_start3A_464 = arith.constant 0 : i32
      %dma_start3A_465 = arith.constant 0 : i32
      %dma_start3A_466 = tpu.memref_slice %arg2[%dma_start3A_464, %dma_start3A_465] : memref<102400x32xf32, #tpu.memory_space<hbm>> -> memref<102400x32xf32, #tpu.memory_space<hbm>>
      tpu.enqueue_indirect_dma source(%dma_start3A_466 : memref<102400x32xf32, #tpu.memory_space<hbm>>) target(%arg11 : memref<128x32xf32, #tpu.memory_space<vmem>>) offsets(%dma_start3A_463 : memref<128xi32, #tpu.memory_space<vmem>>) semaphore(%arg16 : memref<!tpu.dma_semaphore, #tpu.memory_space<semaphore_mem>>)
      %dma_wait3A_467 = arith.constant 7 : i32
      %dma_wait3A_468 = arith.constant 0 : i32
      %dma_wait3A_469 = tpu.memref_slice %arg8[%dma_wait3A_467, %dma_wait3A_468] : memref<14x128xi32, #tpu.memory_space<vmem>> -> memref<1x128xi32, #tpu.memory_space<vmem>>
      %dma_wait3A_470 = tpu.memref_squeeze %dma_wait3A_469 : memref<1x128xi32, #tpu.memory_space<vmem>> -> memref<128xi32, #tpu.memory_space<vmem>>
      %dma_wait3A_471 = arith.constant 0 : i32
      %dma_wait3A_472 = arith.constant 0 : i32
      %dma_wait3A_473 = tpu.memref_slice %arg2[%dma_wait3A_471, %dma_wait3A_472] : memref<102400x32xf32, #tpu.memory_space<hbm>> -> memref<102400x32xf32, #tpu.memory_space<hbm>>
      tpu.wait_indirect_dma semaphore(%arg17 : memref<!tpu.dma_semaphore, #tpu.memory_space<semaphore_mem>>) src(%dma_wait3A_473 : memref<102400x32xf32, #tpu.memory_space<hbm>>) dst(%arg12 : memref<128x32xf32, #tpu.memory_space<vmem>>)
      %run_scoped3A_474 = arith.constant 7 : i32
      "tpu.region"() ({
        %run_scoped3A_564 = tpu.sem_alloc : memref<!tpu.dma_semaphore, #tpu.memory_space<semaphore_mem>>
        %dma_start3A_565 = arith.constant 0 : i32
        %dma_start3A_566 = tpu.memref_slice %arg10[%run_scoped3A_474, %dma_start3A_565] : memref<14x128xi32, #tpu.memory_space<vmem>> -> memref<1x128xi32, #tpu.memory_space<vmem>>
        %dma_start3A_567 = tpu.memref_squeeze %dma_start3A_566 : memref<1x128xi32, #tpu.memory_space<vmem>> -> memref<128xi32, #tpu.memory_space<vmem>>
        %dma_start3A_568 = arith.constant 0 : i32
        %dma_start3A_569 = arith.constant 0 : i32
        %dma_start3A_570 = tpu.memref_slice %arg15[%dma_start3A_568, %dma_start3A_569] : memref<51200x32xf32, #tpu.memory_space<vmem_shared>> -> memref<51200x32xf32, #tpu.memory_space<vmem_shared>>
        tpu.enqueue_indirect_dma source(%arg12 : memref<128x32xf32, #tpu.memory_space<vmem>>) target(%dma_start3A_570 : memref<51200x32xf32, #tpu.memory_space<vmem_shared>>) offsets(%dma_start3A_567 : memref<128xi32, #tpu.memory_space<vmem>>) semaphore(%run_scoped3A_564 : memref<!tpu.dma_semaphore, #tpu.memory_space<semaphore_mem>>) {add = true}
        %dma_wait3A_571 = arith.constant 0 : i32
        %dma_wait3A_572 = tpu.memref_slice %arg10[%run_scoped3A_474, %dma_wait3A_571] : memref<14x128xi32, #tpu.memory_space<vmem>> -> memref<1x128xi32, #tpu.memory_space<vmem>>
        %dma_wait3A_573 = tpu.memref_squeeze %dma_wait3A_572 : memref<1x128xi32, #tpu.memory_space<vmem>> -> memref<128xi32, #tpu.memory_space<vmem>>
        %dma_wait3A_574 = arith.constant 0 : i32
        %dma_wait3A_575 = arith.constant 0 : i32
        %dma_wait3A_576 = tpu.memref_slice %arg15[%dma_wait3A_574, %dma_wait3A_575] : memref<51200x32xf32, #tpu.memory_space<vmem_shared>> -> memref<51200x32xf32, #tpu.memory_space<vmem_shared>>
        tpu.wait_indirect_dma semaphore(%run_scoped3A_564 : memref<!tpu.dma_semaphore, #tpu.memory_space<semaphore_mem>>) src(%arg12 : memref<128x32xf32, #tpu.memory_space<vmem>>) dst(%dma_wait3A_576 : memref<51200x32xf32, #tpu.memory_space<vmem_shared>>)
        tpu.yield
      }) : () -> ()
      %dma_start3A_475 = arith.constant 11 : i32
      %dma_start3A_476 = arith.constant 0 : i32
      %dma_start3A_477 = tpu.memref_slice %arg8[%dma_start3A_475, %dma_start3A_476] : memref<14x128xi32, #tpu.memory_space<vmem>> -> memref<1x128xi32, #tpu.memory_space<vmem>>
      %dma_start3A_478 = tpu.memref_squeeze %dma_start3A_477 : memref<1x128xi32, #tpu.memory_space<vmem>> -> memref<128xi32, #tpu.memory_space<vmem>>
      %dma_start3A_479 = arith.constant 0 : i32
      %dma_start3A_480 = arith.constant 0 : i32
      %dma_start3A_481 = tpu.memref_slice %arg2[%dma_start3A_479, %dma_start3A_480] : memref<102400x32xf32, #tpu.memory_space<hbm>> -> memref<102400x32xf32, #tpu.memory_space<hbm>>
      tpu.enqueue_indirect_dma source(%dma_start3A_481 : memref<102400x32xf32, #tpu.memory_space<hbm>>) target(%arg12 : memref<128x32xf32, #tpu.memory_space<vmem>>) offsets(%dma_start3A_478 : memref<128xi32, #tpu.memory_space<vmem>>) semaphore(%arg17 : memref<!tpu.dma_semaphore, #tpu.memory_space<semaphore_mem>>)
      %dma_wait3A_482 = arith.constant 8 : i32
      %dma_wait3A_483 = arith.constant 0 : i32
      %dma_wait3A_484 = tpu.memref_slice %arg8[%dma_wait3A_482, %dma_wait3A_483] : memref<14x128xi32, #tpu.memory_space<vmem>> -> memref<1x128xi32, #tpu.memory_space<vmem>>
      %dma_wait3A_485 = tpu.memref_squeeze %dma_wait3A_484 : memref<1x128xi32, #tpu.memory_space<vmem>> -> memref<128xi32, #tpu.memory_space<vmem>>
      %dma_wait3A_486 = arith.constant 0 : i32
      %dma_wait3A_487 = arith.constant 0 : i32
      %dma_wait3A_488 = tpu.memref_slice %arg2[%dma_wait3A_486, %dma_wait3A_487] : memref<102400x32xf32, #tpu.memory_space<hbm>> -> memref<102400x32xf32, #tpu.memory_space<hbm>>
      tpu.wait_indirect_dma semaphore(%arg18 : memref<!tpu.dma_semaphore, #tpu.memory_space<semaphore_mem>>) src(%dma_wait3A_488 : memref<102400x32xf32, #tpu.memory_space<hbm>>) dst(%arg13 : memref<128x32xf32, #tpu.memory_space<vmem>>)
      %run_scoped3A_489 = arith.constant 8 : i32
      "tpu.region"() ({
        %run_scoped3A_564 = tpu.sem_alloc : memref<!tpu.dma_semaphore, #tpu.memory_space<semaphore_mem>>
        %dma_start3A_565 = arith.constant 0 : i32
        %dma_start3A_566 = tpu.memref_slice %arg10[%run_scoped3A_489, %dma_start3A_565] : memref<14x128xi32, #tpu.memory_space<vmem>> -> memref<1x128xi32, #tpu.memory_space<vmem>>
        %dma_start3A_567 = tpu.memref_squeeze %dma_start3A_566 : memref<1x128xi32, #tpu.memory_space<vmem>> -> memref<128xi32, #tpu.memory_space<vmem>>
        %dma_start3A_568 = arith.constant 0 : i32
        %dma_start3A_569 = arith.constant 0 : i32
        %dma_start3A_570 = tpu.memref_slice %arg15[%dma_start3A_568, %dma_start3A_569] : memref<51200x32xf32, #tpu.memory_space<vmem_shared>> -> memref<51200x32xf32, #tpu.memory_space<vmem_shared>>
        tpu.enqueue_indirect_dma source(%arg13 : memref<128x32xf32, #tpu.memory_space<vmem>>) target(%dma_start3A_570 : memref<51200x32xf32, #tpu.memory_space<vmem_shared>>) offsets(%dma_start3A_567 : memref<128xi32, #tpu.memory_space<vmem>>) semaphore(%run_scoped3A_564 : memref<!tpu.dma_semaphore, #tpu.memory_space<semaphore_mem>>) {add = true}
        %dma_wait3A_571 = arith.constant 0 : i32
        %dma_wait3A_572 = tpu.memref_slice %arg10[%run_scoped3A_489, %dma_wait3A_571] : memref<14x128xi32, #tpu.memory_space<vmem>> -> memref<1x128xi32, #tpu.memory_space<vmem>>
        %dma_wait3A_573 = tpu.memref_squeeze %dma_wait3A_572 : memref<1x128xi32, #tpu.memory_space<vmem>> -> memref<128xi32, #tpu.memory_space<vmem>>
        %dma_wait3A_574 = arith.constant 0 : i32
        %dma_wait3A_575 = arith.constant 0 : i32
        %dma_wait3A_576 = tpu.memref_slice %arg15[%dma_wait3A_574, %dma_wait3A_575] : memref<51200x32xf32, #tpu.memory_space<vmem_shared>> -> memref<51200x32xf32, #tpu.memory_space<vmem_shared>>
        tpu.wait_indirect_dma semaphore(%run_scoped3A_564 : memref<!tpu.dma_semaphore, #tpu.memory_space<semaphore_mem>>) src(%arg13 : memref<128x32xf32, #tpu.memory_space<vmem>>) dst(%dma_wait3A_576 : memref<51200x32xf32, #tpu.memory_space<vmem_shared>>)
        tpu.yield
      }) : () -> ()
      %dma_start3A_490 = arith.constant 12 : i32
      %dma_start3A_491 = arith.constant 0 : i32
      %dma_start3A_492 = tpu.memref_slice %arg8[%dma_start3A_490, %dma_start3A_491] : memref<14x128xi32, #tpu.memory_space<vmem>> -> memref<1x128xi32, #tpu.memory_space<vmem>>
      %dma_start3A_493 = tpu.memref_squeeze %dma_start3A_492 : memref<1x128xi32, #tpu.memory_space<vmem>> -> memref<128xi32, #tpu.memory_space<vmem>>
      %dma_start3A_494 = arith.constant 0 : i32
      %dma_start3A_495 = arith.constant 0 : i32
      %dma_start3A_496 = tpu.memref_slice %arg2[%dma_start3A_494, %dma_start3A_495] : memref<102400x32xf32, #tpu.memory_space<hbm>> -> memref<102400x32xf32, #tpu.memory_space<hbm>>
      tpu.enqueue_indirect_dma source(%dma_start3A_496 : memref<102400x32xf32, #tpu.memory_space<hbm>>) target(%arg13 : memref<128x32xf32, #tpu.memory_space<vmem>>) offsets(%dma_start3A_493 : memref<128xi32, #tpu.memory_space<vmem>>) semaphore(%arg18 : memref<!tpu.dma_semaphore, #tpu.memory_space<semaphore_mem>>)
      %dma_wait3A_497 = arith.constant 9 : i32
      %dma_wait3A_498 = arith.constant 0 : i32
      %dma_wait3A_499 = tpu.memref_slice %arg8[%dma_wait3A_497, %dma_wait3A_498] : memref<14x128xi32, #tpu.memory_space<vmem>> -> memref<1x128xi32, #tpu.memory_space<vmem>>
      %dma_wait3A_500 = tpu.memref_squeeze %dma_wait3A_499 : memref<1x128xi32, #tpu.memory_space<vmem>> -> memref<128xi32, #tpu.memory_space<vmem>>
      %dma_wait3A_501 = arith.constant 0 : i32
      %dma_wait3A_502 = arith.constant 0 : i32
      %dma_wait3A_503 = tpu.memref_slice %arg2[%dma_wait3A_501, %dma_wait3A_502] : memref<102400x32xf32, #tpu.memory_space<hbm>> -> memref<102400x32xf32, #tpu.memory_space<hbm>>
      tpu.wait_indirect_dma semaphore(%arg19 : memref<!tpu.dma_semaphore, #tpu.memory_space<semaphore_mem>>) src(%dma_wait3A_503 : memref<102400x32xf32, #tpu.memory_space<hbm>>) dst(%arg14 : memref<128x32xf32, #tpu.memory_space<vmem>>)
      %run_scoped3A_504 = arith.constant 9 : i32
      "tpu.region"() ({
        %run_scoped3A_564 = tpu.sem_alloc : memref<!tpu.dma_semaphore, #tpu.memory_space<semaphore_mem>>
        %dma_start3A_565 = arith.constant 0 : i32
        %dma_start3A_566 = tpu.memref_slice %arg10[%run_scoped3A_504, %dma_start3A_565] : memref<14x128xi32, #tpu.memory_space<vmem>> -> memref<1x128xi32, #tpu.memory_space<vmem>>
        %dma_start3A_567 = tpu.memref_squeeze %dma_start3A_566 : memref<1x128xi32, #tpu.memory_space<vmem>> -> memref<128xi32, #tpu.memory_space<vmem>>
        %dma_start3A_568 = arith.constant 0 : i32
        %dma_start3A_569 = arith.constant 0 : i32
        %dma_start3A_570 = tpu.memref_slice %arg15[%dma_start3A_568, %dma_start3A_569] : memref<51200x32xf32, #tpu.memory_space<vmem_shared>> -> memref<51200x32xf32, #tpu.memory_space<vmem_shared>>
        tpu.enqueue_indirect_dma source(%arg14 : memref<128x32xf32, #tpu.memory_space<vmem>>) target(%dma_start3A_570 : memref<51200x32xf32, #tpu.memory_space<vmem_shared>>) offsets(%dma_start3A_567 : memref<128xi32, #tpu.memory_space<vmem>>) semaphore(%run_scoped3A_564 : memref<!tpu.dma_semaphore, #tpu.memory_space<semaphore_mem>>) {add = true}
        %dma_wait3A_571 = arith.constant 0 : i32
        %dma_wait3A_572 = tpu.memref_slice %arg10[%run_scoped3A_504, %dma_wait3A_571] : memref<14x128xi32, #tpu.memory_space<vmem>> -> memref<1x128xi32, #tpu.memory_space<vmem>>
        %dma_wait3A_573 = tpu.memref_squeeze %dma_wait3A_572 : memref<1x128xi32, #tpu.memory_space<vmem>> -> memref<128xi32, #tpu.memory_space<vmem>>
        %dma_wait3A_574 = arith.constant 0 : i32
        %dma_wait3A_575 = arith.constant 0 : i32
        %dma_wait3A_576 = tpu.memref_slice %arg15[%dma_wait3A_574, %dma_wait3A_575] : memref<51200x32xf32, #tpu.memory_space<vmem_shared>> -> memref<51200x32xf32, #tpu.memory_space<vmem_shared>>
        tpu.wait_indirect_dma semaphore(%run_scoped3A_564 : memref<!tpu.dma_semaphore, #tpu.memory_space<semaphore_mem>>) src(%arg14 : memref<128x32xf32, #tpu.memory_space<vmem>>) dst(%dma_wait3A_576 : memref<51200x32xf32, #tpu.memory_space<vmem_shared>>)
        tpu.yield
      }) : () -> ()
      %dma_start3A_505 = arith.constant 13 : i32
      %dma_start3A_506 = arith.constant 0 : i32
      %dma_start3A_507 = tpu.memref_slice %arg8[%dma_start3A_505, %dma_start3A_506] : memref<14x128xi32, #tpu.memory_space<vmem>> -> memref<1x128xi32, #tpu.memory_space<vmem>>
      %dma_start3A_508 = tpu.memref_squeeze %dma_start3A_507 : memref<1x128xi32, #tpu.memory_space<vmem>> -> memref<128xi32, #tpu.memory_space<vmem>>
      %dma_start3A_509 = arith.constant 0 : i32
      %dma_start3A_510 = arith.constant 0 : i32
      %dma_start3A_511 = tpu.memref_slice %arg2[%dma_start3A_509, %dma_start3A_510] : memref<102400x32xf32, #tpu.memory_space<hbm>> -> memref<102400x32xf32, #tpu.memory_space<hbm>>
      tpu.enqueue_indirect_dma source(%dma_start3A_511 : memref<102400x32xf32, #tpu.memory_space<hbm>>) target(%arg14 : memref<128x32xf32, #tpu.memory_space<vmem>>) offsets(%dma_start3A_508 : memref<128xi32, #tpu.memory_space<vmem>>) semaphore(%arg19 : memref<!tpu.dma_semaphore, #tpu.memory_space<semaphore_mem>>)
      %dma_wait3A_512 = arith.constant 10 : i32
      %dma_wait3A_513 = arith.constant 0 : i32
      %dma_wait3A_514 = tpu.memref_slice %arg8[%dma_wait3A_512, %dma_wait3A_513] : memref<14x128xi32, #tpu.memory_space<vmem>> -> memref<1x128xi32, #tpu.memory_space<vmem>>
      %dma_wait3A_515 = tpu.memref_squeeze %dma_wait3A_514 : memref<1x128xi32, #tpu.memory_space<vmem>> -> memref<128xi32, #tpu.memory_space<vmem>>
      %dma_wait3A_516 = arith.constant 0 : i32
      %dma_wait3A_517 = arith.constant 0 : i32
      %dma_wait3A_518 = tpu.memref_slice %arg2[%dma_wait3A_516, %dma_wait3A_517] : memref<102400x32xf32, #tpu.memory_space<hbm>> -> memref<102400x32xf32, #tpu.memory_space<hbm>>
      tpu.wait_indirect_dma semaphore(%arg16 : memref<!tpu.dma_semaphore, #tpu.memory_space<semaphore_mem>>) src(%dma_wait3A_518 : memref<102400x32xf32, #tpu.memory_space<hbm>>) dst(%arg11 : memref<128x32xf32, #tpu.memory_space<vmem>>)
      %run_scoped3A_519 = arith.constant 10 : i32
      "tpu.region"() ({
        %run_scoped3A_564 = tpu.sem_alloc : memref<!tpu.dma_semaphore, #tpu.memory_space<semaphore_mem>>
        %dma_start3A_565 = arith.constant 0 : i32
        %dma_start3A_566 = tpu.memref_slice %arg10[%run_scoped3A_519, %dma_start3A_565] : memref<14x128xi32, #tpu.memory_space<vmem>> -> memref<1x128xi32, #tpu.memory_space<vmem>>
        %dma_start3A_567 = tpu.memref_squeeze %dma_start3A_566 : memref<1x128xi32, #tpu.memory_space<vmem>> -> memref<128xi32, #tpu.memory_space<vmem>>
        %dma_start3A_568 = arith.constant 0 : i32
        %dma_start3A_569 = arith.constant 0 : i32
        %dma_start3A_570 = tpu.memref_slice %arg15[%dma_start3A_568, %dma_start3A_569] : memref<51200x32xf32, #tpu.memory_space<vmem_shared>> -> memref<51200x32xf32, #tpu.memory_space<vmem_shared>>
        tpu.enqueue_indirect_dma source(%arg11 : memref<128x32xf32, #tpu.memory_space<vmem>>) target(%dma_start3A_570 : memref<51200x32xf32, #tpu.memory_space<vmem_shared>>) offsets(%dma_start3A_567 : memref<128xi32, #tpu.memory_space<vmem>>) semaphore(%run_scoped3A_564 : memref<!tpu.dma_semaphore, #tpu.memory_space<semaphore_mem>>) {add = true}
        %dma_wait3A_571 = arith.constant 0 : i32
        %dma_wait3A_572 = tpu.memref_slice %arg10[%run_scoped3A_519, %dma_wait3A_571] : memref<14x128xi32, #tpu.memory_space<vmem>> -> memref<1x128xi32, #tpu.memory_space<vmem>>
        %dma_wait3A_573 = tpu.memref_squeeze %dma_wait3A_572 : memref<1x128xi32, #tpu.memory_space<vmem>> -> memref<128xi32, #tpu.memory_space<vmem>>
        %dma_wait3A_574 = arith.constant 0 : i32
        %dma_wait3A_575 = arith.constant 0 : i32
        %dma_wait3A_576 = tpu.memref_slice %arg15[%dma_wait3A_574, %dma_wait3A_575] : memref<51200x32xf32, #tpu.memory_space<vmem_shared>> -> memref<51200x32xf32, #tpu.memory_space<vmem_shared>>
        tpu.wait_indirect_dma semaphore(%run_scoped3A_564 : memref<!tpu.dma_semaphore, #tpu.memory_space<semaphore_mem>>) src(%arg11 : memref<128x32xf32, #tpu.memory_space<vmem>>) dst(%dma_wait3A_576 : memref<51200x32xf32, #tpu.memory_space<vmem_shared>>)
        tpu.yield
      }) : () -> ()
      %dma_wait3A_520 = arith.constant 11 : i32
      %dma_wait3A_521 = arith.constant 0 : i32
      %dma_wait3A_522 = tpu.memref_slice %arg8[%dma_wait3A_520, %dma_wait3A_521] : memref<14x128xi32, #tpu.memory_space<vmem>> -> memref<1x128xi32, #tpu.memory_space<vmem>>
      %dma_wait3A_523 = tpu.memref_squeeze %dma_wait3A_522 : memref<1x128xi32, #tpu.memory_space<vmem>> -> memref<128xi32, #tpu.memory_space<vmem>>
      %dma_wait3A_524 = arith.constant 0 : i32
      %dma_wait3A_525 = arith.constant 0 : i32
      %dma_wait3A_526 = tpu.memref_slice %arg2[%dma_wait3A_524, %dma_wait3A_525] : memref<102400x32xf32, #tpu.memory_space<hbm>> -> memref<102400x32xf32, #tpu.memory_space<hbm>>
      tpu.wait_indirect_dma semaphore(%arg17 : memref<!tpu.dma_semaphore, #tpu.memory_space<semaphore_mem>>) src(%dma_wait3A_526 : memref<102400x32xf32, #tpu.memory_space<hbm>>) dst(%arg12 : memref<128x32xf32, #tpu.memory_space<vmem>>)
      %run_scoped3A_527 = arith.constant 11 : i32
      "tpu.region"() ({
        %run_scoped3A_564 = tpu.sem_alloc : memref<!tpu.dma_semaphore, #tpu.memory_space<semaphore_mem>>
        %dma_start3A_565 = arith.constant 0 : i32
        %dma_start3A_566 = tpu.memref_slice %arg10[%run_scoped3A_527, %dma_start3A_565] : memref<14x128xi32, #tpu.memory_space<vmem>> -> memref<1x128xi32, #tpu.memory_space<vmem>>
        %dma_start3A_567 = tpu.memref_squeeze %dma_start3A_566 : memref<1x128xi32, #tpu.memory_space<vmem>> -> memref<128xi32, #tpu.memory_space<vmem>>
        %dma_start3A_568 = arith.constant 0 : i32
        %dma_start3A_569 = arith.constant 0 : i32
        %dma_start3A_570 = tpu.memref_slice %arg15[%dma_start3A_568, %dma_start3A_569] : memref<51200x32xf32, #tpu.memory_space<vmem_shared>> -> memref<51200x32xf32, #tpu.memory_space<vmem_shared>>
        tpu.enqueue_indirect_dma source(%arg12 : memref<128x32xf32, #tpu.memory_space<vmem>>) target(%dma_start3A_570 : memref<51200x32xf32, #tpu.memory_space<vmem_shared>>) offsets(%dma_start3A_567 : memref<128xi32, #tpu.memory_space<vmem>>) semaphore(%run_scoped3A_564 : memref<!tpu.dma_semaphore, #tpu.memory_space<semaphore_mem>>) {add = true}
        %dma_wait3A_571 = arith.constant 0 : i32
        %dma_wait3A_572 = tpu.memref_slice %arg10[%run_scoped3A_527, %dma_wait3A_571] : memref<14x128xi32, #tpu.memory_space<vmem>> -> memref<1x128xi32, #tpu.memory_space<vmem>>
        %dma_wait3A_573 = tpu.memref_squeeze %dma_wait3A_572 : memref<1x128xi32, #tpu.memory_space<vmem>> -> memref<128xi32, #tpu.memory_space<vmem>>
        %dma_wait3A_574 = arith.constant 0 : i32
        %dma_wait3A_575 = arith.constant 0 : i32
        %dma_wait3A_576 = tpu.memref_slice %arg15[%dma_wait3A_574, %dma_wait3A_575] : memref<51200x32xf32, #tpu.memory_space<vmem_shared>> -> memref<51200x32xf32, #tpu.memory_space<vmem_shared>>
        tpu.wait_indirect_dma semaphore(%run_scoped3A_564 : memref<!tpu.dma_semaphore, #tpu.memory_space<semaphore_mem>>) src(%arg12 : memref<128x32xf32, #tpu.memory_space<vmem>>) dst(%dma_wait3A_576 : memref<51200x32xf32, #tpu.memory_space<vmem_shared>>)
        tpu.yield
      }) : () -> ()
      %dma_wait3A_528 = arith.constant 12 : i32
      %dma_wait3A_529 = arith.constant 0 : i32
      %dma_wait3A_530 = tpu.memref_slice %arg8[%dma_wait3A_528, %dma_wait3A_529] : memref<14x128xi32, #tpu.memory_space<vmem>> -> memref<1x128xi32, #tpu.memory_space<vmem>>
      %dma_wait3A_531 = tpu.memref_squeeze %dma_wait3A_530 : memref<1x128xi32, #tpu.memory_space<vmem>> -> memref<128xi32, #tpu.memory_space<vmem>>
      %dma_wait3A_532 = arith.constant 0 : i32
      %dma_wait3A_533 = arith.constant 0 : i32
      %dma_wait3A_534 = tpu.memref_slice %arg2[%dma_wait3A_532, %dma_wait3A_533] : memref<102400x32xf32, #tpu.memory_space<hbm>> -> memref<102400x32xf32, #tpu.memory_space<hbm>>
      tpu.wait_indirect_dma semaphore(%arg18 : memref<!tpu.dma_semaphore, #tpu.memory_space<semaphore_mem>>) src(%dma_wait3A_534 : memref<102400x32xf32, #tpu.memory_space<hbm>>) dst(%arg13 : memref<128x32xf32, #tpu.memory_space<vmem>>)
      %run_scoped3A_535 = arith.constant 12 : i32
      "tpu.region"() ({
        %run_scoped3A_564 = tpu.sem_alloc : memref<!tpu.dma_semaphore, #tpu.memory_space<semaphore_mem>>
        %dma_start3A_565 = arith.constant 0 : i32
        %dma_start3A_566 = tpu.memref_slice %arg10[%run_scoped3A_535, %dma_start3A_565] : memref<14x128xi32, #tpu.memory_space<vmem>> -> memref<1x128xi32, #tpu.memory_space<vmem>>
        %dma_start3A_567 = tpu.memref_squeeze %dma_start3A_566 : memref<1x128xi32, #tpu.memory_space<vmem>> -> memref<128xi32, #tpu.memory_space<vmem>>
        %dma_start3A_568 = arith.constant 0 : i32
        %dma_start3A_569 = arith.constant 0 : i32
        %dma_start3A_570 = tpu.memref_slice %arg15[%dma_start3A_568, %dma_start3A_569] : memref<51200x32xf32, #tpu.memory_space<vmem_shared>> -> memref<51200x32xf32, #tpu.memory_space<vmem_shared>>
        tpu.enqueue_indirect_dma source(%arg13 : memref<128x32xf32, #tpu.memory_space<vmem>>) target(%dma_start3A_570 : memref<51200x32xf32, #tpu.memory_space<vmem_shared>>) offsets(%dma_start3A_567 : memref<128xi32, #tpu.memory_space<vmem>>) semaphore(%run_scoped3A_564 : memref<!tpu.dma_semaphore, #tpu.memory_space<semaphore_mem>>) {add = true}
        %dma_wait3A_571 = arith.constant 0 : i32
        %dma_wait3A_572 = tpu.memref_slice %arg10[%run_scoped3A_535, %dma_wait3A_571] : memref<14x128xi32, #tpu.memory_space<vmem>> -> memref<1x128xi32, #tpu.memory_space<vmem>>
        %dma_wait3A_573 = tpu.memref_squeeze %dma_wait3A_572 : memref<1x128xi32, #tpu.memory_space<vmem>> -> memref<128xi32, #tpu.memory_space<vmem>>
        %dma_wait3A_574 = arith.constant 0 : i32
        %dma_wait3A_575 = arith.constant 0 : i32
        %dma_wait3A_576 = tpu.memref_slice %arg15[%dma_wait3A_574, %dma_wait3A_575] : memref<51200x32xf32, #tpu.memory_space<vmem_shared>> -> memref<51200x32xf32, #tpu.memory_space<vmem_shared>>
        tpu.wait_indirect_dma semaphore(%run_scoped3A_564 : memref<!tpu.dma_semaphore, #tpu.memory_space<semaphore_mem>>) src(%arg13 : memref<128x32xf32, #tpu.memory_space<vmem>>) dst(%dma_wait3A_576 : memref<51200x32xf32, #tpu.memory_space<vmem_shared>>)
        tpu.yield
      }) : () -> ()
      %dma_wait3A_536 = arith.constant 13 : i32
      %dma_wait3A_537 = arith.constant 0 : i32
      %dma_wait3A_538 = tpu.memref_slice %arg8[%dma_wait3A_536, %dma_wait3A_537] : memref<14x128xi32, #tpu.memory_space<vmem>> -> memref<1x128xi32, #tpu.memory_space<vmem>>
      %dma_wait3A_539 = tpu.memref_squeeze %dma_wait3A_538 : memref<1x128xi32, #tpu.memory_space<vmem>> -> memref<128xi32, #tpu.memory_space<vmem>>
      %dma_wait3A_540 = arith.constant 0 : i32
      %dma_wait3A_541 = arith.constant 0 : i32
      %dma_wait3A_542 = tpu.memref_slice %arg2[%dma_wait3A_540, %dma_wait3A_541] : memref<102400x32xf32, #tpu.memory_space<hbm>> -> memref<102400x32xf32, #tpu.memory_space<hbm>>
      tpu.wait_indirect_dma semaphore(%arg19 : memref<!tpu.dma_semaphore, #tpu.memory_space<semaphore_mem>>) src(%dma_wait3A_542 : memref<102400x32xf32, #tpu.memory_space<hbm>>) dst(%arg14 : memref<128x32xf32, #tpu.memory_space<vmem>>)
      %run_scoped3A_543 = arith.constant 13 : i32
      "tpu.region"() ({
        %run_scoped3A_564 = tpu.sem_alloc : memref<!tpu.dma_semaphore, #tpu.memory_space<semaphore_mem>>
        %dma_start3A_565 = arith.constant 0 : i32
        %dma_start3A_566 = tpu.memref_slice %arg10[%run_scoped3A_543, %dma_start3A_565] : memref<14x128xi32, #tpu.memory_space<vmem>> -> memref<1x128xi32, #tpu.memory_space<vmem>>
        %dma_start3A_567 = tpu.memref_squeeze %dma_start3A_566 : memref<1x128xi32, #tpu.memory_space<vmem>> -> memref<128xi32, #tpu.memory_space<vmem>>
        %dma_start3A_568 = arith.constant 0 : i32
        %dma_start3A_569 = arith.constant 0 : i32
        %dma_start3A_570 = tpu.memref_slice %arg15[%dma_start3A_568, %dma_start3A_569] : memref<51200x32xf32, #tpu.memory_space<vmem_shared>> -> memref<51200x32xf32, #tpu.memory_space<vmem_shared>>
        tpu.enqueue_indirect_dma source(%arg14 : memref<128x32xf32, #tpu.memory_space<vmem>>) target(%dma_start3A_570 : memref<51200x32xf32, #tpu.memory_space<vmem_shared>>) offsets(%dma_start3A_567 : memref<128xi32, #tpu.memory_space<vmem>>) semaphore(%run_scoped3A_564 : memref<!tpu.dma_semaphore, #tpu.memory_space<semaphore_mem>>) {add = true}
        %dma_wait3A_571 = arith.constant 0 : i32
        %dma_wait3A_572 = tpu.memref_slice %arg10[%run_scoped3A_543, %dma_wait3A_571] : memref<14x128xi32, #tpu.memory_space<vmem>> -> memref<1x128xi32, #tpu.memory_space<vmem>>
        %dma_wait3A_573 = tpu.memref_squeeze %dma_wait3A_572 : memref<1x128xi32, #tpu.memory_space<vmem>> -> memref<128xi32, #tpu.memory_space<vmem>>
        %dma_wait3A_574 = arith.constant 0 : i32
        %dma_wait3A_575 = arith.constant 0 : i32
        %dma_wait3A_576 = tpu.memref_slice %arg15[%dma_wait3A_574, %dma_wait3A_575] : memref<51200x32xf32, #tpu.memory_space<vmem_shared>> -> memref<51200x32xf32, #tpu.memory_space<vmem_shared>>
        tpu.wait_indirect_dma semaphore(%run_scoped3A_564 : memref<!tpu.dma_semaphore, #tpu.memory_space<semaphore_mem>>) src(%arg14 : memref<128x32xf32, #tpu.memory_space<vmem>>) dst(%dma_wait3A_576 : memref<51200x32xf32, #tpu.memory_space<vmem_shared>>)
        tpu.yield
      }) : () -> ()
      %mul3A_544 = arith.constant 2 : i32
      %mul3A_545 = arith.muli %mul3A_544, %scan3A_73 : i32
      %add3A_546 = arith.constant 3 : i32
      %add3A_547 = arith.addi %mul3A_545, %add3A_546 : i32
      %mul3A_548 = arith.constant 14 : i32
      %mul3A_549 = arith.muli %add3A_547, %mul3A_548 : i32
      %dma_start3A_550 = arith.constant 0 : i32
      %dma_start3A_551 = tpu.memref_slice %arg3[%arg0, %arg1, %mul3A_549, %dma_start3A_550] : memref<2x16x424x128xi32, #tpu.memory_space<hbm>> -> memref<1x1x14x128xi32, #tpu.memory_space<hbm>>
      %dma_start3A_552 = tpu.memref_squeeze %dma_start3A_551 : memref<1x1x14x128xi32, #tpu.memory_space<hbm>> -> memref<14x128xi32, #tpu.memory_space<hbm>>
      %dma_start3A_553 = arith.constant 0 : i32
      %dma_start3A_554 = tpu.memref_slice %arg3[%arg0, %arg1, %mul3A_549, %dma_start3A_553] : memref<2x16x424x128xi32, #tpu.memory_space<hbm>> -> memref<1x1x14x128xi32, #tpu.memory_space<hbm>>
      %dma_start3A_555 = tpu.memref_squeeze %dma_start3A_554 : memref<1x1x14x128xi32, #tpu.memory_space<hbm>> -> memref<14x128xi32, #tpu.memory_space<hbm>>
      tpu.enqueue_dma source(%dma_start3A_555 : memref<14x128xi32, #tpu.memory_space<hbm>>) target(%arg8 : memref<14x128xi32, #tpu.memory_space<vmem>>) target_semaphore(%arg21 : memref<!tpu.dma_semaphore, #tpu.memory_space<semaphore_mem>>)
      %mul3A_556 = arith.constant 14 : i32
      %mul3A_557 = arith.muli %add3A_547, %mul3A_556 : i32
      %dma_start3A_558 = arith.constant 0 : i32
      %dma_start3A_559 = tpu.memref_slice %arg4[%arg1, %mul3A_557, %dma_start3A_558] : memref<16x424x128xi32, #tpu.memory_space<hbm>> -> memref<1x14x128xi32, #tpu.memory_space<hbm>>
      %dma_start3A_560 = tpu.memref_squeeze %dma_start3A_559 : memref<1x14x128xi32, #tpu.memory_space<hbm>> -> memref<14x128xi32, #tpu.memory_space<hbm>>
      %dma_start3A_561 = arith.constant 0 : i32
      %dma_start3A_562 = tpu.memref_slice %arg4[%arg1, %mul3A_557, %dma_start3A_561] : memref<16x424x128xi32, #tpu.memory_space<hbm>> -> memref<1x14x128xi32, #tpu.memory_space<hbm>>
      %dma_start3A_563 = tpu.memref_squeeze %dma_start3A_562 : memref<1x14x128xi32, #tpu.memory_space<hbm>> -> memref<14x128xi32, #tpu.memory_space<hbm>>
      tpu.enqueue_dma source(%dma_start3A_563 : memref<14x128xi32, #tpu.memory_space<hbm>>) target(%arg10 : memref<14x128xi32, #tpu.memory_space<vmem>>) target_semaphore(%arg21 : memref<!tpu.dma_semaphore, #tpu.memory_space<semaphore_mem>>)
    }
    %scan3A_36 = arith.constant 14 : i32
    %dma_wait3A = arith.constant 0 : i32
    %dma_wait3A_37 = arith.constant 0 : i32
    %dma_wait3A_38 = tpu.memref_slice %arg3[%arg0, %arg1, %dma_wait3A, %dma_wait3A_37] : memref<2x16x424x128xi32, #tpu.memory_space<hbm>> -> memref<1x1x14x128xi32, #tpu.memory_space<hbm>>
    %dma_wait3A_39 = tpu.memref_squeeze %dma_wait3A_38 : memref<1x1x14x128xi32, #tpu.memory_space<hbm>> -> memref<14x128xi32, #tpu.memory_space<hbm>>
    %dma_wait3A_40 = arith.constant 0 : i32
    %dma_wait3A_41 = arith.constant 0 : i32
    %dma_wait3A_42 = tpu.memref_slice %arg3[%arg0, %arg1, %dma_wait3A_40, %dma_wait3A_41] : memref<2x16x424x128xi32, #tpu.memory_space<hbm>> -> memref<1x1x14x128xi32, #tpu.memory_space<hbm>>
    %dma_wait3A_43 = tpu.memref_squeeze %dma_wait3A_42 : memref<1x1x14x128xi32, #tpu.memory_space<hbm>> -> memref<14x128xi32, #tpu.memory_space<hbm>>
    tpu.wait_dma2 semaphore(%arg20 : memref<!tpu.dma_semaphore, #tpu.memory_space<semaphore_mem>>) src(%dma_wait3A_43 : memref<14x128xi32, #tpu.memory_space<hbm>>) dst(%arg7 : memref<14x128xi32, #tpu.memory_space<vmem>>)
    %dma_wait3A_44 = arith.constant 0 : i32
    %dma_wait3A_45 = arith.constant 0 : i32
    %dma_wait3A_46 = tpu.memref_slice %arg4[%arg1, %dma_wait3A_44, %dma_wait3A_45] : memref<16x424x128xi32, #tpu.memory_space<hbm>> -> memref<1x14x128xi32, #tpu.memory_space<hbm>>
    %dma_wait3A_47 = tpu.memref_squeeze %dma_wait3A_46 : memref<1x14x128xi32, #tpu.memory_space<hbm>> -> memref<14x128xi32, #tpu.memory_space<hbm>>
    %dma_wait3A_48 = arith.constant 0 : i32
    %dma_wait3A_49 = arith.constant 0 : i32
    %dma_wait3A_50 = tpu.memref_slice %arg4[%arg1, %dma_wait3A_48, %dma_wait3A_49] : memref<16x424x128xi32, #tpu.memory_space<hbm>> -> memref<1x14x128xi32, #tpu.memory_space<hbm>>
    %dma_wait3A_51 = tpu.memref_squeeze %dma_wait3A_50 : memref<1x14x128xi32, #tpu.memory_space<hbm>> -> memref<14x128xi32, #tpu.memory_space<hbm>>
    tpu.wait_dma2 semaphore(%arg20 : memref<!tpu.dma_semaphore, #tpu.memory_space<semaphore_mem>>) src(%dma_wait3A_51 : memref<14x128xi32, #tpu.memory_space<hbm>>) dst(%arg9 : memref<14x128xi32, #tpu.memory_space<vmem>>)
    %dma_wait3A_52 = arith.constant 0 : i32
    %dma_wait3A_53 = arith.constant 0 : i32
    %dma_wait3A_54 = tpu.memref_slice %arg3[%arg0, %arg1, %dma_wait3A_52, %dma_wait3A_53] : memref<2x16x424x128xi32, #tpu.memory_space<hbm>> -> memref<1x1x14x128xi32, #tpu.memory_space<hbm>>
    %dma_wait3A_55 = tpu.memref_squeeze %dma_wait3A_54 : memref<1x1x14x128xi32, #tpu.memory_space<hbm>> -> memref<14x128xi32, #tpu.memory_space<hbm>>
    %dma_wait3A_56 = arith.constant 0 : i32
    %dma_wait3A_57 = arith.constant 0 : i32
    %dma_wait3A_58 = tpu.memref_slice %arg3[%arg0, %arg1, %dma_wait3A_56, %dma_wait3A_57] : memref<2x16x424x128xi32, #tpu.memory_space<hbm>> -> memref<1x1x14x128xi32, #tpu.memory_space<hbm>>
    %dma_wait3A_59 = tpu.memref_squeeze %dma_wait3A_58 : memref<1x1x14x128xi32, #tpu.memory_space<hbm>> -> memref<14x128xi32, #tpu.memory_space<hbm>>
    tpu.wait_dma2 semaphore(%arg21 : memref<!tpu.dma_semaphore, #tpu.memory_space<semaphore_mem>>) src(%dma_wait3A_59 : memref<14x128xi32, #tpu.memory_space<hbm>>) dst(%arg8 : memref<14x128xi32, #tpu.memory_space<vmem>>)
    %dma_wait3A_60 = arith.constant 0 : i32
    %dma_wait3A_61 = arith.constant 0 : i32
    %dma_wait3A_62 = tpu.memref_slice %arg4[%arg1, %dma_wait3A_60, %dma_wait3A_61] : memref<16x424x128xi32, #tpu.memory_space<hbm>> -> memref<1x14x128xi32, #tpu.memory_space<hbm>>
    %dma_wait3A_63 = tpu.memref_squeeze %dma_wait3A_62 : memref<1x14x128xi32, #tpu.memory_space<hbm>> -> memref<14x128xi32, #tpu.memory_space<hbm>>
    %dma_wait3A_64 = arith.constant 0 : i32
    %dma_wait3A_65 = arith.constant 0 : i32
    %dma_wait3A_66 = tpu.memref_slice %arg4[%arg1, %dma_wait3A_64, %dma_wait3A_65] : memref<16x424x128xi32, #tpu.memory_space<hbm>> -> memref<1x14x128xi32, #tpu.memory_space<hbm>>
    %dma_wait3A_67 = tpu.memref_squeeze %dma_wait3A_66 : memref<1x14x128xi32, #tpu.memory_space<hbm>> -> memref<14x128xi32, #tpu.memory_space<hbm>>
    tpu.wait_dma2 semaphore(%arg21 : memref<!tpu.dma_semaphore, #tpu.memory_space<semaphore_mem>>) src(%dma_wait3A_67 : memref<14x128xi32, #tpu.memory_space<hbm>>) dst(%arg10 : memref<14x128xi32, #tpu.memory_space<vmem>>)
    %barrier3A_68 = arith.constant 0 : index
    tpu.barrier barrier_id(%barrier3A_68)
    %mul3A_69 = arith.constant 3200 : i32
    %mul3A_70 = arith.muli %arg1, %mul3A_69 : i32
    %mul3A_71 = arith.constant 3200 : i32
    %mul3A_72 = arith.muli %arg1, %mul3A_71 : i32
    "tpu.region"() ({
      %run_scoped3A = tpu.sem_alloc : memref<!tpu.dma_semaphore, #tpu.memory_space<semaphore_mem>>
      %dma_start3A_73 = arith.constant 0 : i32
      %dma_start3A_74 = tpu.memref_slice %arg6[%arg0, %mul3A_72, %dma_start3A_73] : memref<2x51200x32xf32, #tpu.memory_space<hbm>> -> memref<1x3200x32xf32, #tpu.memory_space<hbm>>
      %dma_start3A_75 = tpu.memref_squeeze %dma_start3A_74 : memref<1x3200x32xf32, #tpu.memory_space<hbm>> -> memref<3200x32xf32, #tpu.memory_space<hbm>>
      %dma_start3A_76 = arith.constant 0 : i32
      %dma_start3A_77 = tpu.memref_slice %arg15[%mul3A_70, %dma_start3A_76] : memref<51200x32xf32, #tpu.memory_space<vmem_shared>> -> memref<3200x32xf32, #tpu.memory_space<vmem_shared>>
      tpu.enqueue_dma source(%dma_start3A_77 : memref<3200x32xf32, #tpu.memory_space<vmem_shared>>) target(%dma_start3A_75 : memref<3200x32xf32, #tpu.memory_space<hbm>>) target_semaphore(%run_scoped3A : memref<!tpu.dma_semaphore, #tpu.memory_space<semaphore_mem>>)
      %dma_wait3A_78 = arith.constant 0 : i32
      %dma_wait3A_79 = tpu.memref_slice %arg6[%arg0, %mul3A_72, %dma_wait3A_78] : memref<2x51200x32xf32, #tpu.memory_space<hbm>> -> memref<1x3200x32xf32, #tpu.memory_space<hbm>>
      %dma_wait3A_80 = tpu.memref_squeeze %dma_wait3A_79 : memref<1x3200x32xf32, #tpu.memory_space<hbm>> -> memref<3200x32xf32, #tpu.memory_space<hbm>>
      %dma_wait3A_81 = arith.constant 0 : i32
      %dma_wait3A_82 = tpu.memref_slice %arg15[%mul3A_70, %dma_wait3A_81] : memref<51200x32xf32, #tpu.memory_space<vmem_shared>> -> memref<3200x32xf32, #tpu.memory_space<vmem_shared>>
      tpu.wait_dma2 semaphore(%run_scoped3A : memref<!tpu.dma_semaphore, #tpu.memory_space<semaphore_mem>>) src(%dma_wait3A_82 : memref<3200x32xf32, #tpu.memory_space<vmem_shared>>) dst(%dma_wait3A_80 : memref<3200x32xf32, #tpu.memory_space<hbm>>)
      tpu.yield
    }) : () -> ()
    return
  }
}

module attributes {stable_mosaic.version = 14 : i64} {
  func.func @_norm_body(%arg0: i32, %arg1: memref<2x512x128xf32, #tpu.memory_space<vmem>>, %arg2: memref<512x128xf32, #tpu.memory_space<vmem>>, %arg3: memref<2x512x128xf32, #tpu.memory_space<vmem>>) attributes {dimension_semantics = [#tpu.dimension_semantics<arbitrary>], iteration_bounds = array<i64: 25>, scalar_prefetch = 0 : i64, scratch_operands = 0 : i64, tpu.core_type = #tpu.core_type<tc>, window_params = [{transform_indices = @transform_0, window_bounds = array<i64: 2, 512, 128>}, {transform_indices = @transform_1, window_bounds = array<i64: 512, 128>}, {transform_indices = @transform_2, window_bounds = array<i64: 2, 512, 128>}]} {
    %get3A = arith.constant 0 : index
    %get3A_0 = arith.constant 0 : index
    %get3A_1 = arith.constant 0 : index
    %get3A_2 = vector.load %arg1[%get3A, %get3A_0, %get3A_1] : memref<2x512x128xf32, #tpu.memory_space<vmem>>, vector<2x512x128xf32>
    %get3A_3 = arith.constant 0 : index
    %get3A_4 = arith.constant 0 : index
    %get3A_5 = vector.load %arg2[%get3A_3, %get3A_4] : memref<512x128xf32, #tpu.memory_space<vmem>>, vector<512x128xf32>
    %max3A = arith.constant 1.000000e+00 : f32
    %max3A_6 = vector.broadcast %max3A : f32 to vector<512x128xf32>
    %max3A_7 = arith.maximumf %get3A_5, %max3A_6 : vector<512x128xf32>
    %div3A = arith.constant 1.000000e+00 : f32
    %div3A_8 = vector.broadcast %div3A : f32 to vector<512x128xf32>
    %div3A_9 = arith.divf %div3A_8, %max3A_7 : vector<512x128xf32>
    %broadcast_in_dim3A = vector.shape_cast %div3A_9 : vector<512x128xf32> to vector<1x512x128xf32>
    %mul3A = vector.broadcast %broadcast_in_dim3A : vector<1x512x128xf32> to vector<2x512x128xf32>
    %mul3A_10 = arith.mulf %get3A_2, %mul3A : vector<2x512x128xf32>
    %swap3A = arith.constant 0 : index
    %swap3A_11 = arith.constant 0 : index
    %swap3A_12 = arith.constant 0 : index
    %swap3A_13 = vector.load %arg3[%swap3A, %swap3A_11, %swap3A_12] : memref<2x512x128xf32, #tpu.memory_space<vmem>>, vector<2x512x128xf32>
    tpu.vector_store %arg3[%swap3A, %swap3A_11, %swap3A_12], %mul3A_10 {strides = array<i32>} : memref<2x512x128xf32, #tpu.memory_space<vmem>>, vector<2x512x128xf32>,
    return
  }
  func.func @transform_0(%arg0: i32) -> (i32, i32, i32) {
    %c0_i32 = arith.constant 0 : i32
    %c0_i32_0 = arith.constant 0 : i32
    %c0_i32_1 = arith.constant 0 : i32
    return %c0_i32, %arg0, %c0_i32_0 : i32, i32, i32
  }
  func.func @transform_1(%arg0: i32) -> (i32, i32) {
    %c0_i32 = arith.constant 0 : i32
    %c0_i32_0 = arith.constant 0 : i32
    return %arg0, %c0_i32 : i32, i32
  }
  func.func @transform_2(%arg0: i32) -> (i32, i32, i32) {
    %c0_i32 = arith.constant 0 : i32
    %c0_i32_0 = arith.constant 0 : i32
    %c0_i32_1 = arith.constant 0 : i32
    return %c0_i32, %arg0, %c0_i32_0 : i32, i32, i32
  }
}

</mosaic_0001>

<sc_bundles>
// kernel: kernel.6.cloned.1.call-start
scs
__scs_entry_jumppad:
0x0: {  	(pc) =	sbr.rel $0x88, $3  }
0x1: {  	(tag) =	ssettag $0x0;
	lr =	simm.s32 $0x1  }
0x2: {  	[smem:$0x3F9F] =	sst lr;
	_ =	strace $0xD0000000  }
0x3: {  	_ = 	snop  }
0x4: {  	_ = 	snop  }
0x5: {  	_ = 	snop  }
0x6: {  	_ = 	snop  }
0x7: {  	_ = 	snop  }
__scs_overlays_trampoline_lowered:
0x8: {  	[smem:$0x3FAE] =	sst s0  }
0x9: {  	[smem:$0x3FAF] =	sst s1  }
0xa: {  	[smem:$0x3FB0] =	sst s2  }
0xb: {  	[smem:$0x3FB1] =	sst s3  }
0xc: {  	[smem:$0x3FB2] =	sst s4  }
0xd: {  	[smem:$0x3FB3] =	sst s5  }
0xe: {  	[smem:$0x3FB4] =	sst s6  }
0xf: {  	[smem:$0x3FB5] =	sst s7  }
0x10: {  	[smem:$0x3FB6] =	sst s8  }
0x11: {  	[smem:$0x3FB7] =	sst s9;
	s0 =	simm.s32 @!p0 $0x0  }
0x12: {  	s1 =	sld [smem:$0x3F9D];
	s0 =	simm.s32 @p0 $0x1  }
0x13: {  	[smem:$0x3FB8] =	sst s0;
	s0 =	simm.s32 @!p1 $0x0  }
0x14: {  	s2 =	sld [smem:$0x3F9C];
	s0 =	simm.s32 @p1 $0x1  }
0x15: {  	[smem:$0x3FB9] =	sst s0;
	s0 =	simm.s32 @!p2 $0x0  }
0x16: {  	s3 =	sld [smem:$0x3FDB];
	s0 =	simm.s32 @p2 $0x1  }
0x17: {  	s4 =	simm.s32 $0x1BF5;
	[smem:$0x3FBB] =	sst s0  }
0x18: {  	s0 =	sld [smem:$0x3F9E];
	_ =	swait.ge [sflag:s4], $0x0  }
0x19: {  	s7 =	sld [smem:$0x3F9F]  }
0x1a: {  	s8 =	sadd.s32 $0xFFFFE003, lr  }
0x1b: {  	s9 =	sadd.s32 $0xFFFFFEF7, lr;
	s5 =	simm.s32 $0xFFFFFFFF;
	p2 =	slt.u32 s8, $0xFFFFF086  }
0x1c: {  	p1 =	slt.u32 s9, $0xF7A;
	s5 =	simm.s32 @!p2 $0x0  }
0x1d: {  	s5 =	simm.s32 @p1 $0x1;
	p0 =	seq.s32 s7, s2  }
0x1e: {  	s7 =	smul.u32 @!p0 $0xF7A, s2;
	p2 =	seq.s32 @!p0 s5, $0x0  }
0x1f: {  	s9 =	smul.u32 $0xF7A, s1;
	s8 =	simm.s32 @!p0 $0x1BF5;
	p2 =	por !p2, p0  }
0x20: {  	[sflag:s8] =	ssyncset.s32 @!p0 $0xFFFFF086;
	s6 =	sadd.s32 @!p0 s3, s7;
	s7 =	simm.s32 @!p0 $0x108  }
0x21: {  	s3 =	sadd.s32 s3, s9;
	s6 =	sadd.s32 @!p0 $0x88, s6;
	s7 =	simm.s32 @p2 $0x1082  }
0x22: {  	[simem:s7], [sflag:s8] =	dma.local @!p0 [hbm:s6], $0xF7A  }
0x23: {  	s9 =	sor.u32 $0xD0000000, s2;
	s6 =	simm.s32 $0x108;
	_ =	swait.ge @!p0 [sflag:s8], $0x0  }
0x24: {  	s3 =	sadd.s32 $0x88, s3;
	s6 =	simm.s32 @!p1 $0x1082;
	[sflag:s4] =	ssyncset.s32 $0xFFFFF086  }
0x25: {  	[simem:s6], [sflag:s4] =	dma.local [hbm:s3], $0xF7A  }
0x26: {  	[smem:$0x3F9F] =	sst s1;
	(tag) =	ssettag s2;
	_ =	strace s9  }
0x27: {  	s1 =	sld [smem:$0x3FAF]  }
0x28: {  	s2 =	sld [smem:$0x3FB0]  }
0x29: {  	s4 =	sld [smem:$0x3FB2]  }
0x2a: {  	p0 =	seq.s32 s5, $0x0;
	s5 =	sld [smem:$0x3FB3]  }
0x2b: {  	s6 =	sld [smem:$0x3FB4]  }
0x2c: {  	s7 =	sld [smem:$0x3FB5]  }
0x2d: {  	s3 =	simm.s32 $0x108;
	s8 =	sld [smem:$0x3FB6]  }
0x2e: {  	s3 =	simm.s32 @!p0 $0x1082;
	s9 =	sld [smem:$0x3FB7]  }
0x2f: {  	lr =	sadd.s32 s0, s3;
	s0 =	sld [smem:$0x3FAE]  }
0x30: {  	s3 =	sld [smem:$0x3FB1]  }
0x31: {  	[smem:$0x3FBA] =	sst s10  }
0x32: {  	s10 =	sld [smem:$0x3FB8];
	_ =	sdelay $0x3  }
0x33: {  	p0 =	seq.s32 s10, $0x1;
	s10 =	sld [smem:$0x3FBA];
	_ =	sdelay $0x3  }
0x34: {  	[smem:$0x3FBA] =	sst s10  }
0x35: {  	s10 =	sld [smem:$0x3FB9];
	_ =	sdelay $0x3  }
0x36: {  	p1 =	seq.s32 s10, $0x1;
	s10 =	sld [smem:$0x3FBA];
	_ =	sdelay $0x3  }
0x37: {  	[smem:$0x3FBA] =	sst s10  }
0x38: {  	s10 =	sld [smem:$0x3FBB]  }
0x39: {  	_ = 	snop;
	(pc) =	sbr.ind lr, $3  }
0x3a: {  	_ = 	snop  }
0x3b: {  	_ = 	snop  }
0x3c: {  	p2 =	seq.s32 s10, $0x1;
	s10 =	sld [smem:$0x3FBA]  }
0x3d: {  	_ =	shalt  }
0x3e: {  	_ =	shalt  }
0x3f: {  	_ =	shalt  }
0x40: {  	_ =	shalt  }
0x41: {  	_ =	shalt  }
0x42: {  	_ =	shalt  }
0x43: {  	_ =	shalt  }
0x44: {  	_ =	shalt  }
0x45: {  	_ =	shalt  }
0x46: {  	_ =	shalt  }
0x47: {  	_ =	shalt  }
0x48: {  	_ =	shalt  }
0x49: {  	_ =	shalt  }
0x4a: {  	_ =	shalt  }
0x4b: {  	_ =	shalt  }
0x4c: {  	_ =	shalt  }
0x4d: {  	_ =	shalt  }
0x4e: {  	_ =	shalt  }
0x4f: {  	_ =	shalt  }
0x50: {  	_ =	shalt  }
0x51: {  	_ =	shalt  }
0x52: {  	_ =	shalt  }
0x53: {  	_ =	shalt  }
0x54: {  	_ =	shalt  }
0x55: {  	_ =	shalt  }
0x56: {  	_ =	shalt  }
0x57: {  	_ =	shalt  }
0x58: {  	_ =	shalt  }
0x59: {  	_ =	shalt  }
0x5a: {  	_ =	shalt  }
0x5b: {  	_ =	shalt  }
0x5c: {  	_ =	shalt  }
0x5d: {  	_ =	shalt  }
0x5e: {  	_ =	shalt  }
0x5f: {  	_ =	shalt  }
0x60: {  	_ =	shalt  }
0x61: {  	_ =	shalt  }
0x62: {  	_ =	shalt  }
0x63: {  	_ =	shalt  }
0x64: {  	_ =	shalt  }
0x65: {  	_ =	shalt  }
0x66: {  	_ =	shalt  }
0x67: {  	_ =	shalt  }
0x68: {  	_ =	shalt  }
0x69: {  	_ =	shalt  }
0x6a: {  	_ =	shalt  }
0x6b: {  	_ =	shalt  }
0x6c: {  	_ =	shalt  }
0x6d: {  	_ =	shalt  }
0x6e: {  	_ =	shalt  }
0x6f: {  	_ =	shalt  }
0x70: {  	_ =	shalt  }
0x71: {  	_ =	shalt  }
0x72: {  	_ =	shalt  }
0x73: {  	_ =	shalt  }
0x74: {  	_ =	shalt  }
0x75: {  	_ =	shalt  }
0x76: {  	_ =	shalt  }
0x77: {  	_ =	shalt  }
0x78: {  	_ =	shalt  }
0x79: {  	_ =	shalt  }
0x7a: {  	_ =	shalt  }
0x7b: {  	_ =	shalt  }
0x7c: {  	_ =	shalt  }
0x7d: {  	_ =	shalt  }
0x7e: {  	_ =	shalt  }
0x7f: {  	_ =	shalt  }
0x80: {  	_ =	shalt  }
0x81: {  	_ =	shalt  }
0x82: {  	_ =	shalt  }
0x83: {  	_ =	shalt  }
0x84: {  	_ =	shalt  }
0x85: {  	_ =	shalt  }
0x86: {  	_ =	shalt  }
0x87: {  	_ =	shalt  }
.Lfunc_end0:
.L_simem_size_0:
called_computation_lowered:
.L_overlay_start_0:
0x88: {  	s2 =	sld [smem:$0x3FD9]  }
0x89: {  	s3 =	sld [smem:$0x3FFE];
	_ =	sdelay $0x1  }
0x8a: {  	s1 =	srdreg.scid  }
0x8b: {  	s0 =	sand.u32 $0x1, s1  }
0x8c: {  	s14 =	sshll.u32 s0, $0xA;
	s2 =	sadd.s32 s3, s2  }
0x8d: {  	s2 =	sadd.s32 s2, s14  }
0x8e: {  	[smem:$0x3FC6] =	sst s2  }
0x8f: {  	_ = 	snop  }
0x90: {  	s2 =	sld [smem:$0x3FD0];
	_ =	sdelay $0x2  }
0x91: {  	s15 =	simm.s32 $0xA;
	s4 =	simm.s32 $0x10  }
0x92: {  	[smem:s4], [sflag:s15] =	dma.local [hbm:s2], $0x1  }
0x93: {  	_ =	swait.eq [sflag:s15], $0x1  }
0x94: {  	[sflag:s15] =	ssyncset.done $0x0  }
0x95: {  	s16 =	sld [smem:$0x10];
	[sflag:s15] =	ssyncadd.s32 $0xFFFFFFFF  }
0x96: {  	s17 =	sld [smem:$0x11];
	(tm) =	ssettm $0x1  }
0x97: {  	s18 =	sld [smem:$0x3FFB];
	_ =	sdelay $0x3  }
0x98: {  	_ =	strace s18  }
0x99: {  	s4 =	sld [smem:$0x3FFC];
	_ =	sdelay $0x3  }
0x9a: {  	_ =	strace s4  }
0x9b: {  	s4 =	sld [smem:$0x3FFD];
	_ =	sdelay $0x3  }
0x9c: {  	_ =	strace s4  }
0x9d: {  	_ =	strace $0x8FFFFFFF  }
0x9e: {  	s19 =	sld [smem:$0x3FDB];
	_ =	sdelay $0x1  }
0x9f: {  	s5 =	simm.s32 $_scs_section_size  }
0xa0: {  	s6 =	simm.s32 $_size__tile_overlayer_lowered;
	s7 =	simm.s32 $_tile_overlayer_lowered  }
0xa1: {  	s22 =	simm.s32 $0x1BFF;
	s21 =	sshll.u32 s7, $0x1;
	s4 =	sadd.s32 s5, s19  }
0xa2: {  	s8 =	simm.s32 $0x0;
	s20 =	sshll.u32 s6, $0x1;
	s6 =	sadd.s32 s21, s4  }
0xa3: {  	[timem:s8], [sflag:s22] =	dma.local [hbm:s6], s20  }
0xa4: {  	_ =	swait.ge [sflag:s22], s20  }
0xa5: {  	s5 =	ssub.s32 $0x0, s20;
	[sflag:s22] =	ssyncset.done $0x0  }
0xa6: {  	[sflag:s22] =	ssyncadd.s32 s5;
	_ =	sdelay $0x1  }
0xa7: {  	s23 =	simm.s32 $0x1B8B  }
0xa8: {  	_ =	swait.ge [sflag:s23], $0x1  }
0xa9: {  	[sflag:s23] =	ssyncset.done $0x0  }
0xaa: {  	s25 =	simm.s32 $0x1B8E;
	s24 =	sld [smem:$0x3FFE];
	[sflag:s23] =	ssyncadd.s32 $0xFFFFFFFF  }
0xab: {  	s26 =	simm.s32 $execute0_lowered;
	[smem:$0x3FD2] =	sst s25  }
0xac: {  	s6 =	sshll.u32 s26, $0x1;
	_ =	strace $0x80000046;
	[dreg:$0x1] =	wrdreg $0xFFFFFFFF  }
0xad: {  	s28 =	simm.s32 $_size_execute0_lowered;
	s4 =	sadd.s32 s4, s6;
	[dreg:$0x0] =	wrdreg $0x0  }
0xae: {  	s6 =	sshll.u32 s28, $0x1;
	[dreg:$0x2] =	wrdreg s4  }
0xaf: {  	[dreg:$0x3] =	wrdreg s6  }
0xb0: {  	[dreg:$0x4] =	wrdreg $0xC0  }
0xb1: {  	_ =	task [dreg:s8], $0x5FFFF  }
0xb2: {  	[dreg:$0x1] =	wrdreg $0xFFFFFFFF  }
0xb3: {  	[dreg:$0x0] =	wrdreg $0x60  }
0xb4: {  	[dreg:$0x2] =	wrdreg s17  }
0xb5: {  	[dreg:$0x3] =	wrdreg s16  }
0xb6: {  	[dreg:$0x4] =	wrdreg s24  }
0xb7: {  	[dreg:$0x5] =	wrdreg $0x5C000  }
0xb8: {  	[dreg:$0x6] =	wrdreg $0x9  }
0xb9: {  	_ =	task.clear_ibuf [dreg:s8], $0x7FFFF;
	_ =	strace $0x90000046  }
0xba: {  	s29 =	simm.s32 $0x9;
	_ =	strace $0x80000048  }
0xbb: {  	_ =	swait.ge [sflag:s29], $0x1  }
0xbc: {  	[sflag:s29] =	ssyncadd.s32 $0xFFFFFFFF  }
0xbd: {  	_ =	strace $0x90000048  }
0xbe: {  	_ =	sfence  }
0xbf: {  	s30 =	sld [smem:$0x0];
	_ =	sdelay $0x2  }
0xc0: {  	s31 =	sshll.u32 s1, $0xD;
	s1 =	sshrl.u32 s1, $0x2  }
0xc1: {  	s3 =	sand.u32 $0x4000, s31;
	s1 =	sadd.s32 s1, s30  }
0xc2: {  	s0 =	sor.u32 s3, s0;
	s1 =	sshll.u32 s1, $0x11  }
0xc3: {  	s0 =	sor.u32 s1, s0  }
0xc4: {  	s0 =	sadd.s32 $0x8F2B, s0  }
0xc5: {  	[sflag:s0] =	ssyncadd.remote.s32 $0x1  }
0xc6: {  	_ =	sfence.sel $0xFFFF  }
0xc7: {  	[dreg:$0x0] =	wrdreg $0xFFFFFFFF;
	(pc) =	sbr.abs _section_cstart, $3  }
0xc8: {  	[dreg:$0x1] =	wrdreg $0xFFFFFFFF  }
0xc9: {  	_ =	task.clear_ibuf [dreg:s8], $0x2FFFF;
	_ =	strace $0x9FFFFFFF  }
0xca: {  	(tm) =	ssettm $0x7FFFFFFF  }
0xcb: {  	_ =	shalt  }
tec
execute0_lowered:
.L_overlay_start_1:
0x0: {  	(tag) =	ssettag $0x1  }
0x1: {  	s1 =	rddreg [dreg:$0x0]  }
0x2: {  	s14 =	rddreg [dreg:$0x1]  }
0x3: {  	s6 =	rddreg [dreg:$0x2]  }
0x4: {  	s4 =	rddreg [dreg:$0x3];
	s0 =	srdreg.scid  }
0x5: {  	s3 =	stileid.u32;
	s5 =	simm.s32 $0x0;
	s21 =	simm.s32 $0x100  }
0x6: {  	s22 =	simm.s32 $0x180;
	[smem:$0x7FF] =	sst s5;
	s11 =	sadd.s32 $0x36200, s6  }
0x7: {  	s24 =	simm.s32 $0x200;
	_ =	strace $0x80000047;
	[smem:$0x7F0] =	sst s11  }
0x8: {  	s26 =	simm.s32 $0x280;
	s15 =	simm.s32 $0x300;
	[dreg:$0x7] =	wrdreg s21  }
0x9: {  	s16 =	simm.s32 $0x380;
	s17 =	simm.s32 $0x400;
	[dreg:$0x8] =	wrdreg s22  }
0xa: {  	s18 =	simm.s32 $0x480;
	s28 =	simm.s32 $0xF80;
	[dreg:$0x9] =	wrdreg s24  }
0xb: {  	s29 =	simm.s32 $0x1000;
	s30 =	simm.s32 $0x1080;
	[dreg:$0xa] =	wrdreg s26  }
0xc: {  	s31 =	simm.s32 $0x1100;
	s7 =	sand.u32 $0x1, s0;
	[dreg:$0xb] =	wrdreg s15  }
0xd: {  	s8 =	smul.u32 $0xD400, s3;
	s0 =	sadd.s32 $0x1200, s6;
	[dreg:$0xc] =	wrdreg s16  }
0xe: {  	s9 =	smul.u32 $0x19000, s3;
	s10 =	sadd.s32 $0x1BA00, s6;
	[dreg:$0xd] =	wrdreg s17  }
0xf: {  	s3 =	smul.u32 $0x1A80, s3;
	s19 =	sadd.s32 $0x36400, s6;
	[dreg:$0xe] =	wrdreg s18  }
0x10: {  	s2 =	smul.u32 $0xD4000, s7;
	s21 =	simm.s32 $0x500;
	[smem:$0x7FD] =	sst s19  }
0x11: {  	s20 =	smul.u32 $0x190000, s7;
	s26 =	simm.s32 $0x680;
	[dreg:$0xf] =	wrdreg s21  }
0x12: {  	s23 =	ssub.s32 $0x2, s7;
	s15 =	simm.s32 $0x800;
	[dreg:$0x12] =	wrdreg s26  }
0x13: {  	p0 =	seq.s32 s7, $0x1;
	s17 =	simm.s32 $0x880;
	[dreg:$0x14] =	wrdreg s15  }
0x14: {  	s18 =	simm.s32 $0x900;
	s7 =	simm.s32 $0x0;
	[dreg:$0x15] =	wrdreg s17  }
0x15: {  	s13 =	sadd.s32 s3, s10;
	s25 =	sshrl.u32 s23, $0x1;
	[dreg:$0x16] =	wrdreg s18  }
0x16: {  	s21 =	simm.s32 $0xA00;
	s18 =	sadd.s32 s3, s0;
	[smem:$0x7FC] =	sst s7  }
0x17: {  	s26 =	simm.s32 $0xC00;
	s3 =	simm.s32 $0xD00;
	[dreg:$0x5] =	wrdreg s13  }
0x18: {  	s15 =	simm.s32 $0x3;
	s17 =	simm.s32 $0x4;
	[dreg:$0x18] =	wrdreg s21  }
0x19: {  	s2 =	sadd.s32 s8, s2;
	s11 =	sadd.s32 s9, s20;
	[dreg:$0x1c] =	wrdreg s26  }
0x1a: {  	s9 =	sadd.s32 s9, s4;
	s8 =	sshrl.u32 s8, $0x3;
	[dreg:$0x1e] =	wrdreg s3  }
0x1b: {  	s12 =	sadd.s32 $0x1500, s2;
	[smem:$0x7F1] =	sst s9;
	s20 =	sadd.s32 s0, s8  }
0x1c: {  	s22 =	sadd.s32 $0xE0, s8;
	s8 =	sadd.s32 s10, s8;
	[smem:$0x7F2] =	sst s20  }
0x1d: {  	s16 =	sshrl.u32 s2, $0x3;
	s2 =	sadd.s32 $0xE00, s2;
	[smem:$0x7F4] =	sst s8  }
0x1e: {  	s21 =	simm.s32 $0x7;
	s24 =	sadd.s32 s0, s22;
	[smem:$0x7FB] =	sst s2  }
0x1f: {  	s11 =	sshrl.u32 s11, $0x3;
	s10 =	sadd.s32 s10, s22;
	[smem:$0x7F3] =	sst s24  }
0x20: {  	s6 =	sadd.s32 s11, s6;
	s11 =	simm.s32 $0x780;
	[smem:$0x7F5] =	sst s10  }
0x21: {  	s26 =	simm.s32 $0xF00;
	s8 =	sadd.s32 s14, s16;
	[dreg:$0x13] =	wrdreg s11  }
0x22: {  	s3 =	simm.s32 $0x3C00;
	s20 =	simm.s32 $0x980;
	[smem:$0x7F7] =	sst s8  }
0x23: {  	s12 =	sshrl.u32 s12, $0x3;
	s2 =	simm.s32 $0xC80;
	[dreg:$0x17] =	wrdreg s20  }
0x24: {  	s9 =	simm.s32 $0x1300;
	s12 =	sadd.s32 s12, s14;
	[dreg:$0x1d] =	wrdreg s2  }
0x25: {  	s0 =	simm.s32 $0x1180;
	s13 =	sadd.s32 $0x39600, s6;
	[dreg:$0x6] =	wrdreg s12  }
0x26: {  	s16 =	simm.s32 $0x6;
	s8 =	sadd.s32 $0xE0, s8;
	[smem:$0x7F6] =	sst s13  }
0x27: {  	s6 =	sadd.s32 $0x9D600, s6;
	s24 =	simm.s32 $0xB00;
	[smem:$0x7F8] =	sst s8  }
0x28: {  	s20 =	simm.s32 $0x1C00;
	s11 =	simm.s32 $0x1200;
	[smem:$0x7F9] =	sst s6  }
0x29: {  	s12 =	ssub.s32 s23, s25;
	s23 =	simm.s32 $0x580;
	[dreg:$0x1a] =	wrdreg s24  }
0x2a: {  	s10 =	simm.s32 $0x1280;
	s25 =	simm.s32 $0x600;
	[dreg:$0x10] =	wrdreg s23  }
0x2b: {  	s14 =	simm.s32 $0x1380;
	s6 =	simm.s32 $0xD80;
	[dreg:$0x11] =	wrdreg s25  }
0x2c: {  	s24 =	simm.s32 $0x5;
	s22 =	smax.u32 s12, $0x1;
	[dreg:$0x1f] =	wrdreg s6  }
0x2d: {  	s8 =	simm.s32 $0x1;
	s23 =	simm.s32 $0xA80;
	[smem:$0x7FA] =	sst s22  }
0x2e: {  	s13 =	simm.s32 $0x2;
	s25 =	simm.s32 $0xB80;
	[dreg:$0x19] =	wrdreg s23  }
0x2f: {  	s12 =	simm.s32 $0x2C00;
	s6 =	simm.s32 $0x4C00;
	[dreg:$0x1b] =	wrdreg s25  }
0x30: {  	s22 =	simm.s32 $0xE00;
	s23 =	simm.s32 $0x1500;
	s25 =	simm.s32 $0x80  }
.LBB2_1:
0x31: {  	s2 =	sld [smem:$0x7F0];
	_ =	sdelay $0x2  }
0x32: {  	[tilespmem:s20], [sflag:$0x7] =	stream.linear.gather [hbm4b:s2+s5], $0x1000, $0x38;
	[tilespmem:$0x1EC00] =	vst v63  }
0x33: {  	_ =	swait.ge [sflag:s21], $0x1000  }
0x34: {  	s7 =	stileid.u32;
	s2 =	sld [smem:$0x7F1]  }
0x35: {  	s7 =	sshll.u32 s7, $0x6  }
0x36: {  	s7 =	sor.u32 $0x1C07, s7  }
0x37: {  	[sflag:s21] =	ssyncset.done $0x0;
	[smem:$0x7EE] =	sst s7;
	s2 =	sshrl.u32 s2, $0x3  }
0x38: {  	[sflag:s21] =	ssyncadd.s32 $0xFFFFF000;
	[smem:$0x7EF] =	sst s2  }
0x39: {  	[spmem:s2], [sflag:s7] =	dma.local [hbm:s19], $0x3200  }
.Ltmp0:
0x3a: {  	_ =	swait.ge [sflag:s21], $0x3200;
	(pc) =	sbr.rel @!p0 .LBB2_2-.Ltmp0, $3  }
0x3b: {  	[sflag:s21] =	ssyncset.done $0x0  }
0x3c: {  	[sflag:s21] =	ssyncadd.s32 $0xFFFFCE00  }
0x3d: {  	[bflag:$0x0] =	sbarrier.arrive $0xFFFF;
	_ =	sdelay $0x1  }
0x3e: {  	s2 =	sld [smem:$0x7F4];
	_ =	sdelay $0x1  }
0x3f: {  	s19 =	sld [smem:$0x7F5]  }
0x40: {  	[tilespmem:s22], [sflag:$0x5] =	stream.linear.gather [hbm4b:s2+s5], $0x700, $0x38;
	[tilespmem:$0x1EC00] =	vst v63  }
0x41: {  	_ = 	snop  }
0x42: {  	[tilespmem:s23], [sflag:$0x6] =	stream.linear.gather [hbm4b:s19+s5], $0x700, $0x38;
	[tilespmem:$0x1EC00] =	vst v63  }
0x43: {  	_ =	swait.ge [sflag:s24], $0x700  }
0x44: {  	[sflag:s24] =	ssyncset.done $0x0  }
0x45: {  	[sflag:s24] =	ssyncadd.s32 $0xFFFFF900  }
0x46: {  	[spmem:s4] =	stream.indirect.scatter.add.f32 [tilespmem:s20], [sflag:$0x7], $0x20, s22, s25, $0xb8;
	[tilespmem:$0x1EC00] =	vst v63  }
0x47: {  	_ =	swait.ge [sflag:s21], $0x1000  }
0x48: {  	[sflag:s21] =	ssyncset.done $0x0  }
0x49: {  	s7 =	simm.s32 $0xE80;
	[sflag:s21] =	ssyncadd.s32 $0xFFFFF000  }
0x4a: {  	[spmem:s4] =	stream.indirect.scatter.add.f32 [tilespmem:s20], [sflag:$0x7], $0x20, s7, s25, $0xb8;
	[tilespmem:$0x1EC00] =	vst v63  }
0x4b: {  	_ =	swait.ge [sflag:s21], $0x1000  }
0x4c: {  	[sflag:s21] =	ssyncset.done $0x0  }
0x4d: {  	[sflag:s21] =	ssyncadd.s32 $0xFFFFF000  }
0x4e: {  	[spmem:s4] =	stream.indirect.scatter.add.f32 [tilespmem:s20], [sflag:$0x7], $0x20, s26, s25, $0xb8;
	[tilespmem:$0x1EC00] =	vst v63  }
0x4f: {  	_ =	swait.ge [sflag:s21], $0x1000  }
0x50: {  	[sflag:s21] =	ssyncset.done $0x0  }
0x51: {  	[sflag:s21] =	ssyncadd.s32 $0xFFFFF000  }
0x52: {  	[spmem:s4] =	stream.indirect.scatter.add.f32 [tilespmem:s20], [sflag:$0x7], $0x20, s28, s25, $0xb8;
	[tilespmem:$0x1EC00] =	vst v63  }
0x53: {  	_ =	swait.ge [sflag:s21], $0x1000  }
0x54: {  	[sflag:s21] =	ssyncset.done $0x0  }
0x55: {  	[sflag:s21] =	ssyncadd.s32 $0xFFFFF000  }
0x56: {  	[spmem:s4] =	stream.indirect.scatter.add.f32 [tilespmem:s20], [sflag:$0x7], $0x20, s29, s25, $0xb8;
	[tilespmem:$0x1EC00] =	vst v63  }
0x57: {  	_ =	swait.ge [sflag:s21], $0x1000  }
0x58: {  	[sflag:s21] =	ssyncset.done $0x0  }
0x59: {  	[sflag:s21] =	ssyncadd.s32 $0xFFFFF000  }
0x5a: {  	[spmem:s4] =	stream.indirect.scatter.add.f32 [tilespmem:s20], [sflag:$0x7], $0x20, s30, s25, $0xb8;
	[tilespmem:$0x1EC00] =	vst v63  }
0x5b: {  	_ =	swait.ge [sflag:s21], $0x1000  }
0x5c: {  	[sflag:s21] =	ssyncset.done $0x0  }
0x5d: {  	[sflag:s21] =	ssyncadd.s32 $0xFFFFF000  }
0x5e: {  	[spmem:s4] =	stream.indirect.scatter.add.f32 [tilespmem:s20], [sflag:$0x7], $0x20, s31, s25, $0xb8;
	[tilespmem:$0x1EC00] =	vst v63  }
0x5f: {  	_ =	swait.ge [sflag:s21], $0x1000  }
0x60: {  	[sflag:s21] =	ssyncset.done $0x0  }
0x61: {  	[sflag:s21] =	ssyncadd.s32 $0xFFFFF000  }
0x62: {  	[spmem:s4] =	stream.indirect.scatter.add.f32 [tilespmem:s20], [sflag:$0x7], $0x20, s0, s25, $0xb8;
	[tilespmem:$0x1EC00] =	vst v63  }
0x63: {  	_ =	swait.ge [sflag:s21], $0x1000  }
0x64: {  	[sflag:s21] =	ssyncset.done $0x0  }
0x65: {  	[sflag:s21] =	ssyncadd.s32 $0xFFFFF000  }
0x66: {  	[spmem:s4] =	stream.indirect.scatter.add.f32 [tilespmem:s20], [sflag:$0x7], $0x20, s11, s25, $0xb8;
	[tilespmem:$0x1EC00] =	vst v63  }
0x67: {  	_ =	swait.ge [sflag:s21], $0x1000  }
0x68: {  	[sflag:s21] =	ssyncset.done $0x0  }
0x69: {  	[sflag:s21] =	ssyncadd.s32 $0xFFFFF000  }
0x6a: {  	[spmem:s4] =	stream.indirect.scatter.add.f32 [tilespmem:s20], [sflag:$0x7], $0x20, s10, s25, $0xb8;
	[tilespmem:$0x1EC00] =	vst v63  }
0x6b: {  	_ =	swait.ge [sflag:s21], $0x1000  }
0x6c: {  	[sflag:s21] =	ssyncset.done $0x0  }
0x6d: {  	[sflag:s21] =	ssyncadd.s32 $0xFFFFF000  }
0x6e: {  	[spmem:s4] =	stream.indirect.scatter.add.f32 [tilespmem:s20], [sflag:$0x7], $0x20, s9, s25, $0xb8;
	[tilespmem:$0x1EC00] =	vst v63  }
0x6f: {  	_ =	swait.ge [sflag:s21], $0x1000  }
0x70: {  	[sflag:s21] =	ssyncset.done $0x0  }
0x71: {  	[sflag:s21] =	ssyncadd.s32 $0xFFFFF000  }
0x72: {  	[spmem:s4] =	stream.indirect.scatter.add.f32 [tilespmem:s20], [sflag:$0x7], $0x20, s14, s25, $0xb8;
	[tilespmem:$0x1EC00] =	vst v63  }
0x73: {  	_ =	swait.ge [sflag:s21], $0x1000  }
0x74: {  	[sflag:s21] =	ssyncset.done $0x0  }
0x75: {  	s14 =	simm.s32 $0x1400;
	[sflag:s21] =	ssyncadd.s32 $0xFFFFF000  }
0x76: {  	[spmem:s4] =	stream.indirect.scatter.add.f32 [tilespmem:s20], [sflag:$0x7], $0x20, s14, s25, $0xb8;
	[tilespmem:$0x1EC00] =	vst v63  }
0x77: {  	_ =	swait.ge [sflag:s21], $0x1000  }
0x78: {  	[sflag:s21] =	ssyncset.done $0x0  }
0x79: {  	s19 =	simm.s32 $0x1480;
	[sflag:s21] =	ssyncadd.s32 $0xFFFFF000  }
0x7a: {  	[spmem:s4] =	stream.indirect.scatter.add.f32 [tilespmem:s20], [sflag:$0x7], $0x20, s19, s25, $0xb8;
	[tilespmem:$0x1EC00] =	vst v63  }
0x7b: {  	_ =	swait.ge [sflag:s21], $0x1000  }
0x7c: {  	s7 =	rddreg [dreg:$0x5]  }
0x7d: {  	[sflag:s21] =	ssyncset.done $0x0;
	s7 =	sadd.s32 $0xFFFFE780, s7  }
0x7e: {  	[sflag:s21] =	ssyncadd.s32 $0xFFFFF000;
	s2 =	sadd.s32 $0x1A40, s7  }
0x7f: {  	[tilespmem:s22], [sflag:$0x5] =	stream.linear.gather [hbm4b:s2+s5], $0x700, $0x38;
	[tilespmem:$0x1EC00] =	vst v63  }
0x80: {  	_ =	swait.ge [sflag:s16], $0x700  }
0x81: {  	[sflag:s16] =	ssyncset.done $0x0  }
0x82: {  	[sflag:s16] =	ssyncadd.s32 $0xFFFFF900  }
0x83: {  	[spmem:s4] =	stream.indirect.scatter.add.f32 [tilespmem:s20], [sflag:$0x7], $0x20, s23, s25, $0xb8;
	[tilespmem:$0x1EC00] =	vst v63  }
0x84: {  	_ =	swait.ge [sflag:s21], $0x1000  }
0x85: {  	[sflag:s21] =	ssyncset.done $0x0  }
0x86: {  	s14 =	simm.s32 $0x1580;
	[sflag:s21] =	ssyncadd.s32 $0xFFFFF000  }
0x87: {  	[spmem:s4] =	stream.indirect.scatter.add.f32 [tilespmem:s20], [sflag:$0x7], $0x20, s14, s25, $0xb8;
	[tilespmem:$0x1EC00] =	vst v63  }
0x88: {  	_ =	swait.ge [sflag:s21], $0x1000  }
0x89: {  	[sflag:s21] =	ssyncset.done $0x0  }
0x8a: {  	s19 =	simm.s32 $0x1600;
	[sflag:s21] =	ssyncadd.s32 $0xFFFFF000  }
0x8b: {  	[spmem:s4] =	stream.indirect.scatter.add.f32 [tilespmem:s20], [sflag:$0x7], $0x20, s19, s25, $0xb8;
	[tilespmem:$0x1EC00] =	vst v63  }
0x8c: {  	_ =	swait.ge [sflag:s21], $0x1000  }
0x8d: {  	[sflag:s21] =	ssyncset.done $0x0  }
0x8e: {  	s9 =	simm.s32 $0x1680;
	[sflag:s21] =	ssyncadd.s32 $0xFFFFF000  }
0x8f: {  	[spmem:s4] =	stream.indirect.scatter.add.f32 [tilespmem:s20], [sflag:$0x7], $0x20, s9, s25, $0xb8;
	[tilespmem:$0x1EC00] =	vst v63  }
0x90: {  	_ =	swait.ge [sflag:s21], $0x1000  }
0x91: {  	[sflag:s21] =	ssyncset.done $0x0  }
0x92: {  	s14 =	simm.s32 $0x1700;
	[sflag:s21] =	ssyncadd.s32 $0xFFFFF000  }
0x93: {  	[spmem:s4] =	stream.indirect.scatter.add.f32 [tilespmem:s20], [sflag:$0x7], $0x20, s14, s25, $0xb8;
	[tilespmem:$0x1EC00] =	vst v63  }
0x94: {  	_ =	swait.ge [sflag:s21], $0x1000  }
0x95: {  	[sflag:s21] =	ssyncset.done $0x0  }
0x96: {  	s19 =	simm.s32 $0x1780;
	[sflag:s21] =	ssyncadd.s32 $0xFFFFF000  }
0x97: {  	[spmem:s4] =	stream.indirect.scatter.add.f32 [tilespmem:s20], [sflag:$0x7], $0x20, s19, s25, $0xb8;
	[tilespmem:$0x1EC00] =	vst v63  }
0x98: {  	_ =	swait.ge [sflag:s21], $0x1000  }
0x99: {  	[sflag:s21] =	ssyncset.done $0x0  }
0x9a: {  	s9 =	simm.s32 $0x1800;
	[sflag:s21] =	ssyncadd.s32 $0xFFFFF000  }
0x9b: {  	[spmem:s4] =	stream.indirect.scatter.add.f32 [tilespmem:s20], [sflag:$0x7], $0x20, s9, s25, $0xb8;
	[tilespmem:$0x1EC00] =	vst v63  }
0x9c: {  	_ =	swait.ge [sflag:s21], $0x1000  }
0x9d: {  	[sflag:s21] =	ssyncset.done $0x0  }
0x9e: {  	s14 =	simm.s32 $0x1880;
	[sflag:s21] =	ssyncadd.s32 $0xFFFFF000  }
0x9f: {  	[spmem:s4] =	stream.indirect.scatter.add.f32 [tilespmem:s20], [sflag:$0x7], $0x20, s14, s25, $0xb8;
	[tilespmem:$0x1EC00] =	vst v63  }
0xa0: {  	_ =	swait.ge [sflag:s21], $0x1000  }
0xa1: {  	[sflag:s21] =	ssyncset.done $0x0  }
0xa2: {  	s19 =	simm.s32 $0x1900;
	[sflag:s21] =	ssyncadd.s32 $0xFFFFF000  }
0xa3: {  	[spmem:s4] =	stream.indirect.scatter.add.f32 [tilespmem:s20], [sflag:$0x7], $0x20, s19, s25, $0xb8;
	[tilespmem:$0x1EC00] =	vst v63  }
0xa4: {  	_ =	swait.ge [sflag:s21], $0x1000  }
0xa5: {  	[sflag:s21] =	ssyncset.done $0x0  }
0xa6: {  	s9 =	simm.s32 $0x1980;
	[sflag:s21] =	ssyncadd.s32 $0xFFFFF000  }
0xa7: {  	[spmem:s4] =	stream.indirect.scatter.add.f32 [tilespmem:s20], [sflag:$0x7], $0x20, s9, s25, $0xb8;
	[tilespmem:$0x1EC00] =	vst v63  }
0xa8: {  	_ =	swait.ge [sflag:s21], $0x1000  }
0xa9: {  	[sflag:s21] =	ssyncset.done $0x0  }
0xaa: {  	s14 =	simm.s32 $0x1A00;
	[sflag:s21] =	ssyncadd.s32 $0xFFFFF000  }
0xab: {  	[spmem:s4] =	stream.indirect.scatter.add.f32 [tilespmem:s20], [sflag:$0x7], $0x20, s14, s25, $0xb8;
	[tilespmem:$0x1EC00] =	vst v63  }
0xac: {  	_ =	swait.ge [sflag:s21], $0x1000  }
0xad: {  	[sflag:s21] =	ssyncset.done $0x0  }
0xae: {  	s19 =	simm.s32 $0x1A80;
	[sflag:s21] =	ssyncadd.s32 $0xFFFFF000  }
0xaf: {  	[spmem:s4] =	stream.indirect.scatter.add.f32 [tilespmem:s20], [sflag:$0x7], $0x20, s19, s25, $0xb8;
	[tilespmem:$0x1EC00] =	vst v63  }
0xb0: {  	_ =	swait.ge [sflag:s21], $0x1000  }
0xb1: {  	[sflag:s21] =	ssyncset.done $0x0  }
0xb2: {  	s14 =	simm.s32 $0x1B00;
	[sflag:s21] =	ssyncadd.s32 $0xFFFFF000  }
0xb3: {  	[spmem:s4] =	stream.indirect.scatter.add.f32 [tilespmem:s20], [sflag:$0x7], $0x20, s14, s25, $0xb8;
	[tilespmem:$0x1EC00] =	vst v63  }
0xb4: {  	_ =	swait.ge [sflag:s21], $0x1000  }
0xb5: {  	[sflag:s21] =	ssyncset.done $0x0  }
0xb6: {  	s19 =	simm.s32 $0x1B80;
	[sflag:s21] =	ssyncadd.s32 $0xFFFFF000  }
0xb7: {  	[spmem:s4] =	stream.indirect.scatter.add.f32 [tilespmem:s20], [sflag:$0x7], $0x20, s19, s25, $0xb8;
	[tilespmem:$0x1EC00] =	vst v63  }
0xb8: {  	_ =	swait.ge [sflag:s21], $0x1000  }
0xb9: {  	[sflag:s21] =	ssyncset.done $0x0  }
0xba: {  	s7 =	sadd.s32 $0x1B20, s7;
	s9 =	simm.s32 $0xFFFFE940;
	[sflag:s21] =	ssyncadd.s32 $0xFFFFF000  }
.LBB2_6:
0xbb: {  	[tilespmem:s23], [sflag:$0x6] =	stream.linear.gather [hbm4b:s7+s5], $0x700, $0x38;
	[tilespmem:$0x1EC00] =	vst v63  }
0xbc: {  	_ =	swait.ge [sflag:s24], $0x700  }
0xbd: {  	[sflag:s24] =	ssyncset.done $0x0  }
0xbe: {  	[sflag:s24] =	ssyncadd.s32 $0xFFFFF900  }
0xbf: {  	[spmem:s4] =	stream.indirect.scatter.add.f32 [tilespmem:s20], [sflag:$0x7], $0x20, s22, s25, $0xb8;
	[tilespmem:$0x1EC00] =	vst v63  }
0xc0: {  	_ =	swait.ge [sflag:s21], $0x1000  }
0xc1: {  	[sflag:s21] =	ssyncset.done $0x0  }
0xc2: {  	s2 =	simm.s32 $0xE80;
	[sflag:s21] =	ssyncadd.s32 $0xFFFFF000  }
0xc3: {  	[spmem:s4] =	stream.indirect.scatter.add.f32 [tilespmem:s20], [sflag:$0x7], $0x20, s2, s25, $0xb8;
	[tilespmem:$0x1EC00] =	vst v63  }
0xc4: {  	_ =	swait.ge [sflag:s21], $0x1000  }
0xc5: {  	[sflag:s21] =	ssyncset.done $0x0  }
0xc6: {  	[sflag:s21] =	ssyncadd.s32 $0xFFFFF000  }
0xc7: {  	[spmem:s4] =	stream.indirect.scatter.add.f32 [tilespmem:s20], [sflag:$0x7], $0x20, s26, s25, $0xb8;
	[tilespmem:$0x1EC00] =	vst v63  }
0xc8: {  	_ =	swait.ge [sflag:s21], $0x1000  }
0xc9: {  	[sflag:s21] =	ssyncset.done $0x0  }
0xca: {  	[sflag:s21] =	ssyncadd.s32 $0xFFFFF000  }
0xcb: {  	[spmem:s4] =	stream.indirect.scatter.add.f32 [tilespmem:s20], [sflag:$0x7], $0x20, s28, s25, $0xb8;
	[tilespmem:$0x1EC00] =	vst v63  }
0xcc: {  	_ =	swait.ge [sflag:s21], $0x1000  }
0xcd: {  	[sflag:s21] =	ssyncset.done $0x0  }
0xce: {  	[sflag:s21] =	ssyncadd.s32 $0xFFFFF000  }
0xcf: {  	[spmem:s4] =	stream.indirect.scatter.add.f32 [tilespmem:s20], [sflag:$0x7], $0x20, s29, s25, $0xb8;
	[tilespmem:$0x1EC00] =	vst v63  }
0xd0: {  	_ =	swait.ge [sflag:s21], $0x1000  }
0xd1: {  	[sflag:s21] =	ssyncset.done $0x0  }
0xd2: {  	[sflag:s21] =	ssyncadd.s32 $0xFFFFF000  }
0xd3: {  	[spmem:s4] =	stream.indirect.scatter.add.f32 [tilespmem:s20], [sflag:$0x7], $0x20, s30, s25, $0xb8;
	[tilespmem:$0x1EC00] =	vst v63  }
0xd4: {  	_ =	swait.ge [sflag:s21], $0x1000  }
0xd5: {  	[sflag:s21] =	ssyncset.done $0x0  }
0xd6: {  	[sflag:s21] =	ssyncadd.s32 $0xFFFFF000  }
0xd7: {  	[spmem:s4] =	stream.indirect.scatter.add.f32 [tilespmem:s20], [sflag:$0x7], $0x20, s31, s25, $0xb8;
	[tilespmem:$0x1EC00] =	vst v63  }
0xd8: {  	_ =	swait.ge [sflag:s21], $0x1000  }
0xd9: {  	[sflag:s21] =	ssyncset.done $0x0  }
0xda: {  	[sflag:s21] =	ssyncadd.s32 $0xFFFFF000  }
0xdb: {  	[spmem:s4] =	stream.indirect.scatter.add.f32 [tilespmem:s20], [sflag:$0x7], $0x20, s0, s25, $0xb8;
	[tilespmem:$0x1EC00] =	vst v63  }
0xdc: {  	_ =	swait.ge [sflag:s21], $0x1000  }
0xdd: {  	[sflag:s21] =	ssyncset.done $0x0  }
0xde: {  	[sflag:s21] =	ssyncadd.s32 $0xFFFFF000  }
0xdf: {  	[spmem:s4] =	stream.indirect.scatter.add.f32 [tilespmem:s20], [sflag:$0x7], $0x20, s11, s25, $0xb8;
	[tilespmem:$0x1EC00] =	vst v63  }
0xe0: {  	_ =	swait.ge [sflag:s21], $0x1000  }
0xe1: {  	[sflag:s21] =	ssyncset.done $0x0  }
0xe2: {  	[sflag:s21] =	ssyncadd.s32 $0xFFFFF000  }
0xe3: {  	[spmem:s4] =	stream.indirect.scatter.add.f32 [tilespmem:s20], [sflag:$0x7], $0x20, s10, s25, $0xb8;
	[tilespmem:$0x1EC00] =	vst v63  }
0xe4: {  	_ =	swait.ge [sflag:s21], $0x1000  }
0xe5: {  	[sflag:s21] =	ssyncset.done $0x0  }
0xe6: {  	s10 =	simm.s32 $0x1300;
	[sflag:s21] =	ssyncadd.s32 $0xFFFFF000  }
0xe7: {  	[spmem:s4] =	stream.indirect.scatter.add.f32 [tilespmem:s20], [sflag:$0x7], $0x20, s10, s25, $0xb8;
	[tilespmem:$0x1EC00] =	vst v63  }
0xe8: {  	_ =	swait.ge [sflag:s21], $0x1000  }
0xe9: {  	[sflag:s21] =	ssyncset.done $0x0  }
0xea: {  	s10 =	simm.s32 $0x1380;
	[sflag:s21] =	ssyncadd.s32 $0xFFFFF000  }
0xeb: {  	[spmem:s4] =	stream.indirect.scatter.add.f32 [tilespmem:s20], [sflag:$0x7], $0x20, s10, s25, $0xb8;
	[tilespmem:$0x1EC00] =	vst v63  }
0xec: {  	_ =	swait.ge [sflag:s21], $0x1000  }
0xed: {  	[sflag:s21] =	ssyncset.done $0x0  }
0xee: {  	s10 =	simm.s32 $0x1400;
	[sflag:s21] =	ssyncadd.s32 $0xFFFFF000  }
0xef: {  	[spmem:s4] =	stream.indirect.scatter.add.f32 [tilespmem:s20], [sflag:$0x7], $0x20, s10, s25, $0xb8;
	[tilespmem:$0x1EC00] =	vst v63  }
0xf0: {  	_ =	swait.ge [sflag:s21], $0x1000  }
0xf1: {  	[sflag:s21] =	ssyncset.done $0x0  }
0xf2: {  	s10 =	simm.s32 $0x1480;
	[sflag:s21] =	ssyncadd.s32 $0xFFFFF000  }
0xf3: {  	[spmem:s4] =	stream.indirect.scatter.add.f32 [tilespmem:s20], [sflag:$0x7], $0x20, s10, s25, $0xb8;
	[tilespmem:$0x1EC00] =	vst v63  }
0xf4: {  	_ =	swait.ge [sflag:s21], $0x1000  }
0xf5: {  	s7 =	smov.u32 s9;
	s2 =	rddreg [dreg:$0x5]  }
0xf6: {  	[sflag:s21] =	ssyncset.done $0x0;
	s7 =	sadd.s32 s7, s2  }
0xf7: {  	[sflag:s21] =	ssyncadd.s32 $0xFFFFF000;
	s10 =	sadd.s32 $0x1A40, s7  }
0xf8: {  	[tilespmem:s22], [sflag:$0x5] =	stream.linear.gather [hbm4b:s10+s5], $0x700, $0x38;
	[tilespmem:$0x1EC00] =	vst v63  }
0xf9: {  	_ =	swait.ge [sflag:s16], $0x700  }
0xfa: {  	[sflag:s16] =	ssyncset.done $0x0  }
0xfb: {  	[sflag:s16] =	ssyncadd.s32 $0xFFFFF900  }
0xfc: {  	[spmem:s4] =	stream.indirect.scatter.add.f32 [tilespmem:s20], [sflag:$0x7], $0x20, s23, s25, $0xb8;
	[tilespmem:$0x1EC00] =	vst v63  }
0xfd: {  	_ =	swait.ge [sflag:s21], $0x1000  }
0xfe: {  	[sflag:s21] =	ssyncset.done $0x0  }
0xff: {  	s2 =	simm.s32 $0x1580;
	[sflag:s21] =	ssyncadd.s32 $0xFFFFF000  }
0x100: {  	[spmem:s4] =	stream.indirect.scatter.add.f32 [tilespmem:s20], [sflag:$0x7], $0x20, s2, s25, $0xb8;
	[tilespmem:$0x1EC00] =	vst v63  }
0x101: {  	_ =	swait.ge [sflag:s21], $0x1000  }
0x102: {  	[sflag:s21] =	ssyncset.done $0x0  }
0x103: {  	s2 =	simm.s32 $0x1600;
	[sflag:s21] =	ssyncadd.s32 $0xFFFFF000  }
0x104: {  	[spmem:s4] =	stream.indirect.scatter.add.f32 [tilespmem:s20], [sflag:$0x7], $0x20, s2, s25, $0xb8;
	[tilespmem:$0x1EC00] =	vst v63  }
0x105: {  	_ =	swait.ge [sflag:s21], $0x1000  }
0x106: {  	[sflag:s21] =	ssyncset.done $0x0  }
0x107: {  	s2 =	simm.s32 $0x1680;
	[sflag:s21] =	ssyncadd.s32 $0xFFFFF000  }
0x108: {  	[spmem:s4] =	stream.indirect.scatter.add.f32 [tilespmem:s20], [sflag:$0x7], $0x20, s2, s25, $0xb8;
	[tilespmem:$0x1EC00] =	vst v63  }
0x109: {  	_ =	swait.ge [sflag:s21], $0x1000  }
0x10a: {  	[sflag:s21] =	ssyncset.done $0x0  }
0x10b: {  	s2 =	simm.s32 $0x1700;
	[sflag:s21] =	ssyncadd.s32 $0xFFFFF000  }
0x10c: {  	[spmem:s4] =	stream.indirect.scatter.add.f32 [tilespmem:s20], [sflag:$0x7], $0x20, s2, s25, $0xb8;
	[tilespmem:$0x1EC00] =	vst v63  }
0x10d: {  	_ =	swait.ge [sflag:s21], $0x1000  }
0x10e: {  	[sflag:s21] =	ssyncset.done $0x0  }
0x10f: {  	s2 =	simm.s32 $0x1780;
	[sflag:s21] =	ssyncadd.s32 $0xFFFFF000  }
0x110: {  	[spmem:s4] =	stream.indirect.scatter.add.f32 [tilespmem:s20], [sflag:$0x7], $0x20, s2, s25, $0xb8;
	[tilespmem:$0x1EC00] =	vst v63  }
0x111: {  	_ =	swait.ge [sflag:s21], $0x1000  }
0x112: {  	[sflag:s21] =	ssyncset.done $0x0  }
0x113: {  	s2 =	simm.s32 $0x1800;
	[sflag:s21] =	ssyncadd.s32 $0xFFFFF000  }
0x114: {  	[spmem:s4] =	stream.indirect.scatter.add.f32 [tilespmem:s20], [sflag:$0x7], $0x20, s2, s25, $0xb8;
	[tilespmem:$0x1EC00] =	vst v63  }
0x115: {  	_ =	swait.ge [sflag:s21], $0x1000  }
0x116: {  	[sflag:s21] =	ssyncset.done $0x0  }
0x117: {  	s2 =	simm.s32 $0x1880;
	[sflag:s21] =	ssyncadd.s32 $0xFFFFF000  }
0x118: {  	[spmem:s4] =	stream.indirect.scatter.add.f32 [tilespmem:s20], [sflag:$0x7], $0x20, s2, s25, $0xb8;
	[tilespmem:$0x1EC00] =	vst v63  }
0x119: {  	_ =	swait.ge [sflag:s21], $0x1000  }
0x11a: {  	[sflag:s21] =	ssyncset.done $0x0  }
0x11b: {  	s2 =	simm.s32 $0x1900;
	[sflag:s21] =	ssyncadd.s32 $0xFFFFF000  }
0x11c: {  	[spmem:s4] =	stream.indirect.scatter.add.f32 [tilespmem:s20], [sflag:$0x7], $0x20, s2, s25, $0xb8;
	[tilespmem:$0x1EC00] =	vst v63  }
0x11d: {  	_ =	swait.ge [sflag:s21], $0x1000  }
0x11e: {  	[sflag:s21] =	ssyncset.done $0x0  }
0x11f: {  	s2 =	simm.s32 $0x1980;
	[sflag:s21] =	ssyncadd.s32 $0xFFFFF000  }
0x120: {  	[spmem:s4] =	stream.indirect.scatter.add.f32 [tilespmem:s20], [sflag:$0x7], $0x20, s2, s25, $0xb8;
	[tilespmem:$0x1EC00] =	vst v63  }
0x121: {  	_ =	swait.ge [sflag:s21], $0x1000  }
0x122: {  	[sflag:s21] =	ssyncset.done $0x0  }
0x123: {  	s2 =	simm.s32 $0x1A00;
	[sflag:s21] =	ssyncadd.s32 $0xFFFFF000  }
0x124: {  	[spmem:s4] =	stream.indirect.scatter.add.f32 [tilespmem:s20], [sflag:$0x7], $0x20, s2, s25, $0xb8;
	[tilespmem:$0x1EC00] =	vst v63  }
0x125: {  	_ =	swait.ge [sflag:s21], $0x1000  }
0x126: {  	[sflag:s21] =	ssyncset.done $0x0  }
0x127: {  	s2 =	simm.s32 $0x1A80;
	[sflag:s21] =	ssyncadd.s32 $0xFFFFF000  }
0x128: {  	[spmem:s4] =	stream.indirect.scatter.add.f32 [tilespmem:s20], [sflag:$0x7], $0x20, s2, s25, $0xb8;
	[tilespmem:$0x1EC00] =	vst v63  }
0x129: {  	_ =	swait.ge [sflag:s21], $0x1000  }
0x12a: {  	[sflag:s21] =	ssyncset.done $0x0  }
0x12b: {  	[sflag:s21] =	ssyncadd.s32 $0xFFFFF000  }
0x12c: {  	[spmem:s4] =	stream.indirect.scatter.add.f32 [tilespmem:s20], [sflag:$0x7], $0x20, s14, s25, $0xb8;
	[tilespmem:$0x1EC00] =	vst v63  }
0x12d: {  	_ =	swait.ge [sflag:s21], $0x1000  }
0x12e: {  	p1 =	sne.s32 s9, $0xFFFFFE40;
	[sflag:s21] =	ssyncset.done $0x0  }
.Ltmp1:
0x12f: {  	[sflag:s21] =	ssyncadd.s32 $0xFFFFF000;
	(pc) =	sbr.rel @p1 .LBB2_6-.Ltmp1, $4  }
0x130: {  	[spmem:s4] =	stream.indirect.scatter.add.f32 [tilespmem:s20], [sflag:$0x7], $0x20, s19, s25, $0xb8;
	[tilespmem:$0x1EC00] =	vst v63  }
0x131: {  	_ =	swait.ge [sflag:s21], $0x1000  }
0x132: {  	s9 =	sadd.s32 $0x1C0, s9;
	[sflag:s21] =	ssyncset.done $0x0  }
0x133: {  	s7 =	sadd.s32 $0x1B20, s7;
	s10 =	simm.s32 $0x1280;
	[sflag:s21] =	ssyncadd.s32 $0xFFFFF000  }
.Ltmp2:
0x134: {  	(pc) =	sbr.rel .LBB2_8-.Ltmp2, $2  }
0x135: {  	_ =	sdelay $0x2  }
0x136: {  	[tilespmem:s23], [sflag:$0x6] =	stream.linear.gather [hbm4b:s7+s5], $0x700, $0x38;
	[tilespmem:$0x1EC00] =	vst v63  }
.LBB2_2:
0x137: {  	s2 =	sld [smem:$0x7F2];
	_ =	sdelay $0x1  }
0x138: {  	s19 =	sld [smem:$0x7F3]  }
0x139: {  	[tilespmem:s22], [sflag:$0x5] =	stream.linear.gather [hbm4b:s2+s5], $0x700, $0x38;
	[tilespmem:$0x1EC00] =	vst v63  }
0x13a: {  	_ = 	snop  }
0x13b: {  	[tilespmem:s23], [sflag:$0x6] =	stream.linear.gather [hbm4b:s19+s5], $0x700, $0x38;
	[tilespmem:$0x1EC00] =	vst v63  }
0x13c: {  	_ =	swait.ge [sflag:s24], $0x700  }
0x13d: {  	[sflag:s24] =	ssyncset.done $0x0  }
0x13e: {  	[sflag:s24] =	ssyncadd.s32 $0xFFFFF900  }
0x13f: {  	[spmem:s4] =	stream.indirect.scatter.add.f32 [tilespmem:s20], [sflag:$0x7], $0x20, s22, s25, $0xb8;
	[tilespmem:$0x1EC00] =	vst v63  }
0x140: {  	_ =	swait.ge [sflag:s21], $0x1000  }
0x141: {  	[sflag:s21] =	ssyncset.done $0x0  }
0x142: {  	s7 =	simm.s32 $0xE80;
	[sflag:s21] =	ssyncadd.s32 $0xFFFFF000  }
0x143: {  	[spmem:s4] =	stream.indirect.scatter.add.f32 [tilespmem:s20], [sflag:$0x7], $0x20, s7, s25, $0xb8;
	[tilespmem:$0x1EC00] =	vst v63  }
0x144: {  	_ =	swait.ge [sflag:s21], $0x1000  }
0x145: {  	[sflag:s21] =	ssyncset.done $0x0  }
0x146: {  	[sflag:s21] =	ssyncadd.s32 $0xFFFFF000  }
0x147: {  	[spmem:s4] =	stream.indirect.scatter.add.f32 [tilespmem:s20], [sflag:$0x7], $0x20, s26, s25, $0xb8;
	[tilespmem:$0x1EC00] =	vst v63  }
0x148: {  	_ =	swait.ge [sflag:s21], $0x1000  }
0x149: {  	[sflag:s21] =	ssyncset.done $0x0  }
0x14a: {  	[sflag:s21] =	ssyncadd.s32 $0xFFFFF000  }
0x14b: {  	[spmem:s4] =	stream.indirect.scatter.add.f32 [tilespmem:s20], [sflag:$0x7], $0x20, s28, s25, $0xb8;
	[tilespmem:$0x1EC00] =	vst v63  }
0x14c: {  	_ =	swait.ge [sflag:s21], $0x1000  }
0x14d: {  	[sflag:s21] =	ssyncset.done $0x0  }
0x14e: {  	[sflag:s21] =	ssyncadd.s32 $0xFFFFF000  }
0x14f: {  	[spmem:s4] =	stream.indirect.scatter.add.f32 [tilespmem:s20], [sflag:$0x7], $0x20, s29, s25, $0xb8;
	[tilespmem:$0x1EC00] =	vst v63  }
0x150: {  	_ =	swait.ge [sflag:s21], $0x1000  }
0x151: {  	[sflag:s21] =	ssyncset.done $0x0  }
0x152: {  	[sflag:s21] =	ssyncadd.s32 $0xFFFFF000  }
0x153: {  	[spmem:s4] =	stream.indirect.scatter.add.f32 [tilespmem:s20], [sflag:$0x7], $0x20, s30, s25, $0xb8;
	[tilespmem:$0x1EC00] =	vst v63  }
0x154: {  	_ =	swait.ge [sflag:s21], $0x1000  }
0x155: {  	[sflag:s21] =	ssyncset.done $0x0  }
0x156: {  	[sflag:s21] =	ssyncadd.s32 $0xFFFFF000  }
0x157: {  	[spmem:s4] =	stream.indirect.scatter.add.f32 [tilespmem:s20], [sflag:$0x7], $0x20, s31, s25, $0xb8;
	[tilespmem:$0x1EC00] =	vst v63  }
0x158: {  	_ =	swait.ge [sflag:s21], $0x1000  }
0x159: {  	[sflag:s21] =	ssyncset.done $0x0  }
0x15a: {  	[sflag:s21] =	ssyncadd.s32 $0xFFFFF000  }
0x15b: {  	[spmem:s4] =	stream.indirect.scatter.add.f32 [tilespmem:s20], [sflag:$0x7], $0x20, s0, s25, $0xb8;
	[tilespmem:$0x1EC00] =	vst v63  }
0x15c: {  	_ =	swait.ge [sflag:s21], $0x1000  }
0x15d: {  	[sflag:s21] =	ssyncset.done $0x0  }
0x15e: {  	[sflag:s21] =	ssyncadd.s32 $0xFFFFF000  }
0x15f: {  	[spmem:s4] =	stream.indirect.scatter.add.f32 [tilespmem:s20], [sflag:$0x7], $0x20, s11, s25, $0xb8;
	[tilespmem:$0x1EC00] =	vst v63  }
0x160: {  	_ =	swait.ge [sflag:s21], $0x1000  }
0x161: {  	[sflag:s21] =	ssyncset.done $0x0  }
0x162: {  	[sflag:s21] =	ssyncadd.s32 $0xFFFFF000  }
0x163: {  	[spmem:s4] =	stream.indirect.scatter.add.f32 [tilespmem:s20], [sflag:$0x7], $0x20, s10, s25, $0xb8;
	[tilespmem:$0x1EC00] =	vst v63  }
0x164: {  	_ =	swait.ge [sflag:s21], $0x1000  }
0x165: {  	[sflag:s21] =	ssyncset.done $0x0  }
0x166: {  	[sflag:s21] =	ssyncadd.s32 $0xFFFFF000  }
0x167: {  	[spmem:s4] =	stream.indirect.scatter.add.f32 [tilespmem:s20], [sflag:$0x7], $0x20, s9, s25, $0xb8;
	[tilespmem:$0x1EC00] =	vst v63  }
0x168: {  	_ =	swait.ge [sflag:s21], $0x1000  }
0x169: {  	[sflag:s21] =	ssyncset.done $0x0  }
0x16a: {  	[sflag:s21] =	ssyncadd.s32 $0xFFFFF000  }
0x16b: {  	[spmem:s4] =	stream.indirect.scatter.add.f32 [tilespmem:s20], [sflag:$0x7], $0x20, s14, s25, $0xb8;
	[tilespmem:$0x1EC00] =	vst v63  }
0x16c: {  	_ =	swait.ge [sflag:s21], $0x1000  }
0x16d: {  	[sflag:s21] =	ssyncset.done $0x0  }
0x16e: {  	s14 =	simm.s32 $0x1400;
	[sflag:s21] =	ssyncadd.s32 $0xFFFFF000  }
0x16f: {  	[spmem:s4] =	stream.indirect.scatter.add.f32 [tilespmem:s20], [sflag:$0x7], $0x20, s14, s25, $0xb8;
	[tilespmem:$0x1EC00] =	vst v63  }
0x170: {  	_ =	swait.ge [sflag:s21], $0x1000  }
0x171: {  	[sflag:s21] =	ssyncset.done $0x0  }
0x172: {  	s19 =	simm.s32 $0x1480;
	[sflag:s21] =	ssyncadd.s32 $0xFFFFF000  }
0x173: {  	[spmem:s4] =	stream.indirect.scatter.add.f32 [tilespmem:s20], [sflag:$0x7], $0x20, s19, s25, $0xb8;
	[tilespmem:$0x1EC00] =	vst v63  }
0x174: {  	_ =	swait.ge [sflag:s21], $0x1000  }
0x175: {  	s7 =	sadd.s32 $0xFFFFE780, s18;
	[sflag:s21] =	ssyncset.done $0x0  }
0x176: {  	s2 =	sadd.s32 $0x1A40, s7;
	[sflag:s21] =	ssyncadd.s32 $0xFFFFF000  }
0x177: {  	[tilespmem:s22], [sflag:$0x5] =	stream.linear.gather [hbm4b:s2+s5], $0x700, $0x38;
	[tilespmem:$0x1EC00] =	vst v63  }
0x178: {  	_ =	swait.ge [sflag:s16], $0x700  }
0x179: {  	[sflag:s16] =	ssyncset.done $0x0  }
0x17a: {  	[sflag:s16] =	ssyncadd.s32 $0xFFFFF900  }
0x17b: {  	[spmem:s4] =	stream.indirect.scatter.add.f32 [tilespmem:s20], [sflag:$0x7], $0x20, s23, s25, $0xb8;
	[tilespmem:$0x1EC00] =	vst v63  }
0x17c: {  	_ =	swait.ge [sflag:s21], $0x1000  }
0x17d: {  	[sflag:s21] =	ssyncset.done $0x0  }
0x17e: {  	s14 =	simm.s32 $0x1580;
	[sflag:s21] =	ssyncadd.s32 $0xFFFFF000  }
0x17f: {  	[spmem:s4] =	stream.indirect.scatter.add.f32 [tilespmem:s20], [sflag:$0x7], $0x20, s14, s25, $0xb8;
	[tilespmem:$0x1EC00] =	vst v63  }
0x180: {  	_ =	swait.ge [sflag:s21], $0x1000  }
0x181: {  	[sflag:s21] =	ssyncset.done $0x0  }
0x182: {  	s19 =	simm.s32 $0x1600;
	[sflag:s21] =	ssyncadd.s32 $0xFFFFF000  }
0x183: {  	[spmem:s4] =	stream.indirect.scatter.add.f32 [tilespmem:s20], [sflag:$0x7], $0x20, s19, s25, $0xb8;
	[tilespmem:$0x1EC00] =	vst v63  }
0x184: {  	_ =	swait.ge [sflag:s21], $0x1000  }
0x185: {  	[sflag:s21] =	ssyncset.done $0x0  }
0x186: {  	s9 =	simm.s32 $0x1680;
	[sflag:s21] =	ssyncadd.s32 $0xFFFFF000  }
0x187: {  	[spmem:s4] =	stream.indirect.scatter.add.f32 [tilespmem:s20], [sflag:$0x7], $0x20, s9, s25, $0xb8;
	[tilespmem:$0x1EC00] =	vst v63  }
0x188: {  	_ =	swait.ge [sflag:s21], $0x1000  }
0x189: {  	[sflag:s21] =	ssyncset.done $0x0  }
0x18a: {  	s14 =	simm.s32 $0x1700;
	[sflag:s21] =	ssyncadd.s32 $0xFFFFF000  }
0x18b: {  	[spmem:s4] =	stream.indirect.scatter.add.f32 [tilespmem:s20], [sflag:$0x7], $0x20, s14, s25, $0xb8;
	[tilespmem:$0x1EC00] =	vst v63  }
0x18c: {  	_ =	swait.ge [sflag:s21], $0x1000  }
0x18d: {  	[sflag:s21] =	ssyncset.done $0x0  }
0x18e: {  	s19 =	simm.s32 $0x1780;
	[sflag:s21] =	ssyncadd.s32 $0xFFFFF000  }
0x18f: {  	[spmem:s4] =	stream.indirect.scatter.add.f32 [tilespmem:s20], [sflag:$0x7], $0x20, s19, s25, $0xb8;
	[tilespmem:$0x1EC00] =	vst v63  }
0x190: {  	_ =	swait.ge [sflag:s21], $0x1000  }
0x191: {  	[sflag:s21] =	ssyncset.done $0x0  }
0x192: {  	s9 =	simm.s32 $0x1800;
	[sflag:s21] =	ssyncadd.s32 $0xFFFFF000  }
0x193: {  	[spmem:s4] =	stream.indirect.scatter.add.f32 [tilespmem:s20], [sflag:$0x7], $0x20, s9, s25, $0xb8;
	[tilespmem:$0x1EC00] =	vst v63  }
0x194: {  	_ =	swait.ge [sflag:s21], $0x1000  }
0x195: {  	[sflag:s21] =	ssyncset.done $0x0  }
0x196: {  	s14 =	simm.s32 $0x1880;
	[sflag:s21] =	ssyncadd.s32 $0xFFFFF000  }
0x197: {  	[spmem:s4] =	stream.indirect.scatter.add.f32 [tilespmem:s20], [sflag:$0x7], $0x20, s14, s25, $0xb8;
	[tilespmem:$0x1EC00] =	vst v63  }
0x198: {  	_ =	swait.ge [sflag:s21], $0x1000  }
0x199: {  	[sflag:s21] =	ssyncset.done $0x0  }
0x19a: {  	s19 =	simm.s32 $0x1900;
	[sflag:s21] =	ssyncadd.s32 $0xFFFFF000  }
0x19b: {  	[spmem:s4] =	stream.indirect.scatter.add.f32 [tilespmem:s20], [sflag:$0x7], $0x20, s19, s25, $0xb8;
	[tilespmem:$0x1EC00] =	vst v63  }
0x19c: {  	_ =	swait.ge [sflag:s21], $0x1000  }
0x19d: {  	[sflag:s21] =	ssyncset.done $0x0  }
0x19e: {  	s9 =	simm.s32 $0x1980;
	[sflag:s21] =	ssyncadd.s32 $0xFFFFF000  }
0x19f: {  	[spmem:s4] =	stream.indirect.scatter.add.f32 [tilespmem:s20], [sflag:$0x7], $0x20, s9, s25, $0xb8;
	[tilespmem:$0x1EC00] =	vst v63  }
0x1a0: {  	_ =	swait.ge [sflag:s21], $0x1000  }
0x1a1: {  	[sflag:s21] =	ssyncset.done $0x0  }
0x1a2: {  	s14 =	simm.s32 $0x1A00;
	[sflag:s21] =	ssyncadd.s32 $0xFFFFF000  }
0x1a3: {  	[spmem:s4] =	stream.indirect.scatter.add.f32 [tilespmem:s20], [sflag:$0x7], $0x20, s14, s25, $0xb8;
	[tilespmem:$0x1EC00] =	vst v63  }
0x1a4: {  	_ =	swait.ge [sflag:s21], $0x1000  }
0x1a5: {  	[sflag:s21] =	ssyncset.done $0x0  }
0x1a6: {  	s19 =	simm.s32 $0x1A80;
	[sflag:s21] =	ssyncadd.s32 $0xFFFFF000  }
0x1a7: {  	[spmem:s4] =	stream.indirect.scatter.add.f32 [tilespmem:s20], [sflag:$0x7], $0x20, s19, s25, $0xb8;
	[tilespmem:$0x1EC00] =	vst v63  }
0x1a8: {  	_ =	swait.ge [sflag:s21], $0x1000  }
0x1a9: {  	[sflag:s21] =	ssyncset.done $0x0  }
0x1aa: {  	s14 =	simm.s32 $0x1B00;
	[sflag:s21] =	ssyncadd.s32 $0xFFFFF000  }
0x1ab: {  	[spmem:s4] =	stream.indirect.scatter.add.f32 [tilespmem:s20], [sflag:$0x7], $0x20, s14, s25, $0xb8;
	[tilespmem:$0x1EC00] =	vst v63  }
0x1ac: {  	_ =	swait.ge [sflag:s21], $0x1000  }
0x1ad: {  	[sflag:s21] =	ssyncset.done $0x0  }
0x1ae: {  	s19 =	simm.s32 $0x1B80;
	[sflag:s21] =	ssyncadd.s32 $0xFFFFF000  }
0x1af: {  	[spmem:s4] =	stream.indirect.scatter.add.f32 [tilespmem:s20], [sflag:$0x7], $0x20, s19, s25, $0xb8;
	[tilespmem:$0x1EC00] =	vst v63  }
0x1b0: {  	_ =	swait.ge [sflag:s21], $0x1000  }
0x1b1: {  	[sflag:s21] =	ssyncset.done $0x0  }
0x1b2: {  	s7 =	sadd.s32 $0x1B20, s7;
	s9 =	simm.s32 $0xFFFFE940;
	[sflag:s21] =	ssyncadd.s32 $0xFFFFF000  }
.LBB2_3:
0x1b3: {  	[tilespmem:s23], [sflag:$0x6] =	stream.linear.gather [hbm4b:s7+s5], $0x700, $0x38;
	[tilespmem:$0x1EC00] =	vst v63  }
0x1b4: {  	s7 =	smov.u32 s9  }
0x1b5: {  	p1 =	seq.s32 s9, $0xFFFFFE40;
	s9 =	sadd.s32 $0x1C0, s9;
	_ =	swait.ge [sflag:s24], $0x700  }
0x1b6: {  	[sflag:s24] =	ssyncset.done $0x0  }
0x1b7: {  	[sflag:s24] =	ssyncadd.s32 $0xFFFFF900  }
0x1b8: {  	[spmem:s4] =	stream.indirect.scatter.add.f32 [tilespmem:s20], [sflag:$0x7], $0x20, s22, s25, $0xb8;
	[tilespmem:$0x1EC00] =	vst v63  }
0x1b9: {  	_ =	swait.ge [sflag:s21], $0x1000  }
0x1ba: {  	[sflag:s21] =	ssyncset.done $0x0  }
0x1bb: {  	s2 =	simm.s32 $0xE80;
	[sflag:s21] =	ssyncadd.s32 $0xFFFFF000  }
0x1bc: {  	[spmem:s4] =	stream.indirect.scatter.add.f32 [tilespmem:s20], [sflag:$0x7], $0x20, s2, s25, $0xb8;
	[tilespmem:$0x1EC00] =	vst v63  }
0x1bd: {  	_ =	swait.ge [sflag:s21], $0x1000  }
0x1be: {  	[sflag:s21] =	ssyncset.done $0x0  }
0x1bf: {  	[sflag:s21] =	ssyncadd.s32 $0xFFFFF000  }
0x1c0: {  	[spmem:s4] =	stream.indirect.scatter.add.f32 [tilespmem:s20], [sflag:$0x7], $0x20, s26, s25, $0xb8;
	[tilespmem:$0x1EC00] =	vst v63  }
0x1c1: {  	_ =	swait.ge [sflag:s21], $0x1000  }
0x1c2: {  	[sflag:s21] =	ssyncset.done $0x0  }
0x1c3: {  	[sflag:s21] =	ssyncadd.s32 $0xFFFFF000  }
0x1c4: {  	[spmem:s4] =	stream.indirect.scatter.add.f32 [tilespmem:s20], [sflag:$0x7], $0x20, s28, s25, $0xb8;
	[tilespmem:$0x1EC00] =	vst v63  }
0x1c5: {  	_ =	swait.ge [sflag:s21], $0x1000  }
0x1c6: {  	[sflag:s21] =	ssyncset.done $0x0  }
0x1c7: {  	[sflag:s21] =	ssyncadd.s32 $0xFFFFF000  }
0x1c8: {  	[spmem:s4] =	stream.indirect.scatter.add.f32 [tilespmem:s20], [sflag:$0x7], $0x20, s29, s25, $0xb8;
	[tilespmem:$0x1EC00] =	vst v63  }
0x1c9: {  	_ =	swait.ge [sflag:s21], $0x1000  }
0x1ca: {  	[sflag:s21] =	ssyncset.done $0x0  }
0x1cb: {  	[sflag:s21] =	ssyncadd.s32 $0xFFFFF000  }
0x1cc: {  	[spmem:s4] =	stream.indirect.scatter.add.f32 [tilespmem:s20], [sflag:$0x7], $0x20, s30, s25, $0xb8;
	[tilespmem:$0x1EC00] =	vst v63  }
0x1cd: {  	_ =	swait.ge [sflag:s21], $0x1000  }
0x1ce: {  	[sflag:s21] =	ssyncset.done $0x0  }
0x1cf: {  	[sflag:s21] =	ssyncadd.s32 $0xFFFFF000  }
0x1d0: {  	[spmem:s4] =	stream.indirect.scatter.add.f32 [tilespmem:s20], [sflag:$0x7], $0x20, s31, s25, $0xb8;
	[tilespmem:$0x1EC00] =	vst v63  }
0x1d1: {  	_ =	swait.ge [sflag:s21], $0x1000  }
0x1d2: {  	[sflag:s21] =	ssyncset.done $0x0  }
0x1d3: {  	[sflag:s21] =	ssyncadd.s32 $0xFFFFF000  }
0x1d4: {  	[spmem:s4] =	stream.indirect.scatter.add.f32 [tilespmem:s20], [sflag:$0x7], $0x20, s0, s25, $0xb8;
	[tilespmem:$0x1EC00] =	vst v63  }
0x1d5: {  	_ =	swait.ge [sflag:s21], $0x1000  }
0x1d6: {  	[sflag:s21] =	ssyncset.done $0x0  }
0x1d7: {  	[sflag:s21] =	ssyncadd.s32 $0xFFFFF000  }
0x1d8: {  	[spmem:s4] =	stream.indirect.scatter.add.f32 [tilespmem:s20], [sflag:$0x7], $0x20, s11, s25, $0xb8;
	[tilespmem:$0x1EC00] =	vst v63  }
0x1d9: {  	_ =	swait.ge [sflag:s21], $0x1000  }
0x1da: {  	[sflag:s21] =	ssyncset.done $0x0  }
0x1db: {  	[sflag:s21] =	ssyncadd.s32 $0xFFFFF000  }
0x1dc: {  	[spmem:s4] =	stream.indirect.scatter.add.f32 [tilespmem:s20], [sflag:$0x7], $0x20, s10, s25, $0xb8;
	[tilespmem:$0x1EC00] =	vst v63  }
0x1dd: {  	_ =	swait.ge [sflag:s21], $0x1000  }
0x1de: {  	[sflag:s21] =	ssyncset.done $0x0  }
0x1df: {  	s2 =	simm.s32 $0x1300;
	[sflag:s21] =	ssyncadd.s32 $0xFFFFF000  }
0x1e0: {  	[spmem:s4] =	stream.indirect.scatter.add.f32 [tilespmem:s20], [sflag:$0x7], $0x20, s2, s25, $0xb8;
	[tilespmem:$0x1EC00] =	vst v63  }
0x1e1: {  	_ =	swait.ge [sflag:s21], $0x1000  }
0x1e2: {  	[sflag:s21] =	ssyncset.done $0x0  }
0x1e3: {  	s2 =	simm.s32 $0x1380;
	[sflag:s21] =	ssyncadd.s32 $0xFFFFF000  }
0x1e4: {  	[spmem:s4] =	stream.indirect.scatter.add.f32 [tilespmem:s20], [sflag:$0x7], $0x20, s2, s25, $0xb8;
	[tilespmem:$0x1EC00] =	vst v63  }
0x1e5: {  	_ =	swait.ge [sflag:s21], $0x1000  }
0x1e6: {  	[sflag:s21] =	ssyncset.done $0x0  }
0x1e7: {  	s2 =	simm.s32 $0x1400;
	[sflag:s21] =	ssyncadd.s32 $0xFFFFF000  }
0x1e8: {  	[spmem:s4] =	stream.indirect.scatter.add.f32 [tilespmem:s20], [sflag:$0x7], $0x20, s2, s25, $0xb8;
	[tilespmem:$0x1EC00] =	vst v63  }
0x1e9: {  	_ =	swait.ge [sflag:s21], $0x1000  }
0x1ea: {  	[sflag:s21] =	ssyncset.done $0x0  }
0x1eb: {  	s2 =	simm.s32 $0x1480;
	[sflag:s21] =	ssyncadd.s32 $0xFFFFF000  }
0x1ec: {  	[spmem:s4] =	stream.indirect.scatter.add.f32 [tilespmem:s20], [sflag:$0x7], $0x20, s2, s25, $0xb8;
	[tilespmem:$0x1EC00] =	vst v63  }
0x1ed: {  	_ =	swait.ge [sflag:s21], $0x1000  }
0x1ee: {  	s7 =	sadd.s32 s7, s18;
	[sflag:s21] =	ssyncset.done $0x0  }
0x1ef: {  	s10 =	sadd.s32 $0x1A40, s7;
	[sflag:s21] =	ssyncadd.s32 $0xFFFFF000  }
0x1f0: {  	[tilespmem:s22], [sflag:$0x5] =	stream.linear.gather [hbm4b:s10+s5], $0x700, $0x38;
	[tilespmem:$0x1EC00] =	vst v63  }
0x1f1: {  	s10 =	simm.s32 $0x1280  }
0x1f2: {  	_ =	swait.ge [sflag:s16], $0x700  }
0x1f3: {  	[sflag:s16] =	ssyncset.done $0x0  }
0x1f4: {  	[sflag:s16] =	ssyncadd.s32 $0xFFFFF900  }
0x1f5: {  	[spmem:s4] =	stream.indirect.scatter.add.f32 [tilespmem:s20], [sflag:$0x7], $0x20, s23, s25, $0xb8;
	[tilespmem:$0x1EC00] =	vst v63  }
0x1f6: {  	_ =	swait.ge [sflag:s21], $0x1000  }
0x1f7: {  	[sflag:s21] =	ssyncset.done $0x0  }
0x1f8: {  	s2 =	simm.s32 $0x1580;
	[sflag:s21] =	ssyncadd.s32 $0xFFFFF000  }
0x1f9: {  	[spmem:s4] =	stream.indirect.scatter.add.f32 [tilespmem:s20], [sflag:$0x7], $0x20, s2, s25, $0xb8;
	[tilespmem:$0x1EC00] =	vst v63  }
0x1fa: {  	_ =	swait.ge [sflag:s21], $0x1000  }
0x1fb: {  	[sflag:s21] =	ssyncset.done $0x0  }
0x1fc: {  	s2 =	simm.s32 $0x1600;
	[sflag:s21] =	ssyncadd.s32 $0xFFFFF000  }
0x1fd: {  	[spmem:s4] =	stream.indirect.scatter.add.f32 [tilespmem:s20], [sflag:$0x7], $0x20, s2, s25, $0xb8;
	[tilespmem:$0x1EC00] =	vst v63  }
0x1fe: {  	_ =	swait.ge [sflag:s21], $0x1000  }
0x1ff: {  	[sflag:s21] =	ssyncset.done $0x0  }
0x200: {  	s2 =	simm.s32 $0x1680;
	[sflag:s21] =	ssyncadd.s32 $0xFFFFF000  }
0x201: {  	[spmem:s4] =	stream.indirect.scatter.add.f32 [tilespmem:s20], [sflag:$0x7], $0x20, s2, s25, $0xb8;
	[tilespmem:$0x1EC00] =	vst v63  }
0x202: {  	_ =	swait.ge [sflag:s21], $0x1000  }
0x203: {  	[sflag:s21] =	ssyncset.done $0x0  }
0x204: {  	s2 =	simm.s32 $0x1700;
	[sflag:s21] =	ssyncadd.s32 $0xFFFFF000  }
0x205: {  	[spmem:s4] =	stream.indirect.scatter.add.f32 [tilespmem:s20], [sflag:$0x7], $0x20, s2, s25, $0xb8;
	[tilespmem:$0x1EC00] =	vst v63  }
0x206: {  	_ =	swait.ge [sflag:s21], $0x1000  }
0x207: {  	[sflag:s21] =	ssyncset.done $0x0  }
0x208: {  	s2 =	simm.s32 $0x1780;
	[sflag:s21] =	ssyncadd.s32 $0xFFFFF000  }
0x209: {  	[spmem:s4] =	stream.indirect.scatter.add.f32 [tilespmem:s20], [sflag:$0x7], $0x20, s2, s25, $0xb8;
	[tilespmem:$0x1EC00] =	vst v63  }
0x20a: {  	_ =	swait.ge [sflag:s21], $0x1000  }
0x20b: {  	[sflag:s21] =	ssyncset.done $0x0  }
0x20c: {  	s2 =	simm.s32 $0x1800;
	[sflag:s21] =	ssyncadd.s32 $0xFFFFF000  }
0x20d: {  	[spmem:s4] =	stream.indirect.scatter.add.f32 [tilespmem:s20], [sflag:$0x7], $0x20, s2, s25, $0xb8;
	[tilespmem:$0x1EC00] =	vst v63  }
0x20e: {  	_ =	swait.ge [sflag:s21], $0x1000  }
0x20f: {  	[sflag:s21] =	ssyncset.done $0x0  }
0x210: {  	s2 =	simm.s32 $0x1880;
	[sflag:s21] =	ssyncadd.s32 $0xFFFFF000  }
0x211: {  	[spmem:s4] =	stream.indirect.scatter.add.f32 [tilespmem:s20], [sflag:$0x7], $0x20, s2, s25, $0xb8;
	[tilespmem:$0x1EC00] =	vst v63  }
0x212: {  	_ =	swait.ge [sflag:s21], $0x1000  }
0x213: {  	[sflag:s21] =	ssyncset.done $0x0  }
0x214: {  	s2 =	simm.s32 $0x1900;
	[sflag:s21] =	ssyncadd.s32 $0xFFFFF000  }
0x215: {  	[spmem:s4] =	stream.indirect.scatter.add.f32 [tilespmem:s20], [sflag:$0x7], $0x20, s2, s25, $0xb8;
	[tilespmem:$0x1EC00] =	vst v63  }
0x216: {  	_ =	swait.ge [sflag:s21], $0x1000  }
0x217: {  	[sflag:s21] =	ssyncset.done $0x0  }
0x218: {  	s2 =	simm.s32 $0x1980;
	[sflag:s21] =	ssyncadd.s32 $0xFFFFF000  }
0x219: {  	[spmem:s4] =	stream.indirect.scatter.add.f32 [tilespmem:s20], [sflag:$0x7], $0x20, s2, s25, $0xb8;
	[tilespmem:$0x1EC00] =	vst v63  }
0x21a: {  	_ =	swait.ge [sflag:s21], $0x1000  }
0x21b: {  	[sflag:s21] =	ssyncset.done $0x0  }
0x21c: {  	s2 =	simm.s32 $0x1A00;
	[sflag:s21] =	ssyncadd.s32 $0xFFFFF000  }
0x21d: {  	[spmem:s4] =	stream.indirect.scatter.add.f32 [tilespmem:s20], [sflag:$0x7], $0x20, s2, s25, $0xb8;
	[tilespmem:$0x1EC00] =	vst v63  }
0x21e: {  	_ =	swait.ge [sflag:s21], $0x1000  }
0x21f: {  	[sflag:s21] =	ssyncset.done $0x0  }
0x220: {  	s2 =	simm.s32 $0x1A80;
	[sflag:s21] =	ssyncadd.s32 $0xFFFFF000  }
0x221: {  	[spmem:s4] =	stream.indirect.scatter.add.f32 [tilespmem:s20], [sflag:$0x7], $0x20, s2, s25, $0xb8;
	[tilespmem:$0x1EC00] =	vst v63  }
0x222: {  	_ =	swait.ge [sflag:s21], $0x1000  }
0x223: {  	[sflag:s21] =	ssyncset.done $0x0  }
0x224: {  	[sflag:s21] =	ssyncadd.s32 $0xFFFFF000  }
0x225: {  	[spmem:s4] =	stream.indirect.scatter.add.f32 [tilespmem:s20], [sflag:$0x7], $0x20, s14, s25, $0xb8;
	[tilespmem:$0x1EC00] =	vst v63  }
0x226: {  	_ =	swait.ge [sflag:s21], $0x1000  }
0x227: {  	[sflag:s21] =	ssyncset.done $0x0  }
.Ltmp3:
0x228: {  	[sflag:s21] =	ssyncadd.s32 $0xFFFFF000;
	(pc) =	sbr.rel @!p1 .LBB2_3-.Ltmp3, $4  }
0x229: {  	[spmem:s4] =	stream.indirect.scatter.add.f32 [tilespmem:s20], [sflag:$0x7], $0x20, s19, s25, $0xb8;
	[tilespmem:$0x1EC00] =	vst v63  }
0x22a: {  	_ =	swait.ge [sflag:s21], $0x1000  }
0x22b: {  	[sflag:s21] =	ssyncset.done $0x0  }
0x22c: {  	s7 =	sadd.s32 $0x1B20, s7;
	[sflag:s21] =	ssyncadd.s32 $0xFFFFF000  }
0x22d: {  	[tilespmem:s23], [sflag:$0x6] =	stream.linear.gather [hbm4b:s7+s5], $0x700, $0x38;
	[tilespmem:$0x1EC00] =	vst v63  }
.LBB2_8:
0x22e: {  	_ =	swait.ge [sflag:s24], $0x700  }
0x22f: {  	[sflag:s24] =	ssyncset.done $0x0  }
0x230: {  	[sflag:s24] =	ssyncadd.s32 $0xFFFFF900  }
0x231: {  	_ =	swait.ge [sflag:s16], $0x700  }
0x232: {  	[sflag:s16] =	ssyncset.done $0x0  }
0x233: {  	[sflag:s16] =	ssyncadd.s32 $0xFFFFF900  }
0x234: {  	[bflag:$0x0] =	sbarrier.arrive $0xFFFF  }
0x235: {  	s2 =	sld [smem:$0x7F6]  }
0x236: {  	s0 =	sld [smem:$0x7EE]  }
0x237: {  	s7 =	sld [smem:$0x7EF];
	_ =	sdelay $0x2  }
0x238: {  	[hbm:s2], [sflag:s0] =	dma.local [spmem:s7], $0x3200  }
0x239: {  	_ =	swait.ge [sflag:s21], $0x3200  }
0x23a: {  	s9 =	sld [smem:$0x7FD]  }
0x23b: {  	[sflag:s21] =	ssyncset.done $0x0  }
0x23c: {  	[sflag:s21] =	ssyncadd.s32 $0xFFFFCE00  }
0x23d: {  	[spmem:s7], [sflag:s0] =	dma.local [hbm:s9], $0x3200  }
0x23e: {  	_ =	swait.ge [sflag:s21], $0x3200  }
0x23f: {  	[sflag:s21] =	ssyncset.done $0x0  }
0x240: {  	[sflag:s21] =	ssyncadd.s32 $0xFFFFCE00  }
0x241: {  	[bflag:$0x0] =	sbarrier.arrive $0xFFFF  }
0x242: {  	s14 =	sld [smem:$0x7F7];
	_ =	sdelay $0x1  }
0x243: {  	s11 =	simm.s32 $0x0;
	s19 =	sld [smem:$0x7F2]  }
0x244: {  	[tilespmem:s11], [sflag:$0x5] =	stream.linear.gather [hbm4b:s14+s11], $0x700, $0x38;
	[tilespmem:$0x1EC00] =	vst v63  }
0x245: {  	s26 =	sld [smem:$0x7F8]  }
0x246: {  	[tilespmem:s22], [sflag:$0x5] =	stream.linear.gather [hbm4b:s19+s11], $0x700, $0x38;
	[tilespmem:$0x1EC00] =	vst v63  }
0x247: {  	s28 =	simm.s32 $0x700;
	s0 =	sld [smem:$0x7F3]  }
0x248: {  	[tilespmem:s28], [sflag:$0x6] =	stream.linear.gather [hbm4b:s26+s11], $0x700, $0x38;
	[tilespmem:$0x1EC00] =	vst v63  }
0x249: {  	_ = 	snop  }
0x24a: {  	[tilespmem:s23], [sflag:$0x6] =	stream.linear.gather [hbm4b:s0+s11], $0x700, $0x38;
	[tilespmem:$0x1EC00] =	vst v63  }
0x24b: {  	_ =	swait.ge [sflag:s24], $0x700  }
0x24c: {  	[sflag:s24] =	ssyncset.done $0x0  }
0x24d: {  	[sflag:s24] =	ssyncadd.s32 $0xFFFFF900  }
0x24e: {  	_ =	swait.ge [sflag:s24], $0x700  }
0x24f: {  	[sflag:s24] =	ssyncset.done $0x0  }
0x250: {  	[sflag:s24] =	ssyncadd.s32 $0xFFFFF900  }
0x251: {  	[tilespmem:s20], [sflag:$0x1] =	stream.indirect.gather [hbm4b:s1+s25], $0x20, s5, s25, $0xb8;
	[tilespmem:$0x1EC00] =	vst v63  }
0x252: {  	_ = 	snop  }
0x253: {  	[tilespmem:s12], [sflag:$0x2] =	stream.indirect.gather [hbm4b:s1+s25], $0x20, s25, s25, $0xb8;
	[tilespmem:$0x1EC00] =	vst v63  }
0x254: {  	s2 =	rddreg [dreg:$0x7]  }
0x255: {  	[tilespmem:s3], [sflag:$0x3] =	stream.indirect.gather [hbm4b:s1+s25], $0x20, s2, s25, $0xb8;
	[tilespmem:$0x1EC00] =	vst v63  }
0x256: {  	s9 =	rddreg [dreg:$0x8]  }
0x257: {  	[tilespmem:s6], [sflag:$0x4] =	stream.indirect.gather [hbm4b:s1+s25], $0x20, s9, s25, $0xb8;
	[tilespmem:$0x1EC00] =	vst v63  }
0x258: {  	_ =	swait.ge [sflag:s8], $0x1000  }
0x259: {  	[sflag:s8] =	ssyncset.done $0x0  }
0x25a: {  	[sflag:s8] =	ssyncadd.s32 $0xFFFFF000  }
0x25b: {  	[spmem:s4] =	stream.indirect.scatter.add.f32 [tilespmem:s20], [sflag:$0x7], $0x20, s22, s25, $0xb8;
	[tilespmem:$0x1EC00] =	vst v63  }
0x25c: {  	_ =	swait.ge [sflag:s21], $0x1000  }
0x25d: {  	[sflag:s21] =	ssyncset.done $0x0  }
0x25e: {  	s11 =	rddreg [dreg:$0x9];
	[sflag:s21] =	ssyncadd.s32 $0xFFFFF000  }
0x25f: {  	[tilespmem:s20], [sflag:$0x1] =	stream.indirect.gather [hbm4b:s1+s25], $0x20, s11, s25, $0xb8;
	[tilespmem:$0x1EC00] =	vst v63  }
0x260: {  	_ =	swait.ge [sflag:s13], $0x1000  }
0x261: {  	[sflag:s13] =	ssyncset.done $0x0  }
0x262: {  	s14 =	simm.s32 $0xE80;
	[sflag:s13] =	ssyncadd.s32 $0xFFFFF000  }
0x263: {  	[spmem:s4] =	stream.indirect.scatter.add.f32 [tilespmem:s12], [sflag:$0x7], $0x20, s14, s25, $0xb8;
	[tilespmem:$0x1EC00] =	vst v63  }
0x264: {  	_ =	swait.ge [sflag:s21], $0x1000  }
0x265: {  	[sflag:s21] =	ssyncset.done $0x0  }
0x266: {  	s19 =	rddreg [dreg:$0xa];
	[sflag:s21] =	ssyncadd.s32 $0xFFFFF000  }
0x267: {  	[tilespmem:s12], [sflag:$0x2] =	stream.indirect.gather [hbm4b:s1+s25], $0x20, s19, s25, $0xb8;
	[tilespmem:$0x1EC00] =	vst v63  }
0x268: {  	_ =	swait.ge [sflag:s15], $0x1000  }
0x269: {  	[sflag:s15] =	ssyncset.done $0x0  }
0x26a: {  	s26 =	simm.s32 $0xF00;
	[sflag:s15] =	ssyncadd.s32 $0xFFFFF000  }
0x26b: {  	[spmem:s4] =	stream.indirect.scatter.add.f32 [tilespmem:s3], [sflag:$0x7], $0x20, s26, s25, $0xb8;
	[tilespmem:$0x1EC00] =	vst v63  }
0x26c: {  	_ =	swait.ge [sflag:s21], $0x1000  }
0x26d: {  	[sflag:s21] =	ssyncset.done $0x0  }
0x26e: {  	s2 =	rddreg [dreg:$0xb];
	[sflag:s21] =	ssyncadd.s32 $0xFFFFF000  }
0x26f: {  	[tilespmem:s3], [sflag:$0x3] =	stream.indirect.gather [hbm4b:s1+s25], $0x20, s2, s25, $0xb8;
	[tilespmem:$0x1EC00] =	vst v63  }
0x270: {  	_ =	swait.ge [sflag:s17], $0x1000  }
0x271: {  	[sflag:s17] =	ssyncset.done $0x0  }
0x272: {  	s9 =	simm.s32 $0xF80;
	[sflag:s17] =	ssyncadd.s32 $0xFFFFF000  }
0x273: {  	[spmem:s4] =	stream.indirect.scatter.add.f32 [tilespmem:s6], [sflag:$0x7], $0x20, s9, s25, $0xb8;
	[tilespmem:$0x1EC00] =	vst v63  }
0x274: {  	_ =	swait.ge [sflag:s21], $0x1000  }
0x275: {  	[sflag:s21] =	ssyncset.done $0x0  }
0x276: {  	s11 =	rddreg [dreg:$0xc];
	[sflag:s21] =	ssyncadd.s32 $0xFFFFF000  }
0x277: {  	[tilespmem:s6], [sflag:$0x4] =	stream.indirect.gather [hbm4b:s1+s25], $0x20, s11, s25, $0xb8;
	[tilespmem:$0x1EC00] =	vst v63  }
0x278: {  	_ =	swait.ge [sflag:s8], $0x1000  }
0x279: {  	[sflag:s8] =	ssyncset.done $0x0  }
0x27a: {  	s14 =	simm.s32 $0x1000;
	[sflag:s8] =	ssyncadd.s32 $0xFFFFF000  }
0x27b: {  	[spmem:s4] =	stream.indirect.scatter.add.f32 [tilespmem:s20], [sflag:$0x7], $0x20, s14, s25, $0xb8;
	[tilespmem:$0x1EC00] =	vst v63  }
0x27c: {  	_ =	swait.ge [sflag:s21], $0x1000  }
0x27d: {  	[sflag:s21] =	ssyncset.done $0x0  }
0x27e: {  	s19 =	rddreg [dreg:$0xd];
	[sflag:s21] =	ssyncadd.s32 $0xFFFFF000  }
0x27f: {  	[tilespmem:s20], [sflag:$0x1] =	stream.indirect.gather [hbm4b:s1+s25], $0x20, s19, s25, $0xb8;
	[tilespmem:$0x1EC00] =	vst v63  }
0x280: {  	_ =	swait.ge [sflag:s13], $0x1000  }
0x281: {  	[sflag:s13] =	ssyncset.done $0x0  }
0x282: {  	s26 =	simm.s32 $0x1080;
	[sflag:s13] =	ssyncadd.s32 $0xFFFFF000  }
0x283: {  	[spmem:s4] =	stream.indirect.scatter.add.f32 [tilespmem:s12], [sflag:$0x7], $0x20, s26, s25, $0xb8;
	[tilespmem:$0x1EC00] =	vst v63  }
0x284: {  	_ =	swait.ge [sflag:s21], $0x1000  }
0x285: {  	[sflag:s21] =	ssyncset.done $0x0  }
0x286: {  	s2 =	rddreg [dreg:$0xe];
	[sflag:s21] =	ssyncadd.s32 $0xFFFFF000  }
0x287: {  	[tilespmem:s12], [sflag:$0x2] =	stream.indirect.gather [hbm4b:s1+s25], $0x20, s2, s25, $0xb8;
	[tilespmem:$0x1EC00] =	vst v63  }
0x288: {  	_ =	swait.ge [sflag:s15], $0x1000  }
0x289: {  	[sflag:s15] =	ssyncset.done $0x0  }
0x28a: {  	s7 =	simm.s32 $0x1100;
	[sflag:s15] =	ssyncadd.s32 $0xFFFFF000  }
0x28b: {  	[spmem:s4] =	stream.indirect.scatter.add.f32 [tilespmem:s3], [sflag:$0x7], $0x20, s7, s25, $0xb8;
	[tilespmem:$0x1EC00] =	vst v63  }
0x28c: {  	_ =	swait.ge [sflag:s21], $0x1000  }
0x28d: {  	[sflag:s21] =	ssyncset.done $0x0  }
0x28e: {  	s9 =	rddreg [dreg:$0xf];
	[sflag:s21] =	ssyncadd.s32 $0xFFFFF000  }
0x28f: {  	[tilespmem:s3], [sflag:$0x3] =	stream.indirect.gather [hbm4b:s1+s25], $0x20, s9, s25, $0xb8;
	[tilespmem:$0x1EC00] =	vst v63  }
0x290: {  	_ =	swait.ge [sflag:s17], $0x1000  }
0x291: {  	[sflag:s17] =	ssyncset.done $0x0  }
0x292: {  	s11 =	simm.s32 $0x1180;
	[sflag:s17] =	ssyncadd.s32 $0xFFFFF000  }
0x293: {  	[spmem:s4] =	stream.indirect.scatter.add.f32 [tilespmem:s6], [sflag:$0x7], $0x20, s11, s25, $0xb8;
	[tilespmem:$0x1EC00] =	vst v63  }
0x294: {  	_ =	swait.ge [sflag:s21], $0x1000  }
0x295: {  	[sflag:s21] =	ssyncset.done $0x0  }
0x296: {  	s14 =	rddreg [dreg:$0x10];
	[sflag:s21] =	ssyncadd.s32 $0xFFFFF000  }
0x297: {  	[tilespmem:s6], [sflag:$0x4] =	stream.indirect.gather [hbm4b:s1+s25], $0x20, s14, s25, $0xb8;
	[tilespmem:$0x1EC00] =	vst v63  }
0x298: {  	_ =	swait.ge [sflag:s8], $0x1000  }
0x299: {  	[sflag:s8] =	ssyncset.done $0x0  }
0x29a: {  	s19 =	simm.s32 $0x1200;
	[sflag:s8] =	ssyncadd.s32 $0xFFFFF000  }
0x29b: {  	[spmem:s4] =	stream.indirect.scatter.add.f32 [tilespmem:s20], [sflag:$0x7], $0x20, s19, s25, $0xb8;
	[tilespmem:$0x1EC00] =	vst v63  }
0x29c: {  	_ =	swait.ge [sflag:s21], $0x1000  }
0x29d: {  	[sflag:s21] =	ssyncset.done $0x0  }
0x29e: {  	s26 =	rddreg [dreg:$0x11];
	[sflag:s21] =	ssyncadd.s32 $0xFFFFF000  }
0x29f: {  	[tilespmem:s20], [sflag:$0x1] =	stream.indirect.gather [hbm4b:s1+s25], $0x20, s26, s25, $0xb8;
	[tilespmem:$0x1EC00] =	vst v63  }
0x2a0: {  	_ =	swait.ge [sflag:s13], $0x1000  }
0x2a1: {  	[sflag:s13] =	ssyncset.done $0x0  }
0x2a2: {  	[sflag:s13] =	ssyncadd.s32 $0xFFFFF000  }
0x2a3: {  	[spmem:s4] =	stream.indirect.scatter.add.f32 [tilespmem:s12], [sflag:$0x7], $0x20, s10, s25, $0xb8;
	[tilespmem:$0x1EC00] =	vst v63  }
0x2a4: {  	_ =	swait.ge [sflag:s21], $0x1000  }
0x2a5: {  	[sflag:s21] =	ssyncset.done $0x0  }
0x2a6: {  	s0 =	rddreg [dreg:$0x12];
	[sflag:s21] =	ssyncadd.s32 $0xFFFFF000  }
0x2a7: {  	[tilespmem:s12], [sflag:$0x2] =	stream.indirect.gather [hbm4b:s1+s25], $0x20, s0, s25, $0xb8;
	[tilespmem:$0x1EC00] =	vst v63  }
0x2a8: {  	_ =	swait.ge [sflag:s15], $0x1000  }
0x2a9: {  	[sflag:s15] =	ssyncset.done $0x0  }
0x2aa: {  	s2 =	simm.s32 $0x1300;
	[sflag:s15] =	ssyncadd.s32 $0xFFFFF000  }
0x2ab: {  	[spmem:s4] =	stream.indirect.scatter.add.f32 [tilespmem:s3], [sflag:$0x7], $0x20, s2, s25, $0xb8;
	[tilespmem:$0x1EC00] =	vst v63  }
0x2ac: {  	_ =	swait.ge [sflag:s21], $0x1000  }
0x2ad: {  	[sflag:s21] =	ssyncset.done $0x0  }
0x2ae: {  	[sflag:s21] =	ssyncadd.s32 $0xFFFFF000  }
0x2af: {  	_ =	swait.ge [sflag:s16], $0x700  }
0x2b0: {  	[sflag:s16] =	ssyncset.done $0x0  }
0x2b1: {  	[sflag:s16] =	ssyncadd.s32 $0xFFFFF900  }
0x2b2: {  	_ =	swait.ge [sflag:s16], $0x700  }
0x2b3: {  	[sflag:s16] =	ssyncset.done $0x0  }
0x2b4: {  	[sflag:s16] =	ssyncadd.s32 $0xFFFFF900  }
0x2b5: {  	[tilespmem:s3], [sflag:$0x3] =	stream.indirect.gather [hbm4b:s1+s25], $0x20, s28, s25, $0xb8;
	[tilespmem:$0x1EC00] =	vst v63  }
0x2b6: {  	_ =	swait.ge [sflag:s17], $0x1000  }
0x2b7: {  	[sflag:s17] =	ssyncset.done $0x0  }
0x2b8: {  	s7 =	simm.s32 $0x1380;
	[sflag:s17] =	ssyncadd.s32 $0xFFFFF000  }
0x2b9: {  	[spmem:s4] =	stream.indirect.scatter.add.f32 [tilespmem:s6], [sflag:$0x7], $0x20, s7, s25, $0xb8;
	[tilespmem:$0x1EC00] =	vst v63  }
0x2ba: {  	_ =	swait.ge [sflag:s21], $0x1000  }
0x2bb: {  	[sflag:s21] =	ssyncset.done $0x0  }
0x2bc: {  	s9 =	rddreg [dreg:$0x13];
	[sflag:s21] =	ssyncadd.s32 $0xFFFFF000  }
0x2bd: {  	[tilespmem:s6], [sflag:$0x4] =	stream.indirect.gather [hbm4b:s1+s25], $0x20, s9, s25, $0xb8;
	[tilespmem:$0x1EC00] =	vst v63  }
0x2be: {  	_ =	swait.ge [sflag:s8], $0x1000  }
0x2bf: {  	[sflag:s8] =	ssyncset.done $0x0  }
0x2c0: {  	s10 =	simm.s32 $0x1400;
	[sflag:s8] =	ssyncadd.s32 $0xFFFFF000  }
0x2c1: {  	[spmem:s4] =	stream.indirect.scatter.add.f32 [tilespmem:s20], [sflag:$0x7], $0x20, s10, s25, $0xb8;
	[tilespmem:$0x1EC00] =	vst v63  }
0x2c2: {  	_ =	swait.ge [sflag:s21], $0x1000  }
0x2c3: {  	[sflag:s21] =	ssyncset.done $0x0  }
0x2c4: {  	s11 =	rddreg [dreg:$0x14];
	[sflag:s21] =	ssyncadd.s32 $0xFFFFF000  }
0x2c5: {  	[tilespmem:s20], [sflag:$0x1] =	stream.indirect.gather [hbm4b:s1+s25], $0x20, s11, s25, $0xb8;
	[tilespmem:$0x1EC00] =	vst v63  }
0x2c6: {  	_ =	swait.ge [sflag:s13], $0x1000  }
0x2c7: {  	[sflag:s13] =	ssyncset.done $0x0  }
0x2c8: {  	s14 =	simm.s32 $0x1480;
	[sflag:s13] =	ssyncadd.s32 $0xFFFFF000  }
0x2c9: {  	[spmem:s4] =	stream.indirect.scatter.add.f32 [tilespmem:s12], [sflag:$0x7], $0x20, s14, s25, $0xb8;
	[tilespmem:$0x1EC00] =	vst v63  }
0x2ca: {  	_ =	swait.ge [sflag:s21], $0x1000  }
0x2cb: {  	[sflag:s21] =	ssyncset.done $0x0;
	s10 =	sld [smem:$0x7FB]  }
0x2cc: {  	s19 =	rddreg [dreg:$0x15];
	[sflag:s21] =	ssyncadd.s32 $0xFFFFF000  }
0x2cd: {  	[tilespmem:s12], [sflag:$0x2] =	stream.indirect.gather [hbm4b:s1+s25], $0x20, s19, s25, $0xb8;
	[tilespmem:$0x1EC00] =	vst v63  }
0x2ce: {  	s2 =	rddreg [dreg:$0x1];
	s26 =	sshrl.u32 s10, $0x3  }
0x2cf: {  	s7 =	sadd.s32 $0x0, s18;
	s9 =	sadd.s32 s2, s26  }
0x2d0: {  	[tilespmem:s5], [sflag:$0x5] =	stream.linear.gather [hbm4b:s9+s5], $0x700, $0x38;
	[tilespmem:$0x1EC00] =	vst v63  }
0x2d1: {  	s0 =	sadd.s32 $0x1C0, s7  }
0x2d2: {  	[tilespmem:s22], [sflag:$0x5] =	stream.linear.gather [hbm4b:s0+s5], $0x700, $0x38;
	[tilespmem:$0x1EC00] =	vst v63  }
0x2d3: {  	_ =	swait.ge [sflag:s15], $0x1000  }
0x2d4: {  	[sflag:s15] =	ssyncset.done $0x0  }
0x2d5: {  	[sflag:s15] =	ssyncadd.s32 $0xFFFFF000  }
0x2d6: {  	[spmem:s4] =	stream.indirect.scatter.add.f32 [tilespmem:s3], [sflag:$0x7], $0x20, s23, s25, $0xb8;
	[tilespmem:$0x1EC00] =	vst v63  }
0x2d7: {  	_ =	swait.ge [sflag:s21], $0x1000  }
0x2d8: {  	[sflag:s21] =	ssyncset.done $0x0  }
0x2d9: {  	s11 =	rddreg [dreg:$0x16];
	[sflag:s21] =	ssyncadd.s32 $0xFFFFF000  }
0x2da: {  	[tilespmem:s3], [sflag:$0x3] =	stream.indirect.gather [hbm4b:s1+s25], $0x20, s11, s25, $0xb8;
	[tilespmem:$0x1EC00] =	vst v63  }
0x2db: {  	_ =	swait.ge [sflag:s17], $0x1000  }
0x2dc: {  	[sflag:s17] =	ssyncset.done $0x0  }
0x2dd: {  	s14 =	simm.s32 $0x1580;
	[sflag:s17] =	ssyncadd.s32 $0xFFFFF000  }
0x2de: {  	[spmem:s4] =	stream.indirect.scatter.add.f32 [tilespmem:s6], [sflag:$0x7], $0x20, s14, s25, $0xb8;
	[tilespmem:$0x1EC00] =	vst v63  }
0x2df: {  	_ =	swait.ge [sflag:s21], $0x1000  }
0x2e0: {  	[sflag:s21] =	ssyncset.done $0x0  }
0x2e1: {  	s19 =	rddreg [dreg:$0x17];
	[sflag:s21] =	ssyncadd.s32 $0xFFFFF000  }
0x2e2: {  	[tilespmem:s6], [sflag:$0x4] =	stream.indirect.gather [hbm4b:s1+s25], $0x20, s19, s25, $0xb8;
	[tilespmem:$0x1EC00] =	vst v63  }
0x2e3: {  	_ =	swait.ge [sflag:s8], $0x1000  }
0x2e4: {  	[sflag:s8] =	ssyncset.done $0x0  }
0x2e5: {  	s26 =	simm.s32 $0x1600;
	[sflag:s8] =	ssyncadd.s32 $0xFFFFF000  }
0x2e6: {  	[spmem:s4] =	stream.indirect.scatter.add.f32 [tilespmem:s20], [sflag:$0x7], $0x20, s26, s25, $0xb8;
	[tilespmem:$0x1EC00] =	vst v63  }
0x2e7: {  	_ =	swait.ge [sflag:s21], $0x1000  }
0x2e8: {  	[sflag:s21] =	ssyncset.done $0x0  }
0x2e9: {  	s0 =	rddreg [dreg:$0x18];
	[sflag:s21] =	ssyncadd.s32 $0xFFFFF000  }
0x2ea: {  	[tilespmem:s20], [sflag:$0x1] =	stream.indirect.gather [hbm4b:s1+s25], $0x20, s0, s25, $0xb8;
	[tilespmem:$0x1EC00] =	vst v63  }
0x2eb: {  	_ =	swait.ge [sflag:s13], $0x1000  }
0x2ec: {  	[sflag:s13] =	ssyncset.done $0x0  }
0x2ed: {  	s9 =	simm.s32 $0x1680;
	[sflag:s13] =	ssyncadd.s32 $0xFFFFF000  }
0x2ee: {  	[spmem:s4] =	stream.indirect.scatter.add.f32 [tilespmem:s12], [sflag:$0x7], $0x20, s9, s25, $0xb8;
	[tilespmem:$0x1EC00] =	vst v63  }
0x2ef: {  	_ =	swait.ge [sflag:s21], $0x1000  }
0x2f0: {  	[sflag:s21] =	ssyncset.done $0x0  }
0x2f1: {  	s11 =	rddreg [dreg:$0x19];
	[sflag:s21] =	ssyncadd.s32 $0xFFFFF000  }
0x2f2: {  	[tilespmem:s12], [sflag:$0x2] =	stream.indirect.gather [hbm4b:s1+s25], $0x20, s11, s25, $0xb8;
	[tilespmem:$0x1EC00] =	vst v63  }
0x2f3: {  	_ =	swait.ge [sflag:s15], $0x1000  }
0x2f4: {  	[sflag:s15] =	ssyncset.done $0x0  }
0x2f5: {  	s14 =	simm.s32 $0x1700;
	[sflag:s15] =	ssyncadd.s32 $0xFFFFF000  }
0x2f6: {  	[spmem:s4] =	stream.indirect.scatter.add.f32 [tilespmem:s3], [sflag:$0x7], $0x20, s14, s25, $0xb8;
	[tilespmem:$0x1EC00] =	vst v63  }
0x2f7: {  	_ =	swait.ge [sflag:s21], $0x1000  }
0x2f8: {  	[sflag:s21] =	ssyncset.done $0x0  }
0x2f9: {  	s19 =	rddreg [dreg:$0x1a];
	[sflag:s21] =	ssyncadd.s32 $0xFFFFF000  }
0x2fa: {  	[tilespmem:s3], [sflag:$0x3] =	stream.indirect.gather [hbm4b:s1+s25], $0x20, s19, s25, $0xb8;
	[tilespmem:$0x1EC00] =	vst v63  }
0x2fb: {  	_ =	swait.ge [sflag:s17], $0x1000  }
0x2fc: {  	[sflag:s17] =	ssyncset.done $0x0  }
0x2fd: {  	s26 =	simm.s32 $0x1780;
	[sflag:s17] =	ssyncadd.s32 $0xFFFFF000  }
0x2fe: {  	[spmem:s4] =	stream.indirect.scatter.add.f32 [tilespmem:s6], [sflag:$0x7], $0x20, s26, s25, $0xb8;
	[tilespmem:$0x1EC00] =	vst v63  }
0x2ff: {  	_ =	swait.ge [sflag:s21], $0x1000  }
0x300: {  	[sflag:s21] =	ssyncset.done $0x0  }
0x301: {  	s0 =	rddreg [dreg:$0x1b];
	[sflag:s21] =	ssyncadd.s32 $0xFFFFF000  }
0x302: {  	[tilespmem:s6], [sflag:$0x4] =	stream.indirect.gather [hbm4b:s1+s25], $0x20, s0, s25, $0xb8;
	[tilespmem:$0x1EC00] =	vst v63  }
0x303: {  	_ =	swait.ge [sflag:s8], $0x1000  }
0x304: {  	[sflag:s8] =	ssyncset.done $0x0  }
0x305: {  	s11 =	simm.s32 $0x1800;
	[sflag:s8] =	ssyncadd.s32 $0xFFFFF000  }
0x306: {  	[spmem:s4] =	stream.indirect.scatter.add.f32 [tilespmem:s20], [sflag:$0x7], $0x20, s11, s25, $0xb8;
	[tilespmem:$0x1EC00] =	vst v63  }
0x307: {  	_ =	swait.ge [sflag:s21], $0x1000  }
0x308: {  	[sflag:s21] =	ssyncset.done $0x0  }
0x309: {  	s14 =	rddreg [dreg:$0x1c];
	[sflag:s21] =	ssyncadd.s32 $0xFFFFF000  }
0x30a: {  	[tilespmem:s20], [sflag:$0x1] =	stream.indirect.gather [hbm4b:s1+s25], $0x20, s14, s25, $0xb8;
	[tilespmem:$0x1EC00] =	vst v63  }
0x30b: {  	_ =	swait.ge [sflag:s13], $0x1000  }
0x30c: {  	[sflag:s13] =	ssyncset.done $0x0  }
0x30d: {  	s19 =	simm.s32 $0x1880;
	[sflag:s13] =	ssyncadd.s32 $0xFFFFF000  }
0x30e: {  	[spmem:s4] =	stream.indirect.scatter.add.f32 [tilespmem:s12], [sflag:$0x7], $0x20, s19, s25, $0xb8;
	[tilespmem:$0x1EC00] =	vst v63  }
0x30f: {  	_ =	swait.ge [sflag:s21], $0x1000  }
0x310: {  	[sflag:s21] =	ssyncset.done $0x0  }
0x311: {  	s26 =	rddreg [dreg:$0x1d];
	[sflag:s21] =	ssyncadd.s32 $0xFFFFF000  }
0x312: {  	[tilespmem:s12], [sflag:$0x2] =	stream.indirect.gather [hbm4b:s1+s25], $0x20, s26, s25, $0xb8;
	[tilespmem:$0x1EC00] =	vst v63  }
0x313: {  	_ =	swait.ge [sflag:s15], $0x1000  }
0x314: {  	[sflag:s15] =	ssyncset.done $0x0  }
0x315: {  	s11 =	simm.s32 $0x1900;
	[sflag:s15] =	ssyncadd.s32 $0xFFFFF000  }
0x316: {  	[spmem:s4] =	stream.indirect.scatter.add.f32 [tilespmem:s3], [sflag:$0x7], $0x20, s11, s25, $0xb8;
	[tilespmem:$0x1EC00] =	vst v63  }
0x317: {  	_ =	swait.ge [sflag:s21], $0x1000  }
0x318: {  	[sflag:s21] =	ssyncset.done $0x0  }
0x319: {  	s0 =	rddreg [dreg:$0x1e];
	[sflag:s21] =	ssyncadd.s32 $0xFFFFF000  }
0x31a: {  	[tilespmem:s3], [sflag:$0x3] =	stream.indirect.gather [hbm4b:s1+s25], $0x20, s0, s25, $0xb8;
	[tilespmem:$0x1EC00] =	vst v63  }
0x31b: {  	_ =	swait.ge [sflag:s17], $0x1000  }
0x31c: {  	[sflag:s17] =	ssyncset.done $0x0  }
0x31d: {  	s26 =	simm.s32 $0x1980;
	[sflag:s17] =	ssyncadd.s32 $0xFFFFF000  }
0x31e: {  	[spmem:s4] =	stream.indirect.scatter.add.f32 [tilespmem:s6], [sflag:$0x7], $0x20, s26, s25, $0xb8;
	[tilespmem:$0x1EC00] =	vst v63  }
0x31f: {  	_ =	swait.ge [sflag:s21], $0x1000  }
0x320: {  	[sflag:s21] =	ssyncset.done $0x0  }
0x321: {  	s14 =	rddreg [dreg:$0x1f];
	[sflag:s21] =	ssyncadd.s32 $0xFFFFF000  }
0x322: {  	[tilespmem:s6], [sflag:$0x4] =	stream.indirect.gather [hbm4b:s1+s25], $0x20, s14, s25, $0xb8;
	[tilespmem:$0x1EC00] =	vst v63  }
0x323: {  	_ =	swait.ge [sflag:s8], $0x1000  }
0x324: {  	[sflag:s8] =	ssyncset.done $0x0  }
0x325: {  	s29 =	simm.s32 $0x1A00;
	[sflag:s8] =	ssyncadd.s32 $0xFFFFF000  }
0x326: {  	[spmem:s4] =	stream.indirect.scatter.add.f32 [tilespmem:s20], [sflag:$0x7], $0x20, s29, s25, $0xb8;
	[tilespmem:$0x1EC00] =	vst v63  }
0x327: {  	_ =	swait.ge [sflag:s21], $0x1000  }
0x328: {  	[sflag:s21] =	ssyncset.done $0x0  }
0x329: {  	[sflag:s21] =	ssyncadd.s32 $0xFFFFF000  }
0x32a: {  	_ =	swait.ge [sflag:s13], $0x1000  }
0x32b: {  	[sflag:s13] =	ssyncset.done $0x0  }
0x32c: {  	s30 =	simm.s32 $0x1A80;
	[sflag:s13] =	ssyncadd.s32 $0xFFFFF000  }
0x32d: {  	[spmem:s4] =	stream.indirect.scatter.add.f32 [tilespmem:s12], [sflag:$0x7], $0x20, s30, s25, $0xb8;
	[tilespmem:$0x1EC00] =	vst v63  }
0x32e: {  	_ =	swait.ge [sflag:s21], $0x1000  }
0x32f: {  	[sflag:s21] =	ssyncset.done $0x0  }
0x330: {  	[sflag:s21] =	ssyncadd.s32 $0xFFFFF000  }
0x331: {  	_ =	swait.ge [sflag:s15], $0x1000  }
0x332: {  	[sflag:s15] =	ssyncset.done $0x0  }
0x333: {  	s31 =	simm.s32 $0x1B00;
	[sflag:s15] =	ssyncadd.s32 $0xFFFFF000  }
0x334: {  	[spmem:s4] =	stream.indirect.scatter.add.f32 [tilespmem:s3], [sflag:$0x7], $0x20, s31, s25, $0xb8;
	[tilespmem:$0x1EC00] =	vst v63  }
0x335: {  	_ =	swait.ge [sflag:s21], $0x1000  }
0x336: {  	[sflag:s21] =	ssyncset.done $0x0  }
0x337: {  	[sflag:s21] =	ssyncadd.s32 $0xFFFFF000  }
0x338: {  	_ =	swait.ge [sflag:s17], $0x1000  }
0x339: {  	[sflag:s17] =	ssyncset.done $0x0  }
0x33a: {  	s0 =	simm.s32 $0x1B80;
	[sflag:s17] =	ssyncadd.s32 $0xFFFFF000  }
0x33b: {  	[spmem:s4] =	stream.indirect.scatter.add.f32 [tilespmem:s6], [sflag:$0x7], $0x20, s0, s25, $0xb8;
	[tilespmem:$0x1EC00] =	vst v63  }
0x33c: {  	_ =	swait.ge [sflag:s21], $0x1000  }
0x33d: {  	s19 =	rddreg [dreg:$0x6];
	[sflag:s21] =	ssyncset.done $0x0  }
0x33e: {  	[sflag:s21] =	ssyncadd.s32 $0xFFFFF000;
	s9 =	sadd.s32 $0x0, s19  }
0x33f: {  	[tilespmem:s28], [sflag:$0x6] =	stream.linear.gather [hbm4b:s9+s5], $0x700, $0x38;
	[tilespmem:$0x1EC00] =	vst v63  }
0x340: {  	s7 =	sadd.s32 $0x2A0, s7;
	s14 =	simm.s32 $0x1C0;
	s9 =	sadd.s32 $0xE00, s10  }
.LBB2_9:
0x341: {  	[tilespmem:s23], [sflag:$0x6] =	stream.linear.gather [hbm4b:s7+s5], $0x700, $0x38;
	[tilespmem:$0x1EC00] =	vst v63  }
0x342: {  	_ =	swait.ge [sflag:s24], $0x700  }
0x343: {  	[sflag:s24] =	ssyncset.done $0x0  }
0x344: {  	[sflag:s24] =	ssyncadd.s32 $0xFFFFF900  }
0x345: {  	_ =	swait.ge [sflag:s24], $0x700  }
0x346: {  	[sflag:s24] =	ssyncset.done $0x0  }
0x347: {  	[sflag:s24] =	ssyncadd.s32 $0xFFFFF900  }
0x348: {  	[tilespmem:s20], [sflag:$0x1] =	stream.indirect.gather [hbm4b:s1+s25], $0x20, s5, s25, $0xb8;
	[tilespmem:$0x1EC00] =	vst v63  }
0x349: {  	_ = 	snop  }
0x34a: {  	[tilespmem:s12], [sflag:$0x2] =	stream.indirect.gather [hbm4b:s1+s25], $0x20, s25, s25, $0xb8;
	[tilespmem:$0x1EC00] =	vst v63  }
0x34b: {  	s7 =	rddreg [dreg:$0x7]  }
0x34c: {  	[tilespmem:s3], [sflag:$0x3] =	stream.indirect.gather [hbm4b:s1+s25], $0x20, s7, s25, $0xb8;
	[tilespmem:$0x1EC00] =	vst v63  }
0x34d: {  	s19 =	rddreg [dreg:$0x8]  }
0x34e: {  	[tilespmem:s6], [sflag:$0x4] =	stream.indirect.gather [hbm4b:s1+s25], $0x20, s19, s25, $0xb8;
	[tilespmem:$0x1EC00] =	vst v63  }
0x34f: {  	_ =	swait.ge [sflag:s8], $0x1000  }
0x350: {  	[sflag:s8] =	ssyncset.done $0x0  }
0x351: {  	[sflag:s8] =	ssyncadd.s32 $0xFFFFF000  }
0x352: {  	[spmem:s4] =	stream.indirect.scatter.add.f32 [tilespmem:s20], [sflag:$0x7], $0x20, s22, s25, $0xb8;
	[tilespmem:$0x1EC00] =	vst v63  }
0x353: {  	_ =	swait.ge [sflag:s21], $0x1000  }
0x354: {  	[sflag:s21] =	ssyncset.done $0x0  }
0x355: {  	s19 =	rddreg [dreg:$0x9];
	[sflag:s21] =	ssyncadd.s32 $0xFFFFF000  }
0x356: {  	[tilespmem:s20], [sflag:$0x1] =	stream.indirect.gather [hbm4b:s1+s25], $0x20, s19, s25, $0xb8;
	[tilespmem:$0x1EC00] =	vst v63  }
0x357: {  	_ =	swait.ge [sflag:s13], $0x1000  }
0x358: {  	[sflag:s13] =	ssyncset.done $0x0  }
0x359: {  	s19 =	simm.s32 $0xE80;
	[sflag:s13] =	ssyncadd.s32 $0xFFFFF000  }
0x35a: {  	[spmem:s4] =	stream.indirect.scatter.add.f32 [tilespmem:s12], [sflag:$0x7], $0x20, s19, s25, $0xb8;
	[tilespmem:$0x1EC00] =	vst v63  }
0x35b: {  	_ =	swait.ge [sflag:s21], $0x1000  }
0x35c: {  	[sflag:s21] =	ssyncset.done $0x0  }
0x35d: {  	s19 =	rddreg [dreg:$0xa];
	[sflag:s21] =	ssyncadd.s32 $0xFFFFF000  }
0x35e: {  	[tilespmem:s12], [sflag:$0x2] =	stream.indirect.gather [hbm4b:s1+s25], $0x20, s19, s25, $0xb8;
	[tilespmem:$0x1EC00] =	vst v63  }
0x35f: {  	_ =	swait.ge [sflag:s15], $0x1000  }
0x360: {  	[sflag:s15] =	ssyncset.done $0x0  }
0x361: {  	s19 =	simm.s32 $0xF00;
	[sflag:s15] =	ssyncadd.s32 $0xFFFFF000  }
0x362: {  	[spmem:s4] =	stream.indirect.scatter.add.f32 [tilespmem:s3], [sflag:$0x7], $0x20, s19, s25, $0xb8;
	[tilespmem:$0x1EC00] =	vst v63  }
0x363: {  	_ =	swait.ge [sflag:s21], $0x1000  }
0x364: {  	[sflag:s21] =	ssyncset.done $0x0  }
0x365: {  	s19 =	rddreg [dreg:$0xb];
	[sflag:s21] =	ssyncadd.s32 $0xFFFFF000  }
0x366: {  	[tilespmem:s3], [sflag:$0x3] =	stream.indirect.gather [hbm4b:s1+s25], $0x20, s19, s25, $0xb8;
	[tilespmem:$0x1EC00] =	vst v63  }
0x367: {  	_ =	swait.ge [sflag:s17], $0x1000  }
0x368: {  	[sflag:s17] =	ssyncset.done $0x0  }
0x369: {  	s19 =	simm.s32 $0xF80;
	[sflag:s17] =	ssyncadd.s32 $0xFFFFF000  }
0x36a: {  	[spmem:s4] =	stream.indirect.scatter.add.f32 [tilespmem:s6], [sflag:$0x7], $0x20, s19, s25, $0xb8;
	[tilespmem:$0x1EC00] =	vst v63  }
0x36b: {  	_ =	swait.ge [sflag:s21], $0x1000  }
0x36c: {  	[sflag:s21] =	ssyncset.done $0x0  }
0x36d: {  	s19 =	rddreg [dreg:$0xc];
	[sflag:s21] =	ssyncadd.s32 $0xFFFFF000  }
0x36e: {  	[tilespmem:s6], [sflag:$0x4] =	stream.indirect.gather [hbm4b:s1+s25], $0x20, s19, s25, $0xb8;
	[tilespmem:$0x1EC00] =	vst v63  }
0x36f: {  	_ =	swait.ge [sflag:s8], $0x1000  }
0x370: {  	[sflag:s8] =	ssyncset.done $0x0  }
0x371: {  	s19 =	simm.s32 $0x1000;
	[sflag:s8] =	ssyncadd.s32 $0xFFFFF000  }
0x372: {  	[spmem:s4] =	stream.indirect.scatter.add.f32 [tilespmem:s20], [sflag:$0x7], $0x20, s19, s25, $0xb8;
	[tilespmem:$0x1EC00] =	vst v63  }
0x373: {  	_ =	swait.ge [sflag:s21], $0x1000  }
0x374: {  	[sflag:s21] =	ssyncset.done $0x0  }
0x375: {  	s19 =	rddreg [dreg:$0xd];
	[sflag:s21] =	ssyncadd.s32 $0xFFFFF000  }
0x376: {  	[tilespmem:s20], [sflag:$0x1] =	stream.indirect.gather [hbm4b:s1+s25], $0x20, s19, s25, $0xb8;
	[tilespmem:$0x1EC00] =	vst v63  }
0x377: {  	_ =	swait.ge [sflag:s13], $0x1000  }
0x378: {  	[sflag:s13] =	ssyncset.done $0x0  }
0x379: {  	s19 =	simm.s32 $0x1080;
	[sflag:s13] =	ssyncadd.s32 $0xFFFFF000  }
0x37a: {  	[spmem:s4] =	stream.indirect.scatter.add.f32 [tilespmem:s12], [sflag:$0x7], $0x20, s19, s25, $0xb8;
	[tilespmem:$0x1EC00] =	vst v63  }
0x37b: {  	_ =	swait.ge [sflag:s21], $0x1000  }
0x37c: {  	[sflag:s21] =	ssyncset.done $0x0  }
0x37d: {  	s19 =	rddreg [dreg:$0xe];
	[sflag:s21] =	ssyncadd.s32 $0xFFFFF000  }
0x37e: {  	[tilespmem:s12], [sflag:$0x2] =	stream.indirect.gather [hbm4b:s1+s25], $0x20, s19, s25, $0xb8;
	[tilespmem:$0x1EC00] =	vst v63  }
0x37f: {  	_ =	swait.ge [sflag:s15], $0x1000  }
0x380: {  	[sflag:s15] =	ssyncset.done $0x0  }
0x381: {  	s19 =	simm.s32 $0x1100;
	[sflag:s15] =	ssyncadd.s32 $0xFFFFF000  }
0x382: {  	[spmem:s4] =	stream.indirect.scatter.add.f32 [tilespmem:s3], [sflag:$0x7], $0x20, s19, s25, $0xb8;
	[tilespmem:$0x1EC00] =	vst v63  }
0x383: {  	_ =	swait.ge [sflag:s21], $0x1000  }
0x384: {  	[sflag:s21] =	ssyncset.done $0x0  }
0x385: {  	s19 =	rddreg [dreg:$0xf];
	[sflag:s21] =	ssyncadd.s32 $0xFFFFF000  }
0x386: {  	[tilespmem:s3], [sflag:$0x3] =	stream.indirect.gather [hbm4b:s1+s25], $0x20, s19, s25, $0xb8;
	[tilespmem:$0x1EC00] =	vst v63  }
0x387: {  	_ =	swait.ge [sflag:s17], $0x1000  }
0x388: {  	[sflag:s17] =	ssyncset.done $0x0  }
0x389: {  	s19 =	simm.s32 $0x1180;
	[sflag:s17] =	ssyncadd.s32 $0xFFFFF000  }
0x38a: {  	[spmem:s4] =	stream.indirect.scatter.add.f32 [tilespmem:s6], [sflag:$0x7], $0x20, s19, s25, $0xb8;
	[tilespmem:$0x1EC00] =	vst v63  }
0x38b: {  	_ =	swait.ge [sflag:s21], $0x1000  }
0x38c: {  	[sflag:s21] =	ssyncset.done $0x0  }
0x38d: {  	s19 =	rddreg [dreg:$0x10];
	[sflag:s21] =	ssyncadd.s32 $0xFFFFF000  }
0x38e: {  	[tilespmem:s6], [sflag:$0x4] =	stream.indirect.gather [hbm4b:s1+s25], $0x20, s19, s25, $0xb8;
	[tilespmem:$0x1EC00] =	vst v63  }
0x38f: {  	_ =	swait.ge [sflag:s8], $0x1000  }
0x390: {  	[sflag:s8] =	ssyncset.done $0x0  }
0x391: {  	s19 =	simm.s32 $0x1200;
	[sflag:s8] =	ssyncadd.s32 $0xFFFFF000  }
0x392: {  	[spmem:s4] =	stream.indirect.scatter.add.f32 [tilespmem:s20], [sflag:$0x7], $0x20, s19, s25, $0xb8;
	[tilespmem:$0x1EC00] =	vst v63  }
0x393: {  	_ =	swait.ge [sflag:s21], $0x1000  }
0x394: {  	[sflag:s21] =	ssyncset.done $0x0  }
0x395: {  	s19 =	rddreg [dreg:$0x11];
	[sflag:s21] =	ssyncadd.s32 $0xFFFFF000  }
0x396: {  	[tilespmem:s20], [sflag:$0x1] =	stream.indirect.gather [hbm4b:s1+s25], $0x20, s19, s25, $0xb8;
	[tilespmem:$0x1EC00] =	vst v63  }
0x397: {  	_ =	swait.ge [sflag:s13], $0x1000  }
0x398: {  	[sflag:s13] =	ssyncset.done $0x0  }
0x399: {  	s19 =	simm.s32 $0x1280;
	[sflag:s13] =	ssyncadd.s32 $0xFFFFF000  }
0x39a: {  	[spmem:s4] =	stream.indirect.scatter.add.f32 [tilespmem:s12], [sflag:$0x7], $0x20, s19, s25, $0xb8;
	[tilespmem:$0x1EC00] =	vst v63  }
0x39b: {  	_ =	swait.ge [sflag:s21], $0x1000  }
0x39c: {  	[sflag:s21] =	ssyncset.done $0x0  }
0x39d: {  	s19 =	rddreg [dreg:$0x12];
	[sflag:s21] =	ssyncadd.s32 $0xFFFFF000  }
0x39e: {  	[tilespmem:s12], [sflag:$0x2] =	stream.indirect.gather [hbm4b:s1+s25], $0x20, s19, s25, $0xb8;
	[tilespmem:$0x1EC00] =	vst v63  }
0x39f: {  	_ =	swait.ge [sflag:s15], $0x1000  }
0x3a0: {  	[sflag:s15] =	ssyncset.done $0x0  }
0x3a1: {  	s19 =	simm.s32 $0x1300;
	[sflag:s15] =	ssyncadd.s32 $0xFFFFF000  }
0x3a2: {  	[spmem:s4] =	stream.indirect.scatter.add.f32 [tilespmem:s3], [sflag:$0x7], $0x20, s19, s25, $0xb8;
	[tilespmem:$0x1EC00] =	vst v63  }
0x3a3: {  	_ =	swait.ge [sflag:s21], $0x1000  }
0x3a4: {  	[sflag:s21] =	ssyncset.done $0x0  }
0x3a5: {  	[sflag:s21] =	ssyncadd.s32 $0xFFFFF000  }
0x3a6: {  	_ =	swait.ge [sflag:s16], $0x700  }
0x3a7: {  	[sflag:s16] =	ssyncset.done $0x0  }
0x3a8: {  	[sflag:s16] =	ssyncadd.s32 $0xFFFFF900  }
0x3a9: {  	_ =	swait.ge [sflag:s16], $0x700  }
0x3aa: {  	[sflag:s16] =	ssyncset.done $0x0  }
0x3ab: {  	[sflag:s16] =	ssyncadd.s32 $0xFFFFF900  }
0x3ac: {  	[tilespmem:s3], [sflag:$0x3] =	stream.indirect.gather [hbm4b:s1+s25], $0x20, s28, s25, $0xb8;
	[tilespmem:$0x1EC00] =	vst v63  }
0x3ad: {  	_ =	swait.ge [sflag:s17], $0x1000  }
0x3ae: {  	[sflag:s17] =	ssyncset.done $0x0  }
0x3af: {  	s19 =	simm.s32 $0x1380;
	[sflag:s17] =	ssyncadd.s32 $0xFFFFF000  }
0x3b0: {  	[spmem:s4] =	stream.indirect.scatter.add.f32 [tilespmem:s6], [sflag:$0x7], $0x20, s19, s25, $0xb8;
	[tilespmem:$0x1EC00] =	vst v63  }
0x3b1: {  	_ =	swait.ge [sflag:s21], $0x1000  }
0x3b2: {  	[sflag:s21] =	ssyncset.done $0x0  }
0x3b3: {  	s19 =	rddreg [dreg:$0x13];
	[sflag:s21] =	ssyncadd.s32 $0xFFFFF000  }
0x3b4: {  	[tilespmem:s6], [sflag:$0x4] =	stream.indirect.gather [hbm4b:s1+s25], $0x20, s19, s25, $0xb8;
	[tilespmem:$0x1EC00] =	vst v63  }
0x3b5: {  	_ =	swait.ge [sflag:s8], $0x1000  }
0x3b6: {  	[sflag:s8] =	ssyncset.done $0x0  }
0x3b7: {  	s19 =	simm.s32 $0x1400;
	[sflag:s8] =	ssyncadd.s32 $0xFFFFF000  }
0x3b8: {  	[spmem:s4] =	stream.indirect.scatter.add.f32 [tilespmem:s20], [sflag:$0x7], $0x20, s19, s25, $0xb8;
	[tilespmem:$0x1EC00] =	vst v63  }
0x3b9: {  	_ =	swait.ge [sflag:s21], $0x1000  }
0x3ba: {  	[sflag:s21] =	ssyncset.done $0x0  }
0x3bb: {  	s19 =	rddreg [dreg:$0x14];
	[sflag:s21] =	ssyncadd.s32 $0xFFFFF000  }
0x3bc: {  	[tilespmem:s20], [sflag:$0x1] =	stream.indirect.gather [hbm4b:s1+s25], $0x20, s19, s25, $0xb8;
	[tilespmem:$0x1EC00] =	vst v63  }
0x3bd: {  	_ =	swait.ge [sflag:s13], $0x1000  }
0x3be: {  	[sflag:s13] =	ssyncset.done $0x0  }
0x3bf: {  	s19 =	simm.s32 $0x1480;
	[sflag:s13] =	ssyncadd.s32 $0xFFFFF000  }
0x3c0: {  	[spmem:s4] =	stream.indirect.scatter.add.f32 [tilespmem:s12], [sflag:$0x7], $0x20, s19, s25, $0xb8;
	[tilespmem:$0x1EC00] =	vst v63  }
0x3c1: {  	_ =	swait.ge [sflag:s21], $0x1000  }
0x3c2: {  	s10 =	smov.u32 s14;
	[sflag:s21] =	ssyncset.done $0x0  }
0x3c3: {  	s19 =	sshrl.u32 s9, $0x3;
	s7 =	rddreg [dreg:$0x15];
	[sflag:s21] =	ssyncadd.s32 $0xFFFFF000  }
0x3c4: {  	[tilespmem:s12], [sflag:$0x2] =	stream.indirect.gather [hbm4b:s1+s25], $0x20, s7, s25, $0xb8;
	[tilespmem:$0x1EC00] =	vst v63  }
0x3c5: {  	s19 =	sadd.s32 s2, s19;
	s7 =	sadd.s32 s10, s18  }
0x3c6: {  	[tilespmem:s5], [sflag:$0x5] =	stream.linear.gather [hbm4b:s19+s5], $0x700, $0x38;
	[tilespmem:$0x1EC00] =	vst v63  }
0x3c7: {  	s19 =	sadd.s32 $0x1C0, s7  }
0x3c8: {  	[tilespmem:s22], [sflag:$0x5] =	stream.linear.gather [hbm4b:s19+s5], $0x700, $0x38;
	[tilespmem:$0x1EC00] =	vst v63  }
0x3c9: {  	_ =	swait.ge [sflag:s15], $0x1000  }
0x3ca: {  	[sflag:s15] =	ssyncset.done $0x0  }
0x3cb: {  	[sflag:s15] =	ssyncadd.s32 $0xFFFFF000  }
0x3cc: {  	[spmem:s4] =	stream.indirect.scatter.add.f32 [tilespmem:s3], [sflag:$0x7], $0x20, s23, s25, $0xb8;
	[tilespmem:$0x1EC00] =	vst v63  }
0x3cd: {  	_ =	swait.ge [sflag:s21], $0x1000  }
0x3ce: {  	[sflag:s21] =	ssyncset.done $0x0  }
0x3cf: {  	s19 =	rddreg [dreg:$0x16];
	[sflag:s21] =	ssyncadd.s32 $0xFFFFF000  }
0x3d0: {  	[tilespmem:s3], [sflag:$0x3] =	stream.indirect.gather [hbm4b:s1+s25], $0x20, s19, s25, $0xb8;
	[tilespmem:$0x1EC00] =	vst v63  }
0x3d1: {  	_ =	swait.ge [sflag:s17], $0x1000  }
0x3d2: {  	[sflag:s17] =	ssyncset.done $0x0  }
0x3d3: {  	s19 =	simm.s32 $0x1580;
	[sflag:s17] =	ssyncadd.s32 $0xFFFFF000  }
0x3d4: {  	[spmem:s4] =	stream.indirect.scatter.add.f32 [tilespmem:s6], [sflag:$0x7], $0x20, s19, s25, $0xb8;
	[tilespmem:$0x1EC00] =	vst v63  }
0x3d5: {  	_ =	swait.ge [sflag:s21], $0x1000  }
0x3d6: {  	[sflag:s21] =	ssyncset.done $0x0  }
0x3d7: {  	s19 =	rddreg [dreg:$0x17];
	[sflag:s21] =	ssyncadd.s32 $0xFFFFF000  }
0x3d8: {  	[tilespmem:s6], [sflag:$0x4] =	stream.indirect.gather [hbm4b:s1+s25], $0x20, s19, s25, $0xb8;
	[tilespmem:$0x1EC00] =	vst v63  }
0x3d9: {  	_ =	swait.ge [sflag:s8], $0x1000  }
0x3da: {  	[sflag:s8] =	ssyncset.done $0x0  }
0x3db: {  	s19 =	simm.s32 $0x1600;
	[sflag:s8] =	ssyncadd.s32 $0xFFFFF000  }
0x3dc: {  	[spmem:s4] =	stream.indirect.scatter.add.f32 [tilespmem:s20], [sflag:$0x7], $0x20, s19, s25, $0xb8;
	[tilespmem:$0x1EC00] =	vst v63  }
0x3dd: {  	_ =	swait.ge [sflag:s21], $0x1000  }
0x3de: {  	[sflag:s21] =	ssyncset.done $0x0  }
0x3df: {  	s19 =	rddreg [dreg:$0x18];
	[sflag:s21] =	ssyncadd.s32 $0xFFFFF000  }
0x3e0: {  	[tilespmem:s20], [sflag:$0x1] =	stream.indirect.gather [hbm4b:s1+s25], $0x20, s19, s25, $0xb8;
	[tilespmem:$0x1EC00] =	vst v63  }
0x3e1: {  	_ =	swait.ge [sflag:s13], $0x1000  }
0x3e2: {  	[sflag:s13] =	ssyncset.done $0x0  }
0x3e3: {  	s19 =	simm.s32 $0x1680;
	[sflag:s13] =	ssyncadd.s32 $0xFFFFF000  }
0x3e4: {  	[spmem:s4] =	stream.indirect.scatter.add.f32 [tilespmem:s12], [sflag:$0x7], $0x20, s19, s25, $0xb8;
	[tilespmem:$0x1EC00] =	vst v63  }
0x3e5: {  	_ =	swait.ge [sflag:s21], $0x1000  }
0x3e6: {  	[sflag:s21] =	ssyncset.done $0x0  }
0x3e7: {  	s19 =	rddreg [dreg:$0x19];
	[sflag:s21] =	ssyncadd.s32 $0xFFFFF000  }
0x3e8: {  	[tilespmem:s12], [sflag:$0x2] =	stream.indirect.gather [hbm4b:s1+s25], $0x20, s19, s25, $0xb8;
	[tilespmem:$0x1EC00] =	vst v63  }
0x3e9: {  	_ =	swait.ge [sflag:s15], $0x1000  }
0x3ea: {  	[sflag:s15] =	ssyncset.done $0x0  }
0x3eb: {  	s19 =	simm.s32 $0x1700;
	[sflag:s15] =	ssyncadd.s32 $0xFFFFF000  }
0x3ec: {  	[spmem:s4] =	stream.indirect.scatter.add.f32 [tilespmem:s3], [sflag:$0x7], $0x20, s19, s25, $0xb8;
	[tilespmem:$0x1EC00] =	vst v63  }
0x3ed: {  	_ =	swait.ge [sflag:s21], $0x1000  }
0x3ee: {  	[sflag:s21] =	ssyncset.done $0x0  }
0x3ef: {  	s19 =	rddreg [dreg:$0x1a];
	[sflag:s21] =	ssyncadd.s32 $0xFFFFF000  }
0x3f0: {  	[tilespmem:s3], [sflag:$0x3] =	stream.indirect.gather [hbm4b:s1+s25], $0x20, s19, s25, $0xb8;
	[tilespmem:$0x1EC00] =	vst v63  }
0x3f1: {  	_ =	swait.ge [sflag:s17], $0x1000  }
0x3f2: {  	[sflag:s17] =	ssyncset.done $0x0  }
0x3f3: {  	s19 =	simm.s32 $0x1780;
	[sflag:s17] =	ssyncadd.s32 $0xFFFFF000  }
0x3f4: {  	[spmem:s4] =	stream.indirect.scatter.add.f32 [tilespmem:s6], [sflag:$0x7], $0x20, s19, s25, $0xb8;
	[tilespmem:$0x1EC00] =	vst v63  }
0x3f5: {  	_ =	swait.ge [sflag:s21], $0x1000  }
0x3f6: {  	[sflag:s21] =	ssyncset.done $0x0  }
0x3f7: {  	s19 =	rddreg [dreg:$0x1b];
	[sflag:s21] =	ssyncadd.s32 $0xFFFFF000  }
0x3f8: {  	[tilespmem:s6], [sflag:$0x4] =	stream.indirect.gather [hbm4b:s1+s25], $0x20, s19, s25, $0xb8;
	[tilespmem:$0x1EC00] =	vst v63  }
0x3f9: {  	_ =	swait.ge [sflag:s8], $0x1000  }
0x3fa: {  	[sflag:s8] =	ssyncset.done $0x0  }
0x3fb: {  	s19 =	simm.s32 $0x1800;
	[sflag:s8] =	ssyncadd.s32 $0xFFFFF000  }
0x3fc: {  	[spmem:s4] =	stream.indirect.scatter.add.f32 [tilespmem:s20], [sflag:$0x7], $0x20, s19, s25, $0xb8;
	[tilespmem:$0x1EC00] =	vst v63  }
0x3fd: {  	_ =	swait.ge [sflag:s21], $0x1000  }
0x3fe: {  	[sflag:s21] =	ssyncset.done $0x0  }
0x3ff: {  	s19 =	rddreg [dreg:$0x1c];
	[sflag:s21] =	ssyncadd.s32 $0xFFFFF000  }
0x400: {  	[tilespmem:s20], [sflag:$0x1] =	stream.indirect.gather [hbm4b:s1+s25], $0x20, s19, s25, $0xb8;
	[tilespmem:$0x1EC00] =	vst v63  }
0x401: {  	_ =	swait.ge [sflag:s13], $0x1000  }
0x402: {  	[sflag:s13] =	ssyncset.done $0x0  }
0x403: {  	s19 =	simm.s32 $0x1880;
	[sflag:s13] =	ssyncadd.s32 $0xFFFFF000  }
0x404: {  	[spmem:s4] =	stream.indirect.scatter.add.f32 [tilespmem:s12], [sflag:$0x7], $0x20, s19, s25, $0xb8;
	[tilespmem:$0x1EC00] =	vst v63  }
0x405: {  	_ =	swait.ge [sflag:s21], $0x1000  }
0x406: {  	[sflag:s21] =	ssyncset.done $0x0  }
0x407: {  	s19 =	rddreg [dreg:$0x1d];
	[sflag:s21] =	ssyncadd.s32 $0xFFFFF000  }
0x408: {  	[tilespmem:s12], [sflag:$0x2] =	stream.indirect.gather [hbm4b:s1+s25], $0x20, s19, s25, $0xb8;
	[tilespmem:$0x1EC00] =	vst v63  }
0x409: {  	_ =	swait.ge [sflag:s15], $0x1000  }
0x40a: {  	[sflag:s15] =	ssyncset.done $0x0  }
0x40b: {  	[sflag:s15] =	ssyncadd.s32 $0xFFFFF000  }
0x40c: {  	[spmem:s4] =	stream.indirect.scatter.add.f32 [tilespmem:s3], [sflag:$0x7], $0x20, s11, s25, $0xb8;
	[tilespmem:$0x1EC00] =	vst v63  }
0x40d: {  	_ =	swait.ge [sflag:s21], $0x1000  }
0x40e: {  	[sflag:s21] =	ssyncset.done $0x0  }
0x40f: {  	s19 =	rddreg [dreg:$0x1e];
	[sflag:s21] =	ssyncadd.s32 $0xFFFFF000  }
0x410: {  	[tilespmem:s3], [sflag:$0x3] =	stream.indirect.gather [hbm4b:s1+s25], $0x20, s19, s25, $0xb8;
	[tilespmem:$0x1EC00] =	vst v63  }
0x411: {  	_ =	swait.ge [sflag:s17], $0x1000  }
0x412: {  	[sflag:s17] =	ssyncset.done $0x0  }
0x413: {  	[sflag:s17] =	ssyncadd.s32 $0xFFFFF000  }
0x414: {  	[spmem:s4] =	stream.indirect.scatter.add.f32 [tilespmem:s6], [sflag:$0x7], $0x20, s26, s25, $0xb8;
	[tilespmem:$0x1EC00] =	vst v63  }
0x415: {  	_ =	swait.ge [sflag:s21], $0x1000  }
0x416: {  	[sflag:s21] =	ssyncset.done $0x0  }
0x417: {  	s19 =	rddreg [dreg:$0x1f];
	[sflag:s21] =	ssyncadd.s32 $0xFFFFF000  }
0x418: {  	[tilespmem:s6], [sflag:$0x4] =	stream.indirect.gather [hbm4b:s1+s25], $0x20, s19, s25, $0xb8;
	[tilespmem:$0x1EC00] =	vst v63  }
0x419: {  	_ =	swait.ge [sflag:s8], $0x1000  }
0x41a: {  	[sflag:s8] =	ssyncset.done $0x0  }
0x41b: {  	[sflag:s8] =	ssyncadd.s32 $0xFFFFF000  }
0x41c: {  	[spmem:s4] =	stream.indirect.scatter.add.f32 [tilespmem:s20], [sflag:$0x7], $0x20, s29, s25, $0xb8;
	[tilespmem:$0x1EC00] =	vst v63  }
0x41d: {  	_ =	swait.ge [sflag:s21], $0x1000  }
0x41e: {  	[sflag:s21] =	ssyncset.done $0x0  }
0x41f: {  	[sflag:s21] =	ssyncadd.s32 $0xFFFFF000  }
0x420: {  	_ =	swait.ge [sflag:s13], $0x1000  }
0x421: {  	[sflag:s13] =	ssyncset.done $0x0  }
0x422: {  	[sflag:s13] =	ssyncadd.s32 $0xFFFFF000  }
0x423: {  	[spmem:s4] =	stream.indirect.scatter.add.f32 [tilespmem:s12], [sflag:$0x7], $0x20, s30, s25, $0xb8;
	[tilespmem:$0x1EC00] =	vst v63  }
0x424: {  	_ =	swait.ge [sflag:s21], $0x1000  }
0x425: {  	[sflag:s21] =	ssyncset.done $0x0  }
0x426: {  	[sflag:s21] =	ssyncadd.s32 $0xFFFFF000  }
0x427: {  	_ =	swait.ge [sflag:s15], $0x1000  }
0x428: {  	[sflag:s15] =	ssyncset.done $0x0  }
0x429: {  	[sflag:s15] =	ssyncadd.s32 $0xFFFFF000  }
0x42a: {  	[spmem:s4] =	stream.indirect.scatter.add.f32 [tilespmem:s3], [sflag:$0x7], $0x20, s31, s25, $0xb8;
	[tilespmem:$0x1EC00] =	vst v63  }
0x42b: {  	_ =	swait.ge [sflag:s21], $0x1000  }
0x42c: {  	[sflag:s21] =	ssyncset.done $0x0  }
0x42d: {  	[sflag:s21] =	ssyncadd.s32 $0xFFFFF000  }
0x42e: {  	_ =	swait.ge [sflag:s17], $0x1000  }
0x42f: {  	[sflag:s17] =	ssyncset.done $0x0  }
0x430: {  	p1 =	sne.s32 s14, $0x16C0;
	[sflag:s17] =	ssyncadd.s32 $0xFFFFF000  }
0x431: {  	[spmem:s4] =	stream.indirect.scatter.add.f32 [tilespmem:s6], [sflag:$0x7], $0x20, s0, s25, $0xb8;
	[tilespmem:$0x1EC00] =	vst v63  }
.Ltmp4:
0x432: {  	_ = 	snop;
	(pc) =	sbr.rel @p1 .LBB2_9-.Ltmp4, $4  }
0x433: {  	s14 =	sadd.s32 $0x1C0, s14;
	_ =	swait.ge [sflag:s21], $0x1000  }
0x434: {  	s9 =	sadd.s32 $0xE00, s9;
	s19 =	rddreg [dreg:$0x6];
	[sflag:s21] =	ssyncset.done $0x0  }
0x435: {  	s7 =	sadd.s32 $0x2A0, s7;
	[sflag:s21] =	ssyncadd.s32 $0xFFFFF000;
	s10 =	sadd.s32 s10, s19  }
0x436: {  	[tilespmem:s28], [sflag:$0x6] =	stream.linear.gather [hbm4b:s10+s5], $0x700, $0x38;
	[tilespmem:$0x1EC00] =	vst v63  }
0x437: {  	[tilespmem:s23], [sflag:$0x6] =	stream.linear.gather [hbm4b:s7+s5], $0x700, $0x38;
	[tilespmem:$0x1EC00] =	vst v63  }
0x438: {  	_ =	swait.ge [sflag:s24], $0x700  }
0x439: {  	[sflag:s24] =	ssyncset.done $0x0  }
0x43a: {  	[sflag:s24] =	ssyncadd.s32 $0xFFFFF900  }
0x43b: {  	_ =	swait.ge [sflag:s24], $0x700  }
0x43c: {  	[sflag:s24] =	ssyncset.done $0x0  }
0x43d: {  	[sflag:s24] =	ssyncadd.s32 $0xFFFFF900  }
0x43e: {  	_ =	swait.ge [sflag:s16], $0x700  }
0x43f: {  	[sflag:s16] =	ssyncset.done $0x0  }
0x440: {  	[sflag:s16] =	ssyncadd.s32 $0xFFFFF900  }
0x441: {  	_ =	swait.ge [sflag:s16], $0x700  }
0x442: {  	[sflag:s16] =	ssyncset.done $0x0  }
0x443: {  	[sflag:s16] =	ssyncadd.s32 $0xFFFFF900  }
0x444: {  	[bflag:$0x0] =	sbarrier.arrive $0xFFFF  }
0x445: {  	s14 =	sld [smem:$0x7F9]  }
0x446: {  	s0 =	sld [smem:$0x7EE]  }
0x447: {  	s9 =	sld [smem:$0x7EF];
	_ =	sdelay $0x2  }
0x448: {  	[hbm:s14], [sflag:s0] =	dma.local [spmem:s9], $0x3200  }
0x449: {  	_ =	swait.ge [sflag:s21], $0x3200  }
0x44a: {  	s19 =	sld [smem:$0x7FC]  }
0x44b: {  	s26 =	sld [smem:$0x7FA];
	_ =	sdelay $0x1  }
0x44c: {  	s0 =	sadd.s32 $0x1, s19  }
0x44d: {  	p1 =	sne.s32 s0, s26  }
.Ltmp5:
0x44e: {  	s28 =	simm.s32 $0xF80;
	s29 =	simm.s32 $0x1000;
	(pc) =	sbr.rel @p1 .LBB2_1-.Ltmp5, $4  }
0x44f: {  	s30 =	simm.s32 $0x1080;
	s31 =	simm.s32 $0x1100;
	s11 =	simm.s32 $0x1200  }
0x450: {  	s10 =	simm.s32 $0x1280;
	s9 =	simm.s32 $0x1300;
	[sflag:s21] =	ssyncset.done $0x0  }
0x451: {  	s14 =	simm.s32 $0x1380;
	[sflag:s21] =	ssyncadd.s32 $0xFFFFCE00;
	s19 =	sld [smem:$0x7FD]  }
0x452: {  	[smem:$0x7FC] =	sst s0;
	s26 =	simm.s32 $0xF00;
	s0 =	simm.s32 $0x1180  }
0x453: {  	_ =	sfence.sel $0x180000  }
0x454: {  	[bflag:$0x0] =	sbarrier.arrive $0xFFFF  }
0x455: {  	_ =	strace $0x90000047  }
0x456: {  	s0 =	stileid.u32;
	[bflag:$0x2] =	sbarrier.arrive $0xFFFF  }
0x457: {  	p0 =	sne.s32 s0, $0x0;
	s0 =	rddreg [dreg:$0x4]  }
0x458: {  	s0 =	sadd.s32 @!p0 $0x100000, s0  }
0x459: {  	[sflag:s0] =	ssyncadd.tile.s32 @!p0 $0x1;
	_ =	shalt  }
.Lfunc_end2:
_tile_overlayer_lowered:
.L_overlay_start_2:
0x45a: {  	(tag) =	ssettag $0x2  }
0x45b: {  	s0 =	rddreg [dreg:$0x0];
	s2 =	stileid.u32  }
0x45c: {  	s1 =	rddreg [dreg:$0x1];
	p0 =	sne.s32 s2, $0x0  }
0x45d: {  	s3 =	rddreg [dreg:$0x2];
	[bflag:$0x3] =	sbarrier.arrive $0xFFFF;
	s2 =	simm.s32 @!p0 $0x1C07  }
0x45e: {  	[timem:s3], [sflag:s2] =	dma.local @!p0 [hbm:s0], s1  }
0x45f: {  	s0 =	simm.s32 @!p0 $0x7  }
0x460: {  	_ =	swait.ge @!p0 [sflag:s0], s1  }
0x461: {  	s1 =	ssub.s32 @!p0 $0x0, s1;
	[sflag:s0] =	ssyncset.done @!p0 $0x0  }
0x462: {  	[sflag:s0] =	ssyncadd.s32 @!p0 s1  }
0x463: {  	[bflag:$0x3] =	sbarrier.arrive $0xFFFF  }
0x464: {  	_ =	shalt  }

// kernel: kernel.9.cloned.1.call-start
scs
__scs_entry_jumppad:
0x0: {  	(pc) =	sbr.rel $0x88, $3  }
0x1: {  	(tag) =	ssettag $0x0;
	lr =	simm.s32 $0x1  }
0x2: {  	[smem:$0x3F9F] =	sst lr;
	_ =	strace $0xD0000000  }
0x3: {  	_ = 	snop  }
0x4: {  	_ = 	snop  }
0x5: {  	_ = 	snop  }
0x6: {  	_ = 	snop  }
0x7: {  	_ = 	snop  }
__scs_overlays_trampoline_lowered:
0x8: {  	[smem:$0x3FAE] =	sst s0  }
0x9: {  	[smem:$0x3FAF] =	sst s1  }
0xa: {  	[smem:$0x3FB0] =	sst s2  }
0xb: {  	[smem:$0x3FB1] =	sst s3  }
0xc: {  	[smem:$0x3FB2] =	sst s4  }
0xd: {  	[smem:$0x3FB3] =	sst s5  }
0xe: {  	[smem:$0x3FB4] =	sst s6  }
0xf: {  	[smem:$0x3FB5] =	sst s7  }
0x10: {  	[smem:$0x3FB6] =	sst s8  }
0x11: {  	[smem:$0x3FB7] =	sst s9;
	s0 =	simm.s32 @!p0 $0x0  }
0x12: {  	s1 =	sld [smem:$0x3F9D];
	s0 =	simm.s32 @p0 $0x1  }
0x13: {  	[smem:$0x3FB8] =	sst s0;
	s0 =	simm.s32 @!p1 $0x0  }
0x14: {  	s2 =	sld [smem:$0x3F9C];
	s0 =	simm.s32 @p1 $0x1  }
0x15: {  	[smem:$0x3FB9] =	sst s0;
	s0 =	simm.s32 @!p2 $0x0  }
0x16: {  	s3 =	sld [smem:$0x3FDB];
	s0 =	simm.s32 @p2 $0x1  }
0x17: {  	s4 =	simm.s32 $0x1BF5;
	[smem:$0x3FBB] =	sst s0  }
0x18: {  	s0 =	sld [smem:$0x3F9E];
	_ =	swait.ge [sflag:s4], $0x0  }
0x19: {  	s7 =	sld [smem:$0x3F9F]  }
0x1a: {  	s8 =	sadd.s32 $0xFFFFE003, lr  }
0x1b: {  	s9 =	sadd.s32 $0xFFFFFEF7, lr;
	s5 =	simm.s32 $0xFFFFFFFF;
	p2 =	slt.u32 s8, $0xFFFFF086  }
0x1c: {  	p1 =	slt.u32 s9, $0xF7A;
	s5 =	simm.s32 @!p2 $0x0  }
0x1d: {  	s5 =	simm.s32 @p1 $0x1;
	p0 =	seq.s32 s7, s2  }
0x1e: {  	s7 =	smul.u32 @!p0 $0xF7A, s2;
	p2 =	seq.s32 @!p0 s5, $0x0  }
0x1f: {  	s9 =	smul.u32 $0xF7A, s1;
	s8 =	simm.s32 @!p0 $0x1BF5;
	p2 =	por !p2, p0  }
0x20: {  	[sflag:s8] =	ssyncset.s32 @!p0 $0xFFFFF086;
	s6 =	sadd.s32 @!p0 s3, s7;
	s7 =	simm.s32 @!p0 $0x108  }
0x21: {  	s3 =	sadd.s32 s3, s9;
	s6 =	sadd.s32 @!p0 $0x88, s6;
	s7 =	simm.s32 @p2 $0x1082  }
0x22: {  	[simem:s7], [sflag:s8] =	dma.local @!p0 [hbm:s6], $0xF7A  }
0x23: {  	s9 =	sor.u32 $0xD0000000, s2;
	s6 =	simm.s32 $0x108;
	_ =	swait.ge @!p0 [sflag:s8], $0x0  }
0x24: {  	s3 =	sadd.s32 $0x88, s3;
	s6 =	simm.s32 @!p1 $0x1082;
	[sflag:s4] =	ssyncset.s32 $0xFFFFF086  }
0x25: {  	[simem:s6], [sflag:s4] =	dma.local [hbm:s3], $0xF7A  }
0x26: {  	[smem:$0x3F9F] =	sst s1;
	(tag) =	ssettag s2;
	_ =	strace s9  }
0x27: {  	s1 =	sld [smem:$0x3FAF]  }
0x28: {  	s2 =	sld [smem:$0x3FB0]  }
0x29: {  	s4 =	sld [smem:$0x3FB2]  }
0x2a: {  	p0 =	seq.s32 s5, $0x0;
	s5 =	sld [smem:$0x3FB3]  }
0x2b: {  	s6 =	sld [smem:$0x3FB4]  }
0x2c: {  	s7 =	sld [smem:$0x3FB5]  }
0x2d: {  	s3 =	simm.s32 $0x108;
	s8 =	sld [smem:$0x3FB6]  }
0x2e: {  	s3 =	simm.s32 @!p0 $0x1082;
	s9 =	sld [smem:$0x3FB7]  }
0x2f: {  	lr =	sadd.s32 s0, s3;
	s0 =	sld [smem:$0x3FAE]  }
0x30: {  	s3 =	sld [smem:$0x3FB1]  }
0x31: {  	[smem:$0x3FBA] =	sst s10  }
0x32: {  	s10 =	sld [smem:$0x3FB8];
	_ =	sdelay $0x3  }
0x33: {  	p0 =	seq.s32 s10, $0x1;
	s10 =	sld [smem:$0x3FBA];
	_ =	sdelay $0x3  }
0x34: {  	[smem:$0x3FBA] =	sst s10  }
0x35: {  	s10 =	sld [smem:$0x3FB9];
	_ =	sdelay $0x3  }
0x36: {  	p1 =	seq.s32 s10, $0x1;
	s10 =	sld [smem:$0x3FBA];
	_ =	sdelay $0x3  }
0x37: {  	[smem:$0x3FBA] =	sst s10  }
0x38: {  	s10 =	sld [smem:$0x3FBB]  }
0x39: {  	_ = 	snop;
	(pc) =	sbr.ind lr, $3  }
0x3a: {  	_ = 	snop  }
0x3b: {  	_ = 	snop  }
0x3c: {  	p2 =	seq.s32 s10, $0x1;
	s10 =	sld [smem:$0x3FBA]  }
0x3d: {  	_ =	shalt  }
0x3e: {  	_ =	shalt  }
0x3f: {  	_ =	shalt  }
0x40: {  	_ =	shalt  }
0x41: {  	_ =	shalt  }
0x42: {  	_ =	shalt  }
0x43: {  	_ =	shalt  }
0x44: {  	_ =	shalt  }
0x45: {  	_ =	shalt  }
0x46: {  	_ =	shalt  }
0x47: {  	_ =	shalt  }
0x48: {  	_ =	shalt  }
0x49: {  	_ =	shalt  }
0x4a: {  	_ =	shalt  }
0x4b: {  	_ =	shalt  }
0x4c: {  	_ =	shalt  }
0x4d: {  	_ =	shalt  }
0x4e: {  	_ =	shalt  }
0x4f: {  	_ =	shalt  }
0x50: {  	_ =	shalt  }
0x51: {  	_ =	shalt  }
0x52: {  	_ =	shalt  }
0x53: {  	_ =	shalt  }
0x54: {  	_ =	shalt  }
0x55: {  	_ =	shalt  }
0x56: {  	_ =	shalt  }
0x57: {  	_ =	shalt  }
0x58: {  	_ =	shalt  }
0x59: {  	_ =	shalt  }
0x5a: {  	_ =	shalt  }
0x5b: {  	_ =	shalt  }
0x5c: {  	_ =	shalt  }
0x5d: {  	_ =	shalt  }
0x5e: {  	_ =	shalt  }
0x5f: {  	_ =	shalt  }
0x60: {  	_ =	shalt  }
0x61: {  	_ =	shalt  }
0x62: {  	_ =	shalt  }
0x63: {  	_ =	shalt  }
0x64: {  	_ =	shalt  }
0x65: {  	_ =	shalt  }
0x66: {  	_ =	shalt  }
0x67: {  	_ =	shalt  }
0x68: {  	_ =	shalt  }
0x69: {  	_ =	shalt  }
0x6a: {  	_ =	shalt  }
0x6b: {  	_ =	shalt  }
0x6c: {  	_ =	shalt  }
0x6d: {  	_ =	shalt  }
0x6e: {  	_ =	shalt  }
0x6f: {  	_ =	shalt  }
0x70: {  	_ =	shalt  }
0x71: {  	_ =	shalt  }
0x72: {  	_ =	shalt  }
0x73: {  	_ =	shalt  }
0x74: {  	_ =	shalt  }
0x75: {  	_ =	shalt  }
0x76: {  	_ =	shalt  }
0x77: {  	_ =	shalt  }
0x78: {  	_ =	shalt  }
0x79: {  	_ =	shalt  }
0x7a: {  	_ =	shalt  }
0x7b: {  	_ =	shalt  }
0x7c: {  	_ =	shalt  }
0x7d: {  	_ =	shalt  }
0x7e: {  	_ =	shalt  }
0x7f: {  	_ =	shalt  }
0x80: {  	_ =	shalt  }
0x81: {  	_ =	shalt  }
0x82: {  	_ =	shalt  }
0x83: {  	_ =	shalt  }
0x84: {  	_ =	shalt  }
0x85: {  	_ =	shalt  }
0x86: {  	_ =	shalt  }
0x87: {  	_ =	shalt  }
.Lfunc_end0:
.L_simem_size_0:
called_computation.1_lowered:
.L_overlay_start_0:
0x88: {  	s2 =	sld [smem:$0x3FD9]  }
0x89: {  	s3 =	sld [smem:$0x3FFE];
	_ =	sdelay $0x1  }
0x8a: {  	s1 =	srdreg.scid  }
0x8b: {  	s0 =	sand.u32 $0x1, s1  }
0x8c: {  	s16 =	sshll.u32 s0, $0xA;
	s2 =	sadd.s32 s3, s2  }
0x8d: {  	s2 =	sadd.s32 s2, s16  }
0x8e: {  	[smem:$0x3FC6] =	sst s2  }
0x8f: {  	_ = 	snop  }
0x90: {  	(tm) =	ssettm $0x1  }
0x91: {  	s17 =	sld [smem:$0x3FFB];
	_ =	sdelay $0x3  }
0x92: {  	_ =	strace s17  }
0x93: {  	s2 =	sld [smem:$0x3FFC];
	_ =	sdelay $0x3  }
0x94: {  	_ =	strace s2  }
0x95: {  	s2 =	sld [smem:$0x3FFD];
	_ =	sdelay $0x3  }
0x96: {  	_ =	strace s2  }
0x97: {  	_ =	strace $0x8FFFFFFF  }
0x98: {  	s18 =	sld [smem:$0x3FDB];
	_ =	sdelay $0x1  }
0x99: {  	s19 =	simm.s32 $_scs_section_size  }
0x9a: {  	s4 =	simm.s32 $_size__tile_overlayer_lowered;
	s5 =	simm.s32 $_tile_overlayer_lowered  }
0x9b: {  	s22 =	simm.s32 $0x1BFF;
	s21 =	sshll.u32 s5, $0x1;
	s2 =	sadd.s32 s19, s18  }
0x9c: {  	s6 =	simm.s32 $0x0;
	s20 =	sshll.u32 s4, $0x1;
	s4 =	sadd.s32 s21, s2  }
0x9d: {  	[timem:s6], [sflag:s22] =	dma.local [hbm:s4], s20  }
0x9e: {  	_ =	swait.ge [sflag:s22], s20  }
0x9f: {  	s3 =	ssub.s32 $0x0, s20;
	[sflag:s22] =	ssyncset.done $0x0  }
0xa0: {  	[sflag:s22] =	ssyncadd.s32 s3;
	_ =	sdelay $0x1  }
0xa1: {  	s23 =	simm.s32 $0x1B8B  }
0xa2: {  	_ =	swait.ge [sflag:s23], $0x1  }
0xa3: {  	[sflag:s23] =	ssyncset.done $0x0  }
0xa4: {  	s25 =	simm.s32 $0x1B8E;
	s24 =	sld [smem:$0x3FFE];
	[sflag:s23] =	ssyncadd.s32 $0xFFFFFFFF  }
0xa5: {  	s26 =	simm.s32 $execute0_lowered;
	[smem:$0x3FD2] =	sst s25  }
0xa6: {  	s4 =	sshll.u32 s26, $0x1;
	_ =	strace $0x80000049;
	[dreg:$0x1] =	wrdreg $0xFFFFFFFF  }
0xa7: {  	s28 =	simm.s32 $_size_execute0_lowered;
	s2 =	sadd.s32 s2, s4;
	[dreg:$0x0] =	wrdreg $0x0  }
0xa8: {  	s4 =	sshll.u32 s28, $0x1;
	[dreg:$0x2] =	wrdreg s2  }
0xa9: {  	[dreg:$0x3] =	wrdreg s4  }
0xaa: {  	[dreg:$0x4] =	wrdreg $0xC0  }
0xab: {  	_ =	task [dreg:s6], $0x5FFFF  }
0xac: {  	[dreg:$0x1] =	wrdreg $0xFFFFFFFF  }
0xad: {  	[dreg:$0x0] =	wrdreg $0x60  }
0xae: {  	[dreg:$0x2] =	wrdreg s24  }
0xaf: {  	[dreg:$0x3] =	wrdreg $0x5C000  }
0xb0: {  	[dreg:$0x4] =	wrdreg $0x9  }
0xb1: {  	_ =	task.clear_ibuf [dreg:s6], $0x5FFFF;
	_ =	strace $0x90000049  }
0xb2: {  	s29 =	simm.s32 $0x9;
	_ =	strace $0x8000004B  }
0xb3: {  	_ =	swait.ge [sflag:s29], $0x1  }
0xb4: {  	[sflag:s29] =	ssyncadd.s32 $0xFFFFFFFF  }
0xb5: {  	_ =	strace $0x9000004B  }
0xb6: {  	_ =	sfence  }
0xb7: {  	s30 =	sld [smem:$0x0];
	_ =	sdelay $0x2  }
0xb8: {  	s31 =	sshll.u32 s1, $0xD;
	s1 =	sshrl.u32 s1, $0x2  }
0xb9: {  	s3 =	sand.u32 $0x4000, s31;
	s1 =	sadd.s32 s1, s30  }
0xba: {  	s0 =	sor.u32 s3, s0;
	s1 =	sshll.u32 s1, $0x11  }
0xbb: {  	s0 =	sor.u32 s1, s0  }
0xbc: {  	s0 =	sadd.s32 $0x8F2B, s0  }
0xbd: {  	[sflag:s0] =	ssyncadd.remote.s32 $0x1  }
0xbe: {  	_ =	sfence.sel $0xFFFF  }
0xbf: {  	[dreg:$0x0] =	wrdreg $0xFFFFFFFF;
	(pc) =	sbr.abs _section_cstart, $3  }
0xc0: {  	[dreg:$0x1] =	wrdreg $0xFFFFFFFF  }
0xc1: {  	_ =	task.clear_ibuf [dreg:s6], $0x2FFFF;
	_ =	strace $0x9FFFFFFF  }
0xc2: {  	(tm) =	ssettm $0x7FFFFFFF  }
0xc3: {  	_ =	shalt  }
tec
execute0_lowered:
.L_overlay_start_1:
0x0: {  	(tag) =	ssettag $0x1  }
0x1: {  	s8 =	rddreg [dreg:$0x0]  }
0x2: {  	s2 =	rddreg [dreg:$0x1];
	s3 =	simm.s32 $0x0  }
0x3: {  	s21 =	simm.s32 $0x100;
	[smem:$0x7FF] =	sst s3  }
0x4: {  	s22 =	simm.s32 $0x180;
	_ =	strace $0x8000004A;
	[dreg:$0x5] =	wrdreg s21  }
0x5: {  	s23 =	simm.s32 $0x200;
	[dreg:$0x6] =	wrdreg s22  }
0x6: {  	s24 =	simm.s32 $0xE80;
	[dreg:$0x7] =	wrdreg s23  }
0x7: {  	s25 =	simm.s32 $0x280;
	[dreg:$0x8] =	wrdreg s24  }
0x8: {  	s26 =	simm.s32 $0xF00;
	[dreg:$0x9] =	wrdreg s25  }
0x9: {  	s10 =	simm.s32 $0xF80;
	[dreg:$0xa] =	wrdreg s26  }
0xa: {  	s11 =	simm.s32 $0x380;
	[dreg:$0xc] =	wrdreg s10  }
0xb: {  	s13 =	simm.s32 $0x1000;
	[dreg:$0xd] =	wrdreg s11  }
0xc: {  	s14 =	simm.s32 $0x400;
	[dreg:$0xe] =	wrdreg s13  }
0xd: {  	s15 =	simm.s32 $0x1080;
	[dreg:$0xf] =	wrdreg s14  }
0xe: {  	s16 =	simm.s32 $0x480;
	[dreg:$0x10] =	wrdreg s15  }
0xf: {  	s17 =	simm.s32 $0x1100;
	[dreg:$0x11] =	wrdreg s16  }
0x10: {  	s18 =	simm.s32 $0x500;
	[dreg:$0x12] =	wrdreg s17  }
0x11: {  	s19 =	simm.s32 $0x1180;
	[dreg:$0x13] =	wrdreg s18  }
0x12: {  	s0 =	srdreg.scid;
	[dreg:$0x14] =	wrdreg s19;
	s21 =	simm.s32 $0x1200  }
0x13: {  	s12 =	stileid.u32;
	s22 =	simm.s32 $0x600;
	[dreg:$0x16] =	wrdreg s21  }
0x14: {  	s28 =	simm.s32 $0x2;
	s13 =	sadd.s32 $0x36400, s8;
	[dreg:$0x17] =	wrdreg s22  }
0x15: {  	s29 =	simm.s32 $0x3;
	s23 =	simm.s32 $0x1280;
	[smem:$0x7E1] =	sst s13  }
0x16: {  	s30 =	simm.s32 $0x4;
	s24 =	simm.s32 $0x680;
	[dreg:$0x18] =	wrdreg s23  }
0x17: {  	s31 =	simm.s32 $0x6;
	s25 =	simm.s32 $0x1300;
	[dreg:$0x19] =	wrdreg s24  }
0x18: {  	s7 =	sand.u32 $0x1, s0;
	s26 =	simm.s32 $0x1380;
	[dreg:$0x1a] =	wrdreg s25  }
0x19: {  	s1 =	smul.u32 $0xD400, s12;
	s15 =	simm.s32 $0x800;
	[dreg:$0x1b] =	wrdreg s26  }
0x1a: {  	s5 =	smul.u32 $0x1A80, s12;
	s16 =	simm.s32 $0x1480;
	[dreg:$0x1e] =	wrdreg s15  }
0x1b: {  	s6 =	sadd.s32 $0x1BA00, s8;
	s17 =	simm.s32 $0x880;
	[dreg:$0x1f] =	wrdreg s16  }
0x1c: {  	s4 =	sadd.s32 $0x101600, s8;
	s19 =	simm.s32 $0x900;
	[smem:$0x7E2] =	sst s17  }
0x1d: {  	s0 =	smul.u32 $0xD4000, s7;
	s5 =	sadd.s32 s5, s6;
	[smem:$0x7E3] =	sst s19  }
0x1e: {  	s10 =	smul.u32 $0x19000, s12;
	s13 =	simm.s32 $0x1400;
	[dreg:$0x3] =	wrdreg s5  }
0x1f: {  	s11 =	smul.u32 $0x190000, s7;
	s22 =	simm.s32 $0x980;
	[dreg:$0x1d] =	wrdreg s13  }
0x20: {  	s7 =	ssub.s32 $0x2, s7;
	s24 =	simm.s32 $0x1600;
	[smem:$0x7E5] =	sst s22  }
0x21: {  	s18 =	sshll.u32 s12, $0x6;
	s25 =	simm.s32 $0xA00;
	[smem:$0x7E6] =	sst s24  }
0x22: {  	s14 =	sshrl.u32 s7, $0x1;
	s26 =	simm.s32 $0x1680;
	[smem:$0x7E7] =	sst s25  }
0x23: {  	s16 =	simm.s32 $0x1780;
	s17 =	simm.s32 $0xB80;
	[smem:$0x7EA] =	sst s26  }
0x24: {  	s19 =	simm.s32 $0xC00;
	s0 =	sadd.s32 s1, s0;
	[smem:$0x7F3] =	sst s16  }
0x25: {  	s5 =	sadd.s32 $0x39600, s8;
	s11 =	sadd.s32 s10, s11;
	[smem:$0x7F4] =	sst s17  }
0x26: {  	s13 =	sor.u32 $0x1C07, s18;
	s18 =	simm.s32 $0x1800;
	[smem:$0x7F6] =	sst s19  }
0x27: {  	s10 =	sadd.s32 s10, s2;
	s22 =	simm.s32 $0x1900;
	[smem:$0x7F5] =	sst s18  }
0x28: {  	s1 =	sshrl.u32 s1, $0x3;
	s24 =	simm.s32 $0x1980;
	[smem:$0x7F9] =	sst s22  }
0x29: {  	s16 =	simm.s32 $0x7;
	s25 =	simm.s32 $0xD80;
	[smem:$0x7FB] =	sst s24  }
0x2a: {  	s26 =	simm.s32 $0x1A00;
	s9 =	sadd.s32 $0x1500, s0;
	[smem:$0x7FC] =	sst s25  }
0x2b: {  	s11 =	sshrl.u32 s11, $0x3;
	s6 =	sadd.s32 s6, s1;
	[smem:$0x7FD] =	sst s26  }
0x2c: {  	s21 =	sshrl.u32 s0, $0x3;
	s0 =	sadd.s32 $0xE00, s0;
	[smem:$0x7EB] =	sst s6  }
0x2d: {  	s8 =	sadd.s32 s11, s8;
	s11 =	simm.s32 $0x780;
	[smem:$0x7F2] =	sst s0  }
0x2e: {  	s17 =	simm.s32 $0xE00;
	s23 =	sadd.s32 s4, s21;
	[dreg:$0x1c] =	wrdreg s11  }
0x2f: {  	s19 =	simm.s32 $0x1500;
	s6 =	sadd.s32 $0xE0, s6;
	[smem:$0x7E8] =	sst s23  }
0x30: {  	s9 =	sshrl.u32 s9, $0x3;
	s21 =	simm.s32 $0xC80;
	[smem:$0x7EC] =	sst s6  }
0x31: {  	s18 =	simm.s32 $0x700;
	s20 =	sadd.s32 s9, s4;
	[smem:$0x7F8] =	sst s21  }
0x32: {  	s22 =	simm.s32 $0x1C00;
	s9 =	simm.s32 $0x300;
	[dreg:$0x4] =	wrdreg s20  }
0x33: {  	s11 =	ssub.s32 s7, s14;
	s7 =	sadd.s32 $0xE0, s23;
	[dreg:$0xb] =	wrdreg s9  }
0x34: {  	s24 =	simm.s32 $0x3C00;
	s12 =	sadd.s32 $0x9D600, s8;
	[smem:$0x7E9] =	sst s7  }
0x35: {  	s25 =	simm.s32 $0x4C00;
	s14 =	simm.s32 $0xB00;
	[smem:$0x7EE] =	sst s12  }
0x36: {  	s26 =	simm.s32 $0x1;
	s23 =	simm.s32 $0xD00;
	[smem:$0x7F1] =	sst s14  }
0x37: {  	s1 =	simm.s32 $0x1A80;
	s20 =	simm.s32 $0x580;
	[smem:$0x7FA] =	sst s23  }
0x38: {  	s0 =	simm.s32 $0x1B00;
	s7 =	simm.s32 $0xA80;
	[dreg:$0x15] =	wrdreg s20  }
0x39: {  	s8 =	sshrl.u32 s10, $0x3;
	s9 =	simm.s32 $0x1700;
	[smem:$0x7ED] =	sst s7  }
0x3a: {  	s21 =	simm.s32 $0x80;
	s15 =	smax.u32 s11, $0x1;
	[smem:$0x7EF] =	sst s9  }
0x3b: {  	s6 =	simm.s32 $0x1B80;
	s20 =	simm.s32 $0x1580;
	[smem:$0x7F0] =	sst s15  }
0x3c: {  	s10 =	simm.s32 $0x0;
	[smem:$0x7E4] =	sst s20;
	s20 =	simm.s32 $0x1880  }
0x3d: {  	s23 =	simm.s32 $0x2C00;
	[smem:$0x7F7] =	sst s20;
	s20 =	simm.s32 $0x5  }
.LBB2_1:
0x3e: {  	s7 =	sld [smem:$0x7E1];
	_ =	sdelay $0x2  }
0x3f: {  	[spmem:s8], [sflag:s13] =	dma.local [hbm:s7], $0x3200  }
0x40: {  	_ =	swait.ge [sflag:s16], $0x3200  }
0x41: {  	[sflag:s16] =	ssyncset.done $0x0  }
0x42: {  	[sflag:s16] =	ssyncadd.s32 $0xFFFFCE00  }
0x43: {  	[bflag:$0x0] =	sbarrier.arrive $0xFFFF  }
0x44: {  	s11 =	sld [smem:$0x7E8];
	_ =	sdelay $0x1  }
0x45: {  	s15 =	smov.u32 s13;
	s13 =	sld [smem:$0x7EB]  }
0x46: {  	[tilespmem:s3], [sflag:$0x5] =	stream.linear.gather [hbm4b:s11+s3], $0x700, $0x38;
	[tilespmem:$0x1EC00] =	vst v63  }
0x47: {  	s14 =	sld [smem:$0x7E9]  }
0x48: {  	[tilespmem:s17], [sflag:$0x5] =	stream.linear.gather [hbm4b:s13+s3], $0x700, $0x38;
	[tilespmem:$0x1EC00] =	vst v63  }
0x49: {  	s12 =	smov.u32 s8;
	s8 =	sld [smem:$0x7EC]  }
0x4a: {  	[tilespmem:s18], [sflag:$0x6] =	stream.linear.gather [hbm4b:s14+s3], $0x700, $0x38;
	[tilespmem:$0x1EC00] =	vst v63  }
0x4b: {  	_ = 	snop  }
0x4c: {  	[tilespmem:s19], [sflag:$0x6] =	stream.linear.gather [hbm4b:s8+s3], $0x700, $0x38;
	[tilespmem:$0x1EC00] =	vst v63  }
0x4d: {  	_ =	swait.ge [sflag:s20], $0x700  }
0x4e: {  	[sflag:s20] =	ssyncset.done $0x0  }
0x4f: {  	[sflag:s20] =	ssyncadd.s32 $0xFFFFF900  }
0x50: {  	_ =	swait.ge [sflag:s20], $0x700  }
0x51: {  	[sflag:s20] =	ssyncset.done $0x0  }
0x52: {  	[sflag:s20] =	ssyncadd.s32 $0xFFFFF900  }
0x53: {  	[tilespmem:s22], [sflag:$0x1] =	stream.indirect.gather [hbm4b:s5+s21], $0x20, s3, s21, $0xb8;
	[tilespmem:$0x1EC00] =	vst v63  }
0x54: {  	_ = 	snop  }
0x55: {  	[tilespmem:s23], [sflag:$0x2] =	stream.indirect.gather [hbm4b:s5+s21], $0x20, s21, s21, $0xb8;
	[tilespmem:$0x1EC00] =	vst v63  }
0x56: {  	s9 =	rddreg [dreg:$0x5]  }
0x57: {  	[tilespmem:s24], [sflag:$0x3] =	stream.indirect.gather [hbm4b:s5+s21], $0x20, s9, s21, $0xb8;
	[tilespmem:$0x1EC00] =	vst v63  }
0x58: {  	s11 =	rddreg [dreg:$0x6]  }
0x59: {  	[tilespmem:s25], [sflag:$0x4] =	stream.indirect.gather [hbm4b:s5+s21], $0x20, s11, s21, $0xb8;
	[tilespmem:$0x1EC00] =	vst v63  }
0x5a: {  	_ =	swait.ge [sflag:s26], $0x1000  }
0x5b: {  	[sflag:s26] =	ssyncset.done $0x0  }
0x5c: {  	[sflag:s26] =	ssyncadd.s32 $0xFFFFF000  }
0x5d: {  	[spmem:s2] =	stream.indirect.scatter.add.f32 [tilespmem:s22], [sflag:$0x7], $0x20, s17, s21, $0xb8;
	[tilespmem:$0x1EC00] =	vst v63  }
0x5e: {  	_ =	swait.ge [sflag:s16], $0x1000  }
0x5f: {  	[sflag:s16] =	ssyncset.done $0x0  }
0x60: {  	s13 =	rddreg [dreg:$0x7];
	[sflag:s16] =	ssyncadd.s32 $0xFFFFF000  }
0x61: {  	[tilespmem:s22], [sflag:$0x1] =	stream.indirect.gather [hbm4b:s5+s21], $0x20, s13, s21, $0xb8;
	[tilespmem:$0x1EC00] =	vst v63  }
0x62: {  	_ =	swait.ge [sflag:s28], $0x1000  }
0x63: {  	[sflag:s28] =	ssyncset.done $0x0  }
0x64: {  	s14 =	rddreg [dreg:$0x8];
	[sflag:s28] =	ssyncadd.s32 $0xFFFFF000  }
0x65: {  	[spmem:s2] =	stream.indirect.scatter.add.f32 [tilespmem:s23], [sflag:$0x7], $0x20, s14, s21, $0xb8;
	[tilespmem:$0x1EC00] =	vst v63  }
0x66: {  	_ =	swait.ge [sflag:s16], $0x1000  }
0x67: {  	[sflag:s16] =	ssyncset.done $0x0  }
0x68: {  	s7 =	rddreg [dreg:$0x9];
	[sflag:s16] =	ssyncadd.s32 $0xFFFFF000  }
0x69: {  	[tilespmem:s23], [sflag:$0x2] =	stream.indirect.gather [hbm4b:s5+s21], $0x20, s7, s21, $0xb8;
	[tilespmem:$0x1EC00] =	vst v63  }
0x6a: {  	_ =	swait.ge [sflag:s29], $0x1000  }
0x6b: {  	[sflag:s29] =	ssyncset.done $0x0  }
0x6c: {  	s9 =	rddreg [dreg:$0xa];
	[sflag:s29] =	ssyncadd.s32 $0xFFFFF000  }
0x6d: {  	[spmem:s2] =	stream.indirect.scatter.add.f32 [tilespmem:s24], [sflag:$0x7], $0x20, s9, s21, $0xb8;
	[tilespmem:$0x1EC00] =	vst v63  }
0x6e: {  	_ =	swait.ge [sflag:s16], $0x1000  }
0x6f: {  	[sflag:s16] =	ssyncset.done $0x0  }
0x70: {  	s11 =	rddreg [dreg:$0xb];
	[sflag:s16] =	ssyncadd.s32 $0xFFFFF000  }
0x71: {  	[tilespmem:s24], [sflag:$0x3] =	stream.indirect.gather [hbm4b:s5+s21], $0x20, s11, s21, $0xb8;
	[tilespmem:$0x1EC00] =	vst v63  }
0x72: {  	_ =	swait.ge [sflag:s30], $0x1000  }
0x73: {  	[sflag:s30] =	ssyncset.done $0x0  }
0x74: {  	s13 =	rddreg [dreg:$0xc];
	[sflag:s30] =	ssyncadd.s32 $0xFFFFF000  }
0x75: {  	[spmem:s2] =	stream.indirect.scatter.add.f32 [tilespmem:s25], [sflag:$0x7], $0x20, s13, s21, $0xb8;
	[tilespmem:$0x1EC00] =	vst v63  }
0x76: {  	_ =	swait.ge [sflag:s16], $0x1000  }
0x77: {  	[sflag:s16] =	ssyncset.done $0x0  }
0x78: {  	s14 =	rddreg [dreg:$0xd];
	[sflag:s16] =	ssyncadd.s32 $0xFFFFF000  }
0x79: {  	[tilespmem:s25], [sflag:$0x4] =	stream.indirect.gather [hbm4b:s5+s21], $0x20, s14, s21, $0xb8;
	[tilespmem:$0x1EC00] =	vst v63  }
0x7a: {  	_ =	swait.ge [sflag:s26], $0x1000  }
0x7b: {  	[sflag:s26] =	ssyncset.done $0x0  }
0x7c: {  	s7 =	rddreg [dreg:$0xe];
	[sflag:s26] =	ssyncadd.s32 $0xFFFFF000  }
0x7d: {  	[spmem:s2] =	stream.indirect.scatter.add.f32 [tilespmem:s22], [sflag:$0x7], $0x20, s7, s21, $0xb8;
	[tilespmem:$0x1EC00] =	vst v63  }
0x7e: {  	_ =	swait.ge [sflag:s16], $0x1000  }
0x7f: {  	[sflag:s16] =	ssyncset.done $0x0  }
0x80: {  	s9 =	rddreg [dreg:$0xf];
	[sflag:s16] =	ssyncadd.s32 $0xFFFFF000  }
0x81: {  	[tilespmem:s22], [sflag:$0x1] =	stream.indirect.gather [hbm4b:s5+s21], $0x20, s9, s21, $0xb8;
	[tilespmem:$0x1EC00] =	vst v63  }
0x82: {  	_ =	swait.ge [sflag:s28], $0x1000  }
0x83: {  	[sflag:s28] =	ssyncset.done $0x0  }
0x84: {  	s11 =	rddreg [dreg:$0x10];
	[sflag:s28] =	ssyncadd.s32 $0xFFFFF000  }
0x85: {  	[spmem:s2] =	stream.indirect.scatter.add.f32 [tilespmem:s23], [sflag:$0x7], $0x20, s11, s21, $0xb8;
	[tilespmem:$0x1EC00] =	vst v63  }
0x86: {  	_ =	swait.ge [sflag:s16], $0x1000  }
0x87: {  	[sflag:s16] =	ssyncset.done $0x0  }
0x88: {  	s13 =	rddreg [dreg:$0x11];
	[sflag:s16] =	ssyncadd.s32 $0xFFFFF000  }
0x89: {  	[tilespmem:s23], [sflag:$0x2] =	stream.indirect.gather [hbm4b:s5+s21], $0x20, s13, s21, $0xb8;
	[tilespmem:$0x1EC00] =	vst v63  }
0x8a: {  	_ =	swait.ge [sflag:s29], $0x1000  }
0x8b: {  	[sflag:s29] =	ssyncset.done $0x0  }
0x8c: {  	s14 =	rddreg [dreg:$0x12];
	[sflag:s29] =	ssyncadd.s32 $0xFFFFF000  }
0x8d: {  	[spmem:s2] =	stream.indirect.scatter.add.f32 [tilespmem:s24], [sflag:$0x7], $0x20, s14, s21, $0xb8;
	[tilespmem:$0x1EC00] =	vst v63  }
0x8e: {  	_ =	swait.ge [sflag:s16], $0x1000  }
0x8f: {  	[sflag:s16] =	ssyncset.done $0x0  }
0x90: {  	s7 =	rddreg [dreg:$0x13];
	[sflag:s16] =	ssyncadd.s32 $0xFFFFF000  }
0x91: {  	[tilespmem:s24], [sflag:$0x3] =	stream.indirect.gather [hbm4b:s5+s21], $0x20, s7, s21, $0xb8;
	[tilespmem:$0x1EC00] =	vst v63  }
0x92: {  	_ =	swait.ge [sflag:s30], $0x1000  }
0x93: {  	[sflag:s30] =	ssyncset.done $0x0  }
0x94: {  	s9 =	rddreg [dreg:$0x14];
	[sflag:s30] =	ssyncadd.s32 $0xFFFFF000  }
0x95: {  	[spmem:s2] =	stream.indirect.scatter.add.f32 [tilespmem:s25], [sflag:$0x7], $0x20, s9, s21, $0xb8;
	[tilespmem:$0x1EC00] =	vst v63  }
0x96: {  	_ =	swait.ge [sflag:s16], $0x1000  }
0x97: {  	[sflag:s16] =	ssyncset.done $0x0  }
0x98: {  	s11 =	rddreg [dreg:$0x15];
	[sflag:s16] =	ssyncadd.s32 $0xFFFFF000  }
0x99: {  	[tilespmem:s25], [sflag:$0x4] =	stream.indirect.gather [hbm4b:s5+s21], $0x20, s11, s21, $0xb8;
	[tilespmem:$0x1EC00] =	vst v63  }
0x9a: {  	_ =	swait.ge [sflag:s26], $0x1000  }
0x9b: {  	[sflag:s26] =	ssyncset.done $0x0  }
0x9c: {  	s13 =	rddreg [dreg:$0x16];
	[sflag:s26] =	ssyncadd.s32 $0xFFFFF000  }
0x9d: {  	[spmem:s2] =	stream.indirect.scatter.add.f32 [tilespmem:s22], [sflag:$0x7], $0x20, s13, s21, $0xb8;
	[tilespmem:$0x1EC00] =	vst v63  }
0x9e: {  	_ =	swait.ge [sflag:s16], $0x1000  }
0x9f: {  	[sflag:s16] =	ssyncset.done $0x0  }
0xa0: {  	s14 =	rddreg [dreg:$0x17];
	[sflag:s16] =	ssyncadd.s32 $0xFFFFF000  }
0xa1: {  	[tilespmem:s22], [sflag:$0x1] =	stream.indirect.gather [hbm4b:s5+s21], $0x20, s14, s21, $0xb8;
	[tilespmem:$0x1EC00] =	vst v63  }
0xa2: {  	_ =	swait.ge [sflag:s28], $0x1000  }
0xa3: {  	[sflag:s28] =	ssyncset.done $0x0  }
0xa4: {  	s7 =	rddreg [dreg:$0x18];
	[sflag:s28] =	ssyncadd.s32 $0xFFFFF000  }
0xa5: {  	[spmem:s2] =	stream.indirect.scatter.add.f32 [tilespmem:s23], [sflag:$0x7], $0x20, s7, s21, $0xb8;
	[tilespmem:$0x1EC00] =	vst v63  }
0xa6: {  	_ =	swait.ge [sflag:s16], $0x1000  }
0xa7: {  	[sflag:s16] =	ssyncset.done $0x0  }
0xa8: {  	s9 =	rddreg [dreg:$0x19];
	[sflag:s16] =	ssyncadd.s32 $0xFFFFF000  }
0xa9: {  	[tilespmem:s23], [sflag:$0x2] =	stream.indirect.gather [hbm4b:s5+s21], $0x20, s9, s21, $0xb8;
	[tilespmem:$0x1EC00] =	vst v63  }
0xaa: {  	_ =	swait.ge [sflag:s29], $0x1000  }
0xab: {  	[sflag:s29] =	ssyncset.done $0x0  }
0xac: {  	s11 =	rddreg [dreg:$0x1a];
	[sflag:s29] =	ssyncadd.s32 $0xFFFFF000  }
0xad: {  	[spmem:s2] =	stream.indirect.scatter.add.f32 [tilespmem:s24], [sflag:$0x7], $0x20, s11, s21, $0xb8;
	[tilespmem:$0x1EC00] =	vst v63  }
0xae: {  	_ =	swait.ge [sflag:s16], $0x1000  }
0xaf: {  	[sflag:s16] =	ssyncset.done $0x0  }
0xb0: {  	[sflag:s16] =	ssyncadd.s32 $0xFFFFF000  }
0xb1: {  	_ =	swait.ge [sflag:s31], $0x700  }
0xb2: {  	[sflag:s31] =	ssyncset.done $0x0  }
0xb3: {  	[sflag:s31] =	ssyncadd.s32 $0xFFFFF900  }
0xb4: {  	_ =	swait.ge [sflag:s31], $0x700  }
0xb5: {  	[sflag:s31] =	ssyncset.done $0x0  }
0xb6: {  	[sflag:s31] =	ssyncadd.s32 $0xFFFFF900  }
0xb7: {  	[tilespmem:s24], [sflag:$0x3] =	stream.indirect.gather [hbm4b:s5+s21], $0x20, s18, s21, $0xb8;
	[tilespmem:$0x1EC00] =	vst v63  }
0xb8: {  	_ =	swait.ge [sflag:s30], $0x1000  }
0xb9: {  	[sflag:s30] =	ssyncset.done $0x0  }
0xba: {  	s13 =	rddreg [dreg:$0x1b];
	[sflag:s30] =	ssyncadd.s32 $0xFFFFF000  }
0xbb: {  	[spmem:s2] =	stream.indirect.scatter.add.f32 [tilespmem:s25], [sflag:$0x7], $0x20, s13, s21, $0xb8;
	[tilespmem:$0x1EC00] =	vst v63  }
0xbc: {  	_ =	swait.ge [sflag:s16], $0x1000  }
0xbd: {  	[sflag:s16] =	ssyncset.done $0x0  }
0xbe: {  	s14 =	rddreg [dreg:$0x1c];
	[sflag:s16] =	ssyncadd.s32 $0xFFFFF000  }
0xbf: {  	[tilespmem:s25], [sflag:$0x4] =	stream.indirect.gather [hbm4b:s5+s21], $0x20, s14, s21, $0xb8;
	[tilespmem:$0x1EC00] =	vst v63  }
0xc0: {  	_ =	swait.ge [sflag:s26], $0x1000  }
0xc1: {  	[sflag:s26] =	ssyncset.done $0x0  }
0xc2: {  	s7 =	rddreg [dreg:$0x1d];
	[sflag:s26] =	ssyncadd.s32 $0xFFFFF000  }
0xc3: {  	[spmem:s2] =	stream.indirect.scatter.add.f32 [tilespmem:s22], [sflag:$0x7], $0x20, s7, s21, $0xb8;
	[tilespmem:$0x1EC00] =	vst v63  }
0xc4: {  	_ =	swait.ge [sflag:s16], $0x1000  }
0xc5: {  	[sflag:s16] =	ssyncset.done $0x0  }
0xc6: {  	s9 =	rddreg [dreg:$0x1e];
	[sflag:s16] =	ssyncadd.s32 $0xFFFFF000  }
0xc7: {  	[tilespmem:s22], [sflag:$0x1] =	stream.indirect.gather [hbm4b:s5+s21], $0x20, s9, s21, $0xb8;
	[tilespmem:$0x1EC00] =	vst v63  }
0xc8: {  	_ =	swait.ge [sflag:s28], $0x1000  }
0xc9: {  	[sflag:s28] =	ssyncset.done $0x0  }
0xca: {  	s11 =	rddreg [dreg:$0x1f];
	[sflag:s28] =	ssyncadd.s32 $0xFFFFF000  }
0xcb: {  	[spmem:s2] =	stream.indirect.scatter.add.f32 [tilespmem:s23], [sflag:$0x7], $0x20, s11, s21, $0xb8;
	[tilespmem:$0x1EC00] =	vst v63  }
0xcc: {  	_ =	swait.ge [sflag:s16], $0x1000  }
0xcd: {  	s14 =	sld [smem:$0x7F2]  }
0xce: {  	s13 =	sld [smem:$0x7E2]  }
0xcf: {  	[sflag:s16] =	ssyncset.done $0x0  }
0xd0: {  	s7 =	rddreg [dreg:$0x3];
	[sflag:s16] =	ssyncadd.s32 $0xFFFFF000;
	s9 =	sshrl.u32 s14, $0x3  }
0xd1: {  	[tilespmem:s23], [sflag:$0x2] =	stream.indirect.gather [hbm4b:s5+s21], $0x20, s13, s21, $0xb8;
	[tilespmem:$0x1EC00] =	vst v63  }
0xd2: {  	s8 =	sadd.s32 $0x0, s7;
	s13 =	sadd.s32 s4, s9  }
0xd3: {  	[tilespmem:s3], [sflag:$0x5] =	stream.linear.gather [hbm4b:s13+s3], $0x700, $0x38;
	[tilespmem:$0x1EC00] =	vst v63  }
0xd4: {  	s11 =	sadd.s32 $0x1C0, s8  }
0xd5: {  	[tilespmem:s17], [sflag:$0x5] =	stream.linear.gather [hbm4b:s11+s3], $0x700, $0x38;
	[tilespmem:$0x1EC00] =	vst v63  }
0xd6: {  	_ =	swait.ge [sflag:s29], $0x1000  }
0xd7: {  	[sflag:s29] =	ssyncset.done $0x0  }
0xd8: {  	[sflag:s29] =	ssyncadd.s32 $0xFFFFF000  }
0xd9: {  	[spmem:s2] =	stream.indirect.scatter.add.f32 [tilespmem:s24], [sflag:$0x7], $0x20, s19, s21, $0xb8;
	[tilespmem:$0x1EC00] =	vst v63  }
0xda: {  	_ =	swait.ge [sflag:s16], $0x1000  }
0xdb: {  	s7 =	sld [smem:$0x7E3]  }
0xdc: {  	[sflag:s16] =	ssyncset.done $0x0  }
0xdd: {  	[sflag:s16] =	ssyncadd.s32 $0xFFFFF000  }
0xde: {  	[tilespmem:s24], [sflag:$0x3] =	stream.indirect.gather [hbm4b:s5+s21], $0x20, s7, s21, $0xb8;
	[tilespmem:$0x1EC00] =	vst v63  }
0xdf: {  	_ =	swait.ge [sflag:s30], $0x1000  }
0xe0: {  	s9 =	sld [smem:$0x7E4]  }
0xe1: {  	[sflag:s30] =	ssyncset.done $0x0  }
0xe2: {  	[sflag:s30] =	ssyncadd.s32 $0xFFFFF000  }
0xe3: {  	[spmem:s2] =	stream.indirect.scatter.add.f32 [tilespmem:s25], [sflag:$0x7], $0x20, s9, s21, $0xb8;
	[tilespmem:$0x1EC00] =	vst v63  }
0xe4: {  	_ =	swait.ge [sflag:s16], $0x1000  }
0xe5: {  	s13 =	sld [smem:$0x7E5]  }
0xe6: {  	[sflag:s16] =	ssyncset.done $0x0  }
0xe7: {  	[sflag:s16] =	ssyncadd.s32 $0xFFFFF000  }
0xe8: {  	[tilespmem:s25], [sflag:$0x4] =	stream.indirect.gather [hbm4b:s5+s21], $0x20, s13, s21, $0xb8;
	[tilespmem:$0x1EC00] =	vst v63  }
0xe9: {  	_ =	swait.ge [sflag:s26], $0x1000  }
0xea: {  	s7 =	sld [smem:$0x7E6]  }
0xeb: {  	[sflag:s26] =	ssyncset.done $0x0  }
0xec: {  	[sflag:s26] =	ssyncadd.s32 $0xFFFFF000  }
0xed: {  	[spmem:s2] =	stream.indirect.scatter.add.f32 [tilespmem:s22], [sflag:$0x7], $0x20, s7, s21, $0xb8;
	[tilespmem:$0x1EC00] =	vst v63  }
0xee: {  	_ =	swait.ge [sflag:s16], $0x1000  }
0xef: {  	s9 =	sld [smem:$0x7E7]  }
0xf0: {  	[sflag:s16] =	ssyncset.done $0x0  }
0xf1: {  	[sflag:s16] =	ssyncadd.s32 $0xFFFFF000  }
0xf2: {  	[tilespmem:s22], [sflag:$0x1] =	stream.indirect.gather [hbm4b:s5+s21], $0x20, s9, s21, $0xb8;
	[tilespmem:$0x1EC00] =	vst v63  }
0xf3: {  	_ =	swait.ge [sflag:s28], $0x1000  }
0xf4: {  	s13 =	sld [smem:$0x7EA]  }
0xf5: {  	[sflag:s28] =	ssyncset.done $0x0  }
0xf6: {  	[sflag:s28] =	ssyncadd.s32 $0xFFFFF000  }
0xf7: {  	[spmem:s2] =	stream.indirect.scatter.add.f32 [tilespmem:s23], [sflag:$0x7], $0x20, s13, s21, $0xb8;
	[tilespmem:$0x1EC00] =	vst v63  }
0xf8: {  	_ =	swait.ge [sflag:s16], $0x1000  }
0xf9: {  	s7 =	sld [smem:$0x7ED]  }
0xfa: {  	[sflag:s16] =	ssyncset.done $0x0  }
0xfb: {  	[sflag:s16] =	ssyncadd.s32 $0xFFFFF000  }
0xfc: {  	[tilespmem:s23], [sflag:$0x2] =	stream.indirect.gather [hbm4b:s5+s21], $0x20, s7, s21, $0xb8;
	[tilespmem:$0x1EC00] =	vst v63  }
0xfd: {  	_ =	swait.ge [sflag:s29], $0x1000  }
0xfe: {  	s9 =	sld [smem:$0x7EF]  }
0xff: {  	[sflag:s29] =	ssyncset.done $0x0  }
0x100: {  	[sflag:s29] =	ssyncadd.s32 $0xFFFFF000  }
0x101: {  	[spmem:s2] =	stream.indirect.scatter.add.f32 [tilespmem:s24], [sflag:$0x7], $0x20, s9, s21, $0xb8;
	[tilespmem:$0x1EC00] =	vst v63  }
0x102: {  	_ =	swait.ge [sflag:s16], $0x1000  }
0x103: {  	s13 =	sld [smem:$0x7F1]  }
0x104: {  	[sflag:s16] =	ssyncset.done $0x0  }
0x105: {  	[sflag:s16] =	ssyncadd.s32 $0xFFFFF000  }
0x106: {  	[tilespmem:s24], [sflag:$0x3] =	stream.indirect.gather [hbm4b:s5+s21], $0x20, s13, s21, $0xb8;
	[tilespmem:$0x1EC00] =	vst v63  }
0x107: {  	_ =	swait.ge [sflag:s30], $0x1000  }
0x108: {  	s7 =	sld [smem:$0x7F3]  }
0x109: {  	[sflag:s30] =	ssyncset.done $0x0  }
0x10a: {  	[sflag:s30] =	ssyncadd.s32 $0xFFFFF000  }
0x10b: {  	[spmem:s2] =	stream.indirect.scatter.add.f32 [tilespmem:s25], [sflag:$0x7], $0x20, s7, s21, $0xb8;
	[tilespmem:$0x1EC00] =	vst v63  }
0x10c: {  	_ =	swait.ge [sflag:s16], $0x1000  }
0x10d: {  	s9 =	sld [smem:$0x7F4]  }
0x10e: {  	[sflag:s16] =	ssyncset.done $0x0  }
0x10f: {  	[sflag:s16] =	ssyncadd.s32 $0xFFFFF000  }
0x110: {  	[tilespmem:s25], [sflag:$0x4] =	stream.indirect.gather [hbm4b:s5+s21], $0x20, s9, s21, $0xb8;
	[tilespmem:$0x1EC00] =	vst v63  }
0x111: {  	_ =	swait.ge [sflag:s26], $0x1000  }
0x112: {  	s13 =	sld [smem:$0x7F5]  }
0x113: {  	[sflag:s26] =	ssyncset.done $0x0  }
0x114: {  	[sflag:s26] =	ssyncadd.s32 $0xFFFFF000  }
0x115: {  	[spmem:s2] =	stream.indirect.scatter.add.f32 [tilespmem:s22], [sflag:$0x7], $0x20, s13, s21, $0xb8;
	[tilespmem:$0x1EC00] =	vst v63  }
0x116: {  	_ =	swait.ge [sflag:s16], $0x1000  }
0x117: {  	s7 =	sld [smem:$0x7F6]  }
0x118: {  	[sflag:s16] =	ssyncset.done $0x0  }
0x119: {  	[sflag:s16] =	ssyncadd.s32 $0xFFFFF000  }
0x11a: {  	[tilespmem:s22], [sflag:$0x1] =	stream.indirect.gather [hbm4b:s5+s21], $0x20, s7, s21, $0xb8;
	[tilespmem:$0x1EC00] =	vst v63  }
0x11b: {  	_ =	swait.ge [sflag:s28], $0x1000  }
0x11c: {  	s9 =	sld [smem:$0x7F7]  }
0x11d: {  	[sflag:s28] =	ssyncset.done $0x0  }
0x11e: {  	[sflag:s28] =	ssyncadd.s32 $0xFFFFF000  }
0x11f: {  	[spmem:s2] =	stream.indirect.scatter.add.f32 [tilespmem:s23], [sflag:$0x7], $0x20, s9, s21, $0xb8;
	[tilespmem:$0x1EC00] =	vst v63  }
0x120: {  	_ =	swait.ge [sflag:s16], $0x1000  }
0x121: {  	s13 =	sld [smem:$0x7F8]  }
0x122: {  	[sflag:s16] =	ssyncset.done $0x0  }
0x123: {  	[sflag:s16] =	ssyncadd.s32 $0xFFFFF000  }
0x124: {  	[tilespmem:s23], [sflag:$0x2] =	stream.indirect.gather [hbm4b:s5+s21], $0x20, s13, s21, $0xb8;
	[tilespmem:$0x1EC00] =	vst v63  }
0x125: {  	_ =	swait.ge [sflag:s29], $0x1000  }
0x126: {  	s7 =	sld [smem:$0x7F9]  }
0x127: {  	[sflag:s29] =	ssyncset.done $0x0  }
0x128: {  	[sflag:s29] =	ssyncadd.s32 $0xFFFFF000  }
0x129: {  	[spmem:s2] =	stream.indirect.scatter.add.f32 [tilespmem:s24], [sflag:$0x7], $0x20, s7, s21, $0xb8;
	[tilespmem:$0x1EC00] =	vst v63  }
0x12a: {  	_ =	swait.ge [sflag:s16], $0x1000  }
0x12b: {  	s9 =	sld [smem:$0x7FA]  }
0x12c: {  	[sflag:s16] =	ssyncset.done $0x0  }
0x12d: {  	[sflag:s16] =	ssyncadd.s32 $0xFFFFF000  }
0x12e: {  	[tilespmem:s24], [sflag:$0x3] =	stream.indirect.gather [hbm4b:s5+s21], $0x20, s9, s21, $0xb8;
	[tilespmem:$0x1EC00] =	vst v63  }
0x12f: {  	_ =	swait.ge [sflag:s30], $0x1000  }
0x130: {  	s13 =	sld [smem:$0x7FB]  }
0x131: {  	[sflag:s30] =	ssyncset.done $0x0  }
0x132: {  	[sflag:s30] =	ssyncadd.s32 $0xFFFFF000  }
0x133: {  	[spmem:s2] =	stream.indirect.scatter.add.f32 [tilespmem:s25], [sflag:$0x7], $0x20, s13, s21, $0xb8;
	[tilespmem:$0x1EC00] =	vst v63  }
0x134: {  	_ =	swait.ge [sflag:s16], $0x1000  }
0x135: {  	s7 =	sld [smem:$0x7FC]  }
0x136: {  	[sflag:s16] =	ssyncset.done $0x0  }
0x137: {  	[sflag:s16] =	ssyncadd.s32 $0xFFFFF000  }
0x138: {  	[tilespmem:s25], [sflag:$0x4] =	stream.indirect.gather [hbm4b:s5+s21], $0x20, s7, s21, $0xb8;
	[tilespmem:$0x1EC00] =	vst v63  }
0x139: {  	_ =	swait.ge [sflag:s26], $0x1000  }
0x13a: {  	s9 =	sld [smem:$0x7FD]  }
0x13b: {  	[sflag:s26] =	ssyncset.done $0x0  }
0x13c: {  	[sflag:s26] =	ssyncadd.s32 $0xFFFFF000  }
0x13d: {  	[spmem:s2] =	stream.indirect.scatter.add.f32 [tilespmem:s22], [sflag:$0x7], $0x20, s9, s21, $0xb8;
	[tilespmem:$0x1EC00] =	vst v63  }
0x13e: {  	_ =	swait.ge [sflag:s16], $0x1000  }
0x13f: {  	[sflag:s16] =	ssyncset.done $0x0  }
0x140: {  	[sflag:s16] =	ssyncadd.s32 $0xFFFFF000  }
0x141: {  	_ =	swait.ge [sflag:s28], $0x1000  }
0x142: {  	[sflag:s28] =	ssyncset.done $0x0  }
0x143: {  	[sflag:s28] =	ssyncadd.s32 $0xFFFFF000  }
0x144: {  	[spmem:s2] =	stream.indirect.scatter.add.f32 [tilespmem:s23], [sflag:$0x7], $0x20, s1, s21, $0xb8;
	[tilespmem:$0x1EC00] =	vst v63  }
0x145: {  	_ =	swait.ge [sflag:s16], $0x1000  }
0x146: {  	[sflag:s16] =	ssyncset.done $0x0  }
0x147: {  	[sflag:s16] =	ssyncadd.s32 $0xFFFFF000  }
0x148: {  	_ =	swait.ge [sflag:s29], $0x1000  }
0x149: {  	[sflag:s29] =	ssyncset.done $0x0  }
0x14a: {  	[sflag:s29] =	ssyncadd.s32 $0xFFFFF000  }
0x14b: {  	[spmem:s2] =	stream.indirect.scatter.add.f32 [tilespmem:s24], [sflag:$0x7], $0x20, s0, s21, $0xb8;
	[tilespmem:$0x1EC00] =	vst v63  }
0x14c: {  	_ =	swait.ge [sflag:s16], $0x1000  }
0x14d: {  	[sflag:s16] =	ssyncset.done $0x0  }
0x14e: {  	[sflag:s16] =	ssyncadd.s32 $0xFFFFF000  }
0x14f: {  	_ =	swait.ge [sflag:s30], $0x1000  }
0x150: {  	[sflag:s30] =	ssyncset.done $0x0  }
0x151: {  	[sflag:s30] =	ssyncadd.s32 $0xFFFFF000  }
0x152: {  	[spmem:s2] =	stream.indirect.scatter.add.f32 [tilespmem:s25], [sflag:$0x7], $0x20, s6, s21, $0xb8;
	[tilespmem:$0x1EC00] =	vst v63  }
0x153: {  	_ =	swait.ge [sflag:s16], $0x1000  }
0x154: {  	s13 =	rddreg [dreg:$0x4];
	[sflag:s16] =	ssyncset.done $0x0  }
0x155: {  	[sflag:s16] =	ssyncadd.s32 $0xFFFFF000;
	s11 =	sadd.s32 $0x0, s13  }
0x156: {  	[tilespmem:s18], [sflag:$0x6] =	stream.linear.gather [hbm4b:s11+s3], $0x700, $0x38;
	[tilespmem:$0x1EC00] =	vst v63  }
0x157: {  	s8 =	sadd.s32 $0x2A0, s8;
	s11 =	simm.s32 $0x1C0  }
.LBB2_2:
0x158: {  	[tilespmem:s19], [sflag:$0x6] =	stream.linear.gather [hbm4b:s8+s3], $0x700, $0x38;
	[tilespmem:$0x1EC00] =	vst v63  }
0x159: {  	_ =	swait.ge [sflag:s20], $0x700  }
0x15a: {  	[sflag:s20] =	ssyncset.done $0x0  }
0x15b: {  	[sflag:s20] =	ssyncadd.s32 $0xFFFFF900  }
0x15c: {  	_ =	swait.ge [sflag:s20], $0x700  }
0x15d: {  	[sflag:s20] =	ssyncset.done $0x0  }
0x15e: {  	[sflag:s20] =	ssyncadd.s32 $0xFFFFF900  }
0x15f: {  	[tilespmem:s22], [sflag:$0x1] =	stream.indirect.gather [hbm4b:s5+s21], $0x20, s3, s21, $0xb8;
	[tilespmem:$0x1EC00] =	vst v63  }
0x160: {  	_ = 	snop  }
0x161: {  	[tilespmem:s23], [sflag:$0x2] =	stream.indirect.gather [hbm4b:s5+s21], $0x20, s21, s21, $0xb8;
	[tilespmem:$0x1EC00] =	vst v63  }
0x162: {  	s7 =	rddreg [dreg:$0x5]  }
0x163: {  	[tilespmem:s24], [sflag:$0x3] =	stream.indirect.gather [hbm4b:s5+s21], $0x20, s7, s21, $0xb8;
	[tilespmem:$0x1EC00] =	vst v63  }
0x164: {  	s9 =	rddreg [dreg:$0x6]  }
0x165: {  	[tilespmem:s25], [sflag:$0x4] =	stream.indirect.gather [hbm4b:s5+s21], $0x20, s9, s21, $0xb8;
	[tilespmem:$0x1EC00] =	vst v63  }
0x166: {  	_ =	swait.ge [sflag:s26], $0x1000  }
0x167: {  	[sflag:s26] =	ssyncset.done $0x0  }
0x168: {  	[sflag:s26] =	ssyncadd.s32 $0xFFFFF000  }
0x169: {  	[spmem:s2] =	stream.indirect.scatter.add.f32 [tilespmem:s22], [sflag:$0x7], $0x20, s17, s21, $0xb8;
	[tilespmem:$0x1EC00] =	vst v63  }
0x16a: {  	_ =	swait.ge [sflag:s16], $0x1000  }
0x16b: {  	[sflag:s16] =	ssyncset.done $0x0  }
0x16c: {  	s7 =	rddreg [dreg:$0x7];
	[sflag:s16] =	ssyncadd.s32 $0xFFFFF000  }
0x16d: {  	[tilespmem:s22], [sflag:$0x1] =	stream.indirect.gather [hbm4b:s5+s21], $0x20, s7, s21, $0xb8;
	[tilespmem:$0x1EC00] =	vst v63  }
0x16e: {  	_ =	swait.ge [sflag:s28], $0x1000  }
0x16f: {  	[sflag:s28] =	ssyncset.done $0x0  }
0x170: {  	s9 =	rddreg [dreg:$0x8];
	[sflag:s28] =	ssyncadd.s32 $0xFFFFF000  }
0x171: {  	[spmem:s2] =	stream.indirect.scatter.add.f32 [tilespmem:s23], [sflag:$0x7], $0x20, s9, s21, $0xb8;
	[tilespmem:$0x1EC00] =	vst v63  }
0x172: {  	_ =	swait.ge [sflag:s16], $0x1000  }
0x173: {  	[sflag:s16] =	ssyncset.done $0x0  }
0x174: {  	s7 =	rddreg [dreg:$0x9];
	[sflag:s16] =	ssyncadd.s32 $0xFFFFF000  }
0x175: {  	[tilespmem:s23], [sflag:$0x2] =	stream.indirect.gather [hbm4b:s5+s21], $0x20, s7, s21, $0xb8;
	[tilespmem:$0x1EC00] =	vst v63  }
0x176: {  	_ =	swait.ge [sflag:s29], $0x1000  }
0x177: {  	[sflag:s29] =	ssyncset.done $0x0  }
0x178: {  	s9 =	rddreg [dreg:$0xa];
	[sflag:s29] =	ssyncadd.s32 $0xFFFFF000  }
0x179: {  	[spmem:s2] =	stream.indirect.scatter.add.f32 [tilespmem:s24], [sflag:$0x7], $0x20, s9, s21, $0xb8;
	[tilespmem:$0x1EC00] =	vst v63  }
0x17a: {  	_ =	swait.ge [sflag:s16], $0x1000  }
0x17b: {  	[sflag:s16] =	ssyncset.done $0x0  }
0x17c: {  	s7 =	rddreg [dreg:$0xb];
	[sflag:s16] =	ssyncadd.s32 $0xFFFFF000  }
0x17d: {  	[tilespmem:s24], [sflag:$0x3] =	stream.indirect.gather [hbm4b:s5+s21], $0x20, s7, s21, $0xb8;
	[tilespmem:$0x1EC00] =	vst v63  }
0x17e: {  	_ =	swait.ge [sflag:s30], $0x1000  }
0x17f: {  	[sflag:s30] =	ssyncset.done $0x0  }
0x180: {  	s9 =	rddreg [dreg:$0xc];
	[sflag:s30] =	ssyncadd.s32 $0xFFFFF000  }
0x181: {  	[spmem:s2] =	stream.indirect.scatter.add.f32 [tilespmem:s25], [sflag:$0x7], $0x20, s9, s21, $0xb8;
	[tilespmem:$0x1EC00] =	vst v63  }
0x182: {  	_ =	swait.ge [sflag:s16], $0x1000  }
0x183: {  	[sflag:s16] =	ssyncset.done $0x0  }
0x184: {  	s7 =	rddreg [dreg:$0xd];
	[sflag:s16] =	ssyncadd.s32 $0xFFFFF000  }
0x185: {  	[tilespmem:s25], [sflag:$0x4] =	stream.indirect.gather [hbm4b:s5+s21], $0x20, s7, s21, $0xb8;
	[tilespmem:$0x1EC00] =	vst v63  }
0x186: {  	_ =	swait.ge [sflag:s26], $0x1000  }
0x187: {  	[sflag:s26] =	ssyncset.done $0x0  }
0x188: {  	s9 =	rddreg [dreg:$0xe];
	[sflag:s26] =	ssyncadd.s32 $0xFFFFF000  }
0x189: {  	[spmem:s2] =	stream.indirect.scatter.add.f32 [tilespmem:s22], [sflag:$0x7], $0x20, s9, s21, $0xb8;
	[tilespmem:$0x1EC00] =	vst v63  }
0x18a: {  	_ =	swait.ge [sflag:s16], $0x1000  }
0x18b: {  	[sflag:s16] =	ssyncset.done $0x0  }
0x18c: {  	s7 =	rddreg [dreg:$0xf];
	[sflag:s16] =	ssyncadd.s32 $0xFFFFF000  }
0x18d: {  	[tilespmem:s22], [sflag:$0x1] =	stream.indirect.gather [hbm4b:s5+s21], $0x20, s7, s21, $0xb8;
	[tilespmem:$0x1EC00] =	vst v63  }
0x18e: {  	_ =	swait.ge [sflag:s28], $0x1000  }
0x18f: {  	[sflag:s28] =	ssyncset.done $0x0  }
0x190: {  	s9 =	rddreg [dreg:$0x10];
	[sflag:s28] =	ssyncadd.s32 $0xFFFFF000  }
0x191: {  	[spmem:s2] =	stream.indirect.scatter.add.f32 [tilespmem:s23], [sflag:$0x7], $0x20, s9, s21, $0xb8;
	[tilespmem:$0x1EC00] =	vst v63  }
0x192: {  	_ =	swait.ge [sflag:s16], $0x1000  }
0x193: {  	[sflag:s16] =	ssyncset.done $0x0  }
0x194: {  	s7 =	rddreg [dreg:$0x11];
	[sflag:s16] =	ssyncadd.s32 $0xFFFFF000  }
0x195: {  	[tilespmem:s23], [sflag:$0x2] =	stream.indirect.gather [hbm4b:s5+s21], $0x20, s7, s21, $0xb8;
	[tilespmem:$0x1EC00] =	vst v63  }
0x196: {  	_ =	swait.ge [sflag:s29], $0x1000  }
0x197: {  	[sflag:s29] =	ssyncset.done $0x0  }
0x198: {  	s9 =	rddreg [dreg:$0x12];
	[sflag:s29] =	ssyncadd.s32 $0xFFFFF000  }
0x199: {  	[spmem:s2] =	stream.indirect.scatter.add.f32 [tilespmem:s24], [sflag:$0x7], $0x20, s9, s21, $0xb8;
	[tilespmem:$0x1EC00] =	vst v63  }
0x19a: {  	_ =	swait.ge [sflag:s16], $0x1000  }
0x19b: {  	[sflag:s16] =	ssyncset.done $0x0  }
0x19c: {  	s7 =	rddreg [dreg:$0x13];
	[sflag:s16] =	ssyncadd.s32 $0xFFFFF000  }
0x19d: {  	[tilespmem:s24], [sflag:$0x3] =	stream.indirect.gather [hbm4b:s5+s21], $0x20, s7, s21, $0xb8;
	[tilespmem:$0x1EC00] =	vst v63  }
0x19e: {  	_ =	swait.ge [sflag:s30], $0x1000  }
0x19f: {  	[sflag:s30] =	ssyncset.done $0x0  }
0x1a0: {  	s9 =	rddreg [dreg:$0x14];
	[sflag:s30] =	ssyncadd.s32 $0xFFFFF000  }
0x1a1: {  	[spmem:s2] =	stream.indirect.scatter.add.f32 [tilespmem:s25], [sflag:$0x7], $0x20, s9, s21, $0xb8;
	[tilespmem:$0x1EC00] =	vst v63  }
0x1a2: {  	_ =	swait.ge [sflag:s16], $0x1000  }
0x1a3: {  	[sflag:s16] =	ssyncset.done $0x0  }
0x1a4: {  	s7 =	rddreg [dreg:$0x15];
	[sflag:s16] =	ssyncadd.s32 $0xFFFFF000  }
0x1a5: {  	[tilespmem:s25], [sflag:$0x4] =	stream.indirect.gather [hbm4b:s5+s21], $0x20, s7, s21, $0xb8;
	[tilespmem:$0x1EC00] =	vst v63  }
0x1a6: {  	_ =	swait.ge [sflag:s26], $0x1000  }
0x1a7: {  	[sflag:s26] =	ssyncset.done $0x0  }
0x1a8: {  	s9 =	rddreg [dreg:$0x16];
	[sflag:s26] =	ssyncadd.s32 $0xFFFFF000  }
0x1a9: {  	[spmem:s2] =	stream.indirect.scatter.add.f32 [tilespmem:s22], [sflag:$0x7], $0x20, s9, s21, $0xb8;
	[tilespmem:$0x1EC00] =	vst v63  }
0x1aa: {  	_ =	swait.ge [sflag:s16], $0x1000  }
0x1ab: {  	[sflag:s16] =	ssyncset.done $0x0  }
0x1ac: {  	s7 =	rddreg [dreg:$0x17];
	[sflag:s16] =	ssyncadd.s32 $0xFFFFF000  }
0x1ad: {  	[tilespmem:s22], [sflag:$0x1] =	stream.indirect.gather [hbm4b:s5+s21], $0x20, s7, s21, $0xb8;
	[tilespmem:$0x1EC00] =	vst v63  }
0x1ae: {  	_ =	swait.ge [sflag:s28], $0x1000  }
0x1af: {  	[sflag:s28] =	ssyncset.done $0x0  }
0x1b0: {  	s9 =	rddreg [dreg:$0x18];
	[sflag:s28] =	ssyncadd.s32 $0xFFFFF000  }
0x1b1: {  	[spmem:s2] =	stream.indirect.scatter.add.f32 [tilespmem:s23], [sflag:$0x7], $0x20, s9, s21, $0xb8;
	[tilespmem:$0x1EC00] =	vst v63  }
0x1b2: {  	_ =	swait.ge [sflag:s16], $0x1000  }
0x1b3: {  	[sflag:s16] =	ssyncset.done $0x0  }
0x1b4: {  	s7 =	rddreg [dreg:$0x19];
	[sflag:s16] =	ssyncadd.s32 $0xFFFFF000  }
0x1b5: {  	[tilespmem:s23], [sflag:$0x2] =	stream.indirect.gather [hbm4b:s5+s21], $0x20, s7, s21, $0xb8;
	[tilespmem:$0x1EC00] =	vst v63  }
0x1b6: {  	_ =	swait.ge [sflag:s29], $0x1000  }
0x1b7: {  	[sflag:s29] =	ssyncset.done $0x0  }
0x1b8: {  	s9 =	rddreg [dreg:$0x1a];
	[sflag:s29] =	ssyncadd.s32 $0xFFFFF000  }
0x1b9: {  	[spmem:s2] =	stream.indirect.scatter.add.f32 [tilespmem:s24], [sflag:$0x7], $0x20, s9, s21, $0xb8;
	[tilespmem:$0x1EC00] =	vst v63  }
0x1ba: {  	_ =	swait.ge [sflag:s16], $0x1000  }
0x1bb: {  	[sflag:s16] =	ssyncset.done $0x0  }
0x1bc: {  	[sflag:s16] =	ssyncadd.s32 $0xFFFFF000  }
0x1bd: {  	_ =	swait.ge [sflag:s31], $0x700  }
0x1be: {  	[sflag:s31] =	ssyncset.done $0x0  }
0x1bf: {  	[sflag:s31] =	ssyncadd.s32 $0xFFFFF900  }
0x1c0: {  	_ =	swait.ge [sflag:s31], $0x700  }
0x1c1: {  	[sflag:s31] =	ssyncset.done $0x0  }
0x1c2: {  	[sflag:s31] =	ssyncadd.s32 $0xFFFFF900  }
0x1c3: {  	[tilespmem:s24], [sflag:$0x3] =	stream.indirect.gather [hbm4b:s5+s21], $0x20, s18, s21, $0xb8;
	[tilespmem:$0x1EC00] =	vst v63  }
0x1c4: {  	_ =	swait.ge [sflag:s30], $0x1000  }
0x1c5: {  	[sflag:s30] =	ssyncset.done $0x0  }
0x1c6: {  	s7 =	rddreg [dreg:$0x1b];
	[sflag:s30] =	ssyncadd.s32 $0xFFFFF000  }
0x1c7: {  	[spmem:s2] =	stream.indirect.scatter.add.f32 [tilespmem:s25], [sflag:$0x7], $0x20, s7, s21, $0xb8;
	[tilespmem:$0x1EC00] =	vst v63  }
0x1c8: {  	_ =	swait.ge [sflag:s16], $0x1000  }
0x1c9: {  	[sflag:s16] =	ssyncset.done $0x0  }
0x1ca: {  	s9 =	rddreg [dreg:$0x1c];
	[sflag:s16] =	ssyncadd.s32 $0xFFFFF000  }
0x1cb: {  	[tilespmem:s25], [sflag:$0x4] =	stream.indirect.gather [hbm4b:s5+s21], $0x20, s9, s21, $0xb8;
	[tilespmem:$0x1EC00] =	vst v63  }
0x1cc: {  	_ =	swait.ge [sflag:s26], $0x1000  }
0x1cd: {  	[sflag:s26] =	ssyncset.done $0x0  }
0x1ce: {  	s7 =	rddreg [dreg:$0x1d];
	[sflag:s26] =	ssyncadd.s32 $0xFFFFF000  }
0x1cf: {  	[spmem:s2] =	stream.indirect.scatter.add.f32 [tilespmem:s22], [sflag:$0x7], $0x20, s7, s21, $0xb8;
	[tilespmem:$0x1EC00] =	vst v63  }
0x1d0: {  	_ =	swait.ge [sflag:s16], $0x1000  }
0x1d1: {  	[sflag:s16] =	ssyncset.done $0x0  }
0x1d2: {  	s9 =	rddreg [dreg:$0x1e];
	[sflag:s16] =	ssyncadd.s32 $0xFFFFF000  }
0x1d3: {  	[tilespmem:s22], [sflag:$0x1] =	stream.indirect.gather [hbm4b:s5+s21], $0x20, s9, s21, $0xb8;
	[tilespmem:$0x1EC00] =	vst v63  }
0x1d4: {  	_ =	swait.ge [sflag:s28], $0x1000  }
0x1d5: {  	[sflag:s28] =	ssyncset.done $0x0  }
0x1d6: {  	s7 =	rddreg [dreg:$0x1f];
	[sflag:s28] =	ssyncadd.s32 $0xFFFFF000  }
0x1d7: {  	[spmem:s2] =	stream.indirect.scatter.add.f32 [tilespmem:s23], [sflag:$0x7], $0x20, s7, s21, $0xb8;
	[tilespmem:$0x1EC00] =	vst v63  }
0x1d8: {  	_ =	swait.ge [sflag:s16], $0x1000  }
0x1d9: {  	s8 =	sld [smem:$0x7E2]  }
0x1da: {  	s14 =	sadd.s32 $0xE00, s14;
	s13 =	smov.u32 s11;
	[sflag:s16] =	ssyncset.done $0x0  }
0x1db: {  	s7 =	sshrl.u32 s14, $0x3;
	s9 =	rddreg [dreg:$0x3];
	[sflag:s16] =	ssyncadd.s32 $0xFFFFF000  }
0x1dc: {  	[tilespmem:s23], [sflag:$0x2] =	stream.indirect.gather [hbm4b:s5+s21], $0x20, s8, s21, $0xb8;
	[tilespmem:$0x1EC00] =	vst v63  }
0x1dd: {  	s7 =	sadd.s32 s4, s7;
	s8 =	sadd.s32 s13, s9  }
0x1de: {  	[tilespmem:s3], [sflag:$0x5] =	stream.linear.gather [hbm4b:s7+s3], $0x700, $0x38;
	[tilespmem:$0x1EC00] =	vst v63  }
0x1df: {  	s9 =	sadd.s32 $0x1C0, s8  }
0x1e0: {  	[tilespmem:s17], [sflag:$0x5] =	stream.linear.gather [hbm4b:s9+s3], $0x700, $0x38;
	[tilespmem:$0x1EC00] =	vst v63  }
0x1e1: {  	_ =	swait.ge [sflag:s29], $0x1000  }
0x1e2: {  	[sflag:s29] =	ssyncset.done $0x0  }
0x1e3: {  	[sflag:s29] =	ssyncadd.s32 $0xFFFFF000  }
0x1e4: {  	[spmem:s2] =	stream.indirect.scatter.add.f32 [tilespmem:s24], [sflag:$0x7], $0x20, s19, s21, $0xb8;
	[tilespmem:$0x1EC00] =	vst v63  }
0x1e5: {  	_ =	swait.ge [sflag:s16], $0x1000  }
0x1e6: {  	s9 =	sld [smem:$0x7E3]  }
0x1e7: {  	[sflag:s16] =	ssyncset.done $0x0  }
0x1e8: {  	[sflag:s16] =	ssyncadd.s32 $0xFFFFF000  }
0x1e9: {  	[tilespmem:s24], [sflag:$0x3] =	stream.indirect.gather [hbm4b:s5+s21], $0x20, s9, s21, $0xb8;
	[tilespmem:$0x1EC00] =	vst v63  }
0x1ea: {  	_ =	swait.ge [sflag:s30], $0x1000  }
0x1eb: {  	s9 =	sld [smem:$0x7E4]  }
0x1ec: {  	[sflag:s30] =	ssyncset.done $0x0  }
0x1ed: {  	[sflag:s30] =	ssyncadd.s32 $0xFFFFF000  }
0x1ee: {  	[spmem:s2] =	stream.indirect.scatter.add.f32 [tilespmem:s25], [sflag:$0x7], $0x20, s9, s21, $0xb8;
	[tilespmem:$0x1EC00] =	vst v63  }
0x1ef: {  	_ =	swait.ge [sflag:s16], $0x1000  }
0x1f0: {  	s9 =	sld [smem:$0x7E5]  }
0x1f1: {  	[sflag:s16] =	ssyncset.done $0x0  }
0x1f2: {  	[sflag:s16] =	ssyncadd.s32 $0xFFFFF000  }
0x1f3: {  	[tilespmem:s25], [sflag:$0x4] =	stream.indirect.gather [hbm4b:s5+s21], $0x20, s9, s21, $0xb8;
	[tilespmem:$0x1EC00] =	vst v63  }
0x1f4: {  	_ =	swait.ge [sflag:s26], $0x1000  }
0x1f5: {  	s9 =	sld [smem:$0x7E6]  }
0x1f6: {  	[sflag:s26] =	ssyncset.done $0x0  }
0x1f7: {  	[sflag:s26] =	ssyncadd.s32 $0xFFFFF000  }
0x1f8: {  	[spmem:s2] =	stream.indirect.scatter.add.f32 [tilespmem:s22], [sflag:$0x7], $0x20, s9, s21, $0xb8;
	[tilespmem:$0x1EC00] =	vst v63  }
0x1f9: {  	_ =	swait.ge [sflag:s16], $0x1000  }
0x1fa: {  	s9 =	sld [smem:$0x7E7]  }
0x1fb: {  	[sflag:s16] =	ssyncset.done $0x0  }
0x1fc: {  	[sflag:s16] =	ssyncadd.s32 $0xFFFFF000  }
0x1fd: {  	[tilespmem:s22], [sflag:$0x1] =	stream.indirect.gather [hbm4b:s5+s21], $0x20, s9, s21, $0xb8;
	[tilespmem:$0x1EC00] =	vst v63  }
0x1fe: {  	_ =	swait.ge [sflag:s28], $0x1000  }
0x1ff: {  	s9 =	sld [smem:$0x7EA]  }
0x200: {  	[sflag:s28] =	ssyncset.done $0x0  }
0x201: {  	[sflag:s28] =	ssyncadd.s32 $0xFFFFF000  }
0x202: {  	[spmem:s2] =	stream.indirect.scatter.add.f32 [tilespmem:s23], [sflag:$0x7], $0x20, s9, s21, $0xb8;
	[tilespmem:$0x1EC00] =	vst v63  }
0x203: {  	_ =	swait.ge [sflag:s16], $0x1000  }
0x204: {  	s9 =	sld [smem:$0x7ED]  }
0x205: {  	[sflag:s16] =	ssyncset.done $0x0  }
0x206: {  	[sflag:s16] =	ssyncadd.s32 $0xFFFFF000  }
0x207: {  	[tilespmem:s23], [sflag:$0x2] =	stream.indirect.gather [hbm4b:s5+s21], $0x20, s9, s21, $0xb8;
	[tilespmem:$0x1EC00] =	vst v63  }
0x208: {  	_ =	swait.ge [sflag:s29], $0x1000  }
0x209: {  	s9 =	sld [smem:$0x7EF]  }
0x20a: {  	[sflag:s29] =	ssyncset.done $0x0  }
0x20b: {  	[sflag:s29] =	ssyncadd.s32 $0xFFFFF000  }
0x20c: {  	[spmem:s2] =	stream.indirect.scatter.add.f32 [tilespmem:s24], [sflag:$0x7], $0x20, s9, s21, $0xb8;
	[tilespmem:$0x1EC00] =	vst v63  }
0x20d: {  	_ =	swait.ge [sflag:s16], $0x1000  }
0x20e: {  	s9 =	sld [smem:$0x7F1]  }
0x20f: {  	[sflag:s16] =	ssyncset.done $0x0  }
0x210: {  	[sflag:s16] =	ssyncadd.s32 $0xFFFFF000  }
0x211: {  	[tilespmem:s24], [sflag:$0x3] =	stream.indirect.gather [hbm4b:s5+s21], $0x20, s9, s21, $0xb8;
	[tilespmem:$0x1EC00] =	vst v63  }
0x212: {  	_ =	swait.ge [sflag:s30], $0x1000  }
0x213: {  	s9 =	sld [smem:$0x7F3]  }
0x214: {  	[sflag:s30] =	ssyncset.done $0x0  }
0x215: {  	[sflag:s30] =	ssyncadd.s32 $0xFFFFF000  }
0x216: {  	[spmem:s2] =	stream.indirect.scatter.add.f32 [tilespmem:s25], [sflag:$0x7], $0x20, s9, s21, $0xb8;
	[tilespmem:$0x1EC00] =	vst v63  }
0x217: {  	_ =	swait.ge [sflag:s16], $0x1000  }
0x218: {  	s9 =	sld [smem:$0x7F4]  }
0x219: {  	[sflag:s16] =	ssyncset.done $0x0  }
0x21a: {  	[sflag:s16] =	ssyncadd.s32 $0xFFFFF000  }
0x21b: {  	[tilespmem:s25], [sflag:$0x4] =	stream.indirect.gather [hbm4b:s5+s21], $0x20, s9, s21, $0xb8;
	[tilespmem:$0x1EC00] =	vst v63  }
0x21c: {  	_ =	swait.ge [sflag:s26], $0x1000  }
0x21d: {  	s9 =	sld [smem:$0x7F5]  }
0x21e: {  	[sflag:s26] =	ssyncset.done $0x0  }
0x21f: {  	[sflag:s26] =	ssyncadd.s32 $0xFFFFF000  }
0x220: {  	[spmem:s2] =	stream.indirect.scatter.add.f32 [tilespmem:s22], [sflag:$0x7], $0x20, s9, s21, $0xb8;
	[tilespmem:$0x1EC00] =	vst v63  }
0x221: {  	_ =	swait.ge [sflag:s16], $0x1000  }
0x222: {  	s9 =	sld [smem:$0x7F6]  }
0x223: {  	[sflag:s16] =	ssyncset.done $0x0  }
0x224: {  	[sflag:s16] =	ssyncadd.s32 $0xFFFFF000  }
0x225: {  	[tilespmem:s22], [sflag:$0x1] =	stream.indirect.gather [hbm4b:s5+s21], $0x20, s9, s21, $0xb8;
	[tilespmem:$0x1EC00] =	vst v63  }
0x226: {  	_ =	swait.ge [sflag:s28], $0x1000  }
0x227: {  	s9 =	sld [smem:$0x7F7]  }
0x228: {  	[sflag:s28] =	ssyncset.done $0x0  }
0x229: {  	[sflag:s28] =	ssyncadd.s32 $0xFFFFF000  }
0x22a: {  	[spmem:s2] =	stream.indirect.scatter.add.f32 [tilespmem:s23], [sflag:$0x7], $0x20, s9, s21, $0xb8;
	[tilespmem:$0x1EC00] =	vst v63  }
0x22b: {  	_ =	swait.ge [sflag:s16], $0x1000  }
0x22c: {  	s9 =	sld [smem:$0x7F8]  }
0x22d: {  	[sflag:s16] =	ssyncset.done $0x0  }
0x22e: {  	[sflag:s16] =	ssyncadd.s32 $0xFFFFF000  }
0x22f: {  	[tilespmem:s23], [sflag:$0x2] =	stream.indirect.gather [hbm4b:s5+s21], $0x20, s9, s21, $0xb8;
	[tilespmem:$0x1EC00] =	vst v63  }
0x230: {  	_ =	swait.ge [sflag:s29], $0x1000  }
0x231: {  	s9 =	sld [smem:$0x7F9]  }
0x232: {  	[sflag:s29] =	ssyncset.done $0x0  }
0x233: {  	[sflag:s29] =	ssyncadd.s32 $0xFFFFF000  }
0x234: {  	[spmem:s2] =	stream.indirect.scatter.add.f32 [tilespmem:s24], [sflag:$0x7], $0x20, s9, s21, $0xb8;
	[tilespmem:$0x1EC00] =	vst v63  }
0x235: {  	_ =	swait.ge [sflag:s16], $0x1000  }
0x236: {  	s9 =	sld [smem:$0x7FA]  }
0x237: {  	[sflag:s16] =	ssyncset.done $0x0  }
0x238: {  	[sflag:s16] =	ssyncadd.s32 $0xFFFFF000  }
0x239: {  	[tilespmem:s24], [sflag:$0x3] =	stream.indirect.gather [hbm4b:s5+s21], $0x20, s9, s21, $0xb8;
	[tilespmem:$0x1EC00] =	vst v63  }
0x23a: {  	_ =	swait.ge [sflag:s30], $0x1000  }
0x23b: {  	s9 =	sld [smem:$0x7FB]  }
0x23c: {  	[sflag:s30] =	ssyncset.done $0x0  }
0x23d: {  	[sflag:s30] =	ssyncadd.s32 $0xFFFFF000  }
0x23e: {  	[spmem:s2] =	stream.indirect.scatter.add.f32 [tilespmem:s25], [sflag:$0x7], $0x20, s9, s21, $0xb8;
	[tilespmem:$0x1EC00] =	vst v63  }
0x23f: {  	_ =	swait.ge [sflag:s16], $0x1000  }
0x240: {  	s9 =	sld [smem:$0x7FC]  }
0x241: {  	[sflag:s16] =	ssyncset.done $0x0  }
0x242: {  	[sflag:s16] =	ssyncadd.s32 $0xFFFFF000  }
0x243: {  	[tilespmem:s25], [sflag:$0x4] =	stream.indirect.gather [hbm4b:s5+s21], $0x20, s9, s21, $0xb8;
	[tilespmem:$0x1EC00] =	vst v63  }
0x244: {  	_ =	swait.ge [sflag:s26], $0x1000  }
0x245: {  	s9 =	sld [smem:$0x7FD]  }
0x246: {  	[sflag:s26] =	ssyncset.done $0x0  }
0x247: {  	[sflag:s26] =	ssyncadd.s32 $0xFFFFF000  }
0x248: {  	[spmem:s2] =	stream.indirect.scatter.add.f32 [tilespmem:s22], [sflag:$0x7], $0x20, s9, s21, $0xb8;
	[tilespmem:$0x1EC00] =	vst v63  }
0x249: {  	_ =	swait.ge [sflag:s16], $0x1000  }
0x24a: {  	[sflag:s16] =	ssyncset.done $0x0  }
0x24b: {  	[sflag:s16] =	ssyncadd.s32 $0xFFFFF000  }
0x24c: {  	_ =	swait.ge [sflag:s28], $0x1000  }
0x24d: {  	[sflag:s28] =	ssyncset.done $0x0  }
0x24e: {  	[sflag:s28] =	ssyncadd.s32 $0xFFFFF000  }
0x24f: {  	[spmem:s2] =	stream.indirect.scatter.add.f32 [tilespmem:s23], [sflag:$0x7], $0x20, s1, s21, $0xb8;
	[tilespmem:$0x1EC00] =	vst v63  }
0x250: {  	_ =	swait.ge [sflag:s16], $0x1000  }
0x251: {  	[sflag:s16] =	ssyncset.done $0x0  }
0x252: {  	[sflag:s16] =	ssyncadd.s32 $0xFFFFF000  }
0x253: {  	_ =	swait.ge [sflag:s29], $0x1000  }
0x254: {  	[sflag:s29] =	ssyncset.done $0x0  }
0x255: {  	[sflag:s29] =	ssyncadd.s32 $0xFFFFF000  }
0x256: {  	[spmem:s2] =	stream.indirect.scatter.add.f32 [tilespmem:s24], [sflag:$0x7], $0x20, s0, s21, $0xb8;
	[tilespmem:$0x1EC00] =	vst v63  }
0x257: {  	_ =	swait.ge [sflag:s16], $0x1000  }
0x258: {  	[sflag:s16] =	ssyncset.done $0x0  }
0x259: {  	[sflag:s16] =	ssyncadd.s32 $0xFFFFF000  }
0x25a: {  	_ =	swait.ge [sflag:s30], $0x1000  }
0x25b: {  	[sflag:s30] =	ssyncset.done $0x0  }
0x25c: {  	p0 =	sne.s32 s11, $0x16C0;
	[sflag:s30] =	ssyncadd.s32 $0xFFFFF000  }
0x25d: {  	[spmem:s2] =	stream.indirect.scatter.add.f32 [tilespmem:s25], [sflag:$0x7], $0x20, s6, s21, $0xb8;
	[tilespmem:$0x1EC00] =	vst v63  }
.Ltmp0:
0x25e: {  	_ = 	snop;
	(pc) =	sbr.rel @p0 .LBB2_2-.Ltmp0, $4  }
0x25f: {  	_ =	swait.ge [sflag:s16], $0x1000  }
0x260: {  	s11 =	sadd.s32 $0x1C0, s11;
	s9 =	rddreg [dreg:$0x4];
	[sflag:s16] =	ssyncset.done $0x0  }
0x261: {  	s8 =	sadd.s32 $0x2A0, s8;
	[sflag:s16] =	ssyncadd.s32 $0xFFFFF000;
	s7 =	sadd.s32 s13, s9  }
0x262: {  	[tilespmem:s18], [sflag:$0x6] =	stream.linear.gather [hbm4b:s7+s3], $0x700, $0x38;
	[tilespmem:$0x1EC00] =	vst v63  }
0x263: {  	[tilespmem:s19], [sflag:$0x6] =	stream.linear.gather [hbm4b:s8+s3], $0x700, $0x38;
	[tilespmem:$0x1EC00] =	vst v63  }
0x264: {  	_ =	swait.ge [sflag:s20], $0x700  }
0x265: {  	[sflag:s20] =	ssyncset.done $0x0  }
0x266: {  	[sflag:s20] =	ssyncadd.s32 $0xFFFFF900  }
0x267: {  	_ =	swait.ge [sflag:s20], $0x700  }
0x268: {  	[sflag:s20] =	ssyncset.done $0x0  }
0x269: {  	[sflag:s20] =	ssyncadd.s32 $0xFFFFF900  }
0x26a: {  	_ =	swait.ge [sflag:s31], $0x700  }
0x26b: {  	[sflag:s31] =	ssyncset.done $0x0  }
0x26c: {  	[sflag:s31] =	ssyncadd.s32 $0xFFFFF900  }
0x26d: {  	_ =	swait.ge [sflag:s31], $0x700  }
0x26e: {  	[sflag:s31] =	ssyncset.done $0x0  }
0x26f: {  	[sflag:s31] =	ssyncadd.s32 $0xFFFFF900  }
0x270: {  	[bflag:$0x0] =	sbarrier.arrive $0xFFFF  }
0x271: {  	s7 =	sld [smem:$0x7EE];
	_ =	sdelay $0x2  }
0x272: {  	[hbm:s7], [sflag:s15] =	dma.local [spmem:s12], $0x3200  }
0x273: {  	_ =	swait.ge [sflag:s16], $0x3200  }
0x274: {  	s13 =	smov.u32 s15;
	s15 =	sld [smem:$0x7F0];
	_ =	sdelay $0x1  }
0x275: {  	s10 =	sadd.s32 $0x1, s10  }
0x276: {  	p0 =	sne.s32 s10, s15  }
.Ltmp1:
0x277: {  	_ = 	snop;
	(pc) =	sbr.rel @p0 .LBB2_1-.Ltmp1, $3  }
0x278: {  	_ =	sdelay $0x1  }
0x279: {  	[sflag:s16] =	ssyncset.done $0x0  }
0x27a: {  	s8 =	smov.u32 s12;
	[sflag:s16] =	ssyncadd.s32 $0xFFFFCE00  }
0x27b: {  	_ =	sfence.sel $0x180000  }
0x27c: {  	[bflag:$0x0] =	sbarrier.arrive $0xFFFF  }
0x27d: {  	_ =	strace $0x9000004A  }
0x27e: {  	s0 =	stileid.u32;
	[bflag:$0x2] =	sbarrier.arrive $0xFFFF  }
0x27f: {  	p0 =	sne.s32 s0, $0x0;
	s0 =	rddreg [dreg:$0x2]  }
0x280: {  	s0 =	sadd.s32 @!p0 $0x100000, s0  }
0x281: {  	[sflag:s0] =	ssyncadd.tile.s32 @!p0 $0x1;
	_ =	shalt  }
.Lfunc_end2:
_tile_overlayer_lowered:
.L_overlay_start_2:
0x282: {  	(tag) =	ssettag $0x2  }
0x283: {  	s0 =	rddreg [dreg:$0x0];
	s2 =	stileid.u32  }
0x284: {  	s1 =	rddreg [dreg:$0x1];
	p0 =	sne.s32 s2, $0x0  }
0x285: {  	s3 =	rddreg [dreg:$0x2];
	[bflag:$0x3] =	sbarrier.arrive $0xFFFF;
	s2 =	simm.s32 @!p0 $0x1C07  }
0x286: {  	[timem:s3], [sflag:s2] =	dma.local @!p0 [hbm:s0], s1  }
0x287: {  	s0 =	simm.s32 @!p0 $0x7  }
0x288: {  	_ =	swait.ge @!p0 [sflag:s0], s1  }
0x289: {  	s1 =	ssub.s32 @!p0 $0x0, s1;
	[sflag:s0] =	ssyncset.done @!p0 $0x0  }
0x28a: {  	[sflag:s0] =	ssyncadd.s32 @!p0 s1  }
0x28b: {  	[bflag:$0x3] =	sbarrier.arrive $0xFFFF  }
0x28c: {  	_ =	shalt  }

</sc_bundles>
